<compile_context>
chip_gen: v7x
topology: tpu7x:2x2x1
jax: 0.10.2.dev20260603
libtpu: 0.0.44.dev20260713+nightly
codegen_flags: <defaults>
</compile_context>

<pallas_src>
import functools

import jax
import jax.numpy as jnp
from jax import lax
from jax.experimental import pallas as pl
from jax.experimental.pallas import tpu as pltpu
from jax.experimental.pallas import tpu_sc as plsc

_VOCAB = 1000000
_DIM = 64
_B = 16384
_NEG = 20

_NC = 2
_NS = 16
_NW = _NC * _NS
_BW = _B // _NW
_C = 32
_NCHUNK = _BW // _C
_NEG_GATHER = 128
_NEG_STEPS = (_C * _NEG) // _NEG_GATHER


def _sc_body(cen_idx, ctx_idx, neg_idx, emb, oemb, scores_out,
             idx_cen_v, idx_ctx_v, idx_neg_v,
             cen_a, ctx_a, neg_a, cen_b, ctx_b, neg_b,
             part_v, scores_s, sem_a, sem_b):
    c = lax.axis_index("c")
    s = lax.axis_index("s")
    wid = s * _NC + c
    base = wid * _BW

    pltpu.sync_copy(cen_idx.at[pl.ds(base, _BW)], idx_cen_v)
    pltpu.sync_copy(ctx_idx.at[pl.ds(base, _BW)], idx_ctx_v)
    pltpu.sync_copy(neg_idx.at[pl.ds(base * _NEG, _BW * _NEG)], idx_neg_v)

    iota = jnp.arange(16, dtype=jnp.int32)

    def fire(ci, cen_v, ctx_v, neg_v, sem):
        cb = ci * _C
        pltpu.async_copy(emb.at[idx_cen_v.at[pl.ds(cb, _C)]], cen_v, sem)
        pltpu.async_copy(oemb.at[idx_ctx_v.at[pl.ds(cb, _C)]], ctx_v, sem)
        for j in range(_NEG_STEPS):
            pltpu.async_copy(
                oemb.at[idx_neg_v.at[pl.ds(cb * _NEG + j * _NEG_GATHER,
                                           _NEG_GATHER)]],
                neg_v.at[pl.ds(j * _NEG_GATHER, _NEG_GATHER)], sem)

    def drain(cen_v, ctx_v, neg_v, sem):
        pltpu.make_async_copy(emb.at[pl.ds(0, _C)], cen_v, sem).wait()
        pltpu.make_async_copy(oemb.at[pl.ds(0, _C)], ctx_v, sem).wait()
        for j in range(_NEG_STEPS):
            pltpu.make_async_copy(
                oemb.at[pl.ds(0, _NEG_GATHER)],
                neg_v.at[pl.ds(j * _NEG_GATHER, _NEG_GATHER)], sem).wait()

    def compute(ci, cen_v, ctx_v, neg_v):
        cb = ci * _C

        def b_body(b, carry2):
            pb = (b & 1) << 9
            c0 = cen_v[b, pl.ds(0, 16)]
            c1 = cen_v[b, pl.ds(16, 16)]
            c2 = cen_v[b, pl.ds(32, 16)]
            c3 = cen_v[b, pl.ds(48, 16)]
            for k in range(_NEG):
                r = b * _NEG + k
                t = (c0 * neg_v[r, pl.ds(0, 16)]
                     + c1 * neg_v[r, pl.ds(16, 16)]
                     + c2 * neg_v[r, pl.ds(32, 16)]
                     + c3 * neg_v[r, pl.ds(48, 16)])
                part_v[pl.ds(pb + k * 16, 16)] = plsc.cumsum(t)
            p = (c0 * ctx_v[b, pl.ds(0, 16)]
                 + c1 * ctx_v[b, pl.ds(16, 16)]
                 + c2 * ctx_v[b, pl.ds(32, 16)]
                 + c3 * ctx_v[b, pl.ds(48, 16)])
            part_v[pl.ds(pb + _NEG * 16, 16)] = plsc.cumsum(p)
            g1 = plsc.load_gather(part_v, [pb + iota * 16 + 15])
            g2 = plsc.load_gather(part_v, [pb + iota * 16 + 271])
            bb = cb + b
            scores_s[bb, pl.ds(0, 16)] = g1
            scores_s[bb, pl.ds(16, 16)] = g2
            return carry2

        lax.fori_loop(0, _C, b_body, 0, unroll=2)

    fire(0, cen_a, ctx_a, neg_a, sem_a)

    def super_body(h, carry):
        ci = h * 2
        fire(ci + 1, cen_b, ctx_b, neg_b, sem_b)
        drain(cen_a, ctx_a, neg_a, sem_a)
        compute(ci, cen_a, ctx_a, neg_a)

        @pl.when(ci + 2 < _NCHUNK)
        def _():
            fire(ci + 2, cen_a, ctx_a, neg_a, sem_a)

        drain(cen_b, ctx_b, neg_b, sem_b)
        compute(ci + 1, cen_b, ctx_b, neg_b)
        return carry

    lax.fori_loop(0, _NCHUNK // 2, super_body, 0, unroll=False)

    pltpu.sync_copy(scores_s, scores_out.at[pl.ds(base, _BW)])


@jax.jit
def _sc_call(cen_idx, ctx_idx, neg_idx, emb, oemb):
    mesh = plsc.VectorSubcoreMesh(core_axis_name="c", subcore_axis_name="s")
    return pl.kernel(
        _sc_body,
        out_type=jax.ShapeDtypeStruct((_B, 32), jnp.float32),
        mesh=mesh,
        scratch_types=[
            pltpu.VMEM((_BW,), jnp.int32),
            pltpu.VMEM((_BW,), jnp.int32),
            pltpu.VMEM((_BW * _NEG,), jnp.int32),
            pltpu.VMEM((_C, _DIM), jnp.float32),
            pltpu.VMEM((_C, _DIM), jnp.float32),
            pltpu.VMEM((_C * _NEG, _DIM), jnp.float32),
            pltpu.VMEM((_C, _DIM), jnp.float32),
            pltpu.VMEM((_C, _DIM), jnp.float32),
            pltpu.VMEM((_C * _NEG, _DIM), jnp.float32),
            pltpu.VMEM((1024,), jnp.float32),
            pltpu.VMEM((_BW, 32), jnp.float32),
            pltpu.SemaphoreType.DMA,
            pltpu.SemaphoreType.DMA,
        ],
        compiler_params=pltpu.CompilerParams(
            needs_layout_passes=False, use_tc_tiling_on_sc=False),
    )(cen_idx, ctx_idx, neg_idx, emb, oemb)


def kernel(center, context, negatives, embedding, output_embedding):
    cen = center.astype(jnp.int32)
    ctx = context.astype(jnp.int32)
    neg = negatives.astype(jnp.int32).reshape(-1)
    scores = _sc_call(cen, ctx, neg, embedding, output_embedding)
    return scores[:, 20], scores[:, :20]

# --- scband reference (transcript-rebuilt; emitter-appended) ---
"""Pipeline reference for scband-skipgram-35287451304127 (READ-ONLY COPY).

The authoritative reference and input builder live on the scoring server;
editing this copy changes nothing except your own understanding.
"""

import jax, jax.numpy as jnp
import numpy as np

VOCAB = 1000000
DIM = 64
B = 16384
NEG = 20

def _xavier_uniform(key, shape):
    fan_in, fan_out = shape[0], shape[1]
    limit = float(np.sqrt(6.0 / (fan_in + fan_out)))
    return jax.random.uniform(key, shape, dtype=jnp.float32, minval=-limit, maxval=limit)

def setup_inputs(seed: int = 0) -> dict:
    key = jax.random.key(seed)
    k1, k2, k3, k4, k5 = jax.random.split(key, 5)
    center = jax.random.randint(k1, (B,), 0, VOCAB, dtype=jnp.int64)
    context = jax.random.randint(k2, (B,), 0, VOCAB, dtype=jnp.int64)
    negatives = jax.random.randint(k3, (B, NEG), 0, VOCAB, dtype=jnp.int64)
    embedding = _xavier_uniform(k4, (VOCAB, DIM))
    output_embedding = _xavier_uniform(k5, (VOCAB, DIM))
    return {"center": center, "context": context, "negatives": negatives,
            "embedding": embedding, "output_embedding": output_embedding}

def reference(center, context, negatives, embedding, output_embedding):
    center_embedding = jnp.take(embedding, center, axis=0)              # [B, D]
    context_embedding = jnp.take(output_embedding, context, axis=0)     # [B, D]
    negatives_embedding = jnp.take(output_embedding, negatives, axis=0) # [B, K, D]
    positive_score = jnp.sum(center_embedding * context_embedding, axis=1)  # [B]
    # bmm([B,K,D], [B,D,1]).squeeze(2) -> [B,K]
    negative_score = jnp.einsum('bkd,bd->bk', negatives_embedding, center_embedding)
    return (positive_score, negative_score)

if __name__ == "__main__":
    import jax
    _d = setup_inputs()
    print(jax.jit(kernel)(*tuple(_d.values())))

</pallas_src>

<mosaic_0001>
#map = affine_map<(d0, d1) -> (0)>
#map1 = affine_map<(d0, d1) -> (0, 0)>
module attributes {stable_mosaic.version = 14 : i64} {
  func.func @_sc_body(%arg0: i32, %arg1: i32, %arg2: memref<16384xi32, #tpu.memory_space<hbm>>, %arg3: memref<16384xi32, #tpu.memory_space<hbm>>, %arg4: memref<327680xi32, #tpu.memory_space<hbm>>, %arg5: memref<1000000x64xf32, #tpu.memory_space<hbm>>, %arg6: memref<1000000x64xf32, #tpu.memory_space<hbm>>, %arg7: memref<16384x32xf32, #tpu.memory_space<hbm>>, %arg8: memref<512xi32, #tpu.memory_space<vmem>>, %arg9: memref<512xi32, #tpu.memory_space<vmem>>, %arg10: memref<10240xi32, #tpu.memory_space<vmem>>, %arg11: memref<32x64xf32, #tpu.memory_space<vmem>>, %arg12: memref<32x64xf32, #tpu.memory_space<vmem>>, %arg13: memref<640x64xf32, #tpu.memory_space<vmem>>, %arg14: memref<32x64xf32, #tpu.memory_space<vmem>>, %arg15: memref<32x64xf32, #tpu.memory_space<vmem>>, %arg16: memref<640x64xf32, #tpu.memory_space<vmem>>, %arg17: memref<1024xf32, #tpu.memory_space<vmem>>, %arg18: memref<512x32xf32, #tpu.memory_space<vmem>>, %arg19: memref<!tpu.dma_semaphore, #tpu.memory_space<semaphore_mem>>, %arg20: memref<!tpu.dma_semaphore, #tpu.memory_space<semaphore_mem>>) attributes {dimension_semantics = [#tpu.dimension_semantics<core_parallel>, #tpu.dimension_semantics<subcore_parallel>], iteration_bounds = array<i64: 2, 16>, scalar_prefetch = 0 : i64, scratch_operands = 13 : i64, tpu.core_type = #tpu.core_type<sc_vector_subcore>, window_params = [{transform_indices = #map}, {transform_indices = #map}, {transform_indices = #map}, {transform_indices = #map1}, {transform_indices = #map1}, {transform_indices = #map1}]} {
    %mul3A = arith.constant 2 : i32
    %mul3A_0 = arith.muli %arg1, %mul3A : i32
    %add3A = arith.addi %mul3A_0, %arg0 : i32
    %mul3A_1 = arith.constant 512 : i32
    %mul3A_2 = arith.muli %add3A, %mul3A_1 : i32
    "tpu.region"() ({
      %run_scoped3A = tpu.sem_alloc : memref<!tpu.dma_semaphore, #tpu.memory_space<semaphore_mem>>
      %dma_start3A_59 = tpu.memref_slice %arg2[%mul3A_2] : memref<16384xi32, #tpu.memory_space<hbm>> -> memref<512xi32, #tpu.memory_space<hbm>>
      %dma_start3A_60 = tpu.memref_slice %arg2[%mul3A_2] : memref<16384xi32, #tpu.memory_space<hbm>> -> memref<512xi32, #tpu.memory_space<hbm>>
      tpu.enqueue_dma source(%dma_start3A_60 : memref<512xi32, #tpu.memory_space<hbm>>) target(%arg8 : memref<512xi32, #tpu.memory_space<vmem>>) target_semaphore(%run_scoped3A : memref<!tpu.dma_semaphore, #tpu.memory_space<semaphore_mem>>)
      %dma_wait3A = tpu.memref_slice %arg2[%mul3A_2] : memref<16384xi32, #tpu.memory_space<hbm>> -> memref<512xi32, #tpu.memory_space<hbm>>
      %dma_wait3A_61 = tpu.memref_slice %arg2[%mul3A_2] : memref<16384xi32, #tpu.memory_space<hbm>> -> memref<512xi32, #tpu.memory_space<hbm>>
      tpu.wait_dma2 semaphore(%run_scoped3A : memref<!tpu.dma_semaphore, #tpu.memory_space<semaphore_mem>>) src(%dma_wait3A_61 : memref<512xi32, #tpu.memory_space<hbm>>) dst(%arg8 : memref<512xi32, #tpu.memory_space<vmem>>)
      tpu.yield
    }) : () -> ()
    "tpu.region"() ({
      %run_scoped3A = tpu.sem_alloc : memref<!tpu.dma_semaphore, #tpu.memory_space<semaphore_mem>>
      %dma_start3A_59 = tpu.memref_slice %arg3[%mul3A_2] : memref<16384xi32, #tpu.memory_space<hbm>> -> memref<512xi32, #tpu.memory_space<hbm>>
      %dma_start3A_60 = tpu.memref_slice %arg3[%mul3A_2] : memref<16384xi32, #tpu.memory_space<hbm>> -> memref<512xi32, #tpu.memory_space<hbm>>
      tpu.enqueue_dma source(%dma_start3A_60 : memref<512xi32, #tpu.memory_space<hbm>>) target(%arg9 : memref<512xi32, #tpu.memory_space<vmem>>) target_semaphore(%run_scoped3A : memref<!tpu.dma_semaphore, #tpu.memory_space<semaphore_mem>>)
      %dma_wait3A = tpu.memref_slice %arg3[%mul3A_2] : memref<16384xi32, #tpu.memory_space<hbm>> -> memref<512xi32, #tpu.memory_space<hbm>>
      %dma_wait3A_61 = tpu.memref_slice %arg3[%mul3A_2] : memref<16384xi32, #tpu.memory_space<hbm>> -> memref<512xi32, #tpu.memory_space<hbm>>
      tpu.wait_dma2 semaphore(%run_scoped3A : memref<!tpu.dma_semaphore, #tpu.memory_space<semaphore_mem>>) src(%dma_wait3A_61 : memref<512xi32, #tpu.memory_space<hbm>>) dst(%arg9 : memref<512xi32, #tpu.memory_space<vmem>>)
      tpu.yield
    }) : () -> ()
    %mul3A_3 = arith.constant 20 : i32
    %mul3A_4 = arith.muli %mul3A_2, %mul3A_3 : i32
    "tpu.region"() ({
      %run_scoped3A = tpu.sem_alloc : memref<!tpu.dma_semaphore, #tpu.memory_space<semaphore_mem>>
      %dma_start3A_59 = tpu.memref_slice %arg4[%mul3A_4] : memref<327680xi32, #tpu.memory_space<hbm>> -> memref<10240xi32, #tpu.memory_space<hbm>>
      %dma_start3A_60 = tpu.memref_slice %arg4[%mul3A_4] : memref<327680xi32, #tpu.memory_space<hbm>> -> memref<10240xi32, #tpu.memory_space<hbm>>
      tpu.enqueue_dma source(%dma_start3A_60 : memref<10240xi32, #tpu.memory_space<hbm>>) target(%arg10 : memref<10240xi32, #tpu.memory_space<vmem>>) target_semaphore(%run_scoped3A : memref<!tpu.dma_semaphore, #tpu.memory_space<semaphore_mem>>)
      %dma_wait3A = tpu.memref_slice %arg4[%mul3A_4] : memref<327680xi32, #tpu.memory_space<hbm>> -> memref<10240xi32, #tpu.memory_space<hbm>>
      %dma_wait3A_61 = tpu.memref_slice %arg4[%mul3A_4] : memref<327680xi32, #tpu.memory_space<hbm>> -> memref<10240xi32, #tpu.memory_space<hbm>>
      tpu.wait_dma2 semaphore(%run_scoped3A : memref<!tpu.dma_semaphore, #tpu.memory_space<semaphore_mem>>) src(%dma_wait3A_61 : memref<10240xi32, #tpu.memory_space<hbm>>) dst(%arg10 : memref<10240xi32, #tpu.memory_space<vmem>>)
      tpu.yield
    }) : () -> ()
    %iota3A = tpu.iota {dimensions = array<i32: 0>} : vector<16xi32>
    %dma_start3A = arith.constant 0 : i32
    %dma_start3A_5 = tpu.memref_slice %arg8[%dma_start3A] : memref<512xi32, #tpu.memory_space<vmem>> -> memref<32xi32, #tpu.memory_space<vmem>>
    %dma_start3A_6 = arith.constant 0 : i32
    %dma_start3A_7 = arith.constant 0 : i32
    %dma_start3A_8 = tpu.memref_slice %arg5[%dma_start3A_6, %dma_start3A_7] : memref<1000000x64xf32, #tpu.memory_space<hbm>> -> memref<1000000x64xf32, #tpu.memory_space<hbm>>
    tpu.enqueue_indirect_dma source(%dma_start3A_8 : memref<1000000x64xf32, #tpu.memory_space<hbm>>) target(%arg11 : memref<32x64xf32, #tpu.memory_space<vmem>>) offsets(%dma_start3A_5 : memref<32xi32, #tpu.memory_space<vmem>>) semaphore(%arg19 : memref<!tpu.dma_semaphore, #tpu.memory_space<semaphore_mem>>)
    %dma_start3A_9 = arith.constant 0 : i32
    %dma_start3A_10 = tpu.memref_slice %arg9[%dma_start3A_9] : memref<512xi32, #tpu.memory_space<vmem>> -> memref<32xi32, #tpu.memory_space<vmem>>
    %dma_start3A_11 = arith.constant 0 : i32
    %dma_start3A_12 = arith.constant 0 : i32
    %dma_start3A_13 = tpu.memref_slice %arg6[%dma_start3A_11, %dma_start3A_12] : memref<1000000x64xf32, #tpu.memory_space<hbm>> -> memref<1000000x64xf32, #tpu.memory_space<hbm>>
    tpu.enqueue_indirect_dma source(%dma_start3A_13 : memref<1000000x64xf32, #tpu.memory_space<hbm>>) target(%arg12 : memref<32x64xf32, #tpu.memory_space<vmem>>) offsets(%dma_start3A_10 : memref<32xi32, #tpu.memory_space<vmem>>) semaphore(%arg19 : memref<!tpu.dma_semaphore, #tpu.memory_space<semaphore_mem>>)
    %dma_start3A_14 = arith.constant 0 : i32
    %dma_start3A_15 = arith.constant 0 : i32
    %dma_start3A_16 = tpu.memref_slice %arg13[%dma_start3A_14, %dma_start3A_15] : memref<640x64xf32, #tpu.memory_space<vmem>> -> memref<128x64xf32, #tpu.memory_space<vmem>>
    %dma_start3A_17 = arith.constant 0 : i32
    %dma_start3A_18 = tpu.memref_slice %arg10[%dma_start3A_17] : memref<10240xi32, #tpu.memory_space<vmem>> -> memref<128xi32, #tpu.memory_space<vmem>>
    %dma_start3A_19 = arith.constant 0 : i32
    %dma_start3A_20 = arith.constant 0 : i32
    %dma_start3A_21 = tpu.memref_slice %arg6[%dma_start3A_19, %dma_start3A_20] : memref<1000000x64xf32, #tpu.memory_space<hbm>> -> memref<1000000x64xf32, #tpu.memory_space<hbm>>
    tpu.enqueue_indirect_dma source(%dma_start3A_21 : memref<1000000x64xf32, #tpu.memory_space<hbm>>) target(%dma_start3A_16 : memref<128x64xf32, #tpu.memory_space<vmem>>) offsets(%dma_start3A_18 : memref<128xi32, #tpu.memory_space<vmem>>) semaphore(%arg19 : memref<!tpu.dma_semaphore, #tpu.memory_space<semaphore_mem>>)
    %dma_start3A_22 = arith.constant 128 : i32
    %dma_start3A_23 = arith.constant 0 : i32
    %dma_start3A_24 = tpu.memref_slice %arg13[%dma_start3A_22, %dma_start3A_23] : memref<640x64xf32, #tpu.memory_space<vmem>> -> memref<128x64xf32, #tpu.memory_space<vmem>>
    %dma_start3A_25 = arith.constant 128 : i32
    %dma_start3A_26 = tpu.memref_slice %arg10[%dma_start3A_25] : memref<10240xi32, #tpu.memory_space<vmem>> -> memref<128xi32, #tpu.memory_space<vmem>>
    %dma_start3A_27 = arith.constant 0 : i32
    %dma_start3A_28 = arith.constant 0 : i32
    %dma_start3A_29 = tpu.memref_slice %arg6[%dma_start3A_27, %dma_start3A_28] : memref<1000000x64xf32, #tpu.memory_space<hbm>> -> memref<1000000x64xf32, #tpu.memory_space<hbm>>
    tpu.enqueue_indirect_dma source(%dma_start3A_29 : memref<1000000x64xf32, #tpu.memory_space<hbm>>) target(%dma_start3A_24 : memref<128x64xf32, #tpu.memory_space<vmem>>) offsets(%dma_start3A_26 : memref<128xi32, #tpu.memory_space<vmem>>) semaphore(%arg19 : memref<!tpu.dma_semaphore, #tpu.memory_space<semaphore_mem>>)
    %dma_start3A_30 = arith.constant 256 : i32
    %dma_start3A_31 = arith.constant 0 : i32
    %dma_start3A_32 = tpu.memref_slice %arg13[%dma_start3A_30, %dma_start3A_31] : memref<640x64xf32, #tpu.memory_space<vmem>> -> memref<128x64xf32, #tpu.memory_space<vmem>>
    %dma_start3A_33 = arith.constant 256 : i32
    %dma_start3A_34 = tpu.memref_slice %arg10[%dma_start3A_33] : memref<10240xi32, #tpu.memory_space<vmem>> -> memref<128xi32, #tpu.memory_space<vmem>>
    %dma_start3A_35 = arith.constant 0 : i32
    %dma_start3A_36 = arith.constant 0 : i32
    %dma_start3A_37 = tpu.memref_slice %arg6[%dma_start3A_35, %dma_start3A_36] : memref<1000000x64xf32, #tpu.memory_space<hbm>> -> memref<1000000x64xf32, #tpu.memory_space<hbm>>
    tpu.enqueue_indirect_dma source(%dma_start3A_37 : memref<1000000x64xf32, #tpu.memory_space<hbm>>) target(%dma_start3A_32 : memref<128x64xf32, #tpu.memory_space<vmem>>) offsets(%dma_start3A_34 : memref<128xi32, #tpu.memory_space<vmem>>) semaphore(%arg19 : memref<!tpu.dma_semaphore, #tpu.memory_space<semaphore_mem>>)
    %dma_start3A_38 = arith.constant 384 : i32
    %dma_start3A_39 = arith.constant 0 : i32
    %dma_start3A_40 = tpu.memref_slice %arg13[%dma_start3A_38, %dma_start3A_39] : memref<640x64xf32, #tpu.memory_space<vmem>> -> memref<128x64xf32, #tpu.memory_space<vmem>>
    %dma_start3A_41 = arith.constant 384 : i32
    %dma_start3A_42 = tpu.memref_slice %arg10[%dma_start3A_41] : memref<10240xi32, #tpu.memory_space<vmem>> -> memref<128xi32, #tpu.memory_space<vmem>>
    %dma_start3A_43 = arith.constant 0 : i32
    %dma_start3A_44 = arith.constant 0 : i32
    %dma_start3A_45 = tpu.memref_slice %arg6[%dma_start3A_43, %dma_start3A_44] : memref<1000000x64xf32, #tpu.memory_space<hbm>> -> memref<1000000x64xf32, #tpu.memory_space<hbm>>
    tpu.enqueue_indirect_dma source(%dma_start3A_45 : memref<1000000x64xf32, #tpu.memory_space<hbm>>) target(%dma_start3A_40 : memref<128x64xf32, #tpu.memory_space<vmem>>) offsets(%dma_start3A_42 : memref<128xi32, #tpu.memory_space<vmem>>) semaphore(%arg19 : memref<!tpu.dma_semaphore, #tpu.memory_space<semaphore_mem>>)
    %dma_start3A_46 = arith.constant 512 : i32
    %dma_start3A_47 = arith.constant 0 : i32
    %dma_start3A_48 = tpu.memref_slice %arg13[%dma_start3A_46, %dma_start3A_47] : memref<640x64xf32, #tpu.memory_space<vmem>> -> memref<128x64xf32, #tpu.memory_space<vmem>>
    %dma_start3A_49 = arith.constant 512 : i32
    %dma_start3A_50 = tpu.memref_slice %arg10[%dma_start3A_49] : memref<10240xi32, #tpu.memory_space<vmem>> -> memref<128xi32, #tpu.memory_space<vmem>>
    %dma_start3A_51 = arith.constant 0 : i32
    %dma_start3A_52 = arith.constant 0 : i32
    %dma_start3A_53 = tpu.memref_slice %arg6[%dma_start3A_51, %dma_start3A_52] : memref<1000000x64xf32, #tpu.memory_space<hbm>> -> memref<1000000x64xf32, #tpu.memory_space<hbm>>
    tpu.enqueue_indirect_dma source(%dma_start3A_53 : memref<1000000x64xf32, #tpu.memory_space<hbm>>) target(%dma_start3A_48 : memref<128x64xf32, #tpu.memory_space<vmem>>) offsets(%dma_start3A_50 : memref<128xi32, #tpu.memory_space<vmem>>) semaphore(%arg19 : memref<!tpu.dma_semaphore, #tpu.memory_space<semaphore_mem>>)
    %scan3A = arith.constant 0 : i32
    %scan3A_54 = arith.constant 0 : i32
    %scan3A_55 = arith.constant 8 : i32
    %scan3A_56 = arith.addi %scan3A_54, %scan3A_55 : i32
    %scan3A_57 = arith.constant 1 : i32
    scf.for %scan3A_59 = %scan3A_54 to %scan3A_56 step %scan3A_57  : i32 {
      %mul3A_60 = arith.constant 2 : i32
      %mul3A_61 = arith.muli %scan3A_59, %mul3A_60 : i32
      %add3A_62 = arith.constant 1 : i32
      %add3A_63 = arith.addi %mul3A_61, %add3A_62 : i32
      %mul3A_64 = arith.constant 32 : i32
      %mul3A_65 = arith.muli %add3A_63, %mul3A_64 : i32
      %dma_start3A_66 = tpu.memref_slice %arg8[%mul3A_65] : memref<512xi32, #tpu.memory_space<vmem>> -> memref<32xi32, #tpu.memory_space<vmem>>
      %dma_start3A_67 = arith.constant 0 : i32
      %dma_start3A_68 = arith.constant 0 : i32
      %dma_start3A_69 = tpu.memref_slice %arg5[%dma_start3A_67, %dma_start3A_68] : memref<1000000x64xf32, #tpu.memory_space<hbm>> -> memref<1000000x64xf32, #tpu.memory_space<hbm>>
      tpu.enqueue_indirect_dma source(%dma_start3A_69 : memref<1000000x64xf32, #tpu.memory_space<hbm>>) target(%arg14 : memref<32x64xf32, #tpu.memory_space<vmem>>) offsets(%dma_start3A_66 : memref<32xi32, #tpu.memory_space<vmem>>) semaphore(%arg20 : memref<!tpu.dma_semaphore, #tpu.memory_space<semaphore_mem>>)
      %dma_start3A_70 = tpu.memref_slice %arg9[%mul3A_65] : memref<512xi32, #tpu.memory_space<vmem>> -> memref<32xi32, #tpu.memory_space<vmem>>
      %dma_start3A_71 = arith.constant 0 : i32
      %dma_start3A_72 = arith.constant 0 : i32
      %dma_start3A_73 = tpu.memref_slice %arg6[%dma_start3A_71, %dma_start3A_72] : memref<1000000x64xf32, #tpu.memory_space<hbm>> -> memref<1000000x64xf32, #tpu.memory_space<hbm>>
      tpu.enqueue_indirect_dma source(%dma_start3A_73 : memref<1000000x64xf32, #tpu.memory_space<hbm>>) target(%arg15 : memref<32x64xf32, #tpu.memory_space<vmem>>) offsets(%dma_start3A_70 : memref<32xi32, #tpu.memory_space<vmem>>) semaphore(%arg20 : memref<!tpu.dma_semaphore, #tpu.memory_space<semaphore_mem>>)
      %mul3A_74 = arith.constant 20 : i32
      %mul3A_75 = arith.muli %mul3A_65, %mul3A_74 : i32
      %add3A_76 = arith.constant 0 : i32
      %add3A_77 = arith.addi %mul3A_75, %add3A_76 : i32
      %dma_start3A_78 = arith.constant 0 : i32
      %dma_start3A_79 = arith.constant 0 : i32
      %dma_start3A_80 = tpu.memref_slice %arg16[%dma_start3A_78, %dma_start3A_79] : memref<640x64xf32, #tpu.memory_space<vmem>> -> memref<128x64xf32, #tpu.memory_space<vmem>>
      %dma_start3A_81 = tpu.memref_slice %arg10[%add3A_77] : memref<10240xi32, #tpu.memory_space<vmem>> -> memref<128xi32, #tpu.memory_space<vmem>>
      %dma_start3A_82 = arith.constant 0 : i32
      %dma_start3A_83 = arith.constant 0 : i32
      %dma_start3A_84 = tpu.memref_slice %arg6[%dma_start3A_82, %dma_start3A_83] : memref<1000000x64xf32, #tpu.memory_space<hbm>> -> memref<1000000x64xf32, #tpu.memory_space<hbm>>
      tpu.enqueue_indirect_dma source(%dma_start3A_84 : memref<1000000x64xf32, #tpu.memory_space<hbm>>) target(%dma_start3A_80 : memref<128x64xf32, #tpu.memory_space<vmem>>) offsets(%dma_start3A_81 : memref<128xi32, #tpu.memory_space<vmem>>) semaphore(%arg20 : memref<!tpu.dma_semaphore, #tpu.memory_space<semaphore_mem>>)
      %mul3A_85 = arith.constant 20 : i32
      %mul3A_86 = arith.muli %mul3A_65, %mul3A_85 : i32
      %add3A_87 = arith.constant 128 : i32
      %add3A_88 = arith.addi %mul3A_86, %add3A_87 : i32
      %dma_start3A_89 = arith.constant 128 : i32
      %dma_start3A_90 = arith.constant 0 : i32
      %dma_start3A_91 = tpu.memref_slice %arg16[%dma_start3A_89, %dma_start3A_90] : memref<640x64xf32, #tpu.memory_space<vmem>> -> memref<128x64xf32, #tpu.memory_space<vmem>>
      %dma_start3A_92 = tpu.memref_slice %arg10[%add3A_88] : memref<10240xi32, #tpu.memory_space<vmem>> -> memref<128xi32, #tpu.memory_space<vmem>>
      %dma_start3A_93 = arith.constant 0 : i32
      %dma_start3A_94 = arith.constant 0 : i32
      %dma_start3A_95 = tpu.memref_slice %arg6[%dma_start3A_93, %dma_start3A_94] : memref<1000000x64xf32, #tpu.memory_space<hbm>> -> memref<1000000x64xf32, #tpu.memory_space<hbm>>
      tpu.enqueue_indirect_dma source(%dma_start3A_95 : memref<1000000x64xf32, #tpu.memory_space<hbm>>) target(%dma_start3A_91 : memref<128x64xf32, #tpu.memory_space<vmem>>) offsets(%dma_start3A_92 : memref<128xi32, #tpu.memory_space<vmem>>) semaphore(%arg20 : memref<!tpu.dma_semaphore, #tpu.memory_space<semaphore_mem>>)
      %mul3A_96 = arith.constant 20 : i32
      %mul3A_97 = arith.muli %mul3A_65, %mul3A_96 : i32
      %add3A_98 = arith.constant 256 : i32
      %add3A_99 = arith.addi %mul3A_97, %add3A_98 : i32
      %dma_start3A_100 = arith.constant 256 : i32
      %dma_start3A_101 = arith.constant 0 : i32
      %dma_start3A_102 = tpu.memref_slice %arg16[%dma_start3A_100, %dma_start3A_101] : memref<640x64xf32, #tpu.memory_space<vmem>> -> memref<128x64xf32, #tpu.memory_space<vmem>>
      %dma_start3A_103 = tpu.memref_slice %arg10[%add3A_99] : memref<10240xi32, #tpu.memory_space<vmem>> -> memref<128xi32, #tpu.memory_space<vmem>>
      %dma_start3A_104 = arith.constant 0 : i32
      %dma_start3A_105 = arith.constant 0 : i32
      %dma_start3A_106 = tpu.memref_slice %arg6[%dma_start3A_104, %dma_start3A_105] : memref<1000000x64xf32, #tpu.memory_space<hbm>> -> memref<1000000x64xf32, #tpu.memory_space<hbm>>
      tpu.enqueue_indirect_dma source(%dma_start3A_106 : memref<1000000x64xf32, #tpu.memory_space<hbm>>) target(%dma_start3A_102 : memref<128x64xf32, #tpu.memory_space<vmem>>) offsets(%dma_start3A_103 : memref<128xi32, #tpu.memory_space<vmem>>) semaphore(%arg20 : memref<!tpu.dma_semaphore, #tpu.memory_space<semaphore_mem>>)
      %mul3A_107 = arith.constant 20 : i32
      %mul3A_108 = arith.muli %mul3A_65, %mul3A_107 : i32
      %add3A_109 = arith.constant 384 : i32
      %add3A_110 = arith.addi %mul3A_108, %add3A_109 : i32
      %dma_start3A_111 = arith.constant 384 : i32
      %dma_start3A_112 = arith.constant 0 : i32
      %dma_start3A_113 = tpu.memref_slice %arg16[%dma_start3A_111, %dma_start3A_112] : memref<640x64xf32, #tpu.memory_space<vmem>> -> memref<128x64xf32, #tpu.memory_space<vmem>>
      %dma_start3A_114 = tpu.memref_slice %arg10[%add3A_110] : memref<10240xi32, #tpu.memory_space<vmem>> -> memref<128xi32, #tpu.memory_space<vmem>>
      %dma_start3A_115 = arith.constant 0 : i32
      %dma_start3A_116 = arith.constant 0 : i32
      %dma_start3A_117 = tpu.memref_slice %arg6[%dma_start3A_115, %dma_start3A_116] : memref<1000000x64xf32, #tpu.memory_space<hbm>> -> memref<1000000x64xf32, #tpu.memory_space<hbm>>
      tpu.enqueue_indirect_dma source(%dma_start3A_117 : memref<1000000x64xf32, #tpu.memory_space<hbm>>) target(%dma_start3A_113 : memref<128x64xf32, #tpu.memory_space<vmem>>) offsets(%dma_start3A_114 : memref<128xi32, #tpu.memory_space<vmem>>) semaphore(%arg20 : memref<!tpu.dma_semaphore, #tpu.memory_space<semaphore_mem>>)
      %mul3A_118 = arith.constant 20 : i32
      %mul3A_119 = arith.muli %mul3A_65, %mul3A_118 : i32
      %add3A_120 = arith.constant 512 : i32
      %add3A_121 = arith.addi %mul3A_119, %add3A_120 : i32
      %dma_start3A_122 = arith.constant 512 : i32
      %dma_start3A_123 = arith.constant 0 : i32
      %dma_start3A_124 = tpu.memref_slice %arg16[%dma_start3A_122, %dma_start3A_123] : memref<640x64xf32, #tpu.memory_space<vmem>> -> memref<128x64xf32, #tpu.memory_space<vmem>>
      %dma_start3A_125 = tpu.memref_slice %arg10[%add3A_121] : memref<10240xi32, #tpu.memory_space<vmem>> -> memref<128xi32, #tpu.memory_space<vmem>>
      %dma_start3A_126 = arith.constant 0 : i32
      %dma_start3A_127 = arith.constant 0 : i32
      %dma_start3A_128 = tpu.memref_slice %arg6[%dma_start3A_126, %dma_start3A_127] : memref<1000000x64xf32, #tpu.memory_space<hbm>> -> memref<1000000x64xf32, #tpu.memory_space<hbm>>
      tpu.enqueue_indirect_dma source(%dma_start3A_128 : memref<1000000x64xf32, #tpu.memory_space<hbm>>) target(%dma_start3A_124 : memref<128x64xf32, #tpu.memory_space<vmem>>) offsets(%dma_start3A_125 : memref<128xi32, #tpu.memory_space<vmem>>) semaphore(%arg20 : memref<!tpu.dma_semaphore, #tpu.memory_space<semaphore_mem>>)
      %dma_wait3A = arith.constant 0 : i32
      %dma_wait3A_129 = arith.constant 0 : i32
      %dma_wait3A_130 = tpu.memref_slice %arg5[%dma_wait3A, %dma_wait3A_129] : memref<1000000x64xf32, #tpu.memory_space<hbm>> -> memref<32x64xf32, #tpu.memory_space<hbm>>
      %dma_wait3A_131 = arith.constant 0 : i32
      %dma_wait3A_132 = arith.constant 0 : i32
      %dma_wait3A_133 = tpu.memref_slice %arg5[%dma_wait3A_131, %dma_wait3A_132] : memref<1000000x64xf32, #tpu.memory_space<hbm>> -> memref<32x64xf32, #tpu.memory_space<hbm>>
      tpu.wait_dma2 semaphore(%arg19 : memref<!tpu.dma_semaphore, #tpu.memory_space<semaphore_mem>>) src(%dma_wait3A_133 : memref<32x64xf32, #tpu.memory_space<hbm>>) dst(%arg11 : memref<32x64xf32, #tpu.memory_space<vmem>>)
      %dma_wait3A_134 = arith.constant 0 : i32
      %dma_wait3A_135 = arith.constant 0 : i32
      %dma_wait3A_136 = tpu.memref_slice %arg6[%dma_wait3A_134, %dma_wait3A_135] : memref<1000000x64xf32, #tpu.memory_space<hbm>> -> memref<32x64xf32, #tpu.memory_space<hbm>>
      %dma_wait3A_137 = arith.constant 0 : i32
      %dma_wait3A_138 = arith.constant 0 : i32
      %dma_wait3A_139 = tpu.memref_slice %arg6[%dma_wait3A_137, %dma_wait3A_138] : memref<1000000x64xf32, #tpu.memory_space<hbm>> -> memref<32x64xf32, #tpu.memory_space<hbm>>
      tpu.wait_dma2 semaphore(%arg19 : memref<!tpu.dma_semaphore, #tpu.memory_space<semaphore_mem>>) src(%dma_wait3A_139 : memref<32x64xf32, #tpu.memory_space<hbm>>) dst(%arg12 : memref<32x64xf32, #tpu.memory_space<vmem>>)
      %dma_wait3A_140 = arith.constant 0 : i32
      %dma_wait3A_141 = arith.constant 0 : i32
      %dma_wait3A_142 = tpu.memref_slice %arg13[%dma_wait3A_140, %dma_wait3A_141] : memref<640x64xf32, #tpu.memory_space<vmem>> -> memref<128x64xf32, #tpu.memory_space<vmem>>
      %dma_wait3A_143 = arith.constant 0 : i32
      %dma_wait3A_144 = arith.constant 0 : i32
      %dma_wait3A_145 = tpu.memref_slice %arg6[%dma_wait3A_143, %dma_wait3A_144] : memref<1000000x64xf32, #tpu.memory_space<hbm>> -> memref<128x64xf32, #tpu.memory_space<hbm>>
      %dma_wait3A_146 = arith.constant 0 : i32
      %dma_wait3A_147 = arith.constant 0 : i32
      %dma_wait3A_148 = tpu.memref_slice %arg13[%dma_wait3A_146, %dma_wait3A_147] : memref<640x64xf32, #tpu.memory_space<vmem>> -> memref<128x64xf32, #tpu.memory_space<vmem>>
      %dma_wait3A_149 = arith.constant 0 : i32
      %dma_wait3A_150 = arith.constant 0 : i32
      %dma_wait3A_151 = tpu.memref_slice %arg6[%dma_wait3A_149, %dma_wait3A_150] : memref<1000000x64xf32, #tpu.memory_space<hbm>> -> memref<128x64xf32, #tpu.memory_space<hbm>>
      tpu.wait_dma2 semaphore(%arg19 : memref<!tpu.dma_semaphore, #tpu.memory_space<semaphore_mem>>) src(%dma_wait3A_151 : memref<128x64xf32, #tpu.memory_space<hbm>>) dst(%dma_wait3A_148 : memref<128x64xf32, #tpu.memory_space<vmem>>)
      %dma_wait3A_152 = arith.constant 128 : i32
      %dma_wait3A_153 = arith.constant 0 : i32
      %dma_wait3A_154 = tpu.memref_slice %arg13[%dma_wait3A_152, %dma_wait3A_153] : memref<640x64xf32, #tpu.memory_space<vmem>> -> memref<128x64xf32, #tpu.memory_space<vmem>>
      %dma_wait3A_155 = arith.constant 0 : i32
      %dma_wait3A_156 = arith.constant 0 : i32
      %dma_wait3A_157 = tpu.memref_slice %arg6[%dma_wait3A_155, %dma_wait3A_156] : memref<1000000x64xf32, #tpu.memory_space<hbm>> -> memref<128x64xf32, #tpu.memory_space<hbm>>
      %dma_wait3A_158 = arith.constant 128 : i32
      %dma_wait3A_159 = arith.constant 0 : i32
      %dma_wait3A_160 = tpu.memref_slice %arg13[%dma_wait3A_158, %dma_wait3A_159] : memref<640x64xf32, #tpu.memory_space<vmem>> -> memref<128x64xf32, #tpu.memory_space<vmem>>
      %dma_wait3A_161 = arith.constant 0 : i32
      %dma_wait3A_162 = arith.constant 0 : i32
      %dma_wait3A_163 = tpu.memref_slice %arg6[%dma_wait3A_161, %dma_wait3A_162] : memref<1000000x64xf32, #tpu.memory_space<hbm>> -> memref<128x64xf32, #tpu.memory_space<hbm>>
      tpu.wait_dma2 semaphore(%arg19 : memref<!tpu.dma_semaphore, #tpu.memory_space<semaphore_mem>>) src(%dma_wait3A_163 : memref<128x64xf32, #tpu.memory_space<hbm>>) dst(%dma_wait3A_160 : memref<128x64xf32, #tpu.memory_space<vmem>>)
      %dma_wait3A_164 = arith.constant 256 : i32
      %dma_wait3A_165 = arith.constant 0 : i32
      %dma_wait3A_166 = tpu.memref_slice %arg13[%dma_wait3A_164, %dma_wait3A_165] : memref<640x64xf32, #tpu.memory_space<vmem>> -> memref<128x64xf32, #tpu.memory_space<vmem>>
      %dma_wait3A_167 = arith.constant 0 : i32
      %dma_wait3A_168 = arith.constant 0 : i32
      %dma_wait3A_169 = tpu.memref_slice %arg6[%dma_wait3A_167, %dma_wait3A_168] : memref<1000000x64xf32, #tpu.memory_space<hbm>> -> memref<128x64xf32, #tpu.memory_space<hbm>>
      %dma_wait3A_170 = arith.constant 256 : i32
      %dma_wait3A_171 = arith.constant 0 : i32
      %dma_wait3A_172 = tpu.memref_slice %arg13[%dma_wait3A_170, %dma_wait3A_171] : memref<640x64xf32, #tpu.memory_space<vmem>> -> memref<128x64xf32, #tpu.memory_space<vmem>>
      %dma_wait3A_173 = arith.constant 0 : i32
      %dma_wait3A_174 = arith.constant 0 : i32
      %dma_wait3A_175 = tpu.memref_slice %arg6[%dma_wait3A_173, %dma_wait3A_174] : memref<1000000x64xf32, #tpu.memory_space<hbm>> -> memref<128x64xf32, #tpu.memory_space<hbm>>
      tpu.wait_dma2 semaphore(%arg19 : memref<!tpu.dma_semaphore, #tpu.memory_space<semaphore_mem>>) src(%dma_wait3A_175 : memref<128x64xf32, #tpu.memory_space<hbm>>) dst(%dma_wait3A_172 : memref<128x64xf32, #tpu.memory_space<vmem>>)
      %dma_wait3A_176 = arith.constant 384 : i32
      %dma_wait3A_177 = arith.constant 0 : i32
      %dma_wait3A_178 = tpu.memref_slice %arg13[%dma_wait3A_176, %dma_wait3A_177] : memref<640x64xf32, #tpu.memory_space<vmem>> -> memref<128x64xf32, #tpu.memory_space<vmem>>
      %dma_wait3A_179 = arith.constant 0 : i32
      %dma_wait3A_180 = arith.constant 0 : i32
      %dma_wait3A_181 = tpu.memref_slice %arg6[%dma_wait3A_179, %dma_wait3A_180] : memref<1000000x64xf32, #tpu.memory_space<hbm>> -> memref<128x64xf32, #tpu.memory_space<hbm>>
      %dma_wait3A_182 = arith.constant 384 : i32
      %dma_wait3A_183 = arith.constant 0 : i32
      %dma_wait3A_184 = tpu.memref_slice %arg13[%dma_wait3A_182, %dma_wait3A_183] : memref<640x64xf32, #tpu.memory_space<vmem>> -> memref<128x64xf32, #tpu.memory_space<vmem>>
      %dma_wait3A_185 = arith.constant 0 : i32
      %dma_wait3A_186 = arith.constant 0 : i32
      %dma_wait3A_187 = tpu.memref_slice %arg6[%dma_wait3A_185, %dma_wait3A_186] : memref<1000000x64xf32, #tpu.memory_space<hbm>> -> memref<128x64xf32, #tpu.memory_space<hbm>>
      tpu.wait_dma2 semaphore(%arg19 : memref<!tpu.dma_semaphore, #tpu.memory_space<semaphore_mem>>) src(%dma_wait3A_187 : memref<128x64xf32, #tpu.memory_space<hbm>>) dst(%dma_wait3A_184 : memref<128x64xf32, #tpu.memory_space<vmem>>)
      %dma_wait3A_188 = arith.constant 512 : i32
      %dma_wait3A_189 = arith.constant 0 : i32
      %dma_wait3A_190 = tpu.memref_slice %arg13[%dma_wait3A_188, %dma_wait3A_189] : memref<640x64xf32, #tpu.memory_space<vmem>> -> memref<128x64xf32, #tpu.memory_space<vmem>>
      %dma_wait3A_191 = arith.constant 0 : i32
      %dma_wait3A_192 = arith.constant 0 : i32
      %dma_wait3A_193 = tpu.memref_slice %arg6[%dma_wait3A_191, %dma_wait3A_192] : memref<1000000x64xf32, #tpu.memory_space<hbm>> -> memref<128x64xf32, #tpu.memory_space<hbm>>
      %dma_wait3A_194 = arith.constant 512 : i32
      %dma_wait3A_195 = arith.constant 0 : i32
      %dma_wait3A_196 = tpu.memref_slice %arg13[%dma_wait3A_194, %dma_wait3A_195] : memref<640x64xf32, #tpu.memory_space<vmem>> -> memref<128x64xf32, #tpu.memory_space<vmem>>
      %dma_wait3A_197 = arith.constant 0 : i32
      %dma_wait3A_198 = arith.constant 0 : i32
      %dma_wait3A_199 = tpu.memref_slice %arg6[%dma_wait3A_197, %dma_wait3A_198] : memref<1000000x64xf32, #tpu.memory_space<hbm>> -> memref<128x64xf32, #tpu.memory_space<hbm>>
      tpu.wait_dma2 semaphore(%arg19 : memref<!tpu.dma_semaphore, #tpu.memory_space<semaphore_mem>>) src(%dma_wait3A_199 : memref<128x64xf32, #tpu.memory_space<hbm>>) dst(%dma_wait3A_196 : memref<128x64xf32, #tpu.memory_space<vmem>>)
      %mul3A_200 = arith.constant 32 : i32
      %mul3A_201 = arith.muli %mul3A_61, %mul3A_200 : i32
      %scan3A_202 = arith.constant 0 : i32
      %scan3A_203 = arith.constant 0 : i32
      %scan3A_204 = arith.constant 32 : i32
      %scan3A_205 = arith.addi %scan3A_203, %scan3A_204 : i32
      %scan3A_206 = arith.constant 2 : i32
      scf.for %scan3A_294 = %scan3A_203 to %scan3A_205 step %scan3A_206  : i32 {
        %and3A = arith.constant 1 : i32
        %and3A_295 = arith.andi %scan3A_294, %and3A : i32
        %shift_left3A = arith.constant 9 : i32
        %shift_left3A_296 = arith.shli %and3A_295, %shift_left3A : i32
        %get3A = arith.index_cast %scan3A_294 : i32 to index
        %get3A_297 = arith.constant 0 : index
        %get3A_298 = tpu.vector_load %arg11[%get3A, %get3A_297] {strides = array<i32>} : memref<32x64xf32, #tpu.memory_space<vmem>>, vector<16xf32>,
        %get3A_299 = arith.index_cast %scan3A_294 : i32 to index
        %get3A_300 = arith.constant 16 : index
        %get3A_301 = tpu.vector_load %arg11[%get3A_299, %get3A_300] {strides = array<i32>} : memref<32x64xf32, #tpu.memory_space<vmem>>, vector<16xf32>,
        %get3A_302 = arith.index_cast %scan3A_294 : i32 to index
        %get3A_303 = arith.constant 32 : index
        %get3A_304 = tpu.vector_load %arg11[%get3A_302, %get3A_303] {strides = array<i32>} : memref<32x64xf32, #tpu.memory_space<vmem>>, vector<16xf32>,
        %get3A_305 = arith.index_cast %scan3A_294 : i32 to index
        %get3A_306 = arith.constant 48 : index
        %get3A_307 = tpu.vector_load %arg11[%get3A_305, %get3A_306] {strides = array<i32>} : memref<32x64xf32, #tpu.memory_space<vmem>>, vector<16xf32>,
        %mul3A_308 = arith.constant 20 : i32
        %mul3A_309 = arith.muli %scan3A_294, %mul3A_308 : i32
        %add3A_310 = arith.constant 0 : i32
        %add3A_311 = arith.addi %mul3A_309, %add3A_310 : i32
        %get3A_312 = arith.index_cast %add3A_311 : i32 to index
        %get3A_313 = arith.constant 0 : index
        %get3A_314 = tpu.vector_load %arg13[%get3A_312, %get3A_313] {strides = array<i32>} : memref<640x64xf32, #tpu.memory_space<vmem>>, vector<16xf32>,
        %mul3A_315 = arith.mulf %get3A_298, %get3A_314 : vector<16xf32>
        %get3A_316 = arith.index_cast %add3A_311 : i32 to index
        %get3A_317 = arith.constant 16 : index
        %get3A_318 = tpu.vector_load %arg13[%get3A_316, %get3A_317] {strides = array<i32>} : memref<640x64xf32, #tpu.memory_space<vmem>>, vector<16xf32>,
        %mul3A_319 = arith.mulf %get3A_301, %get3A_318 : vector<16xf32>
        %add3A_320 = arith.addf %mul3A_315, %mul3A_319 : vector<16xf32>
        %get3A_321 = arith.index_cast %add3A_311 : i32 to index
        %get3A_322 = arith.constant 32 : index
        %get3A_323 = tpu.vector_load %arg13[%get3A_321, %get3A_322] {strides = array<i32>} : memref<640x64xf32, #tpu.memory_space<vmem>>, vector<16xf32>,
        %mul3A_324 = arith.mulf %get3A_304, %get3A_323 : vector<16xf32>
        %add3A_325 = arith.addf %add3A_320, %mul3A_324 : vector<16xf32>
        %get3A_326 = arith.index_cast %add3A_311 : i32 to index
        %get3A_327 = arith.constant 48 : index
        %get3A_328 = tpu.vector_load %arg13[%get3A_326, %get3A_327] {strides = array<i32>} : memref<640x64xf32, #tpu.memory_space<vmem>>, vector<16xf32>,
        %mul3A_329 = arith.mulf %get3A_307, %get3A_328 : vector<16xf32>
        %add3A_330 = arith.addf %add3A_325, %mul3A_329 : vector<16xf32>
        %broadcast_in_dim3A = arith.constant true
        %broadcast_in_dim3A_331 = vector.broadcast %broadcast_in_dim3A : i1 to vector<16xi1>
        %masked_cumsum3A = tpu.scan <sum>, %add3A_330 masked %broadcast_in_dim3A_331 : vector<16xf32>, vector<16xi1> -> vector<16xf32>
        %add3A_332 = arith.constant 0 : i32
        %add3A_333 = arith.addi %shift_left3A_296, %add3A_332 : i32
        %swap3A = arith.index_cast %add3A_333 : i32 to index
        %swap3A_334 = tpu.vector_load %arg17[%swap3A] {strides = array<i32>} : memref<1024xf32, #tpu.memory_space<vmem>>, vector<16xf32>,
        tpu.vector_store %arg17[%swap3A], %masked_cumsum3A {strides = array<i32>} : memref<1024xf32, #tpu.memory_space<vmem>>, vector<16xf32>,
        %mul3A_335 = arith.constant 20 : i32
        %mul3A_336 = arith.muli %scan3A_294, %mul3A_335 : i32
        %add3A_337 = arith.constant 1 : i32
        %add3A_338 = arith.addi %mul3A_336, %add3A_337 : i32
        %get3A_339 = arith.index_cast %add3A_338 : i32 to index
        %get3A_340 = arith.constant 0 : index
        %get3A_341 = tpu.vector_load %arg13[%get3A_339, %get3A_340] {strides = array<i32>} : memref<640x64xf32, #tpu.memory_space<vmem>>, vector<16xf32>,
        %mul3A_342 = arith.mulf %get3A_298, %get3A_341 : vector<16xf32>
        %get3A_343 = arith.index_cast %add3A_338 : i32 to index
        %get3A_344 = arith.constant 16 : index
        %get3A_345 = tpu.vector_load %arg13[%get3A_343, %get3A_344] {strides = array<i32>} : memref<640x64xf32, #tpu.memory_space<vmem>>, vector<16xf32>,
        %mul3A_346 = arith.mulf %get3A_301, %get3A_345 : vector<16xf32>
        %add3A_347 = arith.addf %mul3A_342, %mul3A_346 : vector<16xf32>
        %get3A_348 = arith.index_cast %add3A_338 : i32 to index
        %get3A_349 = arith.constant 32 : index
        %get3A_350 = tpu.vector_load %arg13[%get3A_348, %get3A_349] {strides = array<i32>} : memref<640x64xf32, #tpu.memory_space<vmem>>, vector<16xf32>,
        %mul3A_351 = arith.mulf %get3A_304, %get3A_350 : vector<16xf32>
        %add3A_352 = arith.addf %add3A_347, %mul3A_351 : vector<16xf32>
        %get3A_353 = arith.index_cast %add3A_338 : i32 to index
        %get3A_354 = arith.constant 48 : index
        %get3A_355 = tpu.vector_load %arg13[%get3A_353, %get3A_354] {strides = array<i32>} : memref<640x64xf32, #tpu.memory_space<vmem>>, vector<16xf32>,
        %mul3A_356 = arith.mulf %get3A_307, %get3A_355 : vector<16xf32>
        %add3A_357 = arith.addf %add3A_352, %mul3A_356 : vector<16xf32>
        %broadcast_in_dim3A_358 = arith.constant true
        %broadcast_in_dim3A_359 = vector.broadcast %broadcast_in_dim3A_358 : i1 to vector<16xi1>
        %masked_cumsum3A_360 = tpu.scan <sum>, %add3A_357 masked %broadcast_in_dim3A_359 : vector<16xf32>, vector<16xi1> -> vector<16xf32>
        %add3A_361 = arith.constant 16 : i32
        %add3A_362 = arith.addi %shift_left3A_296, %add3A_361 : i32
        %swap3A_363 = arith.index_cast %add3A_362 : i32 to index
        %swap3A_364 = tpu.vector_load %arg17[%swap3A_363] {strides = array<i32>} : memref<1024xf32, #tpu.memory_space<vmem>>, vector<16xf32>,
        tpu.vector_store %arg17[%swap3A_363], %masked_cumsum3A_360 {strides = array<i32>} : memref<1024xf32, #tpu.memory_space<vmem>>, vector<16xf32>,
        %mul3A_365 = arith.constant 20 : i32
        %mul3A_366 = arith.muli %scan3A_294, %mul3A_365 : i32
        %add3A_367 = arith.constant 2 : i32
        %add3A_368 = arith.addi %mul3A_366, %add3A_367 : i32
        %get3A_369 = arith.index_cast %add3A_368 : i32 to index
        %get3A_370 = arith.constant 0 : index
        %get3A_371 = tpu.vector_load %arg13[%get3A_369, %get3A_370] {strides = array<i32>} : memref<640x64xf32, #tpu.memory_space<vmem>>, vector<16xf32>,
        %mul3A_372 = arith.mulf %get3A_298, %get3A_371 : vector<16xf32>
        %get3A_373 = arith.index_cast %add3A_368 : i32 to index
        %get3A_374 = arith.constant 16 : index
        %get3A_375 = tpu.vector_load %arg13[%get3A_373, %get3A_374] {strides = array<i32>} : memref<640x64xf32, #tpu.memory_space<vmem>>, vector<16xf32>,
        %mul3A_376 = arith.mulf %get3A_301, %get3A_375 : vector<16xf32>
        %add3A_377 = arith.addf %mul3A_372, %mul3A_376 : vector<16xf32>
        %get3A_378 = arith.index_cast %add3A_368 : i32 to index
        %get3A_379 = arith.constant 32 : index
        %get3A_380 = tpu.vector_load %arg13[%get3A_378, %get3A_379] {strides = array<i32>} : memref<640x64xf32, #tpu.memory_space<vmem>>, vector<16xf32>,
        %mul3A_381 = arith.mulf %get3A_304, %get3A_380 : vector<16xf32>
        %add3A_382 = arith.addf %add3A_377, %mul3A_381 : vector<16xf32>
        %get3A_383 = arith.index_cast %add3A_368 : i32 to index
        %get3A_384 = arith.constant 48 : index
        %get3A_385 = tpu.vector_load %arg13[%get3A_383, %get3A_384] {strides = array<i32>} : memref<640x64xf32, #tpu.memory_space<vmem>>, vector<16xf32>,
        %mul3A_386 = arith.mulf %get3A_307, %get3A_385 : vector<16xf32>
        %add3A_387 = arith.addf %add3A_382, %mul3A_386 : vector<16xf32>
        %broadcast_in_dim3A_388 = arith.constant true
        %broadcast_in_dim3A_389 = vector.broadcast %broadcast_in_dim3A_388 : i1 to vector<16xi1>
        %masked_cumsum3A_390 = tpu.scan <sum>, %add3A_387 masked %broadcast_in_dim3A_389 : vector<16xf32>, vector<16xi1> -> vector<16xf32>
        %add3A_391 = arith.constant 32 : i32
        %add3A_392 = arith.addi %shift_left3A_296, %add3A_391 : i32
        %swap3A_393 = arith.index_cast %add3A_392 : i32 to index
        %swap3A_394 = tpu.vector_load %arg17[%swap3A_393] {strides = array<i32>} : memref<1024xf32, #tpu.memory_space<vmem>>, vector<16xf32>,
        tpu.vector_store %arg17[%swap3A_393], %masked_cumsum3A_390 {strides = array<i32>} : memref<1024xf32, #tpu.memory_space<vmem>>, vector<16xf32>,
        %mul3A_395 = arith.constant 20 : i32
        %mul3A_396 = arith.muli %scan3A_294, %mul3A_395 : i32
        %add3A_397 = arith.constant 3 : i32
        %add3A_398 = arith.addi %mul3A_396, %add3A_397 : i32
        %get3A_399 = arith.index_cast %add3A_398 : i32 to index
        %get3A_400 = arith.constant 0 : index
        %get3A_401 = tpu.vector_load %arg13[%get3A_399, %get3A_400] {strides = array<i32>} : memref<640x64xf32, #tpu.memory_space<vmem>>, vector<16xf32>,
        %mul3A_402 = arith.mulf %get3A_298, %get3A_401 : vector<16xf32>
        %get3A_403 = arith.index_cast %add3A_398 : i32 to index
        %get3A_404 = arith.constant 16 : index
        %get3A_405 = tpu.vector_load %arg13[%get3A_403, %get3A_404] {strides = array<i32>} : memref<640x64xf32, #tpu.memory_space<vmem>>, vector<16xf32>,
        %mul3A_406 = arith.mulf %get3A_301, %get3A_405 : vector<16xf32>
        %add3A_407 = arith.addf %mul3A_402, %mul3A_406 : vector<16xf32>
        %get3A_408 = arith.index_cast %add3A_398 : i32 to index
        %get3A_409 = arith.constant 32 : index
        %get3A_410 = tpu.vector_load %arg13[%get3A_408, %get3A_409] {strides = array<i32>} : memref<640x64xf32, #tpu.memory_space<vmem>>, vector<16xf32>,
        %mul3A_411 = arith.mulf %get3A_304, %get3A_410 : vector<16xf32>
        %add3A_412 = arith.addf %add3A_407, %mul3A_411 : vector<16xf32>
        %get3A_413 = arith.index_cast %add3A_398 : i32 to index
        %get3A_414 = arith.constant 48 : index
        %get3A_415 = tpu.vector_load %arg13[%get3A_413, %get3A_414] {strides = array<i32>} : memref<640x64xf32, #tpu.memory_space<vmem>>, vector<16xf32>,
        %mul3A_416 = arith.mulf %get3A_307, %get3A_415 : vector<16xf32>
        %add3A_417 = arith.addf %add3A_412, %mul3A_416 : vector<16xf32>
        %broadcast_in_dim3A_418 = arith.constant true
        %broadcast_in_dim3A_419 = vector.broadcast %broadcast_in_dim3A_418 : i1 to vector<16xi1>
        %masked_cumsum3A_420 = tpu.scan <sum>, %add3A_417 masked %broadcast_in_dim3A_419 : vector<16xf32>, vector<16xi1> -> vector<16xf32>
        %add3A_421 = arith.constant 48 : i32
        %add3A_422 = arith.addi %shift_left3A_296, %add3A_421 : i32
        %swap3A_423 = arith.index_cast %add3A_422 : i32 to index
        %swap3A_424 = tpu.vector_load %arg17[%swap3A_423] {strides = array<i32>} : memref<1024xf32, #tpu.memory_space<vmem>>, vector<16xf32>,
        tpu.vector_store %arg17[%swap3A_423], %masked_cumsum3A_420 {strides = array<i32>} : memref<1024xf32, #tpu.memory_space<vmem>>, vector<16xf32>,
        %mul3A_425 = arith.constant 20 : i32
        %mul3A_426 = arith.muli %scan3A_294, %mul3A_425 : i32
        %add3A_427 = arith.constant 4 : i32
        %add3A_428 = arith.addi %mul3A_426, %add3A_427 : i32
        %get3A_429 = arith.index_cast %add3A_428 : i32 to index
        %get3A_430 = arith.constant 0 : index
        %get3A_431 = tpu.vector_load %arg13[%get3A_429, %get3A_430] {strides = array<i32>} : memref<640x64xf32, #tpu.memory_space<vmem>>, vector<16xf32>,
        %mul3A_432 = arith.mulf %get3A_298, %get3A_431 : vector<16xf32>
        %get3A_433 = arith.index_cast %add3A_428 : i32 to index
        %get3A_434 = arith.constant 16 : index
        %get3A_435 = tpu.vector_load %arg13[%get3A_433, %get3A_434] {strides = array<i32>} : memref<640x64xf32, #tpu.memory_space<vmem>>, vector<16xf32>,
        %mul3A_436 = arith.mulf %get3A_301, %get3A_435 : vector<16xf32>
        %add3A_437 = arith.addf %mul3A_432, %mul3A_436 : vector<16xf32>
        %get3A_438 = arith.index_cast %add3A_428 : i32 to index
        %get3A_439 = arith.constant 32 : index
        %get3A_440 = tpu.vector_load %arg13[%get3A_438, %get3A_439] {strides = array<i32>} : memref<640x64xf32, #tpu.memory_space<vmem>>, vector<16xf32>,
        %mul3A_441 = arith.mulf %get3A_304, %get3A_440 : vector<16xf32>
        %add3A_442 = arith.addf %add3A_437, %mul3A_441 : vector<16xf32>
        %get3A_443 = arith.index_cast %add3A_428 : i32 to index
        %get3A_444 = arith.constant 48 : index
        %get3A_445 = tpu.vector_load %arg13[%get3A_443, %get3A_444] {strides = array<i32>} : memref<640x64xf32, #tpu.memory_space<vmem>>, vector<16xf32>,
        %mul3A_446 = arith.mulf %get3A_307, %get3A_445 : vector<16xf32>
        %add3A_447 = arith.addf %add3A_442, %mul3A_446 : vector<16xf32>
        %broadcast_in_dim3A_448 = arith.constant true
        %broadcast_in_dim3A_449 = vector.broadcast %broadcast_in_dim3A_448 : i1 to vector<16xi1>
        %masked_cumsum3A_450 = tpu.scan <sum>, %add3A_447 masked %broadcast_in_dim3A_449 : vector<16xf32>, vector<16xi1> -> vector<16xf32>
        %add3A_451 = arith.constant 64 : i32
        %add3A_452 = arith.addi %shift_left3A_296, %add3A_451 : i32
        %swap3A_453 = arith.index_cast %add3A_452 : i32 to index
        %swap3A_454 = tpu.vector_load %arg17[%swap3A_453] {strides = array<i32>} : memref<1024xf32, #tpu.memory_space<vmem>>, vector<16xf32>,
        tpu.vector_store %arg17[%swap3A_453], %masked_cumsum3A_450 {strides = array<i32>} : memref<1024xf32, #tpu.memory_space<vmem>>, vector<16xf32>,
        %mul3A_455 = arith.constant 20 : i32
        %mul3A_456 = arith.muli %scan3A_294, %mul3A_455 : i32
        %add3A_457 = arith.constant 5 : i32
        %add3A_458 = arith.addi %mul3A_456, %add3A_457 : i32
        %get3A_459 = arith.index_cast %add3A_458 : i32 to index
        %get3A_460 = arith.constant 0 : index
        %get3A_461 = tpu.vector_load %arg13[%get3A_459, %get3A_460] {strides = array<i32>} : memref<640x64xf32, #tpu.memory_space<vmem>>, vector<16xf32>,
        %mul3A_462 = arith.mulf %get3A_298, %get3A_461 : vector<16xf32>
        %get3A_463 = arith.index_cast %add3A_458 : i32 to index
        %get3A_464 = arith.constant 16 : index
        %get3A_465 = tpu.vector_load %arg13[%get3A_463, %get3A_464] {strides = array<i32>} : memref<640x64xf32, #tpu.memory_space<vmem>>, vector<16xf32>,
        %mul3A_466 = arith.mulf %get3A_301, %get3A_465 : vector<16xf32>
        %add3A_467 = arith.addf %mul3A_462, %mul3A_466 : vector<16xf32>
        %get3A_468 = arith.index_cast %add3A_458 : i32 to index
        %get3A_469 = arith.constant 32 : index
        %get3A_470 = tpu.vector_load %arg13[%get3A_468, %get3A_469] {strides = array<i32>} : memref<640x64xf32, #tpu.memory_space<vmem>>, vector<16xf32>,
        %mul3A_471 = arith.mulf %get3A_304, %get3A_470 : vector<16xf32>
        %add3A_472 = arith.addf %add3A_467, %mul3A_471 : vector<16xf32>
        %get3A_473 = arith.index_cast %add3A_458 : i32 to index
        %get3A_474 = arith.constant 48 : index
        %get3A_475 = tpu.vector_load %arg13[%get3A_473, %get3A_474] {strides = array<i32>} : memref<640x64xf32, #tpu.memory_space<vmem>>, vector<16xf32>,
        %mul3A_476 = arith.mulf %get3A_307, %get3A_475 : vector<16xf32>
        %add3A_477 = arith.addf %add3A_472, %mul3A_476 : vector<16xf32>
        %broadcast_in_dim3A_478 = arith.constant true
        %broadcast_in_dim3A_479 = vector.broadcast %broadcast_in_dim3A_478 : i1 to vector<16xi1>
        %masked_cumsum3A_480 = tpu.scan <sum>, %add3A_477 masked %broadcast_in_dim3A_479 : vector<16xf32>, vector<16xi1> -> vector<16xf32>
        %add3A_481 = arith.constant 80 : i32
        %add3A_482 = arith.addi %shift_left3A_296, %add3A_481 : i32
        %swap3A_483 = arith.index_cast %add3A_482 : i32 to index
        %swap3A_484 = tpu.vector_load %arg17[%swap3A_483] {strides = array<i32>} : memref<1024xf32, #tpu.memory_space<vmem>>, vector<16xf32>,
        tpu.vector_store %arg17[%swap3A_483], %masked_cumsum3A_480 {strides = array<i32>} : memref<1024xf32, #tpu.memory_space<vmem>>, vector<16xf32>,
        %mul3A_485 = arith.constant 20 : i32
        %mul3A_486 = arith.muli %scan3A_294, %mul3A_485 : i32
        %add3A_487 = arith.constant 6 : i32
        %add3A_488 = arith.addi %mul3A_486, %add3A_487 : i32
        %get3A_489 = arith.index_cast %add3A_488 : i32 to index
        %get3A_490 = arith.constant 0 : index
        %get3A_491 = tpu.vector_load %arg13[%get3A_489, %get3A_490] {strides = array<i32>} : memref<640x64xf32, #tpu.memory_space<vmem>>, vector<16xf32>,
        %mul3A_492 = arith.mulf %get3A_298, %get3A_491 : vector<16xf32>
        %get3A_493 = arith.index_cast %add3A_488 : i32 to index
        %get3A_494 = arith.constant 16 : index
        %get3A_495 = tpu.vector_load %arg13[%get3A_493, %get3A_494] {strides = array<i32>} : memref<640x64xf32, #tpu.memory_space<vmem>>, vector<16xf32>,
        %mul3A_496 = arith.mulf %get3A_301, %get3A_495 : vector<16xf32>
        %add3A_497 = arith.addf %mul3A_492, %mul3A_496 : vector<16xf32>
        %get3A_498 = arith.index_cast %add3A_488 : i32 to index
        %get3A_499 = arith.constant 32 : index
        %get3A_500 = tpu.vector_load %arg13[%get3A_498, %get3A_499] {strides = array<i32>} : memref<640x64xf32, #tpu.memory_space<vmem>>, vector<16xf32>,
        %mul3A_501 = arith.mulf %get3A_304, %get3A_500 : vector<16xf32>
        %add3A_502 = arith.addf %add3A_497, %mul3A_501 : vector<16xf32>
        %get3A_503 = arith.index_cast %add3A_488 : i32 to index
        %get3A_504 = arith.constant 48 : index
        %get3A_505 = tpu.vector_load %arg13[%get3A_503, %get3A_504] {strides = array<i32>} : memref<640x64xf32, #tpu.memory_space<vmem>>, vector<16xf32>,
        %mul3A_506 = arith.mulf %get3A_307, %get3A_505 : vector<16xf32>
        %add3A_507 = arith.addf %add3A_502, %mul3A_506 : vector<16xf32>
        %broadcast_in_dim3A_508 = arith.constant true
        %broadcast_in_dim3A_509 = vector.broadcast %broadcast_in_dim3A_508 : i1 to vector<16xi1>
        %masked_cumsum3A_510 = tpu.scan <sum>, %add3A_507 masked %broadcast_in_dim3A_509 : vector<16xf32>, vector<16xi1> -> vector<16xf32>
        %add3A_511 = arith.constant 96 : i32
        %add3A_512 = arith.addi %shift_left3A_296, %add3A_511 : i32
        %swap3A_513 = arith.index_cast %add3A_512 : i32 to index
        %swap3A_514 = tpu.vector_load %arg17[%swap3A_513] {strides = array<i32>} : memref<1024xf32, #tpu.memory_space<vmem>>, vector<16xf32>,
        tpu.vector_store %arg17[%swap3A_513], %masked_cumsum3A_510 {strides = array<i32>} : memref<1024xf32, #tpu.memory_space<vmem>>, vector<16xf32>,
        %mul3A_515 = arith.constant 20 : i32
        %mul3A_516 = arith.muli %scan3A_294, %mul3A_515 : i32
        %add3A_517 = arith.constant 7 : i32
        %add3A_518 = arith.addi %mul3A_516, %add3A_517 : i32
        %get3A_519 = arith.index_cast %add3A_518 : i32 to index
        %get3A_520 = arith.constant 0 : index
        %get3A_521 = tpu.vector_load %arg13[%get3A_519, %get3A_520] {strides = array<i32>} : memref<640x64xf32, #tpu.memory_space<vmem>>, vector<16xf32>,
        %mul3A_522 = arith.mulf %get3A_298, %get3A_521 : vector<16xf32>
        %get3A_523 = arith.index_cast %add3A_518 : i32 to index
        %get3A_524 = arith.constant 16 : index
        %get3A_525 = tpu.vector_load %arg13[%get3A_523, %get3A_524] {strides = array<i32>} : memref<640x64xf32, #tpu.memory_space<vmem>>, vector<16xf32>,
        %mul3A_526 = arith.mulf %get3A_301, %get3A_525 : vector<16xf32>
        %add3A_527 = arith.addf %mul3A_522, %mul3A_526 : vector<16xf32>
        %get3A_528 = arith.index_cast %add3A_518 : i32 to index
        %get3A_529 = arith.constant 32 : index
        %get3A_530 = tpu.vector_load %arg13[%get3A_528, %get3A_529] {strides = array<i32>} : memref<640x64xf32, #tpu.memory_space<vmem>>, vector<16xf32>,
        %mul3A_531 = arith.mulf %get3A_304, %get3A_530 : vector<16xf32>
        %add3A_532 = arith.addf %add3A_527, %mul3A_531 : vector<16xf32>
        %get3A_533 = arith.index_cast %add3A_518 : i32 to index
        %get3A_534 = arith.constant 48 : index
        %get3A_535 = tpu.vector_load %arg13[%get3A_533, %get3A_534] {strides = array<i32>} : memref<640x64xf32, #tpu.memory_space<vmem>>, vector<16xf32>,
        %mul3A_536 = arith.mulf %get3A_307, %get3A_535 : vector<16xf32>
        %add3A_537 = arith.addf %add3A_532, %mul3A_536 : vector<16xf32>
        %broadcast_in_dim3A_538 = arith.constant true
        %broadcast_in_dim3A_539 = vector.broadcast %broadcast_in_dim3A_538 : i1 to vector<16xi1>
        %masked_cumsum3A_540 = tpu.scan <sum>, %add3A_537 masked %broadcast_in_dim3A_539 : vector<16xf32>, vector<16xi1> -> vector<16xf32>
        %add3A_541 = arith.constant 112 : i32
        %add3A_542 = arith.addi %shift_left3A_296, %add3A_541 : i32
        %swap3A_543 = arith.index_cast %add3A_542 : i32 to index
        %swap3A_544 = tpu.vector_load %arg17[%swap3A_543] {strides = array<i32>} : memref<1024xf32, #tpu.memory_space<vmem>>, vector<16xf32>,
        tpu.vector_store %arg17[%swap3A_543], %masked_cumsum3A_540 {strides = array<i32>} : memref<1024xf32, #tpu.memory_space<vmem>>, vector<16xf32>,
        %mul3A_545 = arith.constant 20 : i32
        %mul3A_546 = arith.muli %scan3A_294, %mul3A_545 : i32
        %add3A_547 = arith.constant 8 : i32
        %add3A_548 = arith.addi %mul3A_546, %add3A_547 : i32
        %get3A_549 = arith.index_cast %add3A_548 : i32 to index
        %get3A_550 = arith.constant 0 : index
        %get3A_551 = tpu.vector_load %arg13[%get3A_549, %get3A_550] {strides = array<i32>} : memref<640x64xf32, #tpu.memory_space<vmem>>, vector<16xf32>,
        %mul3A_552 = arith.mulf %get3A_298, %get3A_551 : vector<16xf32>
        %get3A_553 = arith.index_cast %add3A_548 : i32 to index
        %get3A_554 = arith.constant 16 : index
        %get3A_555 = tpu.vector_load %arg13[%get3A_553, %get3A_554] {strides = array<i32>} : memref<640x64xf32, #tpu.memory_space<vmem>>, vector<16xf32>,
        %mul3A_556 = arith.mulf %get3A_301, %get3A_555 : vector<16xf32>
        %add3A_557 = arith.addf %mul3A_552, %mul3A_556 : vector<16xf32>
        %get3A_558 = arith.index_cast %add3A_548 : i32 to index
        %get3A_559 = arith.constant 32 : index
        %get3A_560 = tpu.vector_load %arg13[%get3A_558, %get3A_559] {strides = array<i32>} : memref<640x64xf32, #tpu.memory_space<vmem>>, vector<16xf32>,
        %mul3A_561 = arith.mulf %get3A_304, %get3A_560 : vector<16xf32>
        %add3A_562 = arith.addf %add3A_557, %mul3A_561 : vector<16xf32>
        %get3A_563 = arith.index_cast %add3A_548 : i32 to index
        %get3A_564 = arith.constant 48 : index
        %get3A_565 = tpu.vector_load %arg13[%get3A_563, %get3A_564] {strides = array<i32>} : memref<640x64xf32, #tpu.memory_space<vmem>>, vector<16xf32>,
        %mul3A_566 = arith.mulf %get3A_307, %get3A_565 : vector<16xf32>
        %add3A_567 = arith.addf %add3A_562, %mul3A_566 : vector<16xf32>
        %broadcast_in_dim3A_568 = arith.constant true
        %broadcast_in_dim3A_569 = vector.broadcast %broadcast_in_dim3A_568 : i1 to vector<16xi1>
        %masked_cumsum3A_570 = tpu.scan <sum>, %add3A_567 masked %broadcast_in_dim3A_569 : vector<16xf32>, vector<16xi1> -> vector<16xf32>
        %add3A_571 = arith.constant 128 : i32
        %add3A_572 = arith.addi %shift_left3A_296, %add3A_571 : i32
        %swap3A_573 = arith.index_cast %add3A_572 : i32 to index
        %swap3A_574 = tpu.vector_load %arg17[%swap3A_573] {strides = array<i32>} : memref<1024xf32, #tpu.memory_space<vmem>>, vector<16xf32>,
        tpu.vector_store %arg17[%swap3A_573], %masked_cumsum3A_570 {strides = array<i32>} : memref<1024xf32, #tpu.memory_space<vmem>>, vector<16xf32>,
        %mul3A_575 = arith.constant 20 : i32
        %mul3A_576 = arith.muli %scan3A_294, %mul3A_575 : i32
        %add3A_577 = arith.constant 9 : i32
        %add3A_578 = arith.addi %mul3A_576, %add3A_577 : i32
        %get3A_579 = arith.index_cast %add3A_578 : i32 to index
        %get3A_580 = arith.constant 0 : index
        %get3A_581 = tpu.vector_load %arg13[%get3A_579, %get3A_580] {strides = array<i32>} : memref<640x64xf32, #tpu.memory_space<vmem>>, vector<16xf32>,
        %mul3A_582 = arith.mulf %get3A_298, %get3A_581 : vector<16xf32>
        %get3A_583 = arith.index_cast %add3A_578 : i32 to index
        %get3A_584 = arith.constant 16 : index
        %get3A_585 = tpu.vector_load %arg13[%get3A_583, %get3A_584] {strides = array<i32>} : memref<640x64xf32, #tpu.memory_space<vmem>>, vector<16xf32>,
        %mul3A_586 = arith.mulf %get3A_301, %get3A_585 : vector<16xf32>
        %add3A_587 = arith.addf %mul3A_582, %mul3A_586 : vector<16xf32>
        %get3A_588 = arith.index_cast %add3A_578 : i32 to index
        %get3A_589 = arith.constant 32 : index
        %get3A_590 = tpu.vector_load %arg13[%get3A_588, %get3A_589] {strides = array<i32>} : memref<640x64xf32, #tpu.memory_space<vmem>>, vector<16xf32>,
        %mul3A_591 = arith.mulf %get3A_304, %get3A_590 : vector<16xf32>
        %add3A_592 = arith.addf %add3A_587, %mul3A_591 : vector<16xf32>
        %get3A_593 = arith.index_cast %add3A_578 : i32 to index
        %get3A_594 = arith.constant 48 : index
        %get3A_595 = tpu.vector_load %arg13[%get3A_593, %get3A_594] {strides = array<i32>} : memref<640x64xf32, #tpu.memory_space<vmem>>, vector<16xf32>,
        %mul3A_596 = arith.mulf %get3A_307, %get3A_595 : vector<16xf32>
        %add3A_597 = arith.addf %add3A_592, %mul3A_596 : vector<16xf32>
        %broadcast_in_dim3A_598 = arith.constant true
        %broadcast_in_dim3A_599 = vector.broadcast %broadcast_in_dim3A_598 : i1 to vector<16xi1>
        %masked_cumsum3A_600 = tpu.scan <sum>, %add3A_597 masked %broadcast_in_dim3A_599 : vector<16xf32>, vector<16xi1> -> vector<16xf32>
        %add3A_601 = arith.constant 144 : i32
        %add3A_602 = arith.addi %shift_left3A_296, %add3A_601 : i32
        %swap3A_603 = arith.index_cast %add3A_602 : i32 to index
        %swap3A_604 = tpu.vector_load %arg17[%swap3A_603] {strides = array<i32>} : memref<1024xf32, #tpu.memory_space<vmem>>, vector<16xf32>,
        tpu.vector_store %arg17[%swap3A_603], %masked_cumsum3A_600 {strides = array<i32>} : memref<1024xf32, #tpu.memory_space<vmem>>, vector<16xf32>,
        %mul3A_605 = arith.constant 20 : i32
        %mul3A_606 = arith.muli %scan3A_294, %mul3A_605 : i32
        %add3A_607 = arith.constant 10 : i32
        %add3A_608 = arith.addi %mul3A_606, %add3A_607 : i32
        %get3A_609 = arith.index_cast %add3A_608 : i32 to index
        %get3A_610 = arith.constant 0 : index
        %get3A_611 = tpu.vector_load %arg13[%get3A_609, %get3A_610] {strides = array<i32>} : memref<640x64xf32, #tpu.memory_space<vmem>>, vector<16xf32>,
        %mul3A_612 = arith.mulf %get3A_298, %get3A_611 : vector<16xf32>
        %get3A_613 = arith.index_cast %add3A_608 : i32 to index
        %get3A_614 = arith.constant 16 : index
        %get3A_615 = tpu.vector_load %arg13[%get3A_613, %get3A_614] {strides = array<i32>} : memref<640x64xf32, #tpu.memory_space<vmem>>, vector<16xf32>,
        %mul3A_616 = arith.mulf %get3A_301, %get3A_615 : vector<16xf32>
        %add3A_617 = arith.addf %mul3A_612, %mul3A_616 : vector<16xf32>
        %get3A_618 = arith.index_cast %add3A_608 : i32 to index
        %get3A_619 = arith.constant 32 : index
        %get3A_620 = tpu.vector_load %arg13[%get3A_618, %get3A_619] {strides = array<i32>} : memref<640x64xf32, #tpu.memory_space<vmem>>, vector<16xf32>,
        %mul3A_621 = arith.mulf %get3A_304, %get3A_620 : vector<16xf32>
        %add3A_622 = arith.addf %add3A_617, %mul3A_621 : vector<16xf32>
        %get3A_623 = arith.index_cast %add3A_608 : i32 to index
        %get3A_624 = arith.constant 48 : index
        %get3A_625 = tpu.vector_load %arg13[%get3A_623, %get3A_624] {strides = array<i32>} : memref<640x64xf32, #tpu.memory_space<vmem>>, vector<16xf32>,
        %mul3A_626 = arith.mulf %get3A_307, %get3A_625 : vector<16xf32>
        %add3A_627 = arith.addf %add3A_622, %mul3A_626 : vector<16xf32>
        %broadcast_in_dim3A_628 = arith.constant true
        %broadcast_in_dim3A_629 = vector.broadcast %broadcast_in_dim3A_628 : i1 to vector<16xi1>
        %masked_cumsum3A_630 = tpu.scan <sum>, %add3A_627 masked %broadcast_in_dim3A_629 : vector<16xf32>, vector<16xi1> -> vector<16xf32>
        %add3A_631 = arith.constant 160 : i32
        %add3A_632 = arith.addi %shift_left3A_296, %add3A_631 : i32
        %swap3A_633 = arith.index_cast %add3A_632 : i32 to index
        %swap3A_634 = tpu.vector_load %arg17[%swap3A_633] {strides = array<i32>} : memref<1024xf32, #tpu.memory_space<vmem>>, vector<16xf32>,
        tpu.vector_store %arg17[%swap3A_633], %masked_cumsum3A_630 {strides = array<i32>} : memref<1024xf32, #tpu.memory_space<vmem>>, vector<16xf32>,
        %mul3A_635 = arith.constant 20 : i32
        %mul3A_636 = arith.muli %scan3A_294, %mul3A_635 : i32
        %add3A_637 = arith.constant 11 : i32
        %add3A_638 = arith.addi %mul3A_636, %add3A_637 : i32
        %get3A_639 = arith.index_cast %add3A_638 : i32 to index
        %get3A_640 = arith.constant 0 : index
        %get3A_641 = tpu.vector_load %arg13[%get3A_639, %get3A_640] {strides = array<i32>} : memref<640x64xf32, #tpu.memory_space<vmem>>, vector<16xf32>,
        %mul3A_642 = arith.mulf %get3A_298, %get3A_641 : vector<16xf32>
        %get3A_643 = arith.index_cast %add3A_638 : i32 to index
        %get3A_644 = arith.constant 16 : index
        %get3A_645 = tpu.vector_load %arg13[%get3A_643, %get3A_644] {strides = array<i32>} : memref<640x64xf32, #tpu.memory_space<vmem>>, vector<16xf32>,
        %mul3A_646 = arith.mulf %get3A_301, %get3A_645 : vector<16xf32>
        %add3A_647 = arith.addf %mul3A_642, %mul3A_646 : vector<16xf32>
        %get3A_648 = arith.index_cast %add3A_638 : i32 to index
        %get3A_649 = arith.constant 32 : index
        %get3A_650 = tpu.vector_load %arg13[%get3A_648, %get3A_649] {strides = array<i32>} : memref<640x64xf32, #tpu.memory_space<vmem>>, vector<16xf32>,
        %mul3A_651 = arith.mulf %get3A_304, %get3A_650 : vector<16xf32>
        %add3A_652 = arith.addf %add3A_647, %mul3A_651 : vector<16xf32>
        %get3A_653 = arith.index_cast %add3A_638 : i32 to index
        %get3A_654 = arith.constant 48 : index
        %get3A_655 = tpu.vector_load %arg13[%get3A_653, %get3A_654] {strides = array<i32>} : memref<640x64xf32, #tpu.memory_space<vmem>>, vector<16xf32>,
        %mul3A_656 = arith.mulf %get3A_307, %get3A_655 : vector<16xf32>
        %add3A_657 = arith.addf %add3A_652, %mul3A_656 : vector<16xf32>
        %broadcast_in_dim3A_658 = arith.constant true
        %broadcast_in_dim3A_659 = vector.broadcast %broadcast_in_dim3A_658 : i1 to vector<16xi1>
        %masked_cumsum3A_660 = tpu.scan <sum>, %add3A_657 masked %broadcast_in_dim3A_659 : vector<16xf32>, vector<16xi1> -> vector<16xf32>
        %add3A_661 = arith.constant 176 : i32
        %add3A_662 = arith.addi %shift_left3A_296, %add3A_661 : i32
        %swap3A_663 = arith.index_cast %add3A_662 : i32 to index
        %swap3A_664 = tpu.vector_load %arg17[%swap3A_663] {strides = array<i32>} : memref<1024xf32, #tpu.memory_space<vmem>>, vector<16xf32>,
        tpu.vector_store %arg17[%swap3A_663], %masked_cumsum3A_660 {strides = array<i32>} : memref<1024xf32, #tpu.memory_space<vmem>>, vector<16xf32>,
        %mul3A_665 = arith.constant 20 : i32
        %mul3A_666 = arith.muli %scan3A_294, %mul3A_665 : i32
        %add3A_667 = arith.constant 12 : i32
        %add3A_668 = arith.addi %mul3A_666, %add3A_667 : i32
        %get3A_669 = arith.index_cast %add3A_668 : i32 to index
        %get3A_670 = arith.constant 0 : index
        %get3A_671 = tpu.vector_load %arg13[%get3A_669, %get3A_670] {strides = array<i32>} : memref<640x64xf32, #tpu.memory_space<vmem>>, vector<16xf32>,
        %mul3A_672 = arith.mulf %get3A_298, %get3A_671 : vector<16xf32>
        %get3A_673 = arith.index_cast %add3A_668 : i32 to index
        %get3A_674 = arith.constant 16 : index
        %get3A_675 = tpu.vector_load %arg13[%get3A_673, %get3A_674] {strides = array<i32>} : memref<640x64xf32, #tpu.memory_space<vmem>>, vector<16xf32>,
        %mul3A_676 = arith.mulf %get3A_301, %get3A_675 : vector<16xf32>
        %add3A_677 = arith.addf %mul3A_672, %mul3A_676 : vector<16xf32>
        %get3A_678 = arith.index_cast %add3A_668 : i32 to index
        %get3A_679 = arith.constant 32 : index
        %get3A_680 = tpu.vector_load %arg13[%get3A_678, %get3A_679] {strides = array<i32>} : memref<640x64xf32, #tpu.memory_space<vmem>>, vector<16xf32>,
        %mul3A_681 = arith.mulf %get3A_304, %get3A_680 : vector<16xf32>
        %add3A_682 = arith.addf %add3A_677, %mul3A_681 : vector<16xf32>
        %get3A_683 = arith.index_cast %add3A_668 : i32 to index
        %get3A_684 = arith.constant 48 : index
        %get3A_685 = tpu.vector_load %arg13[%get3A_683, %get3A_684] {strides = array<i32>} : memref<640x64xf32, #tpu.memory_space<vmem>>, vector<16xf32>,
        %mul3A_686 = arith.mulf %get3A_307, %get3A_685 : vector<16xf32>
        %add3A_687 = arith.addf %add3A_682, %mul3A_686 : vector<16xf32>
        %broadcast_in_dim3A_688 = arith.constant true
        %broadcast_in_dim3A_689 = vector.broadcast %broadcast_in_dim3A_688 : i1 to vector<16xi1>
        %masked_cumsum3A_690 = tpu.scan <sum>, %add3A_687 masked %broadcast_in_dim3A_689 : vector<16xf32>, vector<16xi1> -> vector<16xf32>
        %add3A_691 = arith.constant 192 : i32
        %add3A_692 = arith.addi %shift_left3A_296, %add3A_691 : i32
        %swap3A_693 = arith.index_cast %add3A_692 : i32 to index
        %swap3A_694 = tpu.vector_load %arg17[%swap3A_693] {strides = array<i32>} : memref<1024xf32, #tpu.memory_space<vmem>>, vector<16xf32>,
        tpu.vector_store %arg17[%swap3A_693], %masked_cumsum3A_690 {strides = array<i32>} : memref<1024xf32, #tpu.memory_space<vmem>>, vector<16xf32>,
        %mul3A_695 = arith.constant 20 : i32
        %mul3A_696 = arith.muli %scan3A_294, %mul3A_695 : i32
        %add3A_697 = arith.constant 13 : i32
        %add3A_698 = arith.addi %mul3A_696, %add3A_697 : i32
        %get3A_699 = arith.index_cast %add3A_698 : i32 to index
        %get3A_700 = arith.constant 0 : index
        %get3A_701 = tpu.vector_load %arg13[%get3A_699, %get3A_700] {strides = array<i32>} : memref<640x64xf32, #tpu.memory_space<vmem>>, vector<16xf32>,
        %mul3A_702 = arith.mulf %get3A_298, %get3A_701 : vector<16xf32>
        %get3A_703 = arith.index_cast %add3A_698 : i32 to index
        %get3A_704 = arith.constant 16 : index
        %get3A_705 = tpu.vector_load %arg13[%get3A_703, %get3A_704] {strides = array<i32>} : memref<640x64xf32, #tpu.memory_space<vmem>>, vector<16xf32>,
        %mul3A_706 = arith.mulf %get3A_301, %get3A_705 : vector<16xf32>
        %add3A_707 = arith.addf %mul3A_702, %mul3A_706 : vector<16xf32>
        %get3A_708 = arith.index_cast %add3A_698 : i32 to index
        %get3A_709 = arith.constant 32 : index
        %get3A_710 = tpu.vector_load %arg13[%get3A_708, %get3A_709] {strides = array<i32>} : memref<640x64xf32, #tpu.memory_space<vmem>>, vector<16xf32>,
        %mul3A_711 = arith.mulf %get3A_304, %get3A_710 : vector<16xf32>
        %add3A_712 = arith.addf %add3A_707, %mul3A_711 : vector<16xf32>
        %get3A_713 = arith.index_cast %add3A_698 : i32 to index
        %get3A_714 = arith.constant 48 : index
        %get3A_715 = tpu.vector_load %arg13[%get3A_713, %get3A_714] {strides = array<i32>} : memref<640x64xf32, #tpu.memory_space<vmem>>, vector<16xf32>,
        %mul3A_716 = arith.mulf %get3A_307, %get3A_715 : vector<16xf32>
        %add3A_717 = arith.addf %add3A_712, %mul3A_716 : vector<16xf32>
        %broadcast_in_dim3A_718 = arith.constant true
        %broadcast_in_dim3A_719 = vector.broadcast %broadcast_in_dim3A_718 : i1 to vector<16xi1>
        %masked_cumsum3A_720 = tpu.scan <sum>, %add3A_717 masked %broadcast_in_dim3A_719 : vector<16xf32>, vector<16xi1> -> vector<16xf32>
        %add3A_721 = arith.constant 208 : i32
        %add3A_722 = arith.addi %shift_left3A_296, %add3A_721 : i32
        %swap3A_723 = arith.index_cast %add3A_722 : i32 to index
        %swap3A_724 = tpu.vector_load %arg17[%swap3A_723] {strides = array<i32>} : memref<1024xf32, #tpu.memory_space<vmem>>, vector<16xf32>,
        tpu.vector_store %arg17[%swap3A_723], %masked_cumsum3A_720 {strides = array<i32>} : memref<1024xf32, #tpu.memory_space<vmem>>, vector<16xf32>,
        %mul3A_725 = arith.constant 20 : i32
        %mul3A_726 = arith.muli %scan3A_294, %mul3A_725 : i32
        %add3A_727 = arith.constant 14 : i32
        %add3A_728 = arith.addi %mul3A_726, %add3A_727 : i32
        %get3A_729 = arith.index_cast %add3A_728 : i32 to index
        %get3A_730 = arith.constant 0 : index
        %get3A_731 = tpu.vector_load %arg13[%get3A_729, %get3A_730] {strides = array<i32>} : memref<640x64xf32, #tpu.memory_space<vmem>>, vector<16xf32>,
        %mul3A_732 = arith.mulf %get3A_298, %get3A_731 : vector<16xf32>
        %get3A_733 = arith.index_cast %add3A_728 : i32 to index
        %get3A_734 = arith.constant 16 : index
        %get3A_735 = tpu.vector_load %arg13[%get3A_733, %get3A_734] {strides = array<i32>} : memref<640x64xf32, #tpu.memory_space<vmem>>, vector<16xf32>,
        %mul3A_736 = arith.mulf %get3A_301, %get3A_735 : vector<16xf32>
        %add3A_737 = arith.addf %mul3A_732, %mul3A_736 : vector<16xf32>
        %get3A_738 = arith.index_cast %add3A_728 : i32 to index
        %get3A_739 = arith.constant 32 : index
        %get3A_740 = tpu.vector_load %arg13[%get3A_738, %get3A_739] {strides = array<i32>} : memref<640x64xf32, #tpu.memory_space<vmem>>, vector<16xf32>,
        %mul3A_741 = arith.mulf %get3A_304, %get3A_740 : vector<16xf32>
        %add3A_742 = arith.addf %add3A_737, %mul3A_741 : vector<16xf32>
        %get3A_743 = arith.index_cast %add3A_728 : i32 to index
        %get3A_744 = arith.constant 48 : index
        %get3A_745 = tpu.vector_load %arg13[%get3A_743, %get3A_744] {strides = array<i32>} : memref<640x64xf32, #tpu.memory_space<vmem>>, vector<16xf32>,
        %mul3A_746 = arith.mulf %get3A_307, %get3A_745 : vector<16xf32>
        %add3A_747 = arith.addf %add3A_742, %mul3A_746 : vector<16xf32>
        %broadcast_in_dim3A_748 = arith.constant true
        %broadcast_in_dim3A_749 = vector.broadcast %broadcast_in_dim3A_748 : i1 to vector<16xi1>
        %masked_cumsum3A_750 = tpu.scan <sum>, %add3A_747 masked %broadcast_in_dim3A_749 : vector<16xf32>, vector<16xi1> -> vector<16xf32>
        %add3A_751 = arith.constant 224 : i32
        %add3A_752 = arith.addi %shift_left3A_296, %add3A_751 : i32
        %swap3A_753 = arith.index_cast %add3A_752 : i32 to index
        %swap3A_754 = tpu.vector_load %arg17[%swap3A_753] {strides = array<i32>} : memref<1024xf32, #tpu.memory_space<vmem>>, vector<16xf32>,
        tpu.vector_store %arg17[%swap3A_753], %masked_cumsum3A_750 {strides = array<i32>} : memref<1024xf32, #tpu.memory_space<vmem>>, vector<16xf32>,
        %mul3A_755 = arith.constant 20 : i32
        %mul3A_756 = arith.muli %scan3A_294, %mul3A_755 : i32
        %add3A_757 = arith.constant 15 : i32
        %add3A_758 = arith.addi %mul3A_756, %add3A_757 : i32
        %get3A_759 = arith.index_cast %add3A_758 : i32 to index
        %get3A_760 = arith.constant 0 : index
        %get3A_761 = tpu.vector_load %arg13[%get3A_759, %get3A_760] {strides = array<i32>} : memref<640x64xf32, #tpu.memory_space<vmem>>, vector<16xf32>,
        %mul3A_762 = arith.mulf %get3A_298, %get3A_761 : vector<16xf32>
        %get3A_763 = arith.index_cast %add3A_758 : i32 to index
        %get3A_764 = arith.constant 16 : index
        %get3A_765 = tpu.vector_load %arg13[%get3A_763, %get3A_764] {strides = array<i32>} : memref<640x64xf32, #tpu.memory_space<vmem>>, vector<16xf32>,
        %mul3A_766 = arith.mulf %get3A_301, %get3A_765 : vector<16xf32>
        %add3A_767 = arith.addf %mul3A_762, %mul3A_766 : vector<16xf32>
        %get3A_768 = arith.index_cast %add3A_758 : i32 to index
        %get3A_769 = arith.constant 32 : index
        %get3A_770 = tpu.vector_load %arg13[%get3A_768, %get3A_769] {strides = array<i32>} : memref<640x64xf32, #tpu.memory_space<vmem>>, vector<16xf32>,
        %mul3A_771 = arith.mulf %get3A_304, %get3A_770 : vector<16xf32>
        %add3A_772 = arith.addf %add3A_767, %mul3A_771 : vector<16xf32>
        %get3A_773 = arith.index_cast %add3A_758 : i32 to index
        %get3A_774 = arith.constant 48 : index
        %get3A_775 = tpu.vector_load %arg13[%get3A_773, %get3A_774] {strides = array<i32>} : memref<640x64xf32, #tpu.memory_space<vmem>>, vector<16xf32>,
        %mul3A_776 = arith.mulf %get3A_307, %get3A_775 : vector<16xf32>
        %add3A_777 = arith.addf %add3A_772, %mul3A_776 : vector<16xf32>
        %broadcast_in_dim3A_778 = arith.constant true
        %broadcast_in_dim3A_779 = vector.broadcast %broadcast_in_dim3A_778 : i1 to vector<16xi1>
        %masked_cumsum3A_780 = tpu.scan <sum>, %add3A_777 masked %broadcast_in_dim3A_779 : vector<16xf32>, vector<16xi1> -> vector<16xf32>
        %add3A_781 = arith.constant 240 : i32
        %add3A_782 = arith.addi %shift_left3A_296, %add3A_781 : i32
        %swap3A_783 = arith.index_cast %add3A_782 : i32 to index
        %swap3A_784 = tpu.vector_load %arg17[%swap3A_783] {strides = array<i32>} : memref<1024xf32, #tpu.memory_space<vmem>>, vector<16xf32>,
        tpu.vector_store %arg17[%swap3A_783], %masked_cumsum3A_780 {strides = array<i32>} : memref<1024xf32, #tpu.memory_space<vmem>>, vector<16xf32>,
        %mul3A_785 = arith.constant 20 : i32
        %mul3A_786 = arith.muli %scan3A_294, %mul3A_785 : i32
        %add3A_787 = arith.constant 16 : i32
        %add3A_788 = arith.addi %mul3A_786, %add3A_787 : i32
        %get3A_789 = arith.index_cast %add3A_788 : i32 to index
        %get3A_790 = arith.constant 0 : index
        %get3A_791 = tpu.vector_load %arg13[%get3A_789, %get3A_790] {strides = array<i32>} : memref<640x64xf32, #tpu.memory_space<vmem>>, vector<16xf32>,
        %mul3A_792 = arith.mulf %get3A_298, %get3A_791 : vector<16xf32>
        %get3A_793 = arith.index_cast %add3A_788 : i32 to index
        %get3A_794 = arith.constant 16 : index
        %get3A_795 = tpu.vector_load %arg13[%get3A_793, %get3A_794] {strides = array<i32>} : memref<640x64xf32, #tpu.memory_space<vmem>>, vector<16xf32>,
        %mul3A_796 = arith.mulf %get3A_301, %get3A_795 : vector<16xf32>
        %add3A_797 = arith.addf %mul3A_792, %mul3A_796 : vector<16xf32>
        %get3A_798 = arith.index_cast %add3A_788 : i32 to index
        %get3A_799 = arith.constant 32 : index
        %get3A_800 = tpu.vector_load %arg13[%get3A_798, %get3A_799] {strides = array<i32>} : memref<640x64xf32, #tpu.memory_space<vmem>>, vector<16xf32>,
        %mul3A_801 = arith.mulf %get3A_304, %get3A_800 : vector<16xf32>
        %add3A_802 = arith.addf %add3A_797, %mul3A_801 : vector<16xf32>
        %get3A_803 = arith.index_cast %add3A_788 : i32 to index
        %get3A_804 = arith.constant 48 : index
        %get3A_805 = tpu.vector_load %arg13[%get3A_803, %get3A_804] {strides = array<i32>} : memref<640x64xf32, #tpu.memory_space<vmem>>, vector<16xf32>,
        %mul3A_806 = arith.mulf %get3A_307, %get3A_805 : vector<16xf32>
        %add3A_807 = arith.addf %add3A_802, %mul3A_806 : vector<16xf32>
        %broadcast_in_dim3A_808 = arith.constant true
        %broadcast_in_dim3A_809 = vector.broadcast %broadcast_in_dim3A_808 : i1 to vector<16xi1>
        %masked_cumsum3A_810 = tpu.scan <sum>, %add3A_807 masked %broadcast_in_dim3A_809 : vector<16xf32>, vector<16xi1> -> vector<16xf32>
        %add3A_811 = arith.constant 256 : i32
        %add3A_812 = arith.addi %shift_left3A_296, %add3A_811 : i32
        %swap3A_813 = arith.index_cast %add3A_812 : i32 to index
        %swap3A_814 = tpu.vector_load %arg17[%swap3A_813] {strides = array<i32>} : memref<1024xf32, #tpu.memory_space<vmem>>, vector<16xf32>,
        tpu.vector_store %arg17[%swap3A_813], %masked_cumsum3A_810 {strides = array<i32>} : memref<1024xf32, #tpu.memory_space<vmem>>, vector<16xf32>,
        %mul3A_815 = arith.constant 20 : i32
        %mul3A_816 = arith.muli %scan3A_294, %mul3A_815 : i32
        %add3A_817 = arith.constant 17 : i32
        %add3A_818 = arith.addi %mul3A_816, %add3A_817 : i32
        %get3A_819 = arith.index_cast %add3A_818 : i32 to index
        %get3A_820 = arith.constant 0 : index
        %get3A_821 = tpu.vector_load %arg13[%get3A_819, %get3A_820] {strides = array<i32>} : memref<640x64xf32, #tpu.memory_space<vmem>>, vector<16xf32>,
        %mul3A_822 = arith.mulf %get3A_298, %get3A_821 : vector<16xf32>
        %get3A_823 = arith.index_cast %add3A_818 : i32 to index
        %get3A_824 = arith.constant 16 : index
        %get3A_825 = tpu.vector_load %arg13[%get3A_823, %get3A_824] {strides = array<i32>} : memref<640x64xf32, #tpu.memory_space<vmem>>, vector<16xf32>,
        %mul3A_826 = arith.mulf %get3A_301, %get3A_825 : vector<16xf32>
        %add3A_827 = arith.addf %mul3A_822, %mul3A_826 : vector<16xf32>
        %get3A_828 = arith.index_cast %add3A_818 : i32 to index
        %get3A_829 = arith.constant 32 : index
        %get3A_830 = tpu.vector_load %arg13[%get3A_828, %get3A_829] {strides = array<i32>} : memref<640x64xf32, #tpu.memory_space<vmem>>, vector<16xf32>,
        %mul3A_831 = arith.mulf %get3A_304, %get3A_830 : vector<16xf32>
        %add3A_832 = arith.addf %add3A_827, %mul3A_831 : vector<16xf32>
        %get3A_833 = arith.index_cast %add3A_818 : i32 to index
        %get3A_834 = arith.constant 48 : index
        %get3A_835 = tpu.vector_load %arg13[%get3A_833, %get3A_834] {strides = array<i32>} : memref<640x64xf32, #tpu.memory_space<vmem>>, vector<16xf32>,
        %mul3A_836 = arith.mulf %get3A_307, %get3A_835 : vector<16xf32>
        %add3A_837 = arith.addf %add3A_832, %mul3A_836 : vector<16xf32>
        %broadcast_in_dim3A_838 = arith.constant true
        %broadcast_in_dim3A_839 = vector.broadcast %broadcast_in_dim3A_838 : i1 to vector<16xi1>
        %masked_cumsum3A_840 = tpu.scan <sum>, %add3A_837 masked %broadcast_in_dim3A_839 : vector<16xf32>, vector<16xi1> -> vector<16xf32>
        %add3A_841 = arith.constant 272 : i32
        %add3A_842 = arith.addi %shift_left3A_296, %add3A_841 : i32
        %swap3A_843 = arith.index_cast %add3A_842 : i32 to index
        %swap3A_844 = tpu.vector_load %arg17[%swap3A_843] {strides = array<i32>} : memref<1024xf32, #tpu.memory_space<vmem>>, vector<16xf32>,
        tpu.vector_store %arg17[%swap3A_843], %masked_cumsum3A_840 {strides = array<i32>} : memref<1024xf32, #tpu.memory_space<vmem>>, vector<16xf32>,
        %mul3A_845 = arith.constant 20 : i32
        %mul3A_846 = arith.muli %scan3A_294, %mul3A_845 : i32
        %add3A_847 = arith.constant 18 : i32
        %add3A_848 = arith.addi %mul3A_846, %add3A_847 : i32
        %get3A_849 = arith.index_cast %add3A_848 : i32 to index
        %get3A_850 = arith.constant 0 : index
        %get3A_851 = tpu.vector_load %arg13[%get3A_849, %get3A_850] {strides = array<i32>} : memref<640x64xf32, #tpu.memory_space<vmem>>, vector<16xf32>,
        %mul3A_852 = arith.mulf %get3A_298, %get3A_851 : vector<16xf32>
        %get3A_853 = arith.index_cast %add3A_848 : i32 to index
        %get3A_854 = arith.constant 16 : index
        %get3A_855 = tpu.vector_load %arg13[%get3A_853, %get3A_854] {strides = array<i32>} : memref<640x64xf32, #tpu.memory_space<vmem>>, vector<16xf32>,
        %mul3A_856 = arith.mulf %get3A_301, %get3A_855 : vector<16xf32>
        %add3A_857 = arith.addf %mul3A_852, %mul3A_856 : vector<16xf32>
        %get3A_858 = arith.index_cast %add3A_848 : i32 to index
        %get3A_859 = arith.constant 32 : index
        %get3A_860 = tpu.vector_load %arg13[%get3A_858, %get3A_859] {strides = array<i32>} : memref<640x64xf32, #tpu.memory_space<vmem>>, vector<16xf32>,
        %mul3A_861 = arith.mulf %get3A_304, %get3A_860 : vector<16xf32>
        %add3A_862 = arith.addf %add3A_857, %mul3A_861 : vector<16xf32>
        %get3A_863 = arith.index_cast %add3A_848 : i32 to index
        %get3A_864 = arith.constant 48 : index
        %get3A_865 = tpu.vector_load %arg13[%get3A_863, %get3A_864] {strides = array<i32>} : memref<640x64xf32, #tpu.memory_space<vmem>>, vector<16xf32>,
        %mul3A_866 = arith.mulf %get3A_307, %get3A_865 : vector<16xf32>
        %add3A_867 = arith.addf %add3A_862, %mul3A_866 : vector<16xf32>
        %broadcast_in_dim3A_868 = arith.constant true
        %broadcast_in_dim3A_869 = vector.broadcast %broadcast_in_dim3A_868 : i1 to vector<16xi1>
        %masked_cumsum3A_870 = tpu.scan <sum>, %add3A_867 masked %broadcast_in_dim3A_869 : vector<16xf32>, vector<16xi1> -> vector<16xf32>
        %add3A_871 = arith.constant 288 : i32
        %add3A_872 = arith.addi %shift_left3A_296, %add3A_871 : i32
        %swap3A_873 = arith.index_cast %add3A_872 : i32 to index
        %swap3A_874 = tpu.vector_load %arg17[%swap3A_873] {strides = array<i32>} : memref<1024xf32, #tpu.memory_space<vmem>>, vector<16xf32>,
        tpu.vector_store %arg17[%swap3A_873], %masked_cumsum3A_870 {strides = array<i32>} : memref<1024xf32, #tpu.memory_space<vmem>>, vector<16xf32>,
        %mul3A_875 = arith.constant 20 : i32
        %mul3A_876 = arith.muli %scan3A_294, %mul3A_875 : i32
        %add3A_877 = arith.constant 19 : i32
        %add3A_878 = arith.addi %mul3A_876, %add3A_877 : i32
        %get3A_879 = arith.index_cast %add3A_878 : i32 to index
        %get3A_880 = arith.constant 0 : index
        %get3A_881 = tpu.vector_load %arg13[%get3A_879, %get3A_880] {strides = array<i32>} : memref<640x64xf32, #tpu.memory_space<vmem>>, vector<16xf32>,
        %mul3A_882 = arith.mulf %get3A_298, %get3A_881 : vector<16xf32>
        %get3A_883 = arith.index_cast %add3A_878 : i32 to index
        %get3A_884 = arith.constant 16 : index
        %get3A_885 = tpu.vector_load %arg13[%get3A_883, %get3A_884] {strides = array<i32>} : memref<640x64xf32, #tpu.memory_space<vmem>>, vector<16xf32>,
        %mul3A_886 = arith.mulf %get3A_301, %get3A_885 : vector<16xf32>
        %add3A_887 = arith.addf %mul3A_882, %mul3A_886 : vector<16xf32>
        %get3A_888 = arith.index_cast %add3A_878 : i32 to index
        %get3A_889 = arith.constant 32 : index
        %get3A_890 = tpu.vector_load %arg13[%get3A_888, %get3A_889] {strides = array<i32>} : memref<640x64xf32, #tpu.memory_space<vmem>>, vector<16xf32>,
        %mul3A_891 = arith.mulf %get3A_304, %get3A_890 : vector<16xf32>
        %add3A_892 = arith.addf %add3A_887, %mul3A_891 : vector<16xf32>
        %get3A_893 = arith.index_cast %add3A_878 : i32 to index
        %get3A_894 = arith.constant 48 : index
        %get3A_895 = tpu.vector_load %arg13[%get3A_893, %get3A_894] {strides = array<i32>} : memref<640x64xf32, #tpu.memory_space<vmem>>, vector<16xf32>,
        %mul3A_896 = arith.mulf %get3A_307, %get3A_895 : vector<16xf32>
        %add3A_897 = arith.addf %add3A_892, %mul3A_896 : vector<16xf32>
        %broadcast_in_dim3A_898 = arith.constant true
        %broadcast_in_dim3A_899 = vector.broadcast %broadcast_in_dim3A_898 : i1 to vector<16xi1>
        %masked_cumsum3A_900 = tpu.scan <sum>, %add3A_897 masked %broadcast_in_dim3A_899 : vector<16xf32>, vector<16xi1> -> vector<16xf32>
        %add3A_901 = arith.constant 304 : i32
        %add3A_902 = arith.addi %shift_left3A_296, %add3A_901 : i32
        %swap3A_903 = arith.index_cast %add3A_902 : i32 to index
        %swap3A_904 = tpu.vector_load %arg17[%swap3A_903] {strides = array<i32>} : memref<1024xf32, #tpu.memory_space<vmem>>, vector<16xf32>,
        tpu.vector_store %arg17[%swap3A_903], %masked_cumsum3A_900 {strides = array<i32>} : memref<1024xf32, #tpu.memory_space<vmem>>, vector<16xf32>,
        %get3A_905 = arith.index_cast %scan3A_294 : i32 to index
        %get3A_906 = arith.constant 0 : index
        %get3A_907 = tpu.vector_load %arg12[%get3A_905, %get3A_906] {strides = array<i32>} : memref<32x64xf32, #tpu.memory_space<vmem>>, vector<16xf32>,
        %mul3A_908 = arith.mulf %get3A_298, %get3A_907 : vector<16xf32>
        %get3A_909 = arith.index_cast %scan3A_294 : i32 to index
        %get3A_910 = arith.constant 16 : index
        %get3A_911 = tpu.vector_load %arg12[%get3A_909, %get3A_910] {strides = array<i32>} : memref<32x64xf32, #tpu.memory_space<vmem>>, vector<16xf32>,
        %mul3A_912 = arith.mulf %get3A_301, %get3A_911 : vector<16xf32>
        %add3A_913 = arith.addf %mul3A_908, %mul3A_912 : vector<16xf32>
        %get3A_914 = arith.index_cast %scan3A_294 : i32 to index
        %get3A_915 = arith.constant 32 : index
        %get3A_916 = tpu.vector_load %arg12[%get3A_914, %get3A_915] {strides = array<i32>} : memref<32x64xf32, #tpu.memory_space<vmem>>, vector<16xf32>,
        %mul3A_917 = arith.mulf %get3A_304, %get3A_916 : vector<16xf32>
        %add3A_918 = arith.addf %add3A_913, %mul3A_917 : vector<16xf32>
        %get3A_919 = arith.index_cast %scan3A_294 : i32 to index
        %get3A_920 = arith.constant 48 : index
        %get3A_921 = tpu.vector_load %arg12[%get3A_919, %get3A_920] {strides = array<i32>} : memref<32x64xf32, #tpu.memory_space<vmem>>, vector<16xf32>,
        %mul3A_922 = arith.mulf %get3A_307, %get3A_921 : vector<16xf32>
        %add3A_923 = arith.addf %add3A_918, %mul3A_922 : vector<16xf32>
        %broadcast_in_dim3A_924 = arith.constant true
        %broadcast_in_dim3A_925 = vector.broadcast %broadcast_in_dim3A_924 : i1 to vector<16xi1>
        %masked_cumsum3A_926 = tpu.scan <sum>, %add3A_923 masked %broadcast_in_dim3A_925 : vector<16xf32>, vector<16xi1> -> vector<16xf32>
        %add3A_927 = arith.constant 320 : i32
        %add3A_928 = arith.addi %shift_left3A_296, %add3A_927 : i32
        %swap3A_929 = arith.index_cast %add3A_928 : i32 to index
        %swap3A_930 = tpu.vector_load %arg17[%swap3A_929] {strides = array<i32>} : memref<1024xf32, #tpu.memory_space<vmem>>, vector<16xf32>,
        tpu.vector_store %arg17[%swap3A_929], %masked_cumsum3A_926 {strides = array<i32>} : memref<1024xf32, #tpu.memory_space<vmem>>, vector<16xf32>,
        %mul3A_931 = arith.constant 16 : i32
        %mul3A_932 = vector.broadcast %mul3A_931 : i32 to vector<16xi32>
        %mul3A_933 = arith.muli %iota3A, %mul3A_932 : vector<16xi32>
        %add3A_934 = vector.broadcast %shift_left3A_296 : i32 to vector<16xi32>
        %add3A_935 = arith.addi %add3A_934, %mul3A_933 : vector<16xi32>
        %add3A_936 = arith.constant 15 : i32
        %add3A_937 = vector.broadcast %add3A_936 : i32 to vector<16xi32>
        %add3A_938 = arith.addi %add3A_935, %add3A_937 : vector<16xi32>
        %gather3A = tpu.vector_load_idx %arg17[%add3A_938] : memref<1024xf32, #tpu.memory_space<vmem>>[vector<16xi32>], vector<16xf32>,
        %mul3A_939 = arith.constant 16 : i32
        %mul3A_940 = vector.broadcast %mul3A_939 : i32 to vector<16xi32>
        %mul3A_941 = arith.muli %iota3A, %mul3A_940 : vector<16xi32>
        %add3A_942 = vector.broadcast %shift_left3A_296 : i32 to vector<16xi32>
        %add3A_943 = arith.addi %add3A_942, %mul3A_941 : vector<16xi32>
        %add3A_944 = arith.constant 271 : i32
        %add3A_945 = vector.broadcast %add3A_944 : i32 to vector<16xi32>
        %add3A_946 = arith.addi %add3A_943, %add3A_945 : vector<16xi32>
        %gather3A_947 = tpu.vector_load_idx %arg17[%add3A_946] : memref<1024xf32, #tpu.memory_space<vmem>>[vector<16xi32>], vector<16xf32>,
        %add3A_948 = arith.addi %mul3A_201, %scan3A_294 : i32
        %swap3A_949 = arith.index_cast %add3A_948 : i32 to index
        %swap3A_950 = arith.constant 0 : index
        %swap3A_951 = tpu.vector_load %arg18[%swap3A_949, %swap3A_950] {strides = array<i32>} : memref<512x32xf32, #tpu.memory_space<vmem>>, vector<16xf32>,
        tpu.vector_store %arg18[%swap3A_949, %swap3A_950], %gather3A {strides = array<i32>} : memref<512x32xf32, #tpu.memory_space<vmem>>, vector<16xf32>,
        %swap3A_952 = arith.index_cast %add3A_948 : i32 to index
        %swap3A_953 = arith.constant 16 : index
        %swap3A_954 = tpu.vector_load %arg18[%swap3A_952, %swap3A_953] {strides = array<i32>} : memref<512x32xf32, #tpu.memory_space<vmem>>, vector<16xf32>,
        tpu.vector_store %arg18[%swap3A_952, %swap3A_953], %gather3A_947 {strides = array<i32>} : memref<512x32xf32, #tpu.memory_space<vmem>>, vector<16xf32>,
        %scan3A_955 = arith.constant 1 : i32
        %scan3A_956 = arith.addi %scan3A_294, %scan3A_955 : i32
        %and3A_957 = arith.constant 1 : i32
        %and3A_958 = arith.andi %scan3A_956, %and3A_957 : i32
        %shift_left3A_959 = arith.constant 9 : i32
        %shift_left3A_960 = arith.shli %and3A_958, %shift_left3A_959 : i32
        %get3A_961 = arith.index_cast %scan3A_956 : i32 to index
        %get3A_962 = arith.constant 0 : index
        %get3A_963 = tpu.vector_load %arg11[%get3A_961, %get3A_962] {strides = array<i32>} : memref<32x64xf32, #tpu.memory_space<vmem>>, vector<16xf32>,
        %get3A_964 = arith.index_cast %scan3A_956 : i32 to index
        %get3A_965 = arith.constant 16 : index
        %get3A_966 = tpu.vector_load %arg11[%get3A_964, %get3A_965] {strides = array<i32>} : memref<32x64xf32, #tpu.memory_space<vmem>>, vector<16xf32>,
        %get3A_967 = arith.index_cast %scan3A_956 : i32 to index
        %get3A_968 = arith.constant 32 : index
        %get3A_969 = tpu.vector_load %arg11[%get3A_967, %get3A_968] {strides = array<i32>} : memref<32x64xf32, #tpu.memory_space<vmem>>, vector<16xf32>,
        %get3A_970 = arith.index_cast %scan3A_956 : i32 to index
        %get3A_971 = arith.constant 48 : index
        %get3A_972 = tpu.vector_load %arg11[%get3A_970, %get3A_971] {strides = array<i32>} : memref<32x64xf32, #tpu.memory_space<vmem>>, vector<16xf32>,
        %mul3A_973 = arith.constant 20 : i32
        %mul3A_974 = arith.muli %scan3A_956, %mul3A_973 : i32
        %add3A_975 = arith.constant 0 : i32
        %add3A_976 = arith.addi %mul3A_974, %add3A_975 : i32
        %get3A_977 = arith.index_cast %add3A_976 : i32 to index
        %get3A_978 = arith.constant 0 : index
        %get3A_979 = tpu.vector_load %arg13[%get3A_977, %get3A_978] {strides = array<i32>} : memref<640x64xf32, #tpu.memory_space<vmem>>, vector<16xf32>,
        %mul3A_980 = arith.mulf %get3A_963, %get3A_979 : vector<16xf32>
        %get3A_981 = arith.index_cast %add3A_976 : i32 to index
        %get3A_982 = arith.constant 16 : index
        %get3A_983 = tpu.vector_load %arg13[%get3A_981, %get3A_982] {strides = array<i32>} : memref<640x64xf32, #tpu.memory_space<vmem>>, vector<16xf32>,
        %mul3A_984 = arith.mulf %get3A_966, %get3A_983 : vector<16xf32>
        %add3A_985 = arith.addf %mul3A_980, %mul3A_984 : vector<16xf32>
        %get3A_986 = arith.index_cast %add3A_976 : i32 to index
        %get3A_987 = arith.constant 32 : index
        %get3A_988 = tpu.vector_load %arg13[%get3A_986, %get3A_987] {strides = array<i32>} : memref<640x64xf32, #tpu.memory_space<vmem>>, vector<16xf32>,
        %mul3A_989 = arith.mulf %get3A_969, %get3A_988 : vector<16xf32>
        %add3A_990 = arith.addf %add3A_985, %mul3A_989 : vector<16xf32>
        %get3A_991 = arith.index_cast %add3A_976 : i32 to index
        %get3A_992 = arith.constant 48 : index
        %get3A_993 = tpu.vector_load %arg13[%get3A_991, %get3A_992] {strides = array<i32>} : memref<640x64xf32, #tpu.memory_space<vmem>>, vector<16xf32>,
        %mul3A_994 = arith.mulf %get3A_972, %get3A_993 : vector<16xf32>
        %add3A_995 = arith.addf %add3A_990, %mul3A_994 : vector<16xf32>
        %broadcast_in_dim3A_996 = arith.constant true
        %broadcast_in_dim3A_997 = vector.broadcast %broadcast_in_dim3A_996 : i1 to vector<16xi1>
        %masked_cumsum3A_998 = tpu.scan <sum>, %add3A_995 masked %broadcast_in_dim3A_997 : vector<16xf32>, vector<16xi1> -> vector<16xf32>
        %add3A_999 = arith.constant 0 : i32
        %add3A_1000 = arith.addi %shift_left3A_960, %add3A_999 : i32
        %swap3A_1001 = arith.index_cast %add3A_1000 : i32 to index
        %swap3A_1002 = tpu.vector_load %arg17[%swap3A_1001] {strides = array<i32>} : memref<1024xf32, #tpu.memory_space<vmem>>, vector<16xf32>,
        tpu.vector_store %arg17[%swap3A_1001], %masked_cumsum3A_998 {strides = array<i32>} : memref<1024xf32, #tpu.memory_space<vmem>>, vector<16xf32>,
        %mul3A_1003 = arith.constant 20 : i32
        %mul3A_1004 = arith.muli %scan3A_956, %mul3A_1003 : i32
        %add3A_1005 = arith.constant 1 : i32
        %add3A_1006 = arith.addi %mul3A_1004, %add3A_1005 : i32
        %get3A_1007 = arith.index_cast %add3A_1006 : i32 to index
        %get3A_1008 = arith.constant 0 : index
        %get3A_1009 = tpu.vector_load %arg13[%get3A_1007, %get3A_1008] {strides = array<i32>} : memref<640x64xf32, #tpu.memory_space<vmem>>, vector<16xf32>,
        %mul3A_1010 = arith.mulf %get3A_963, %get3A_1009 : vector<16xf32>
        %get3A_1011 = arith.index_cast %add3A_1006 : i32 to index
        %get3A_1012 = arith.constant 16 : index
        %get3A_1013 = tpu.vector_load %arg13[%get3A_1011, %get3A_1012] {strides = array<i32>} : memref<640x64xf32, #tpu.memory_space<vmem>>, vector<16xf32>,
        %mul3A_1014 = arith.mulf %get3A_966, %get3A_1013 : vector<16xf32>
        %add3A_1015 = arith.addf %mul3A_1010, %mul3A_1014 : vector<16xf32>
        %get3A_1016 = arith.index_cast %add3A_1006 : i32 to index
        %get3A_1017 = arith.constant 32 : index
        %get3A_1018 = tpu.vector_load %arg13[%get3A_1016, %get3A_1017] {strides = array<i32>} : memref<640x64xf32, #tpu.memory_space<vmem>>, vector<16xf32>,
        %mul3A_1019 = arith.mulf %get3A_969, %get3A_1018 : vector<16xf32>
        %add3A_1020 = arith.addf %add3A_1015, %mul3A_1019 : vector<16xf32>
        %get3A_1021 = arith.index_cast %add3A_1006 : i32 to index
        %get3A_1022 = arith.constant 48 : index
        %get3A_1023 = tpu.vector_load %arg13[%get3A_1021, %get3A_1022] {strides = array<i32>} : memref<640x64xf32, #tpu.memory_space<vmem>>, vector<16xf32>,
        %mul3A_1024 = arith.mulf %get3A_972, %get3A_1023 : vector<16xf32>
        %add3A_1025 = arith.addf %add3A_1020, %mul3A_1024 : vector<16xf32>
        %broadcast_in_dim3A_1026 = arith.constant true
        %broadcast_in_dim3A_1027 = vector.broadcast %broadcast_in_dim3A_1026 : i1 to vector<16xi1>
        %masked_cumsum3A_1028 = tpu.scan <sum>, %add3A_1025 masked %broadcast_in_dim3A_1027 : vector<16xf32>, vector<16xi1> -> vector<16xf32>
        %add3A_1029 = arith.constant 16 : i32
        %add3A_1030 = arith.addi %shift_left3A_960, %add3A_1029 : i32
        %swap3A_1031 = arith.index_cast %add3A_1030 : i32 to index
        %swap3A_1032 = tpu.vector_load %arg17[%swap3A_1031] {strides = array<i32>} : memref<1024xf32, #tpu.memory_space<vmem>>, vector<16xf32>,
        tpu.vector_store %arg17[%swap3A_1031], %masked_cumsum3A_1028 {strides = array<i32>} : memref<1024xf32, #tpu.memory_space<vmem>>, vector<16xf32>,
        %mul3A_1033 = arith.constant 20 : i32
        %mul3A_1034 = arith.muli %scan3A_956, %mul3A_1033 : i32
        %add3A_1035 = arith.constant 2 : i32
        %add3A_1036 = arith.addi %mul3A_1034, %add3A_1035 : i32
        %get3A_1037 = arith.index_cast %add3A_1036 : i32 to index
        %get3A_1038 = arith.constant 0 : index
        %get3A_1039 = tpu.vector_load %arg13[%get3A_1037, %get3A_1038] {strides = array<i32>} : memref<640x64xf32, #tpu.memory_space<vmem>>, vector<16xf32>,
        %mul3A_1040 = arith.mulf %get3A_963, %get3A_1039 : vector<16xf32>
        %get3A_1041 = arith.index_cast %add3A_1036 : i32 to index
        %get3A_1042 = arith.constant 16 : index
        %get3A_1043 = tpu.vector_load %arg13[%get3A_1041, %get3A_1042] {strides = array<i32>} : memref<640x64xf32, #tpu.memory_space<vmem>>, vector<16xf32>,
        %mul3A_1044 = arith.mulf %get3A_966, %get3A_1043 : vector<16xf32>
        %add3A_1045 = arith.addf %mul3A_1040, %mul3A_1044 : vector<16xf32>
        %get3A_1046 = arith.index_cast %add3A_1036 : i32 to index
        %get3A_1047 = arith.constant 32 : index
        %get3A_1048 = tpu.vector_load %arg13[%get3A_1046, %get3A_1047] {strides = array<i32>} : memref<640x64xf32, #tpu.memory_space<vmem>>, vector<16xf32>,
        %mul3A_1049 = arith.mulf %get3A_969, %get3A_1048 : vector<16xf32>
        %add3A_1050 = arith.addf %add3A_1045, %mul3A_1049 : vector<16xf32>
        %get3A_1051 = arith.index_cast %add3A_1036 : i32 to index
        %get3A_1052 = arith.constant 48 : index
        %get3A_1053 = tpu.vector_load %arg13[%get3A_1051, %get3A_1052] {strides = array<i32>} : memref<640x64xf32, #tpu.memory_space<vmem>>, vector<16xf32>,
        %mul3A_1054 = arith.mulf %get3A_972, %get3A_1053 : vector<16xf32>
        %add3A_1055 = arith.addf %add3A_1050, %mul3A_1054 : vector<16xf32>
        %broadcast_in_dim3A_1056 = arith.constant true
        %broadcast_in_dim3A_1057 = vector.broadcast %broadcast_in_dim3A_1056 : i1 to vector<16xi1>
        %masked_cumsum3A_1058 = tpu.scan <sum>, %add3A_1055 masked %broadcast_in_dim3A_1057 : vector<16xf32>, vector<16xi1> -> vector<16xf32>
        %add3A_1059 = arith.constant 32 : i32
        %add3A_1060 = arith.addi %shift_left3A_960, %add3A_1059 : i32
        %swap3A_1061 = arith.index_cast %add3A_1060 : i32 to index
        %swap3A_1062 = tpu.vector_load %arg17[%swap3A_1061] {strides = array<i32>} : memref<1024xf32, #tpu.memory_space<vmem>>, vector<16xf32>,
        tpu.vector_store %arg17[%swap3A_1061], %masked_cumsum3A_1058 {strides = array<i32>} : memref<1024xf32, #tpu.memory_space<vmem>>, vector<16xf32>,
        %mul3A_1063 = arith.constant 20 : i32
        %mul3A_1064 = arith.muli %scan3A_956, %mul3A_1063 : i32
        %add3A_1065 = arith.constant 3 : i32
        %add3A_1066 = arith.addi %mul3A_1064, %add3A_1065 : i32
        %get3A_1067 = arith.index_cast %add3A_1066 : i32 to index
        %get3A_1068 = arith.constant 0 : index
        %get3A_1069 = tpu.vector_load %arg13[%get3A_1067, %get3A_1068] {strides = array<i32>} : memref<640x64xf32, #tpu.memory_space<vmem>>, vector<16xf32>,
        %mul3A_1070 = arith.mulf %get3A_963, %get3A_1069 : vector<16xf32>
        %get3A_1071 = arith.index_cast %add3A_1066 : i32 to index
        %get3A_1072 = arith.constant 16 : index
        %get3A_1073 = tpu.vector_load %arg13[%get3A_1071, %get3A_1072] {strides = array<i32>} : memref<640x64xf32, #tpu.memory_space<vmem>>, vector<16xf32>,
        %mul3A_1074 = arith.mulf %get3A_966, %get3A_1073 : vector<16xf32>
        %add3A_1075 = arith.addf %mul3A_1070, %mul3A_1074 : vector<16xf32>
        %get3A_1076 = arith.index_cast %add3A_1066 : i32 to index
        %get3A_1077 = arith.constant 32 : index
        %get3A_1078 = tpu.vector_load %arg13[%get3A_1076, %get3A_1077] {strides = array<i32>} : memref<640x64xf32, #tpu.memory_space<vmem>>, vector<16xf32>,
        %mul3A_1079 = arith.mulf %get3A_969, %get3A_1078 : vector<16xf32>
        %add3A_1080 = arith.addf %add3A_1075, %mul3A_1079 : vector<16xf32>
        %get3A_1081 = arith.index_cast %add3A_1066 : i32 to index
        %get3A_1082 = arith.constant 48 : index
        %get3A_1083 = tpu.vector_load %arg13[%get3A_1081, %get3A_1082] {strides = array<i32>} : memref<640x64xf32, #tpu.memory_space<vmem>>, vector<16xf32>,
        %mul3A_1084 = arith.mulf %get3A_972, %get3A_1083 : vector<16xf32>
        %add3A_1085 = arith.addf %add3A_1080, %mul3A_1084 : vector<16xf32>
        %broadcast_in_dim3A_1086 = arith.constant true
        %broadcast_in_dim3A_1087 = vector.broadcast %broadcast_in_dim3A_1086 : i1 to vector<16xi1>
        %masked_cumsum3A_1088 = tpu.scan <sum>, %add3A_1085 masked %broadcast_in_dim3A_1087 : vector<16xf32>, vector<16xi1> -> vector<16xf32>
        %add3A_1089 = arith.constant 48 : i32
        %add3A_1090 = arith.addi %shift_left3A_960, %add3A_1089 : i32
        %swap3A_1091 = arith.index_cast %add3A_1090 : i32 to index
        %swap3A_1092 = tpu.vector_load %arg17[%swap3A_1091] {strides = array<i32>} : memref<1024xf32, #tpu.memory_space<vmem>>, vector<16xf32>,
        tpu.vector_store %arg17[%swap3A_1091], %masked_cumsum3A_1088 {strides = array<i32>} : memref<1024xf32, #tpu.memory_space<vmem>>, vector<16xf32>,
        %mul3A_1093 = arith.constant 20 : i32
        %mul3A_1094 = arith.muli %scan3A_956, %mul3A_1093 : i32
        %add3A_1095 = arith.constant 4 : i32
        %add3A_1096 = arith.addi %mul3A_1094, %add3A_1095 : i32
        %get3A_1097 = arith.index_cast %add3A_1096 : i32 to index
        %get3A_1098 = arith.constant 0 : index
        %get3A_1099 = tpu.vector_load %arg13[%get3A_1097, %get3A_1098] {strides = array<i32>} : memref<640x64xf32, #tpu.memory_space<vmem>>, vector<16xf32>,
        %mul3A_1100 = arith.mulf %get3A_963, %get3A_1099 : vector<16xf32>
        %get3A_1101 = arith.index_cast %add3A_1096 : i32 to index
        %get3A_1102 = arith.constant 16 : index
        %get3A_1103 = tpu.vector_load %arg13[%get3A_1101, %get3A_1102] {strides = array<i32>} : memref<640x64xf32, #tpu.memory_space<vmem>>, vector<16xf32>,
        %mul3A_1104 = arith.mulf %get3A_966, %get3A_1103 : vector<16xf32>
        %add3A_1105 = arith.addf %mul3A_1100, %mul3A_1104 : vector<16xf32>
        %get3A_1106 = arith.index_cast %add3A_1096 : i32 to index
        %get3A_1107 = arith.constant 32 : index
        %get3A_1108 = tpu.vector_load %arg13[%get3A_1106, %get3A_1107] {strides = array<i32>} : memref<640x64xf32, #tpu.memory_space<vmem>>, vector<16xf32>,
        %mul3A_1109 = arith.mulf %get3A_969, %get3A_1108 : vector<16xf32>
        %add3A_1110 = arith.addf %add3A_1105, %mul3A_1109 : vector<16xf32>
        %get3A_1111 = arith.index_cast %add3A_1096 : i32 to index
        %get3A_1112 = arith.constant 48 : index
        %get3A_1113 = tpu.vector_load %arg13[%get3A_1111, %get3A_1112] {strides = array<i32>} : memref<640x64xf32, #tpu.memory_space<vmem>>, vector<16xf32>,
        %mul3A_1114 = arith.mulf %get3A_972, %get3A_1113 : vector<16xf32>
        %add3A_1115 = arith.addf %add3A_1110, %mul3A_1114 : vector<16xf32>
        %broadcast_in_dim3A_1116 = arith.constant true
        %broadcast_in_dim3A_1117 = vector.broadcast %broadcast_in_dim3A_1116 : i1 to vector<16xi1>
        %masked_cumsum3A_1118 = tpu.scan <sum>, %add3A_1115 masked %broadcast_in_dim3A_1117 : vector<16xf32>, vector<16xi1> -> vector<16xf32>
        %add3A_1119 = arith.constant 64 : i32
        %add3A_1120 = arith.addi %shift_left3A_960, %add3A_1119 : i32
        %swap3A_1121 = arith.index_cast %add3A_1120 : i32 to index
        %swap3A_1122 = tpu.vector_load %arg17[%swap3A_1121] {strides = array<i32>} : memref<1024xf32, #tpu.memory_space<vmem>>, vector<16xf32>,
        tpu.vector_store %arg17[%swap3A_1121], %masked_cumsum3A_1118 {strides = array<i32>} : memref<1024xf32, #tpu.memory_space<vmem>>, vector<16xf32>,
        %mul3A_1123 = arith.constant 20 : i32
        %mul3A_1124 = arith.muli %scan3A_956, %mul3A_1123 : i32
        %add3A_1125 = arith.constant 5 : i32
        %add3A_1126 = arith.addi %mul3A_1124, %add3A_1125 : i32
        %get3A_1127 = arith.index_cast %add3A_1126 : i32 to index
        %get3A_1128 = arith.constant 0 : index
        %get3A_1129 = tpu.vector_load %arg13[%get3A_1127, %get3A_1128] {strides = array<i32>} : memref<640x64xf32, #tpu.memory_space<vmem>>, vector<16xf32>,
        %mul3A_1130 = arith.mulf %get3A_963, %get3A_1129 : vector<16xf32>
        %get3A_1131 = arith.index_cast %add3A_1126 : i32 to index
        %get3A_1132 = arith.constant 16 : index
        %get3A_1133 = tpu.vector_load %arg13[%get3A_1131, %get3A_1132] {strides = array<i32>} : memref<640x64xf32, #tpu.memory_space<vmem>>, vector<16xf32>,
        %mul3A_1134 = arith.mulf %get3A_966, %get3A_1133 : vector<16xf32>
        %add3A_1135 = arith.addf %mul3A_1130, %mul3A_1134 : vector<16xf32>
        %get3A_1136 = arith.index_cast %add3A_1126 : i32 to index
        %get3A_1137 = arith.constant 32 : index
        %get3A_1138 = tpu.vector_load %arg13[%get3A_1136, %get3A_1137] {strides = array<i32>} : memref<640x64xf32, #tpu.memory_space<vmem>>, vector<16xf32>,
        %mul3A_1139 = arith.mulf %get3A_969, %get3A_1138 : vector<16xf32>
        %add3A_1140 = arith.addf %add3A_1135, %mul3A_1139 : vector<16xf32>
        %get3A_1141 = arith.index_cast %add3A_1126 : i32 to index
        %get3A_1142 = arith.constant 48 : index
        %get3A_1143 = tpu.vector_load %arg13[%get3A_1141, %get3A_1142] {strides = array<i32>} : memref<640x64xf32, #tpu.memory_space<vmem>>, vector<16xf32>,
        %mul3A_1144 = arith.mulf %get3A_972, %get3A_1143 : vector<16xf32>
        %add3A_1145 = arith.addf %add3A_1140, %mul3A_1144 : vector<16xf32>
        %broadcast_in_dim3A_1146 = arith.constant true
        %broadcast_in_dim3A_1147 = vector.broadcast %broadcast_in_dim3A_1146 : i1 to vector<16xi1>
        %masked_cumsum3A_1148 = tpu.scan <sum>, %add3A_1145 masked %broadcast_in_dim3A_1147 : vector<16xf32>, vector<16xi1> -> vector<16xf32>
        %add3A_1149 = arith.constant 80 : i32
        %add3A_1150 = arith.addi %shift_left3A_960, %add3A_1149 : i32
        %swap3A_1151 = arith.index_cast %add3A_1150 : i32 to index
        %swap3A_1152 = tpu.vector_load %arg17[%swap3A_1151] {strides = array<i32>} : memref<1024xf32, #tpu.memory_space<vmem>>, vector<16xf32>,
        tpu.vector_store %arg17[%swap3A_1151], %masked_cumsum3A_1148 {strides = array<i32>} : memref<1024xf32, #tpu.memory_space<vmem>>, vector<16xf32>,
        %mul3A_1153 = arith.constant 20 : i32
        %mul3A_1154 = arith.muli %scan3A_956, %mul3A_1153 : i32
        %add3A_1155 = arith.constant 6 : i32
        %add3A_1156 = arith.addi %mul3A_1154, %add3A_1155 : i32
        %get3A_1157 = arith.index_cast %add3A_1156 : i32 to index
        %get3A_1158 = arith.constant 0 : index
        %get3A_1159 = tpu.vector_load %arg13[%get3A_1157, %get3A_1158] {strides = array<i32>} : memref<640x64xf32, #tpu.memory_space<vmem>>, vector<16xf32>,
        %mul3A_1160 = arith.mulf %get3A_963, %get3A_1159 : vector<16xf32>
        %get3A_1161 = arith.index_cast %add3A_1156 : i32 to index
        %get3A_1162 = arith.constant 16 : index
        %get3A_1163 = tpu.vector_load %arg13[%get3A_1161, %get3A_1162] {strides = array<i32>} : memref<640x64xf32, #tpu.memory_space<vmem>>, vector<16xf32>,
        %mul3A_1164 = arith.mulf %get3A_966, %get3A_1163 : vector<16xf32>
        %add3A_1165 = arith.addf %mul3A_1160, %mul3A_1164 : vector<16xf32>
        %get3A_1166 = arith.index_cast %add3A_1156 : i32 to index
        %get3A_1167 = arith.constant 32 : index
        %get3A_1168 = tpu.vector_load %arg13[%get3A_1166, %get3A_1167] {strides = array<i32>} : memref<640x64xf32, #tpu.memory_space<vmem>>, vector<16xf32>,
        %mul3A_1169 = arith.mulf %get3A_969, %get3A_1168 : vector<16xf32>
        %add3A_1170 = arith.addf %add3A_1165, %mul3A_1169 : vector<16xf32>
        %get3A_1171 = arith.index_cast %add3A_1156 : i32 to index
        %get3A_1172 = arith.constant 48 : index
        %get3A_1173 = tpu.vector_load %arg13[%get3A_1171, %get3A_1172] {strides = array<i32>} : memref<640x64xf32, #tpu.memory_space<vmem>>, vector<16xf32>,
        %mul3A_1174 = arith.mulf %get3A_972, %get3A_1173 : vector<16xf32>
        %add3A_1175 = arith.addf %add3A_1170, %mul3A_1174 : vector<16xf32>
        %broadcast_in_dim3A_1176 = arith.constant true
        %broadcast_in_dim3A_1177 = vector.broadcast %broadcast_in_dim3A_1176 : i1 to vector<16xi1>
        %masked_cumsum3A_1178 = tpu.scan <sum>, %add3A_1175 masked %broadcast_in_dim3A_1177 : vector<16xf32>, vector<16xi1> -> vector<16xf32>
        %add3A_1179 = arith.constant 96 : i32
        %add3A_1180 = arith.addi %shift_left3A_960, %add3A_1179 : i32
        %swap3A_1181 = arith.index_cast %add3A_1180 : i32 to index
        %swap3A_1182 = tpu.vector_load %arg17[%swap3A_1181] {strides = array<i32>} : memref<1024xf32, #tpu.memory_space<vmem>>, vector<16xf32>,
        tpu.vector_store %arg17[%swap3A_1181], %masked_cumsum3A_1178 {strides = array<i32>} : memref<1024xf32, #tpu.memory_space<vmem>>, vector<16xf32>,
        %mul3A_1183 = arith.constant 20 : i32
        %mul3A_1184 = arith.muli %scan3A_956, %mul3A_1183 : i32
        %add3A_1185 = arith.constant 7 : i32
        %add3A_1186 = arith.addi %mul3A_1184, %add3A_1185 : i32
        %get3A_1187 = arith.index_cast %add3A_1186 : i32 to index
        %get3A_1188 = arith.constant 0 : index
        %get3A_1189 = tpu.vector_load %arg13[%get3A_1187, %get3A_1188] {strides = array<i32>} : memref<640x64xf32, #tpu.memory_space<vmem>>, vector<16xf32>,
        %mul3A_1190 = arith.mulf %get3A_963, %get3A_1189 : vector<16xf32>
        %get3A_1191 = arith.index_cast %add3A_1186 : i32 to index
        %get3A_1192 = arith.constant 16 : index
        %get3A_1193 = tpu.vector_load %arg13[%get3A_1191, %get3A_1192] {strides = array<i32>} : memref<640x64xf32, #tpu.memory_space<vmem>>, vector<16xf32>,
        %mul3A_1194 = arith.mulf %get3A_966, %get3A_1193 : vector<16xf32>
        %add3A_1195 = arith.addf %mul3A_1190, %mul3A_1194 : vector<16xf32>
        %get3A_1196 = arith.index_cast %add3A_1186 : i32 to index
        %get3A_1197 = arith.constant 32 : index
        %get3A_1198 = tpu.vector_load %arg13[%get3A_1196, %get3A_1197] {strides = array<i32>} : memref<640x64xf32, #tpu.memory_space<vmem>>, vector<16xf32>,
        %mul3A_1199 = arith.mulf %get3A_969, %get3A_1198 : vector<16xf32>
        %add3A_1200 = arith.addf %add3A_1195, %mul3A_1199 : vector<16xf32>
        %get3A_1201 = arith.index_cast %add3A_1186 : i32 to index
        %get3A_1202 = arith.constant 48 : index
        %get3A_1203 = tpu.vector_load %arg13[%get3A_1201, %get3A_1202] {strides = array<i32>} : memref<640x64xf32, #tpu.memory_space<vmem>>, vector<16xf32>,
        %mul3A_1204 = arith.mulf %get3A_972, %get3A_1203 : vector<16xf32>
        %add3A_1205 = arith.addf %add3A_1200, %mul3A_1204 : vector<16xf32>
        %broadcast_in_dim3A_1206 = arith.constant true
        %broadcast_in_dim3A_1207 = vector.broadcast %broadcast_in_dim3A_1206 : i1 to vector<16xi1>
        %masked_cumsum3A_1208 = tpu.scan <sum>, %add3A_1205 masked %broadcast_in_dim3A_1207 : vector<16xf32>, vector<16xi1> -> vector<16xf32>
        %add3A_1209 = arith.constant 112 : i32
        %add3A_1210 = arith.addi %shift_left3A_960, %add3A_1209 : i32
        %swap3A_1211 = arith.index_cast %add3A_1210 : i32 to index
        %swap3A_1212 = tpu.vector_load %arg17[%swap3A_1211] {strides = array<i32>} : memref<1024xf32, #tpu.memory_space<vmem>>, vector<16xf32>,
        tpu.vector_store %arg17[%swap3A_1211], %masked_cumsum3A_1208 {strides = array<i32>} : memref<1024xf32, #tpu.memory_space<vmem>>, vector<16xf32>,
        %mul3A_1213 = arith.constant 20 : i32
        %mul3A_1214 = arith.muli %scan3A_956, %mul3A_1213 : i32
        %add3A_1215 = arith.constant 8 : i32
        %add3A_1216 = arith.addi %mul3A_1214, %add3A_1215 : i32
        %get3A_1217 = arith.index_cast %add3A_1216 : i32 to index
        %get3A_1218 = arith.constant 0 : index
        %get3A_1219 = tpu.vector_load %arg13[%get3A_1217, %get3A_1218] {strides = array<i32>} : memref<640x64xf32, #tpu.memory_space<vmem>>, vector<16xf32>,
        %mul3A_1220 = arith.mulf %get3A_963, %get3A_1219 : vector<16xf32>
        %get3A_1221 = arith.index_cast %add3A_1216 : i32 to index
        %get3A_1222 = arith.constant 16 : index
        %get3A_1223 = tpu.vector_load %arg13[%get3A_1221, %get3A_1222] {strides = array<i32>} : memref<640x64xf32, #tpu.memory_space<vmem>>, vector<16xf32>,
        %mul3A_1224 = arith.mulf %get3A_966, %get3A_1223 : vector<16xf32>
        %add3A_1225 = arith.addf %mul3A_1220, %mul3A_1224 : vector<16xf32>
        %get3A_1226 = arith.index_cast %add3A_1216 : i32 to index
        %get3A_1227 = arith.constant 32 : index
        %get3A_1228 = tpu.vector_load %arg13[%get3A_1226, %get3A_1227] {strides = array<i32>} : memref<640x64xf32, #tpu.memory_space<vmem>>, vector<16xf32>,
        %mul3A_1229 = arith.mulf %get3A_969, %get3A_1228 : vector<16xf32>
        %add3A_1230 = arith.addf %add3A_1225, %mul3A_1229 : vector<16xf32>
        %get3A_1231 = arith.index_cast %add3A_1216 : i32 to index
        %get3A_1232 = arith.constant 48 : index
        %get3A_1233 = tpu.vector_load %arg13[%get3A_1231, %get3A_1232] {strides = array<i32>} : memref<640x64xf32, #tpu.memory_space<vmem>>, vector<16xf32>,
        %mul3A_1234 = arith.mulf %get3A_972, %get3A_1233 : vector<16xf32>
        %add3A_1235 = arith.addf %add3A_1230, %mul3A_1234 : vector<16xf32>
        %broadcast_in_dim3A_1236 = arith.constant true
        %broadcast_in_dim3A_1237 = vector.broadcast %broadcast_in_dim3A_1236 : i1 to vector<16xi1>
        %masked_cumsum3A_1238 = tpu.scan <sum>, %add3A_1235 masked %broadcast_in_dim3A_1237 : vector<16xf32>, vector<16xi1> -> vector<16xf32>
        %add3A_1239 = arith.constant 128 : i32
        %add3A_1240 = arith.addi %shift_left3A_960, %add3A_1239 : i32
        %swap3A_1241 = arith.index_cast %add3A_1240 : i32 to index
        %swap3A_1242 = tpu.vector_load %arg17[%swap3A_1241] {strides = array<i32>} : memref<1024xf32, #tpu.memory_space<vmem>>, vector<16xf32>,
        tpu.vector_store %arg17[%swap3A_1241], %masked_cumsum3A_1238 {strides = array<i32>} : memref<1024xf32, #tpu.memory_space<vmem>>, vector<16xf32>,
        %mul3A_1243 = arith.constant 20 : i32
        %mul3A_1244 = arith.muli %scan3A_956, %mul3A_1243 : i32
        %add3A_1245 = arith.constant 9 : i32
        %add3A_1246 = arith.addi %mul3A_1244, %add3A_1245 : i32
        %get3A_1247 = arith.index_cast %add3A_1246 : i32 to index
        %get3A_1248 = arith.constant 0 : index
        %get3A_1249 = tpu.vector_load %arg13[%get3A_1247, %get3A_1248] {strides = array<i32>} : memref<640x64xf32, #tpu.memory_space<vmem>>, vector<16xf32>,
        %mul3A_1250 = arith.mulf %get3A_963, %get3A_1249 : vector<16xf32>
        %get3A_1251 = arith.index_cast %add3A_1246 : i32 to index
        %get3A_1252 = arith.constant 16 : index
        %get3A_1253 = tpu.vector_load %arg13[%get3A_1251, %get3A_1252] {strides = array<i32>} : memref<640x64xf32, #tpu.memory_space<vmem>>, vector<16xf32>,
        %mul3A_1254 = arith.mulf %get3A_966, %get3A_1253 : vector<16xf32>
        %add3A_1255 = arith.addf %mul3A_1250, %mul3A_1254 : vector<16xf32>
        %get3A_1256 = arith.index_cast %add3A_1246 : i32 to index
        %get3A_1257 = arith.constant 32 : index
        %get3A_1258 = tpu.vector_load %arg13[%get3A_1256, %get3A_1257] {strides = array<i32>} : memref<640x64xf32, #tpu.memory_space<vmem>>, vector<16xf32>,
        %mul3A_1259 = arith.mulf %get3A_969, %get3A_1258 : vector<16xf32>
        %add3A_1260 = arith.addf %add3A_1255, %mul3A_1259 : vector<16xf32>
        %get3A_1261 = arith.index_cast %add3A_1246 : i32 to index
        %get3A_1262 = arith.constant 48 : index
        %get3A_1263 = tpu.vector_load %arg13[%get3A_1261, %get3A_1262] {strides = array<i32>} : memref<640x64xf32, #tpu.memory_space<vmem>>, vector<16xf32>,
        %mul3A_1264 = arith.mulf %get3A_972, %get3A_1263 : vector<16xf32>
        %add3A_1265 = arith.addf %add3A_1260, %mul3A_1264 : vector<16xf32>
        %broadcast_in_dim3A_1266 = arith.constant true
        %broadcast_in_dim3A_1267 = vector.broadcast %broadcast_in_dim3A_1266 : i1 to vector<16xi1>
        %masked_cumsum3A_1268 = tpu.scan <sum>, %add3A_1265 masked %broadcast_in_dim3A_1267 : vector<16xf32>, vector<16xi1> -> vector<16xf32>
        %add3A_1269 = arith.constant 144 : i32
        %add3A_1270 = arith.addi %shift_left3A_960, %add3A_1269 : i32
        %swap3A_1271 = arith.index_cast %add3A_1270 : i32 to index
        %swap3A_1272 = tpu.vector_load %arg17[%swap3A_1271] {strides = array<i32>} : memref<1024xf32, #tpu.memory_space<vmem>>, vector<16xf32>,
        tpu.vector_store %arg17[%swap3A_1271], %masked_cumsum3A_1268 {strides = array<i32>} : memref<1024xf32, #tpu.memory_space<vmem>>, vector<16xf32>,
        %mul3A_1273 = arith.constant 20 : i32
        %mul3A_1274 = arith.muli %scan3A_956, %mul3A_1273 : i32
        %add3A_1275 = arith.constant 10 : i32
        %add3A_1276 = arith.addi %mul3A_1274, %add3A_1275 : i32
        %get3A_1277 = arith.index_cast %add3A_1276 : i32 to index
        %get3A_1278 = arith.constant 0 : index
        %get3A_1279 = tpu.vector_load %arg13[%get3A_1277, %get3A_1278] {strides = array<i32>} : memref<640x64xf32, #tpu.memory_space<vmem>>, vector<16xf32>,
        %mul3A_1280 = arith.mulf %get3A_963, %get3A_1279 : vector<16xf32>
        %get3A_1281 = arith.index_cast %add3A_1276 : i32 to index
        %get3A_1282 = arith.constant 16 : index
        %get3A_1283 = tpu.vector_load %arg13[%get3A_1281, %get3A_1282] {strides = array<i32>} : memref<640x64xf32, #tpu.memory_space<vmem>>, vector<16xf32>,
        %mul3A_1284 = arith.mulf %get3A_966, %get3A_1283 : vector<16xf32>
        %add3A_1285 = arith.addf %mul3A_1280, %mul3A_1284 : vector<16xf32>
        %get3A_1286 = arith.index_cast %add3A_1276 : i32 to index
        %get3A_1287 = arith.constant 32 : index
        %get3A_1288 = tpu.vector_load %arg13[%get3A_1286, %get3A_1287] {strides = array<i32>} : memref<640x64xf32, #tpu.memory_space<vmem>>, vector<16xf32>,
        %mul3A_1289 = arith.mulf %get3A_969, %get3A_1288 : vector<16xf32>
        %add3A_1290 = arith.addf %add3A_1285, %mul3A_1289 : vector<16xf32>
        %get3A_1291 = arith.index_cast %add3A_1276 : i32 to index
        %get3A_1292 = arith.constant 48 : index
        %get3A_1293 = tpu.vector_load %arg13[%get3A_1291, %get3A_1292] {strides = array<i32>} : memref<640x64xf32, #tpu.memory_space<vmem>>, vector<16xf32>,
        %mul3A_1294 = arith.mulf %get3A_972, %get3A_1293 : vector<16xf32>
        %add3A_1295 = arith.addf %add3A_1290, %mul3A_1294 : vector<16xf32>
        %broadcast_in_dim3A_1296 = arith.constant true
        %broadcast_in_dim3A_1297 = vector.broadcast %broadcast_in_dim3A_1296 : i1 to vector<16xi1>
        %masked_cumsum3A_1298 = tpu.scan <sum>, %add3A_1295 masked %broadcast_in_dim3A_1297 : vector<16xf32>, vector<16xi1> -> vector<16xf32>
        %add3A_1299 = arith.constant 160 : i32
        %add3A_1300 = arith.addi %shift_left3A_960, %add3A_1299 : i32
        %swap3A_1301 = arith.index_cast %add3A_1300 : i32 to index
        %swap3A_1302 = tpu.vector_load %arg17[%swap3A_1301] {strides = array<i32>} : memref<1024xf32, #tpu.memory_space<vmem>>, vector<16xf32>,
        tpu.vector_store %arg17[%swap3A_1301], %masked_cumsum3A_1298 {strides = array<i32>} : memref<1024xf32, #tpu.memory_space<vmem>>, vector<16xf32>,
        %mul3A_1303 = arith.constant 20 : i32
        %mul3A_1304 = arith.muli %scan3A_956, %mul3A_1303 : i32
        %add3A_1305 = arith.constant 11 : i32
        %add3A_1306 = arith.addi %mul3A_1304, %add3A_1305 : i32
        %get3A_1307 = arith.index_cast %add3A_1306 : i32 to index
        %get3A_1308 = arith.constant 0 : index
        %get3A_1309 = tpu.vector_load %arg13[%get3A_1307, %get3A_1308] {strides = array<i32>} : memref<640x64xf32, #tpu.memory_space<vmem>>, vector<16xf32>,
        %mul3A_1310 = arith.mulf %get3A_963, %get3A_1309 : vector<16xf32>
        %get3A_1311 = arith.index_cast %add3A_1306 : i32 to index
        %get3A_1312 = arith.constant 16 : index
        %get3A_1313 = tpu.vector_load %arg13[%get3A_1311, %get3A_1312] {strides = array<i32>} : memref<640x64xf32, #tpu.memory_space<vmem>>, vector<16xf32>,
        %mul3A_1314 = arith.mulf %get3A_966, %get3A_1313 : vector<16xf32>
        %add3A_1315 = arith.addf %mul3A_1310, %mul3A_1314 : vector<16xf32>
        %get3A_1316 = arith.index_cast %add3A_1306 : i32 to index
        %get3A_1317 = arith.constant 32 : index
        %get3A_1318 = tpu.vector_load %arg13[%get3A_1316, %get3A_1317] {strides = array<i32>} : memref<640x64xf32, #tpu.memory_space<vmem>>, vector<16xf32>,
        %mul3A_1319 = arith.mulf %get3A_969, %get3A_1318 : vector<16xf32>
        %add3A_1320 = arith.addf %add3A_1315, %mul3A_1319 : vector<16xf32>
        %get3A_1321 = arith.index_cast %add3A_1306 : i32 to index
        %get3A_1322 = arith.constant 48 : index
        %get3A_1323 = tpu.vector_load %arg13[%get3A_1321, %get3A_1322] {strides = array<i32>} : memref<640x64xf32, #tpu.memory_space<vmem>>, vector<16xf32>,
        %mul3A_1324 = arith.mulf %get3A_972, %get3A_1323 : vector<16xf32>
        %add3A_1325 = arith.addf %add3A_1320, %mul3A_1324 : vector<16xf32>
        %broadcast_in_dim3A_1326 = arith.constant true
        %broadcast_in_dim3A_1327 = vector.broadcast %broadcast_in_dim3A_1326 : i1 to vector<16xi1>
        %masked_cumsum3A_1328 = tpu.scan <sum>, %add3A_1325 masked %broadcast_in_dim3A_1327 : vector<16xf32>, vector<16xi1> -> vector<16xf32>
        %add3A_1329 = arith.constant 176 : i32
        %add3A_1330 = arith.addi %shift_left3A_960, %add3A_1329 : i32
        %swap3A_1331 = arith.index_cast %add3A_1330 : i32 to index
        %swap3A_1332 = tpu.vector_load %arg17[%swap3A_1331] {strides = array<i32>} : memref<1024xf32, #tpu.memory_space<vmem>>, vector<16xf32>,
        tpu.vector_store %arg17[%swap3A_1331], %masked_cumsum3A_1328 {strides = array<i32>} : memref<1024xf32, #tpu.memory_space<vmem>>, vector<16xf32>,
        %mul3A_1333 = arith.constant 20 : i32
        %mul3A_1334 = arith.muli %scan3A_956, %mul3A_1333 : i32
        %add3A_1335 = arith.constant 12 : i32
        %add3A_1336 = arith.addi %mul3A_1334, %add3A_1335 : i32
        %get3A_1337 = arith.index_cast %add3A_1336 : i32 to index
        %get3A_1338 = arith.constant 0 : index
        %get3A_1339 = tpu.vector_load %arg13[%get3A_1337, %get3A_1338] {strides = array<i32>} : memref<640x64xf32, #tpu.memory_space<vmem>>, vector<16xf32>,
        %mul3A_1340 = arith.mulf %get3A_963, %get3A_1339 : vector<16xf32>
        %get3A_1341 = arith.index_cast %add3A_1336 : i32 to index
        %get3A_1342 = arith.constant 16 : index
        %get3A_1343 = tpu.vector_load %arg13[%get3A_1341, %get3A_1342] {strides = array<i32>} : memref<640x64xf32, #tpu.memory_space<vmem>>, vector<16xf32>,
        %mul3A_1344 = arith.mulf %get3A_966, %get3A_1343 : vector<16xf32>
        %add3A_1345 = arith.addf %mul3A_1340, %mul3A_1344 : vector<16xf32>
        %get3A_1346 = arith.index_cast %add3A_1336 : i32 to index
        %get3A_1347 = arith.constant 32 : index
        %get3A_1348 = tpu.vector_load %arg13[%get3A_1346, %get3A_1347] {strides = array<i32>} : memref<640x64xf32, #tpu.memory_space<vmem>>, vector<16xf32>,
        %mul3A_1349 = arith.mulf %get3A_969, %get3A_1348 : vector<16xf32>
        %add3A_1350 = arith.addf %add3A_1345, %mul3A_1349 : vector<16xf32>
        %get3A_1351 = arith.index_cast %add3A_1336 : i32 to index
        %get3A_1352 = arith.constant 48 : index
        %get3A_1353 = tpu.vector_load %arg13[%get3A_1351, %get3A_1352] {strides = array<i32>} : memref<640x64xf32, #tpu.memory_space<vmem>>, vector<16xf32>,
        %mul3A_1354 = arith.mulf %get3A_972, %get3A_1353 : vector<16xf32>
        %add3A_1355 = arith.addf %add3A_1350, %mul3A_1354 : vector<16xf32>
        %broadcast_in_dim3A_1356 = arith.constant true
        %broadcast_in_dim3A_1357 = vector.broadcast %broadcast_in_dim3A_1356 : i1 to vector<16xi1>
        %masked_cumsum3A_1358 = tpu.scan <sum>, %add3A_1355 masked %broadcast_in_dim3A_1357 : vector<16xf32>, vector<16xi1> -> vector<16xf32>
        %add3A_1359 = arith.constant 192 : i32
        %add3A_1360 = arith.addi %shift_left3A_960, %add3A_1359 : i32
        %swap3A_1361 = arith.index_cast %add3A_1360 : i32 to index
        %swap3A_1362 = tpu.vector_load %arg17[%swap3A_1361] {strides = array<i32>} : memref<1024xf32, #tpu.memory_space<vmem>>, vector<16xf32>,
        tpu.vector_store %arg17[%swap3A_1361], %masked_cumsum3A_1358 {strides = array<i32>} : memref<1024xf32, #tpu.memory_space<vmem>>, vector<16xf32>,
        %mul3A_1363 = arith.constant 20 : i32
        %mul3A_1364 = arith.muli %scan3A_956, %mul3A_1363 : i32
        %add3A_1365 = arith.constant 13 : i32
        %add3A_1366 = arith.addi %mul3A_1364, %add3A_1365 : i32
        %get3A_1367 = arith.index_cast %add3A_1366 : i32 to index
        %get3A_1368 = arith.constant 0 : index
        %get3A_1369 = tpu.vector_load %arg13[%get3A_1367, %get3A_1368] {strides = array<i32>} : memref<640x64xf32, #tpu.memory_space<vmem>>, vector<16xf32>,
        %mul3A_1370 = arith.mulf %get3A_963, %get3A_1369 : vector<16xf32>
        %get3A_1371 = arith.index_cast %add3A_1366 : i32 to index
        %get3A_1372 = arith.constant 16 : index
        %get3A_1373 = tpu.vector_load %arg13[%get3A_1371, %get3A_1372] {strides = array<i32>} : memref<640x64xf32, #tpu.memory_space<vmem>>, vector<16xf32>,
        %mul3A_1374 = arith.mulf %get3A_966, %get3A_1373 : vector<16xf32>
        %add3A_1375 = arith.addf %mul3A_1370, %mul3A_1374 : vector<16xf32>
        %get3A_1376 = arith.index_cast %add3A_1366 : i32 to index
        %get3A_1377 = arith.constant 32 : index
        %get3A_1378 = tpu.vector_load %arg13[%get3A_1376, %get3A_1377] {strides = array<i32>} : memref<640x64xf32, #tpu.memory_space<vmem>>, vector<16xf32>,
        %mul3A_1379 = arith.mulf %get3A_969, %get3A_1378 : vector<16xf32>
        %add3A_1380 = arith.addf %add3A_1375, %mul3A_1379 : vector<16xf32>
        %get3A_1381 = arith.index_cast %add3A_1366 : i32 to index
        %get3A_1382 = arith.constant 48 : index
        %get3A_1383 = tpu.vector_load %arg13[%get3A_1381, %get3A_1382] {strides = array<i32>} : memref<640x64xf32, #tpu.memory_space<vmem>>, vector<16xf32>,
        %mul3A_1384 = arith.mulf %get3A_972, %get3A_1383 : vector<16xf32>
        %add3A_1385 = arith.addf %add3A_1380, %mul3A_1384 : vector<16xf32>
        %broadcast_in_dim3A_1386 = arith.constant true
        %broadcast_in_dim3A_1387 = vector.broadcast %broadcast_in_dim3A_1386 : i1 to vector<16xi1>
        %masked_cumsum3A_1388 = tpu.scan <sum>, %add3A_1385 masked %broadcast_in_dim3A_1387 : vector<16xf32>, vector<16xi1> -> vector<16xf32>
        %add3A_1389 = arith.constant 208 : i32
        %add3A_1390 = arith.addi %shift_left3A_960, %add3A_1389 : i32
        %swap3A_1391 = arith.index_cast %add3A_1390 : i32 to index
        %swap3A_1392 = tpu.vector_load %arg17[%swap3A_1391] {strides = array<i32>} : memref<1024xf32, #tpu.memory_space<vmem>>, vector<16xf32>,
        tpu.vector_store %arg17[%swap3A_1391], %masked_cumsum3A_1388 {strides = array<i32>} : memref<1024xf32, #tpu.memory_space<vmem>>, vector<16xf32>,
        %mul3A_1393 = arith.constant 20 : i32
        %mul3A_1394 = arith.muli %scan3A_956, %mul3A_1393 : i32
        %add3A_1395 = arith.constant 14 : i32
        %add3A_1396 = arith.addi %mul3A_1394, %add3A_1395 : i32
        %get3A_1397 = arith.index_cast %add3A_1396 : i32 to index
        %get3A_1398 = arith.constant 0 : index
        %get3A_1399 = tpu.vector_load %arg13[%get3A_1397, %get3A_1398] {strides = array<i32>} : memref<640x64xf32, #tpu.memory_space<vmem>>, vector<16xf32>,
        %mul3A_1400 = arith.mulf %get3A_963, %get3A_1399 : vector<16xf32>
        %get3A_1401 = arith.index_cast %add3A_1396 : i32 to index
        %get3A_1402 = arith.constant 16 : index
        %get3A_1403 = tpu.vector_load %arg13[%get3A_1401, %get3A_1402] {strides = array<i32>} : memref<640x64xf32, #tpu.memory_space<vmem>>, vector<16xf32>,
        %mul3A_1404 = arith.mulf %get3A_966, %get3A_1403 : vector<16xf32>
        %add3A_1405 = arith.addf %mul3A_1400, %mul3A_1404 : vector<16xf32>
        %get3A_1406 = arith.index_cast %add3A_1396 : i32 to index
        %get3A_1407 = arith.constant 32 : index
        %get3A_1408 = tpu.vector_load %arg13[%get3A_1406, %get3A_1407] {strides = array<i32>} : memref<640x64xf32, #tpu.memory_space<vmem>>, vector<16xf32>,
        %mul3A_1409 = arith.mulf %get3A_969, %get3A_1408 : vector<16xf32>
        %add3A_1410 = arith.addf %add3A_1405, %mul3A_1409 : vector<16xf32>
        %get3A_1411 = arith.index_cast %add3A_1396 : i32 to index
        %get3A_1412 = arith.constant 48 : index
        %get3A_1413 = tpu.vector_load %arg13[%get3A_1411, %get3A_1412] {strides = array<i32>} : memref<640x64xf32, #tpu.memory_space<vmem>>, vector<16xf32>,
        %mul3A_1414 = arith.mulf %get3A_972, %get3A_1413 : vector<16xf32>
        %add3A_1415 = arith.addf %add3A_1410, %mul3A_1414 : vector<16xf32>
        %broadcast_in_dim3A_1416 = arith.constant true
        %broadcast_in_dim3A_1417 = vector.broadcast %broadcast_in_dim3A_1416 : i1 to vector<16xi1>
        %masked_cumsum3A_1418 = tpu.scan <sum>, %add3A_1415 masked %broadcast_in_dim3A_1417 : vector<16xf32>, vector<16xi1> -> vector<16xf32>
        %add3A_1419 = arith.constant 224 : i32
        %add3A_1420 = arith.addi %shift_left3A_960, %add3A_1419 : i32
        %swap3A_1421 = arith.index_cast %add3A_1420 : i32 to index
        %swap3A_1422 = tpu.vector_load %arg17[%swap3A_1421] {strides = array<i32>} : memref<1024xf32, #tpu.memory_space<vmem>>, vector<16xf32>,
        tpu.vector_store %arg17[%swap3A_1421], %masked_cumsum3A_1418 {strides = array<i32>} : memref<1024xf32, #tpu.memory_space<vmem>>, vector<16xf32>,
        %mul3A_1423 = arith.constant 20 : i32
        %mul3A_1424 = arith.muli %scan3A_956, %mul3A_1423 : i32
        %add3A_1425 = arith.constant 15 : i32
        %add3A_1426 = arith.addi %mul3A_1424, %add3A_1425 : i32
        %get3A_1427 = arith.index_cast %add3A_1426 : i32 to index
        %get3A_1428 = arith.constant 0 : index
        %get3A_1429 = tpu.vector_load %arg13[%get3A_1427, %get3A_1428] {strides = array<i32>} : memref<640x64xf32, #tpu.memory_space<vmem>>, vector<16xf32>,
        %mul3A_1430 = arith.mulf %get3A_963, %get3A_1429 : vector<16xf32>
        %get3A_1431 = arith.index_cast %add3A_1426 : i32 to index
        %get3A_1432 = arith.constant 16 : index
        %get3A_1433 = tpu.vector_load %arg13[%get3A_1431, %get3A_1432] {strides = array<i32>} : memref<640x64xf32, #tpu.memory_space<vmem>>, vector<16xf32>,
        %mul3A_1434 = arith.mulf %get3A_966, %get3A_1433 : vector<16xf32>
        %add3A_1435 = arith.addf %mul3A_1430, %mul3A_1434 : vector<16xf32>
        %get3A_1436 = arith.index_cast %add3A_1426 : i32 to index
        %get3A_1437 = arith.constant 32 : index
        %get3A_1438 = tpu.vector_load %arg13[%get3A_1436, %get3A_1437] {strides = array<i32>} : memref<640x64xf32, #tpu.memory_space<vmem>>, vector<16xf32>,
        %mul3A_1439 = arith.mulf %get3A_969, %get3A_1438 : vector<16xf32>
        %add3A_1440 = arith.addf %add3A_1435, %mul3A_1439 : vector<16xf32>
        %get3A_1441 = arith.index_cast %add3A_1426 : i32 to index
        %get3A_1442 = arith.constant 48 : index
        %get3A_1443 = tpu.vector_load %arg13[%get3A_1441, %get3A_1442] {strides = array<i32>} : memref<640x64xf32, #tpu.memory_space<vmem>>, vector<16xf32>,
        %mul3A_1444 = arith.mulf %get3A_972, %get3A_1443 : vector<16xf32>
        %add3A_1445 = arith.addf %add3A_1440, %mul3A_1444 : vector<16xf32>
        %broadcast_in_dim3A_1446 = arith.constant true
        %broadcast_in_dim3A_1447 = vector.broadcast %broadcast_in_dim3A_1446 : i1 to vector<16xi1>
        %masked_cumsum3A_1448 = tpu.scan <sum>, %add3A_1445 masked %broadcast_in_dim3A_1447 : vector<16xf32>, vector<16xi1> -> vector<16xf32>
        %add3A_1449 = arith.constant 240 : i32
        %add3A_1450 = arith.addi %shift_left3A_960, %add3A_1449 : i32
        %swap3A_1451 = arith.index_cast %add3A_1450 : i32 to index
        %swap3A_1452 = tpu.vector_load %arg17[%swap3A_1451] {strides = array<i32>} : memref<1024xf32, #tpu.memory_space<vmem>>, vector<16xf32>,
        tpu.vector_store %arg17[%swap3A_1451], %masked_cumsum3A_1448 {strides = array<i32>} : memref<1024xf32, #tpu.memory_space<vmem>>, vector<16xf32>,
        %mul3A_1453 = arith.constant 20 : i32
        %mul3A_1454 = arith.muli %scan3A_956, %mul3A_1453 : i32
        %add3A_1455 = arith.constant 16 : i32
        %add3A_1456 = arith.addi %mul3A_1454, %add3A_1455 : i32
        %get3A_1457 = arith.index_cast %add3A_1456 : i32 to index
        %get3A_1458 = arith.constant 0 : index
        %get3A_1459 = tpu.vector_load %arg13[%get3A_1457, %get3A_1458] {strides = array<i32>} : memref<640x64xf32, #tpu.memory_space<vmem>>, vector<16xf32>,
        %mul3A_1460 = arith.mulf %get3A_963, %get3A_1459 : vector<16xf32>
        %get3A_1461 = arith.index_cast %add3A_1456 : i32 to index
        %get3A_1462 = arith.constant 16 : index
        %get3A_1463 = tpu.vector_load %arg13[%get3A_1461, %get3A_1462] {strides = array<i32>} : memref<640x64xf32, #tpu.memory_space<vmem>>, vector<16xf32>,
        %mul3A_1464 = arith.mulf %get3A_966, %get3A_1463 : vector<16xf32>
        %add3A_1465 = arith.addf %mul3A_1460, %mul3A_1464 : vector<16xf32>
        %get3A_1466 = arith.index_cast %add3A_1456 : i32 to index
        %get3A_1467 = arith.constant 32 : index
        %get3A_1468 = tpu.vector_load %arg13[%get3A_1466, %get3A_1467] {strides = array<i32>} : memref<640x64xf32, #tpu.memory_space<vmem>>, vector<16xf32>,
        %mul3A_1469 = arith.mulf %get3A_969, %get3A_1468 : vector<16xf32>
        %add3A_1470 = arith.addf %add3A_1465, %mul3A_1469 : vector<16xf32>
        %get3A_1471 = arith.index_cast %add3A_1456 : i32 to index
        %get3A_1472 = arith.constant 48 : index
        %get3A_1473 = tpu.vector_load %arg13[%get3A_1471, %get3A_1472] {strides = array<i32>} : memref<640x64xf32, #tpu.memory_space<vmem>>, vector<16xf32>,
        %mul3A_1474 = arith.mulf %get3A_972, %get3A_1473 : vector<16xf32>
        %add3A_1475 = arith.addf %add3A_1470, %mul3A_1474 : vector<16xf32>
        %broadcast_in_dim3A_1476 = arith.constant true
        %broadcast_in_dim3A_1477 = vector.broadcast %broadcast_in_dim3A_1476 : i1 to vector<16xi1>
        %masked_cumsum3A_1478 = tpu.scan <sum>, %add3A_1475 masked %broadcast_in_dim3A_1477 : vector<16xf32>, vector<16xi1> -> vector<16xf32>
        %add3A_1479 = arith.constant 256 : i32
        %add3A_1480 = arith.addi %shift_left3A_960, %add3A_1479 : i32
        %swap3A_1481 = arith.index_cast %add3A_1480 : i32 to index
        %swap3A_1482 = tpu.vector_load %arg17[%swap3A_1481] {strides = array<i32>} : memref<1024xf32, #tpu.memory_space<vmem>>, vector<16xf32>,
        tpu.vector_store %arg17[%swap3A_1481], %masked_cumsum3A_1478 {strides = array<i32>} : memref<1024xf32, #tpu.memory_space<vmem>>, vector<16xf32>,
        %mul3A_1483 = arith.constant 20 : i32
        %mul3A_1484 = arith.muli %scan3A_956, %mul3A_1483 : i32
        %add3A_1485 = arith.constant 17 : i32
        %add3A_1486 = arith.addi %mul3A_1484, %add3A_1485 : i32
        %get3A_1487 = arith.index_cast %add3A_1486 : i32 to index
        %get3A_1488 = arith.constant 0 : index
        %get3A_1489 = tpu.vector_load %arg13[%get3A_1487, %get3A_1488] {strides = array<i32>} : memref<640x64xf32, #tpu.memory_space<vmem>>, vector<16xf32>,
        %mul3A_1490 = arith.mulf %get3A_963, %get3A_1489 : vector<16xf32>
        %get3A_1491 = arith.index_cast %add3A_1486 : i32 to index
        %get3A_1492 = arith.constant 16 : index
        %get3A_1493 = tpu.vector_load %arg13[%get3A_1491, %get3A_1492] {strides = array<i32>} : memref<640x64xf32, #tpu.memory_space<vmem>>, vector<16xf32>,
        %mul3A_1494 = arith.mulf %get3A_966, %get3A_1493 : vector<16xf32>
        %add3A_1495 = arith.addf %mul3A_1490, %mul3A_1494 : vector<16xf32>
        %get3A_1496 = arith.index_cast %add3A_1486 : i32 to index
        %get3A_1497 = arith.constant 32 : index
        %get3A_1498 = tpu.vector_load %arg13[%get3A_1496, %get3A_1497] {strides = array<i32>} : memref<640x64xf32, #tpu.memory_space<vmem>>, vector<16xf32>,
        %mul3A_1499 = arith.mulf %get3A_969, %get3A_1498 : vector<16xf32>
        %add3A_1500 = arith.addf %add3A_1495, %mul3A_1499 : vector<16xf32>
        %get3A_1501 = arith.index_cast %add3A_1486 : i32 to index
        %get3A_1502 = arith.constant 48 : index
        %get3A_1503 = tpu.vector_load %arg13[%get3A_1501, %get3A_1502] {strides = array<i32>} : memref<640x64xf32, #tpu.memory_space<vmem>>, vector<16xf32>,
        %mul3A_1504 = arith.mulf %get3A_972, %get3A_1503 : vector<16xf32>
        %add3A_1505 = arith.addf %add3A_1500, %mul3A_1504 : vector<16xf32>
        %broadcast_in_dim3A_1506 = arith.constant true
        %broadcast_in_dim3A_1507 = vector.broadcast %broadcast_in_dim3A_1506 : i1 to vector<16xi1>
        %masked_cumsum3A_1508 = tpu.scan <sum>, %add3A_1505 masked %broadcast_in_dim3A_1507 : vector<16xf32>, vector<16xi1> -> vector<16xf32>
        %add3A_1509 = arith.constant 272 : i32
        %add3A_1510 = arith.addi %shift_left3A_960, %add3A_1509 : i32
        %swap3A_1511 = arith.index_cast %add3A_1510 : i32 to index
        %swap3A_1512 = tpu.vector_load %arg17[%swap3A_1511] {strides = array<i32>} : memref<1024xf32, #tpu.memory_space<vmem>>, vector<16xf32>,
        tpu.vector_store %arg17[%swap3A_1511], %masked_cumsum3A_1508 {strides = array<i32>} : memref<1024xf32, #tpu.memory_space<vmem>>, vector<16xf32>,
        %mul3A_1513 = arith.constant 20 : i32
        %mul3A_1514 = arith.muli %scan3A_956, %mul3A_1513 : i32
        %add3A_1515 = arith.constant 18 : i32
        %add3A_1516 = arith.addi %mul3A_1514, %add3A_1515 : i32
        %get3A_1517 = arith.index_cast %add3A_1516 : i32 to index
        %get3A_1518 = arith.constant 0 : index
        %get3A_1519 = tpu.vector_load %arg13[%get3A_1517, %get3A_1518] {strides = array<i32>} : memref<640x64xf32, #tpu.memory_space<vmem>>, vector<16xf32>,
        %mul3A_1520 = arith.mulf %get3A_963, %get3A_1519 : vector<16xf32>
        %get3A_1521 = arith.index_cast %add3A_1516 : i32 to index
        %get3A_1522 = arith.constant 16 : index
        %get3A_1523 = tpu.vector_load %arg13[%get3A_1521, %get3A_1522] {strides = array<i32>} : memref<640x64xf32, #tpu.memory_space<vmem>>, vector<16xf32>,
        %mul3A_1524 = arith.mulf %get3A_966, %get3A_1523 : vector<16xf32>
        %add3A_1525 = arith.addf %mul3A_1520, %mul3A_1524 : vector<16xf32>
        %get3A_1526 = arith.index_cast %add3A_1516 : i32 to index
        %get3A_1527 = arith.constant 32 : index
        %get3A_1528 = tpu.vector_load %arg13[%get3A_1526, %get3A_1527] {strides = array<i32>} : memref<640x64xf32, #tpu.memory_space<vmem>>, vector<16xf32>,
        %mul3A_1529 = arith.mulf %get3A_969, %get3A_1528 : vector<16xf32>
        %add3A_1530 = arith.addf %add3A_1525, %mul3A_1529 : vector<16xf32>
        %get3A_1531 = arith.index_cast %add3A_1516 : i32 to index
        %get3A_1532 = arith.constant 48 : index
        %get3A_1533 = tpu.vector_load %arg13[%get3A_1531, %get3A_1532] {strides = array<i32>} : memref<640x64xf32, #tpu.memory_space<vmem>>, vector<16xf32>,
        %mul3A_1534 = arith.mulf %get3A_972, %get3A_1533 : vector<16xf32>
        %add3A_1535 = arith.addf %add3A_1530, %mul3A_1534 : vector<16xf32>
        %broadcast_in_dim3A_1536 = arith.constant true
        %broadcast_in_dim3A_1537 = vector.broadcast %broadcast_in_dim3A_1536 : i1 to vector<16xi1>
        %masked_cumsum3A_1538 = tpu.scan <sum>, %add3A_1535 masked %broadcast_in_dim3A_1537 : vector<16xf32>, vector<16xi1> -> vector<16xf32>
        %add3A_1539 = arith.constant 288 : i32
        %add3A_1540 = arith.addi %shift_left3A_960, %add3A_1539 : i32
        %swap3A_1541 = arith.index_cast %add3A_1540 : i32 to index
        %swap3A_1542 = tpu.vector_load %arg17[%swap3A_1541] {strides = array<i32>} : memref<1024xf32, #tpu.memory_space<vmem>>, vector<16xf32>,
        tpu.vector_store %arg17[%swap3A_1541], %masked_cumsum3A_1538 {strides = array<i32>} : memref<1024xf32, #tpu.memory_space<vmem>>, vector<16xf32>,
        %mul3A_1543 = arith.constant 20 : i32
        %mul3A_1544 = arith.muli %scan3A_956, %mul3A_1543 : i32
        %add3A_1545 = arith.constant 19 : i32
        %add3A_1546 = arith.addi %mul3A_1544, %add3A_1545 : i32
        %get3A_1547 = arith.index_cast %add3A_1546 : i32 to index
        %get3A_1548 = arith.constant 0 : index
        %get3A_1549 = tpu.vector_load %arg13[%get3A_1547, %get3A_1548] {strides = array<i32>} : memref<640x64xf32, #tpu.memory_space<vmem>>, vector<16xf32>,
        %mul3A_1550 = arith.mulf %get3A_963, %get3A_1549 : vector<16xf32>
        %get3A_1551 = arith.index_cast %add3A_1546 : i32 to index
        %get3A_1552 = arith.constant 16 : index
        %get3A_1553 = tpu.vector_load %arg13[%get3A_1551, %get3A_1552] {strides = array<i32>} : memref<640x64xf32, #tpu.memory_space<vmem>>, vector<16xf32>,
        %mul3A_1554 = arith.mulf %get3A_966, %get3A_1553 : vector<16xf32>
        %add3A_1555 = arith.addf %mul3A_1550, %mul3A_1554 : vector<16xf32>
        %get3A_1556 = arith.index_cast %add3A_1546 : i32 to index
        %get3A_1557 = arith.constant 32 : index
        %get3A_1558 = tpu.vector_load %arg13[%get3A_1556, %get3A_1557] {strides = array<i32>} : memref<640x64xf32, #tpu.memory_space<vmem>>, vector<16xf32>,
        %mul3A_1559 = arith.mulf %get3A_969, %get3A_1558 : vector<16xf32>
        %add3A_1560 = arith.addf %add3A_1555, %mul3A_1559 : vector<16xf32>
        %get3A_1561 = arith.index_cast %add3A_1546 : i32 to index
        %get3A_1562 = arith.constant 48 : index
        %get3A_1563 = tpu.vector_load %arg13[%get3A_1561, %get3A_1562] {strides = array<i32>} : memref<640x64xf32, #tpu.memory_space<vmem>>, vector<16xf32>,
        %mul3A_1564 = arith.mulf %get3A_972, %get3A_1563 : vector<16xf32>
        %add3A_1565 = arith.addf %add3A_1560, %mul3A_1564 : vector<16xf32>
        %broadcast_in_dim3A_1566 = arith.constant true
        %broadcast_in_dim3A_1567 = vector.broadcast %broadcast_in_dim3A_1566 : i1 to vector<16xi1>
        %masked_cumsum3A_1568 = tpu.scan <sum>, %add3A_1565 masked %broadcast_in_dim3A_1567 : vector<16xf32>, vector<16xi1> -> vector<16xf32>
        %add3A_1569 = arith.constant 304 : i32
        %add3A_1570 = arith.addi %shift_left3A_960, %add3A_1569 : i32
        %swap3A_1571 = arith.index_cast %add3A_1570 : i32 to index
        %swap3A_1572 = tpu.vector_load %arg17[%swap3A_1571] {strides = array<i32>} : memref<1024xf32, #tpu.memory_space<vmem>>, vector<16xf32>,
        tpu.vector_store %arg17[%swap3A_1571], %masked_cumsum3A_1568 {strides = array<i32>} : memref<1024xf32, #tpu.memory_space<vmem>>, vector<16xf32>,
        %get3A_1573 = arith.index_cast %scan3A_956 : i32 to index
        %get3A_1574 = arith.constant 0 : index
        %get3A_1575 = tpu.vector_load %arg12[%get3A_1573, %get3A_1574] {strides = array<i32>} : memref<32x64xf32, #tpu.memory_space<vmem>>, vector<16xf32>,
        %mul3A_1576 = arith.mulf %get3A_963, %get3A_1575 : vector<16xf32>
        %get3A_1577 = arith.index_cast %scan3A_956 : i32 to index
        %get3A_1578 = arith.constant 16 : index
        %get3A_1579 = tpu.vector_load %arg12[%get3A_1577, %get3A_1578] {strides = array<i32>} : memref<32x64xf32, #tpu.memory_space<vmem>>, vector<16xf32>,
        %mul3A_1580 = arith.mulf %get3A_966, %get3A_1579 : vector<16xf32>
        %add3A_1581 = arith.addf %mul3A_1576, %mul3A_1580 : vector<16xf32>
        %get3A_1582 = arith.index_cast %scan3A_956 : i32 to index
        %get3A_1583 = arith.constant 32 : index
        %get3A_1584 = tpu.vector_load %arg12[%get3A_1582, %get3A_1583] {strides = array<i32>} : memref<32x64xf32, #tpu.memory_space<vmem>>, vector<16xf32>,
        %mul3A_1585 = arith.mulf %get3A_969, %get3A_1584 : vector<16xf32>
        %add3A_1586 = arith.addf %add3A_1581, %mul3A_1585 : vector<16xf32>
        %get3A_1587 = arith.index_cast %scan3A_956 : i32 to index
        %get3A_1588 = arith.constant 48 : index
        %get3A_1589 = tpu.vector_load %arg12[%get3A_1587, %get3A_1588] {strides = array<i32>} : memref<32x64xf32, #tpu.memory_space<vmem>>, vector<16xf32>,
        %mul3A_1590 = arith.mulf %get3A_972, %get3A_1589 : vector<16xf32>
        %add3A_1591 = arith.addf %add3A_1586, %mul3A_1590 : vector<16xf32>
        %broadcast_in_dim3A_1592 = arith.constant true
        %broadcast_in_dim3A_1593 = vector.broadcast %broadcast_in_dim3A_1592 : i1 to vector<16xi1>
        %masked_cumsum3A_1594 = tpu.scan <sum>, %add3A_1591 masked %broadcast_in_dim3A_1593 : vector<16xf32>, vector<16xi1> -> vector<16xf32>
        %add3A_1595 = arith.constant 320 : i32
        %add3A_1596 = arith.addi %shift_left3A_960, %add3A_1595 : i32
        %swap3A_1597 = arith.index_cast %add3A_1596 : i32 to index
        %swap3A_1598 = tpu.vector_load %arg17[%swap3A_1597] {strides = array<i32>} : memref<1024xf32, #tpu.memory_space<vmem>>, vector<16xf32>,
        tpu.vector_store %arg17[%swap3A_1597], %masked_cumsum3A_1594 {strides = array<i32>} : memref<1024xf32, #tpu.memory_space<vmem>>, vector<16xf32>,
        %mul3A_1599 = arith.constant 16 : i32
        %mul3A_1600 = vector.broadcast %mul3A_1599 : i32 to vector<16xi32>
        %mul3A_1601 = arith.muli %iota3A, %mul3A_1600 : vector<16xi32>
        %add3A_1602 = vector.broadcast %shift_left3A_960 : i32 to vector<16xi32>
        %add3A_1603 = arith.addi %add3A_1602, %mul3A_1601 : vector<16xi32>
        %add3A_1604 = arith.constant 15 : i32
        %add3A_1605 = vector.broadcast %add3A_1604 : i32 to vector<16xi32>
        %add3A_1606 = arith.addi %add3A_1603, %add3A_1605 : vector<16xi32>
        %gather3A_1607 = tpu.vector_load_idx %arg17[%add3A_1606] : memref<1024xf32, #tpu.memory_space<vmem>>[vector<16xi32>], vector<16xf32>,
        %mul3A_1608 = arith.constant 16 : i32
        %mul3A_1609 = vector.broadcast %mul3A_1608 : i32 to vector<16xi32>
        %mul3A_1610 = arith.muli %iota3A, %mul3A_1609 : vector<16xi32>
        %add3A_1611 = vector.broadcast %shift_left3A_960 : i32 to vector<16xi32>
        %add3A_1612 = arith.addi %add3A_1611, %mul3A_1610 : vector<16xi32>
        %add3A_1613 = arith.constant 271 : i32
        %add3A_1614 = vector.broadcast %add3A_1613 : i32 to vector<16xi32>
        %add3A_1615 = arith.addi %add3A_1612, %add3A_1614 : vector<16xi32>
        %gather3A_1616 = tpu.vector_load_idx %arg17[%add3A_1615] : memref<1024xf32, #tpu.memory_space<vmem>>[vector<16xi32>], vector<16xf32>,
        %add3A_1617 = arith.addi %mul3A_201, %scan3A_956 : i32
        %swap3A_1618 = arith.index_cast %add3A_1617 : i32 to index
        %swap3A_1619 = arith.constant 0 : index
        %swap3A_1620 = tpu.vector_load %arg18[%swap3A_1618, %swap3A_1619] {strides = array<i32>} : memref<512x32xf32, #tpu.memory_space<vmem>>, vector<16xf32>,
        tpu.vector_store %arg18[%swap3A_1618, %swap3A_1619], %gather3A_1607 {strides = array<i32>} : memref<512x32xf32, #tpu.memory_space<vmem>>, vector<16xf32>,
        %swap3A_1621 = arith.index_cast %add3A_1617 : i32 to index
        %swap3A_1622 = arith.constant 16 : index
        %swap3A_1623 = tpu.vector_load %arg18[%swap3A_1621, %swap3A_1622] {strides = array<i32>} : memref<512x32xf32, #tpu.memory_space<vmem>>, vector<16xf32>,
        tpu.vector_store %arg18[%swap3A_1621, %swap3A_1622], %gather3A_1616 {strides = array<i32>} : memref<512x32xf32, #tpu.memory_space<vmem>>, vector<16xf32>,
      }
      %scan3A_207 = arith.constant 32 : i32
      %add3A_208 = arith.constant 2 : i32
      %add3A_209 = arith.addi %mul3A_61, %add3A_208 : i32
      %lt3A = arith.constant 16 : i32
      %lt3A_210 = arith.cmpi slt, %add3A_209, %lt3A : i32
      %convert_element_type3A = arith.extui %lt3A_210 : i1 to i32
      %cond3A = arith.constant 0 : i32
      %cond3A_211 = arith.cmpi ne, %convert_element_type3A, %cond3A : i32
      scf.if %cond3A_211 {
        %add3A_294 = arith.constant 2 : i32
        %add3A_295 = arith.addi %mul3A_61, %add3A_294 : i32
        %mul3A_296 = arith.constant 32 : i32
        %mul3A_297 = arith.muli %add3A_295, %mul3A_296 : i32
        %dma_start3A_298 = tpu.memref_slice %arg8[%mul3A_297] : memref<512xi32, #tpu.memory_space<vmem>> -> memref<32xi32, #tpu.memory_space<vmem>>
        %dma_start3A_299 = arith.constant 0 : i32
        %dma_start3A_300 = arith.constant 0 : i32
        %dma_start3A_301 = tpu.memref_slice %arg5[%dma_start3A_299, %dma_start3A_300] : memref<1000000x64xf32, #tpu.memory_space<hbm>> -> memref<1000000x64xf32, #tpu.memory_space<hbm>>
        tpu.enqueue_indirect_dma source(%dma_start3A_301 : memref<1000000x64xf32, #tpu.memory_space<hbm>>) target(%arg11 : memref<32x64xf32, #tpu.memory_space<vmem>>) offsets(%dma_start3A_298 : memref<32xi32, #tpu.memory_space<vmem>>) semaphore(%arg19 : memref<!tpu.dma_semaphore, #tpu.memory_space<semaphore_mem>>)
        %dma_start3A_302 = tpu.memref_slice %arg9[%mul3A_297] : memref<512xi32, #tpu.memory_space<vmem>> -> memref<32xi32, #tpu.memory_space<vmem>>
        %dma_start3A_303 = arith.constant 0 : i32
        %dma_start3A_304 = arith.constant 0 : i32
        %dma_start3A_305 = tpu.memref_slice %arg6[%dma_start3A_303, %dma_start3A_304] : memref<1000000x64xf32, #tpu.memory_space<hbm>> -> memref<1000000x64xf32, #tpu.memory_space<hbm>>
        tpu.enqueue_indirect_dma source(%dma_start3A_305 : memref<1000000x64xf32, #tpu.memory_space<hbm>>) target(%arg12 : memref<32x64xf32, #tpu.memory_space<vmem>>) offsets(%dma_start3A_302 : memref<32xi32, #tpu.memory_space<vmem>>) semaphore(%arg19 : memref<!tpu.dma_semaphore, #tpu.memory_space<semaphore_mem>>)
        %mul3A_306 = arith.constant 20 : i32
        %mul3A_307 = arith.muli %mul3A_297, %mul3A_306 : i32
        %add3A_308 = arith.constant 0 : i32
        %add3A_309 = arith.addi %mul3A_307, %add3A_308 : i32
        %dma_start3A_310 = arith.constant 0 : i32
        %dma_start3A_311 = arith.constant 0 : i32
        %dma_start3A_312 = tpu.memref_slice %arg13[%dma_start3A_310, %dma_start3A_311] : memref<640x64xf32, #tpu.memory_space<vmem>> -> memref<128x64xf32, #tpu.memory_space<vmem>>
        %dma_start3A_313 = tpu.memref_slice %arg10[%add3A_309] : memref<10240xi32, #tpu.memory_space<vmem>> -> memref<128xi32, #tpu.memory_space<vmem>>
        %dma_start3A_314 = arith.constant 0 : i32
        %dma_start3A_315 = arith.constant 0 : i32
        %dma_start3A_316 = tpu.memref_slice %arg6[%dma_start3A_314, %dma_start3A_315] : memref<1000000x64xf32, #tpu.memory_space<hbm>> -> memref<1000000x64xf32, #tpu.memory_space<hbm>>
        tpu.enqueue_indirect_dma source(%dma_start3A_316 : memref<1000000x64xf32, #tpu.memory_space<hbm>>) target(%dma_start3A_312 : memref<128x64xf32, #tpu.memory_space<vmem>>) offsets(%dma_start3A_313 : memref<128xi32, #tpu.memory_space<vmem>>) semaphore(%arg19 : memref<!tpu.dma_semaphore, #tpu.memory_space<semaphore_mem>>)
        %mul3A_317 = arith.constant 20 : i32
        %mul3A_318 = arith.muli %mul3A_297, %mul3A_317 : i32
        %add3A_319 = arith.constant 128 : i32
        %add3A_320 = arith.addi %mul3A_318, %add3A_319 : i32
        %dma_start3A_321 = arith.constant 128 : i32
        %dma_start3A_322 = arith.constant 0 : i32
        %dma_start3A_323 = tpu.memref_slice %arg13[%dma_start3A_321, %dma_start3A_322] : memref<640x64xf32, #tpu.memory_space<vmem>> -> memref<128x64xf32, #tpu.memory_space<vmem>>
        %dma_start3A_324 = tpu.memref_slice %arg10[%add3A_320] : memref<10240xi32, #tpu.memory_space<vmem>> -> memref<128xi32, #tpu.memory_space<vmem>>
        %dma_start3A_325 = arith.constant 0 : i32
        %dma_start3A_326 = arith.constant 0 : i32
        %dma_start3A_327 = tpu.memref_slice %arg6[%dma_start3A_325, %dma_start3A_326] : memref<1000000x64xf32, #tpu.memory_space<hbm>> -> memref<1000000x64xf32, #tpu.memory_space<hbm>>
        tpu.enqueue_indirect_dma source(%dma_start3A_327 : memref<1000000x64xf32, #tpu.memory_space<hbm>>) target(%dma_start3A_323 : memref<128x64xf32, #tpu.memory_space<vmem>>) offsets(%dma_start3A_324 : memref<128xi32, #tpu.memory_space<vmem>>) semaphore(%arg19 : memref<!tpu.dma_semaphore, #tpu.memory_space<semaphore_mem>>)
        %mul3A_328 = arith.constant 20 : i32
        %mul3A_329 = arith.muli %mul3A_297, %mul3A_328 : i32
        %add3A_330 = arith.constant 256 : i32
        %add3A_331 = arith.addi %mul3A_329, %add3A_330 : i32
        %dma_start3A_332 = arith.constant 256 : i32
        %dma_start3A_333 = arith.constant 0 : i32
        %dma_start3A_334 = tpu.memref_slice %arg13[%dma_start3A_332, %dma_start3A_333] : memref<640x64xf32, #tpu.memory_space<vmem>> -> memref<128x64xf32, #tpu.memory_space<vmem>>
        %dma_start3A_335 = tpu.memref_slice %arg10[%add3A_331] : memref<10240xi32, #tpu.memory_space<vmem>> -> memref<128xi32, #tpu.memory_space<vmem>>
        %dma_start3A_336 = arith.constant 0 : i32
        %dma_start3A_337 = arith.constant 0 : i32
        %dma_start3A_338 = tpu.memref_slice %arg6[%dma_start3A_336, %dma_start3A_337] : memref<1000000x64xf32, #tpu.memory_space<hbm>> -> memref<1000000x64xf32, #tpu.memory_space<hbm>>
        tpu.enqueue_indirect_dma source(%dma_start3A_338 : memref<1000000x64xf32, #tpu.memory_space<hbm>>) target(%dma_start3A_334 : memref<128x64xf32, #tpu.memory_space<vmem>>) offsets(%dma_start3A_335 : memref<128xi32, #tpu.memory_space<vmem>>) semaphore(%arg19 : memref<!tpu.dma_semaphore, #tpu.memory_space<semaphore_mem>>)
        %mul3A_339 = arith.constant 20 : i32
        %mul3A_340 = arith.muli %mul3A_297, %mul3A_339 : i32
        %add3A_341 = arith.constant 384 : i32
        %add3A_342 = arith.addi %mul3A_340, %add3A_341 : i32
        %dma_start3A_343 = arith.constant 384 : i32
        %dma_start3A_344 = arith.constant 0 : i32
        %dma_start3A_345 = tpu.memref_slice %arg13[%dma_start3A_343, %dma_start3A_344] : memref<640x64xf32, #tpu.memory_space<vmem>> -> memref<128x64xf32, #tpu.memory_space<vmem>>
        %dma_start3A_346 = tpu.memref_slice %arg10[%add3A_342] : memref<10240xi32, #tpu.memory_space<vmem>> -> memref<128xi32, #tpu.memory_space<vmem>>
        %dma_start3A_347 = arith.constant 0 : i32
        %dma_start3A_348 = arith.constant 0 : i32
        %dma_start3A_349 = tpu.memref_slice %arg6[%dma_start3A_347, %dma_start3A_348] : memref<1000000x64xf32, #tpu.memory_space<hbm>> -> memref<1000000x64xf32, #tpu.memory_space<hbm>>
        tpu.enqueue_indirect_dma source(%dma_start3A_349 : memref<1000000x64xf32, #tpu.memory_space<hbm>>) target(%dma_start3A_345 : memref<128x64xf32, #tpu.memory_space<vmem>>) offsets(%dma_start3A_346 : memref<128xi32, #tpu.memory_space<vmem>>) semaphore(%arg19 : memref<!tpu.dma_semaphore, #tpu.memory_space<semaphore_mem>>)
        %mul3A_350 = arith.constant 20 : i32
        %mul3A_351 = arith.muli %mul3A_297, %mul3A_350 : i32
        %add3A_352 = arith.constant 512 : i32
        %add3A_353 = arith.addi %mul3A_351, %add3A_352 : i32
        %dma_start3A_354 = arith.constant 512 : i32
        %dma_start3A_355 = arith.constant 0 : i32
        %dma_start3A_356 = tpu.memref_slice %arg13[%dma_start3A_354, %dma_start3A_355] : memref<640x64xf32, #tpu.memory_space<vmem>> -> memref<128x64xf32, #tpu.memory_space<vmem>>
        %dma_start3A_357 = tpu.memref_slice %arg10[%add3A_353] : memref<10240xi32, #tpu.memory_space<vmem>> -> memref<128xi32, #tpu.memory_space<vmem>>
        %dma_start3A_358 = arith.constant 0 : i32
        %dma_start3A_359 = arith.constant 0 : i32
        %dma_start3A_360 = tpu.memref_slice %arg6[%dma_start3A_358, %dma_start3A_359] : memref<1000000x64xf32, #tpu.memory_space<hbm>> -> memref<1000000x64xf32, #tpu.memory_space<hbm>>
        tpu.enqueue_indirect_dma source(%dma_start3A_360 : memref<1000000x64xf32, #tpu.memory_space<hbm>>) target(%dma_start3A_356 : memref<128x64xf32, #tpu.memory_space<vmem>>) offsets(%dma_start3A_357 : memref<128xi32, #tpu.memory_space<vmem>>) semaphore(%arg19 : memref<!tpu.dma_semaphore, #tpu.memory_space<semaphore_mem>>)
      } else {
      }
      %dma_wait3A_212 = arith.constant 0 : i32
      %dma_wait3A_213 = arith.constant 0 : i32
      %dma_wait3A_214 = tpu.memref_slice %arg5[%dma_wait3A_212, %dma_wait3A_213] : memref<1000000x64xf32, #tpu.memory_space<hbm>> -> memref<32x64xf32, #tpu.memory_space<hbm>>
      %dma_wait3A_215 = arith.constant 0 : i32
      %dma_wait3A_216 = arith.constant 0 : i32
      %dma_wait3A_217 = tpu.memref_slice %arg5[%dma_wait3A_215, %dma_wait3A_216] : memref<1000000x64xf32, #tpu.memory_space<hbm>> -> memref<32x64xf32, #tpu.memory_space<hbm>>
      tpu.wait_dma2 semaphore(%arg20 : memref<!tpu.dma_semaphore, #tpu.memory_space<semaphore_mem>>) src(%dma_wait3A_217 : memref<32x64xf32, #tpu.memory_space<hbm>>) dst(%arg14 : memref<32x64xf32, #tpu.memory_space<vmem>>)
      %dma_wait3A_218 = arith.constant 0 : i32
      %dma_wait3A_219 = arith.constant 0 : i32
      %dma_wait3A_220 = tpu.memref_slice %arg6[%dma_wait3A_218, %dma_wait3A_219] : memref<1000000x64xf32, #tpu.memory_space<hbm>> -> memref<32x64xf32, #tpu.memory_space<hbm>>
      %dma_wait3A_221 = arith.constant 0 : i32
      %dma_wait3A_222 = arith.constant 0 : i32
      %dma_wait3A_223 = tpu.memref_slice %arg6[%dma_wait3A_221, %dma_wait3A_222] : memref<1000000x64xf32, #tpu.memory_space<hbm>> -> memref<32x64xf32, #tpu.memory_space<hbm>>
      tpu.wait_dma2 semaphore(%arg20 : memref<!tpu.dma_semaphore, #tpu.memory_space<semaphore_mem>>) src(%dma_wait3A_223 : memref<32x64xf32, #tpu.memory_space<hbm>>) dst(%arg15 : memref<32x64xf32, #tpu.memory_space<vmem>>)
      %dma_wait3A_224 = arith.constant 0 : i32
      %dma_wait3A_225 = arith.constant 0 : i32
      %dma_wait3A_226 = tpu.memref_slice %arg16[%dma_wait3A_224, %dma_wait3A_225] : memref<640x64xf32, #tpu.memory_space<vmem>> -> memref<128x64xf32, #tpu.memory_space<vmem>>
      %dma_wait3A_227 = arith.constant 0 : i32
      %dma_wait3A_228 = arith.constant 0 : i32
      %dma_wait3A_229 = tpu.memref_slice %arg6[%dma_wait3A_227, %dma_wait3A_228] : memref<1000000x64xf32, #tpu.memory_space<hbm>> -> memref<128x64xf32, #tpu.memory_space<hbm>>
      %dma_wait3A_230 = arith.constant 0 : i32
      %dma_wait3A_231 = arith.constant 0 : i32
      %dma_wait3A_232 = tpu.memref_slice %arg16[%dma_wait3A_230, %dma_wait3A_231] : memref<640x64xf32, #tpu.memory_space<vmem>> -> memref<128x64xf32, #tpu.memory_space<vmem>>
      %dma_wait3A_233 = arith.constant 0 : i32
      %dma_wait3A_234 = arith.constant 0 : i32
      %dma_wait3A_235 = tpu.memref_slice %arg6[%dma_wait3A_233, %dma_wait3A_234] : memref<1000000x64xf32, #tpu.memory_space<hbm>> -> memref<128x64xf32, #tpu.memory_space<hbm>>
      tpu.wait_dma2 semaphore(%arg20 : memref<!tpu.dma_semaphore, #tpu.memory_space<semaphore_mem>>) src(%dma_wait3A_235 : memref<128x64xf32, #tpu.memory_space<hbm>>) dst(%dma_wait3A_232 : memref<128x64xf32, #tpu.memory_space<vmem>>)
      %dma_wait3A_236 = arith.constant 128 : i32
      %dma_wait3A_237 = arith.constant 0 : i32
      %dma_wait3A_238 = tpu.memref_slice %arg16[%dma_wait3A_236, %dma_wait3A_237] : memref<640x64xf32, #tpu.memory_space<vmem>> -> memref<128x64xf32, #tpu.memory_space<vmem>>
      %dma_wait3A_239 = arith.constant 0 : i32
      %dma_wait3A_240 = arith.constant 0 : i32
      %dma_wait3A_241 = tpu.memref_slice %arg6[%dma_wait3A_239, %dma_wait3A_240] : memref<1000000x64xf32, #tpu.memory_space<hbm>> -> memref<128x64xf32, #tpu.memory_space<hbm>>
      %dma_wait3A_242 = arith.constant 128 : i32
      %dma_wait3A_243 = arith.constant 0 : i32
      %dma_wait3A_244 = tpu.memref_slice %arg16[%dma_wait3A_242, %dma_wait3A_243] : memref<640x64xf32, #tpu.memory_space<vmem>> -> memref<128x64xf32, #tpu.memory_space<vmem>>
      %dma_wait3A_245 = arith.constant 0 : i32
      %dma_wait3A_246 = arith.constant 0 : i32
      %dma_wait3A_247 = tpu.memref_slice %arg6[%dma_wait3A_245, %dma_wait3A_246] : memref<1000000x64xf32, #tpu.memory_space<hbm>> -> memref<128x64xf32, #tpu.memory_space<hbm>>
      tpu.wait_dma2 semaphore(%arg20 : memref<!tpu.dma_semaphore, #tpu.memory_space<semaphore_mem>>) src(%dma_wait3A_247 : memref<128x64xf32, #tpu.memory_space<hbm>>) dst(%dma_wait3A_244 : memref<128x64xf32, #tpu.memory_space<vmem>>)
      %dma_wait3A_248 = arith.constant 256 : i32
      %dma_wait3A_249 = arith.constant 0 : i32
      %dma_wait3A_250 = tpu.memref_slice %arg16[%dma_wait3A_248, %dma_wait3A_249] : memref<640x64xf32, #tpu.memory_space<vmem>> -> memref<128x64xf32, #tpu.memory_space<vmem>>
      %dma_wait3A_251 = arith.constant 0 : i32
      %dma_wait3A_252 = arith.constant 0 : i32
      %dma_wait3A_253 = tpu.memref_slice %arg6[%dma_wait3A_251, %dma_wait3A_252] : memref<1000000x64xf32, #tpu.memory_space<hbm>> -> memref<128x64xf32, #tpu.memory_space<hbm>>
      %dma_wait3A_254 = arith.constant 256 : i32
      %dma_wait3A_255 = arith.constant 0 : i32
      %dma_wait3A_256 = tpu.memref_slice %arg16[%dma_wait3A_254, %dma_wait3A_255] : memref<640x64xf32, #tpu.memory_space<vmem>> -> memref<128x64xf32, #tpu.memory_space<vmem>>
      %dma_wait3A_257 = arith.constant 0 : i32
      %dma_wait3A_258 = arith.constant 0 : i32
      %dma_wait3A_259 = tpu.memref_slice %arg6[%dma_wait3A_257, %dma_wait3A_258] : memref<1000000x64xf32, #tpu.memory_space<hbm>> -> memref<128x64xf32, #tpu.memory_space<hbm>>
      tpu.wait_dma2 semaphore(%arg20 : memref<!tpu.dma_semaphore, #tpu.memory_space<semaphore_mem>>) src(%dma_wait3A_259 : memref<128x64xf32, #tpu.memory_space<hbm>>) dst(%dma_wait3A_256 : memref<128x64xf32, #tpu.memory_space<vmem>>)
      %dma_wait3A_260 = arith.constant 384 : i32
      %dma_wait3A_261 = arith.constant 0 : i32
      %dma_wait3A_262 = tpu.memref_slice %arg16[%dma_wait3A_260, %dma_wait3A_261] : memref<640x64xf32, #tpu.memory_space<vmem>> -> memref<128x64xf32, #tpu.memory_space<vmem>>
      %dma_wait3A_263 = arith.constant 0 : i32
      %dma_wait3A_264 = arith.constant 0 : i32
      %dma_wait3A_265 = tpu.memref_slice %arg6[%dma_wait3A_263, %dma_wait3A_264] : memref<1000000x64xf32, #tpu.memory_space<hbm>> -> memref<128x64xf32, #tpu.memory_space<hbm>>
      %dma_wait3A_266 = arith.constant 384 : i32
      %dma_wait3A_267 = arith.constant 0 : i32
      %dma_wait3A_268 = tpu.memref_slice %arg16[%dma_wait3A_266, %dma_wait3A_267] : memref<640x64xf32, #tpu.memory_space<vmem>> -> memref<128x64xf32, #tpu.memory_space<vmem>>
      %dma_wait3A_269 = arith.constant 0 : i32
      %dma_wait3A_270 = arith.constant 0 : i32
      %dma_wait3A_271 = tpu.memref_slice %arg6[%dma_wait3A_269, %dma_wait3A_270] : memref<1000000x64xf32, #tpu.memory_space<hbm>> -> memref<128x64xf32, #tpu.memory_space<hbm>>
      tpu.wait_dma2 semaphore(%arg20 : memref<!tpu.dma_semaphore, #tpu.memory_space<semaphore_mem>>) src(%dma_wait3A_271 : memref<128x64xf32, #tpu.memory_space<hbm>>) dst(%dma_wait3A_268 : memref<128x64xf32, #tpu.memory_space<vmem>>)
      %dma_wait3A_272 = arith.constant 512 : i32
      %dma_wait3A_273 = arith.constant 0 : i32
      %dma_wait3A_274 = tpu.memref_slice %arg16[%dma_wait3A_272, %dma_wait3A_273] : memref<640x64xf32, #tpu.memory_space<vmem>> -> memref<128x64xf32, #tpu.memory_space<vmem>>
      %dma_wait3A_275 = arith.constant 0 : i32
      %dma_wait3A_276 = arith.constant 0 : i32
      %dma_wait3A_277 = tpu.memref_slice %arg6[%dma_wait3A_275, %dma_wait3A_276] : memref<1000000x64xf32, #tpu.memory_space<hbm>> -> memref<128x64xf32, #tpu.memory_space<hbm>>
      %dma_wait3A_278 = arith.constant 512 : i32
      %dma_wait3A_279 = arith.constant 0 : i32
      %dma_wait3A_280 = tpu.memref_slice %arg16[%dma_wait3A_278, %dma_wait3A_279] : memref<640x64xf32, #tpu.memory_space<vmem>> -> memref<128x64xf32, #tpu.memory_space<vmem>>
      %dma_wait3A_281 = arith.constant 0 : i32
      %dma_wait3A_282 = arith.constant 0 : i32
      %dma_wait3A_283 = tpu.memref_slice %arg6[%dma_wait3A_281, %dma_wait3A_282] : memref<1000000x64xf32, #tpu.memory_space<hbm>> -> memref<128x64xf32, #tpu.memory_space<hbm>>
      tpu.wait_dma2 semaphore(%arg20 : memref<!tpu.dma_semaphore, #tpu.memory_space<semaphore_mem>>) src(%dma_wait3A_283 : memref<128x64xf32, #tpu.memory_space<hbm>>) dst(%dma_wait3A_280 : memref<128x64xf32, #tpu.memory_space<vmem>>)
      %add3A_284 = arith.constant 1 : i32
      %add3A_285 = arith.addi %mul3A_61, %add3A_284 : i32
      %mul3A_286 = arith.constant 32 : i32
      %mul3A_287 = arith.muli %add3A_285, %mul3A_286 : i32
      %scan3A_288 = arith.constant 0 : i32
      %scan3A_289 = arith.constant 0 : i32
      %scan3A_290 = arith.constant 32 : i32
      %scan3A_291 = arith.addi %scan3A_289, %scan3A_290 : i32
      %scan3A_292 = arith.constant 2 : i32
      scf.for %scan3A_294 = %scan3A_289 to %scan3A_291 step %scan3A_292  : i32 {
        %and3A = arith.constant 1 : i32
        %and3A_295 = arith.andi %scan3A_294, %and3A : i32
        %shift_left3A = arith.constant 9 : i32
        %shift_left3A_296 = arith.shli %and3A_295, %shift_left3A : i32
        %get3A = arith.index_cast %scan3A_294 : i32 to index
        %get3A_297 = arith.constant 0 : index
        %get3A_298 = tpu.vector_load %arg14[%get3A, %get3A_297] {strides = array<i32>} : memref<32x64xf32, #tpu.memory_space<vmem>>, vector<16xf32>,
        %get3A_299 = arith.index_cast %scan3A_294 : i32 to index
        %get3A_300 = arith.constant 16 : index
        %get3A_301 = tpu.vector_load %arg14[%get3A_299, %get3A_300] {strides = array<i32>} : memref<32x64xf32, #tpu.memory_space<vmem>>, vector<16xf32>,
        %get3A_302 = arith.index_cast %scan3A_294 : i32 to index
        %get3A_303 = arith.constant 32 : index
        %get3A_304 = tpu.vector_load %arg14[%get3A_302, %get3A_303] {strides = array<i32>} : memref<32x64xf32, #tpu.memory_space<vmem>>, vector<16xf32>,
        %get3A_305 = arith.index_cast %scan3A_294 : i32 to index
        %get3A_306 = arith.constant 48 : index
        %get3A_307 = tpu.vector_load %arg14[%get3A_305, %get3A_306] {strides = array<i32>} : memref<32x64xf32, #tpu.memory_space<vmem>>, vector<16xf32>,
        %mul3A_308 = arith.constant 20 : i32
        %mul3A_309 = arith.muli %scan3A_294, %mul3A_308 : i32
        %add3A_310 = arith.constant 0 : i32
        %add3A_311 = arith.addi %mul3A_309, %add3A_310 : i32
        %get3A_312 = arith.index_cast %add3A_311 : i32 to index
        %get3A_313 = arith.constant 0 : index
        %get3A_314 = tpu.vector_load %arg16[%get3A_312, %get3A_313] {strides = array<i32>} : memref<640x64xf32, #tpu.memory_space<vmem>>, vector<16xf32>,
        %mul3A_315 = arith.mulf %get3A_298, %get3A_314 : vector<16xf32>
        %get3A_316 = arith.index_cast %add3A_311 : i32 to index
        %get3A_317 = arith.constant 16 : index
        %get3A_318 = tpu.vector_load %arg16[%get3A_316, %get3A_317] {strides = array<i32>} : memref<640x64xf32, #tpu.memory_space<vmem>>, vector<16xf32>,
        %mul3A_319 = arith.mulf %get3A_301, %get3A_318 : vector<16xf32>
        %add3A_320 = arith.addf %mul3A_315, %mul3A_319 : vector<16xf32>
        %get3A_321 = arith.index_cast %add3A_311 : i32 to index
        %get3A_322 = arith.constant 32 : index
        %get3A_323 = tpu.vector_load %arg16[%get3A_321, %get3A_322] {strides = array<i32>} : memref<640x64xf32, #tpu.memory_space<vmem>>, vector<16xf32>,
        %mul3A_324 = arith.mulf %get3A_304, %get3A_323 : vector<16xf32>
        %add3A_325 = arith.addf %add3A_320, %mul3A_324 : vector<16xf32>
        %get3A_326 = arith.index_cast %add3A_311 : i32 to index
        %get3A_327 = arith.constant 48 : index
        %get3A_328 = tpu.vector_load %arg16[%get3A_326, %get3A_327] {strides = array<i32>} : memref<640x64xf32, #tpu.memory_space<vmem>>, vector<16xf32>,
        %mul3A_329 = arith.mulf %get3A_307, %get3A_328 : vector<16xf32>
        %add3A_330 = arith.addf %add3A_325, %mul3A_329 : vector<16xf32>
        %broadcast_in_dim3A = arith.constant true
        %broadcast_in_dim3A_331 = vector.broadcast %broadcast_in_dim3A : i1 to vector<16xi1>
        %masked_cumsum3A = tpu.scan <sum>, %add3A_330 masked %broadcast_in_dim3A_331 : vector<16xf32>, vector<16xi1> -> vector<16xf32>
        %add3A_332 = arith.constant 0 : i32
        %add3A_333 = arith.addi %shift_left3A_296, %add3A_332 : i32
        %swap3A = arith.index_cast %add3A_333 : i32 to index
        %swap3A_334 = tpu.vector_load %arg17[%swap3A] {strides = array<i32>} : memref<1024xf32, #tpu.memory_space<vmem>>, vector<16xf32>,
        tpu.vector_store %arg17[%swap3A], %masked_cumsum3A {strides = array<i32>} : memref<1024xf32, #tpu.memory_space<vmem>>, vector<16xf32>,
        %mul3A_335 = arith.constant 20 : i32
        %mul3A_336 = arith.muli %scan3A_294, %mul3A_335 : i32
        %add3A_337 = arith.constant 1 : i32
        %add3A_338 = arith.addi %mul3A_336, %add3A_337 : i32
        %get3A_339 = arith.index_cast %add3A_338 : i32 to index
        %get3A_340 = arith.constant 0 : index
        %get3A_341 = tpu.vector_load %arg16[%get3A_339, %get3A_340] {strides = array<i32>} : memref<640x64xf32, #tpu.memory_space<vmem>>, vector<16xf32>,
        %mul3A_342 = arith.mulf %get3A_298, %get3A_341 : vector<16xf32>
        %get3A_343 = arith.index_cast %add3A_338 : i32 to index
        %get3A_344 = arith.constant 16 : index
        %get3A_345 = tpu.vector_load %arg16[%get3A_343, %get3A_344] {strides = array<i32>} : memref<640x64xf32, #tpu.memory_space<vmem>>, vector<16xf32>,
        %mul3A_346 = arith.mulf %get3A_301, %get3A_345 : vector<16xf32>
        %add3A_347 = arith.addf %mul3A_342, %mul3A_346 : vector<16xf32>
        %get3A_348 = arith.index_cast %add3A_338 : i32 to index
        %get3A_349 = arith.constant 32 : index
        %get3A_350 = tpu.vector_load %arg16[%get3A_348, %get3A_349] {strides = array<i32>} : memref<640x64xf32, #tpu.memory_space<vmem>>, vector<16xf32>,
        %mul3A_351 = arith.mulf %get3A_304, %get3A_350 : vector<16xf32>
        %add3A_352 = arith.addf %add3A_347, %mul3A_351 : vector<16xf32>
        %get3A_353 = arith.index_cast %add3A_338 : i32 to index
        %get3A_354 = arith.constant 48 : index
        %get3A_355 = tpu.vector_load %arg16[%get3A_353, %get3A_354] {strides = array<i32>} : memref<640x64xf32, #tpu.memory_space<vmem>>, vector<16xf32>,
        %mul3A_356 = arith.mulf %get3A_307, %get3A_355 : vector<16xf32>
        %add3A_357 = arith.addf %add3A_352, %mul3A_356 : vector<16xf32>
        %broadcast_in_dim3A_358 = arith.constant true
        %broadcast_in_dim3A_359 = vector.broadcast %broadcast_in_dim3A_358 : i1 to vector<16xi1>
        %masked_cumsum3A_360 = tpu.scan <sum>, %add3A_357 masked %broadcast_in_dim3A_359 : vector<16xf32>, vector<16xi1> -> vector<16xf32>
        %add3A_361 = arith.constant 16 : i32
        %add3A_362 = arith.addi %shift_left3A_296, %add3A_361 : i32
        %swap3A_363 = arith.index_cast %add3A_362 : i32 to index
        %swap3A_364 = tpu.vector_load %arg17[%swap3A_363] {strides = array<i32>} : memref<1024xf32, #tpu.memory_space<vmem>>, vector<16xf32>,
        tpu.vector_store %arg17[%swap3A_363], %masked_cumsum3A_360 {strides = array<i32>} : memref<1024xf32, #tpu.memory_space<vmem>>, vector<16xf32>,
        %mul3A_365 = arith.constant 20 : i32
        %mul3A_366 = arith.muli %scan3A_294, %mul3A_365 : i32
        %add3A_367 = arith.constant 2 : i32
        %add3A_368 = arith.addi %mul3A_366, %add3A_367 : i32
        %get3A_369 = arith.index_cast %add3A_368 : i32 to index
        %get3A_370 = arith.constant 0 : index
        %get3A_371 = tpu.vector_load %arg16[%get3A_369, %get3A_370] {strides = array<i32>} : memref<640x64xf32, #tpu.memory_space<vmem>>, vector<16xf32>,
        %mul3A_372 = arith.mulf %get3A_298, %get3A_371 : vector<16xf32>
        %get3A_373 = arith.index_cast %add3A_368 : i32 to index
        %get3A_374 = arith.constant 16 : index
        %get3A_375 = tpu.vector_load %arg16[%get3A_373, %get3A_374] {strides = array<i32>} : memref<640x64xf32, #tpu.memory_space<vmem>>, vector<16xf32>,
        %mul3A_376 = arith.mulf %get3A_301, %get3A_375 : vector<16xf32>
        %add3A_377 = arith.addf %mul3A_372, %mul3A_376 : vector<16xf32>
        %get3A_378 = arith.index_cast %add3A_368 : i32 to index
        %get3A_379 = arith.constant 32 : index
        %get3A_380 = tpu.vector_load %arg16[%get3A_378, %get3A_379] {strides = array<i32>} : memref<640x64xf32, #tpu.memory_space<vmem>>, vector<16xf32>,
        %mul3A_381 = arith.mulf %get3A_304, %get3A_380 : vector<16xf32>
        %add3A_382 = arith.addf %add3A_377, %mul3A_381 : vector<16xf32>
        %get3A_383 = arith.index_cast %add3A_368 : i32 to index
        %get3A_384 = arith.constant 48 : index
        %get3A_385 = tpu.vector_load %arg16[%get3A_383, %get3A_384] {strides = array<i32>} : memref<640x64xf32, #tpu.memory_space<vmem>>, vector<16xf32>,
        %mul3A_386 = arith.mulf %get3A_307, %get3A_385 : vector<16xf32>
        %add3A_387 = arith.addf %add3A_382, %mul3A_386 : vector<16xf32>
        %broadcast_in_dim3A_388 = arith.constant true
        %broadcast_in_dim3A_389 = vector.broadcast %broadcast_in_dim3A_388 : i1 to vector<16xi1>
        %masked_cumsum3A_390 = tpu.scan <sum>, %add3A_387 masked %broadcast_in_dim3A_389 : vector<16xf32>, vector<16xi1> -> vector<16xf32>
        %add3A_391 = arith.constant 32 : i32
        %add3A_392 = arith.addi %shift_left3A_296, %add3A_391 : i32
        %swap3A_393 = arith.index_cast %add3A_392 : i32 to index
        %swap3A_394 = tpu.vector_load %arg17[%swap3A_393] {strides = array<i32>} : memref<1024xf32, #tpu.memory_space<vmem>>, vector<16xf32>,
        tpu.vector_store %arg17[%swap3A_393], %masked_cumsum3A_390 {strides = array<i32>} : memref<1024xf32, #tpu.memory_space<vmem>>, vector<16xf32>,
        %mul3A_395 = arith.constant 20 : i32
        %mul3A_396 = arith.muli %scan3A_294, %mul3A_395 : i32
        %add3A_397 = arith.constant 3 : i32
        %add3A_398 = arith.addi %mul3A_396, %add3A_397 : i32
        %get3A_399 = arith.index_cast %add3A_398 : i32 to index
        %get3A_400 = arith.constant 0 : index
        %get3A_401 = tpu.vector_load %arg16[%get3A_399, %get3A_400] {strides = array<i32>} : memref<640x64xf32, #tpu.memory_space<vmem>>, vector<16xf32>,
        %mul3A_402 = arith.mulf %get3A_298, %get3A_401 : vector<16xf32>
        %get3A_403 = arith.index_cast %add3A_398 : i32 to index
        %get3A_404 = arith.constant 16 : index
        %get3A_405 = tpu.vector_load %arg16[%get3A_403, %get3A_404] {strides = array<i32>} : memref<640x64xf32, #tpu.memory_space<vmem>>, vector<16xf32>,
        %mul3A_406 = arith.mulf %get3A_301, %get3A_405 : vector<16xf32>
        %add3A_407 = arith.addf %mul3A_402, %mul3A_406 : vector<16xf32>
        %get3A_408 = arith.index_cast %add3A_398 : i32 to index
        %get3A_409 = arith.constant 32 : index
        %get3A_410 = tpu.vector_load %arg16[%get3A_408, %get3A_409] {strides = array<i32>} : memref<640x64xf32, #tpu.memory_space<vmem>>, vector<16xf32>,
        %mul3A_411 = arith.mulf %get3A_304, %get3A_410 : vector<16xf32>
        %add3A_412 = arith.addf %add3A_407, %mul3A_411 : vector<16xf32>
        %get3A_413 = arith.index_cast %add3A_398 : i32 to index
        %get3A_414 = arith.constant 48 : index
        %get3A_415 = tpu.vector_load %arg16[%get3A_413, %get3A_414] {strides = array<i32>} : memref<640x64xf32, #tpu.memory_space<vmem>>, vector<16xf32>,
        %mul3A_416 = arith.mulf %get3A_307, %get3A_415 : vector<16xf32>
        %add3A_417 = arith.addf %add3A_412, %mul3A_416 : vector<16xf32>
        %broadcast_in_dim3A_418 = arith.constant true
        %broadcast_in_dim3A_419 = vector.broadcast %broadcast_in_dim3A_418 : i1 to vector<16xi1>
        %masked_cumsum3A_420 = tpu.scan <sum>, %add3A_417 masked %broadcast_in_dim3A_419 : vector<16xf32>, vector<16xi1> -> vector<16xf32>
        %add3A_421 = arith.constant 48 : i32
        %add3A_422 = arith.addi %shift_left3A_296, %add3A_421 : i32
        %swap3A_423 = arith.index_cast %add3A_422 : i32 to index
        %swap3A_424 = tpu.vector_load %arg17[%swap3A_423] {strides = array<i32>} : memref<1024xf32, #tpu.memory_space<vmem>>, vector<16xf32>,
        tpu.vector_store %arg17[%swap3A_423], %masked_cumsum3A_420 {strides = array<i32>} : memref<1024xf32, #tpu.memory_space<vmem>>, vector<16xf32>,
        %mul3A_425 = arith.constant 20 : i32
        %mul3A_426 = arith.muli %scan3A_294, %mul3A_425 : i32
        %add3A_427 = arith.constant 4 : i32
        %add3A_428 = arith.addi %mul3A_426, %add3A_427 : i32
        %get3A_429 = arith.index_cast %add3A_428 : i32 to index
        %get3A_430 = arith.constant 0 : index
        %get3A_431 = tpu.vector_load %arg16[%get3A_429, %get3A_430] {strides = array<i32>} : memref<640x64xf32, #tpu.memory_space<vmem>>, vector<16xf32>,
        %mul3A_432 = arith.mulf %get3A_298, %get3A_431 : vector<16xf32>
        %get3A_433 = arith.index_cast %add3A_428 : i32 to index
        %get3A_434 = arith.constant 16 : index
        %get3A_435 = tpu.vector_load %arg16[%get3A_433, %get3A_434] {strides = array<i32>} : memref<640x64xf32, #tpu.memory_space<vmem>>, vector<16xf32>,
        %mul3A_436 = arith.mulf %get3A_301, %get3A_435 : vector<16xf32>
        %add3A_437 = arith.addf %mul3A_432, %mul3A_436 : vector<16xf32>
        %get3A_438 = arith.index_cast %add3A_428 : i32 to index
        %get3A_439 = arith.constant 32 : index
        %get3A_440 = tpu.vector_load %arg16[%get3A_438, %get3A_439] {strides = array<i32>} : memref<640x64xf32, #tpu.memory_space<vmem>>, vector<16xf32>,
        %mul3A_441 = arith.mulf %get3A_304, %get3A_440 : vector<16xf32>
        %add3A_442 = arith.addf %add3A_437, %mul3A_441 : vector<16xf32>
        %get3A_443 = arith.index_cast %add3A_428 : i32 to index
        %get3A_444 = arith.constant 48 : index
        %get3A_445 = tpu.vector_load %arg16[%get3A_443, %get3A_444] {strides = array<i32>} : memref<640x64xf32, #tpu.memory_space<vmem>>, vector<16xf32>,
        %mul3A_446 = arith.mulf %get3A_307, %get3A_445 : vector<16xf32>
        %add3A_447 = arith.addf %add3A_442, %mul3A_446 : vector<16xf32>
        %broadcast_in_dim3A_448 = arith.constant true
        %broadcast_in_dim3A_449 = vector.broadcast %broadcast_in_dim3A_448 : i1 to vector<16xi1>
        %masked_cumsum3A_450 = tpu.scan <sum>, %add3A_447 masked %broadcast_in_dim3A_449 : vector<16xf32>, vector<16xi1> -> vector<16xf32>
        %add3A_451 = arith.constant 64 : i32
        %add3A_452 = arith.addi %shift_left3A_296, %add3A_451 : i32
        %swap3A_453 = arith.index_cast %add3A_452 : i32 to index
        %swap3A_454 = tpu.vector_load %arg17[%swap3A_453] {strides = array<i32>} : memref<1024xf32, #tpu.memory_space<vmem>>, vector<16xf32>,
        tpu.vector_store %arg17[%swap3A_453], %masked_cumsum3A_450 {strides = array<i32>} : memref<1024xf32, #tpu.memory_space<vmem>>, vector<16xf32>,
        %mul3A_455 = arith.constant 20 : i32
        %mul3A_456 = arith.muli %scan3A_294, %mul3A_455 : i32
        %add3A_457 = arith.constant 5 : i32
        %add3A_458 = arith.addi %mul3A_456, %add3A_457 : i32
        %get3A_459 = arith.index_cast %add3A_458 : i32 to index
        %get3A_460 = arith.constant 0 : index
        %get3A_461 = tpu.vector_load %arg16[%get3A_459, %get3A_460] {strides = array<i32>} : memref<640x64xf32, #tpu.memory_space<vmem>>, vector<16xf32>,
        %mul3A_462 = arith.mulf %get3A_298, %get3A_461 : vector<16xf32>
        %get3A_463 = arith.index_cast %add3A_458 : i32 to index
        %get3A_464 = arith.constant 16 : index
        %get3A_465 = tpu.vector_load %arg16[%get3A_463, %get3A_464] {strides = array<i32>} : memref<640x64xf32, #tpu.memory_space<vmem>>, vector<16xf32>,
        %mul3A_466 = arith.mulf %get3A_301, %get3A_465 : vector<16xf32>
        %add3A_467 = arith.addf %mul3A_462, %mul3A_466 : vector<16xf32>
        %get3A_468 = arith.index_cast %add3A_458 : i32 to index
        %get3A_469 = arith.constant 32 : index
        %get3A_470 = tpu.vector_load %arg16[%get3A_468, %get3A_469] {strides = array<i32>} : memref<640x64xf32, #tpu.memory_space<vmem>>, vector<16xf32>,
        %mul3A_471 = arith.mulf %get3A_304, %get3A_470 : vector<16xf32>
        %add3A_472 = arith.addf %add3A_467, %mul3A_471 : vector<16xf32>
        %get3A_473 = arith.index_cast %add3A_458 : i32 to index
        %get3A_474 = arith.constant 48 : index
        %get3A_475 = tpu.vector_load %arg16[%get3A_473, %get3A_474] {strides = array<i32>} : memref<640x64xf32, #tpu.memory_space<vmem>>, vector<16xf32>,
        %mul3A_476 = arith.mulf %get3A_307, %get3A_475 : vector<16xf32>
        %add3A_477 = arith.addf %add3A_472, %mul3A_476 : vector<16xf32>
        %broadcast_in_dim3A_478 = arith.constant true
        %broadcast_in_dim3A_479 = vector.broadcast %broadcast_in_dim3A_478 : i1 to vector<16xi1>
        %masked_cumsum3A_480 = tpu.scan <sum>, %add3A_477 masked %broadcast_in_dim3A_479 : vector<16xf32>, vector<16xi1> -> vector<16xf32>
        %add3A_481 = arith.constant 80 : i32
        %add3A_482 = arith.addi %shift_left3A_296, %add3A_481 : i32
        %swap3A_483 = arith.index_cast %add3A_482 : i32 to index
        %swap3A_484 = tpu.vector_load %arg17[%swap3A_483] {strides = array<i32>} : memref<1024xf32, #tpu.memory_space<vmem>>, vector<16xf32>,
        tpu.vector_store %arg17[%swap3A_483], %masked_cumsum3A_480 {strides = array<i32>} : memref<1024xf32, #tpu.memory_space<vmem>>, vector<16xf32>,
        %mul3A_485 = arith.constant 20 : i32
        %mul3A_486 = arith.muli %scan3A_294, %mul3A_485 : i32
        %add3A_487 = arith.constant 6 : i32
        %add3A_488 = arith.addi %mul3A_486, %add3A_487 : i32
        %get3A_489 = arith.index_cast %add3A_488 : i32 to index
        %get3A_490 = arith.constant 0 : index
        %get3A_491 = tpu.vector_load %arg16[%get3A_489, %get3A_490] {strides = array<i32>} : memref<640x64xf32, #tpu.memory_space<vmem>>, vector<16xf32>,
        %mul3A_492 = arith.mulf %get3A_298, %get3A_491 : vector<16xf32>
        %get3A_493 = arith.index_cast %add3A_488 : i32 to index
        %get3A_494 = arith.constant 16 : index
        %get3A_495 = tpu.vector_load %arg16[%get3A_493, %get3A_494] {strides = array<i32>} : memref<640x64xf32, #tpu.memory_space<vmem>>, vector<16xf32>,
        %mul3A_496 = arith.mulf %get3A_301, %get3A_495 : vector<16xf32>
        %add3A_497 = arith.addf %mul3A_492, %mul3A_496 : vector<16xf32>
        %get3A_498 = arith.index_cast %add3A_488 : i32 to index
        %get3A_499 = arith.constant 32 : index
        %get3A_500 = tpu.vector_load %arg16[%get3A_498, %get3A_499] {strides = array<i32>} : memref<640x64xf32, #tpu.memory_space<vmem>>, vector<16xf32>,
        %mul3A_501 = arith.mulf %get3A_304, %get3A_500 : vector<16xf32>
        %add3A_502 = arith.addf %add3A_497, %mul3A_501 : vector<16xf32>
        %get3A_503 = arith.index_cast %add3A_488 : i32 to index
        %get3A_504 = arith.constant 48 : index
        %get3A_505 = tpu.vector_load %arg16[%get3A_503, %get3A_504] {strides = array<i32>} : memref<640x64xf32, #tpu.memory_space<vmem>>, vector<16xf32>,
        %mul3A_506 = arith.mulf %get3A_307, %get3A_505 : vector<16xf32>
        %add3A_507 = arith.addf %add3A_502, %mul3A_506 : vector<16xf32>
        %broadcast_in_dim3A_508 = arith.constant true
        %broadcast_in_dim3A_509 = vector.broadcast %broadcast_in_dim3A_508 : i1 to vector<16xi1>
        %masked_cumsum3A_510 = tpu.scan <sum>, %add3A_507 masked %broadcast_in_dim3A_509 : vector<16xf32>, vector<16xi1> -> vector<16xf32>
        %add3A_511 = arith.constant 96 : i32
        %add3A_512 = arith.addi %shift_left3A_296, %add3A_511 : i32
        %swap3A_513 = arith.index_cast %add3A_512 : i32 to index
        %swap3A_514 = tpu.vector_load %arg17[%swap3A_513] {strides = array<i32>} : memref<1024xf32, #tpu.memory_space<vmem>>, vector<16xf32>,
        tpu.vector_store %arg17[%swap3A_513], %masked_cumsum3A_510 {strides = array<i32>} : memref<1024xf32, #tpu.memory_space<vmem>>, vector<16xf32>,
        %mul3A_515 = arith.constant 20 : i32
        %mul3A_516 = arith.muli %scan3A_294, %mul3A_515 : i32
        %add3A_517 = arith.constant 7 : i32
        %add3A_518 = arith.addi %mul3A_516, %add3A_517 : i32
        %get3A_519 = arith.index_cast %add3A_518 : i32 to index
        %get3A_520 = arith.constant 0 : index
        %get3A_521 = tpu.vector_load %arg16[%get3A_519, %get3A_520] {strides = array<i32>} : memref<640x64xf32, #tpu.memory_space<vmem>>, vector<16xf32>,
        %mul3A_522 = arith.mulf %get3A_298, %get3A_521 : vector<16xf32>
        %get3A_523 = arith.index_cast %add3A_518 : i32 to index
        %get3A_524 = arith.constant 16 : index
        %get3A_525 = tpu.vector_load %arg16[%get3A_523, %get3A_524] {strides = array<i32>} : memref<640x64xf32, #tpu.memory_space<vmem>>, vector<16xf32>,
        %mul3A_526 = arith.mulf %get3A_301, %get3A_525 : vector<16xf32>
        %add3A_527 = arith.addf %mul3A_522, %mul3A_526 : vector<16xf32>
        %get3A_528 = arith.index_cast %add3A_518 : i32 to index
        %get3A_529 = arith.constant 32 : index
        %get3A_530 = tpu.vector_load %arg16[%get3A_528, %get3A_529] {strides = array<i32>} : memref<640x64xf32, #tpu.memory_space<vmem>>, vector<16xf32>,
        %mul3A_531 = arith.mulf %get3A_304, %get3A_530 : vector<16xf32>
        %add3A_532 = arith.addf %add3A_527, %mul3A_531 : vector<16xf32>
        %get3A_533 = arith.index_cast %add3A_518 : i32 to index
        %get3A_534 = arith.constant 48 : index
        %get3A_535 = tpu.vector_load %arg16[%get3A_533, %get3A_534] {strides = array<i32>} : memref<640x64xf32, #tpu.memory_space<vmem>>, vector<16xf32>,
        %mul3A_536 = arith.mulf %get3A_307, %get3A_535 : vector<16xf32>
        %add3A_537 = arith.addf %add3A_532, %mul3A_536 : vector<16xf32>
        %broadcast_in_dim3A_538 = arith.constant true
        %broadcast_in_dim3A_539 = vector.broadcast %broadcast_in_dim3A_538 : i1 to vector<16xi1>
        %masked_cumsum3A_540 = tpu.scan <sum>, %add3A_537 masked %broadcast_in_dim3A_539 : vector<16xf32>, vector<16xi1> -> vector<16xf32>
        %add3A_541 = arith.constant 112 : i32
        %add3A_542 = arith.addi %shift_left3A_296, %add3A_541 : i32
        %swap3A_543 = arith.index_cast %add3A_542 : i32 to index
        %swap3A_544 = tpu.vector_load %arg17[%swap3A_543] {strides = array<i32>} : memref<1024xf32, #tpu.memory_space<vmem>>, vector<16xf32>,
        tpu.vector_store %arg17[%swap3A_543], %masked_cumsum3A_540 {strides = array<i32>} : memref<1024xf32, #tpu.memory_space<vmem>>, vector<16xf32>,
        %mul3A_545 = arith.constant 20 : i32
        %mul3A_546 = arith.muli %scan3A_294, %mul3A_545 : i32
        %add3A_547 = arith.constant 8 : i32
        %add3A_548 = arith.addi %mul3A_546, %add3A_547 : i32
        %get3A_549 = arith.index_cast %add3A_548 : i32 to index
        %get3A_550 = arith.constant 0 : index
        %get3A_551 = tpu.vector_load %arg16[%get3A_549, %get3A_550] {strides = array<i32>} : memref<640x64xf32, #tpu.memory_space<vmem>>, vector<16xf32>,
        %mul3A_552 = arith.mulf %get3A_298, %get3A_551 : vector<16xf32>
        %get3A_553 = arith.index_cast %add3A_548 : i32 to index
        %get3A_554 = arith.constant 16 : index
        %get3A_555 = tpu.vector_load %arg16[%get3A_553, %get3A_554] {strides = array<i32>} : memref<640x64xf32, #tpu.memory_space<vmem>>, vector<16xf32>,
        %mul3A_556 = arith.mulf %get3A_301, %get3A_555 : vector<16xf32>
        %add3A_557 = arith.addf %mul3A_552, %mul3A_556 : vector<16xf32>
        %get3A_558 = arith.index_cast %add3A_548 : i32 to index
        %get3A_559 = arith.constant 32 : index
        %get3A_560 = tpu.vector_load %arg16[%get3A_558, %get3A_559] {strides = array<i32>} : memref<640x64xf32, #tpu.memory_space<vmem>>, vector<16xf32>,
        %mul3A_561 = arith.mulf %get3A_304, %get3A_560 : vector<16xf32>
        %add3A_562 = arith.addf %add3A_557, %mul3A_561 : vector<16xf32>
        %get3A_563 = arith.index_cast %add3A_548 : i32 to index
        %get3A_564 = arith.constant 48 : index
        %get3A_565 = tpu.vector_load %arg16[%get3A_563, %get3A_564] {strides = array<i32>} : memref<640x64xf32, #tpu.memory_space<vmem>>, vector<16xf32>,
        %mul3A_566 = arith.mulf %get3A_307, %get3A_565 : vector<16xf32>
        %add3A_567 = arith.addf %add3A_562, %mul3A_566 : vector<16xf32>
        %broadcast_in_dim3A_568 = arith.constant true
        %broadcast_in_dim3A_569 = vector.broadcast %broadcast_in_dim3A_568 : i1 to vector<16xi1>
        %masked_cumsum3A_570 = tpu.scan <sum>, %add3A_567 masked %broadcast_in_dim3A_569 : vector<16xf32>, vector<16xi1> -> vector<16xf32>
        %add3A_571 = arith.constant 128 : i32
        %add3A_572 = arith.addi %shift_left3A_296, %add3A_571 : i32
        %swap3A_573 = arith.index_cast %add3A_572 : i32 to index
        %swap3A_574 = tpu.vector_load %arg17[%swap3A_573] {strides = array<i32>} : memref<1024xf32, #tpu.memory_space<vmem>>, vector<16xf32>,
        tpu.vector_store %arg17[%swap3A_573], %masked_cumsum3A_570 {strides = array<i32>} : memref<1024xf32, #tpu.memory_space<vmem>>, vector<16xf32>,
        %mul3A_575 = arith.constant 20 : i32
        %mul3A_576 = arith.muli %scan3A_294, %mul3A_575 : i32
        %add3A_577 = arith.constant 9 : i32
        %add3A_578 = arith.addi %mul3A_576, %add3A_577 : i32
        %get3A_579 = arith.index_cast %add3A_578 : i32 to index
        %get3A_580 = arith.constant 0 : index
        %get3A_581 = tpu.vector_load %arg16[%get3A_579, %get3A_580] {strides = array<i32>} : memref<640x64xf32, #tpu.memory_space<vmem>>, vector<16xf32>,
        %mul3A_582 = arith.mulf %get3A_298, %get3A_581 : vector<16xf32>
        %get3A_583 = arith.index_cast %add3A_578 : i32 to index
        %get3A_584 = arith.constant 16 : index
        %get3A_585 = tpu.vector_load %arg16[%get3A_583, %get3A_584] {strides = array<i32>} : memref<640x64xf32, #tpu.memory_space<vmem>>, vector<16xf32>,
        %mul3A_586 = arith.mulf %get3A_301, %get3A_585 : vector<16xf32>
        %add3A_587 = arith.addf %mul3A_582, %mul3A_586 : vector<16xf32>
        %get3A_588 = arith.index_cast %add3A_578 : i32 to index
        %get3A_589 = arith.constant 32 : index
        %get3A_590 = tpu.vector_load %arg16[%get3A_588, %get3A_589] {strides = array<i32>} : memref<640x64xf32, #tpu.memory_space<vmem>>, vector<16xf32>,
        %mul3A_591 = arith.mulf %get3A_304, %get3A_590 : vector<16xf32>
        %add3A_592 = arith.addf %add3A_587, %mul3A_591 : vector<16xf32>
        %get3A_593 = arith.index_cast %add3A_578 : i32 to index
        %get3A_594 = arith.constant 48 : index
        %get3A_595 = tpu.vector_load %arg16[%get3A_593, %get3A_594] {strides = array<i32>} : memref<640x64xf32, #tpu.memory_space<vmem>>, vector<16xf32>,
        %mul3A_596 = arith.mulf %get3A_307, %get3A_595 : vector<16xf32>
        %add3A_597 = arith.addf %add3A_592, %mul3A_596 : vector<16xf32>
        %broadcast_in_dim3A_598 = arith.constant true
        %broadcast_in_dim3A_599 = vector.broadcast %broadcast_in_dim3A_598 : i1 to vector<16xi1>
        %masked_cumsum3A_600 = tpu.scan <sum>, %add3A_597 masked %broadcast_in_dim3A_599 : vector<16xf32>, vector<16xi1> -> vector<16xf32>
        %add3A_601 = arith.constant 144 : i32
        %add3A_602 = arith.addi %shift_left3A_296, %add3A_601 : i32
        %swap3A_603 = arith.index_cast %add3A_602 : i32 to index
        %swap3A_604 = tpu.vector_load %arg17[%swap3A_603] {strides = array<i32>} : memref<1024xf32, #tpu.memory_space<vmem>>, vector<16xf32>,
        tpu.vector_store %arg17[%swap3A_603], %masked_cumsum3A_600 {strides = array<i32>} : memref<1024xf32, #tpu.memory_space<vmem>>, vector<16xf32>,
        %mul3A_605 = arith.constant 20 : i32
        %mul3A_606 = arith.muli %scan3A_294, %mul3A_605 : i32
        %add3A_607 = arith.constant 10 : i32
        %add3A_608 = arith.addi %mul3A_606, %add3A_607 : i32
        %get3A_609 = arith.index_cast %add3A_608 : i32 to index
        %get3A_610 = arith.constant 0 : index
        %get3A_611 = tpu.vector_load %arg16[%get3A_609, %get3A_610] {strides = array<i32>} : memref<640x64xf32, #tpu.memory_space<vmem>>, vector<16xf32>,
        %mul3A_612 = arith.mulf %get3A_298, %get3A_611 : vector<16xf32>
        %get3A_613 = arith.index_cast %add3A_608 : i32 to index
        %get3A_614 = arith.constant 16 : index
        %get3A_615 = tpu.vector_load %arg16[%get3A_613, %get3A_614] {strides = array<i32>} : memref<640x64xf32, #tpu.memory_space<vmem>>, vector<16xf32>,
        %mul3A_616 = arith.mulf %get3A_301, %get3A_615 : vector<16xf32>
        %add3A_617 = arith.addf %mul3A_612, %mul3A_616 : vector<16xf32>
        %get3A_618 = arith.index_cast %add3A_608 : i32 to index
        %get3A_619 = arith.constant 32 : index
        %get3A_620 = tpu.vector_load %arg16[%get3A_618, %get3A_619] {strides = array<i32>} : memref<640x64xf32, #tpu.memory_space<vmem>>, vector<16xf32>,
        %mul3A_621 = arith.mulf %get3A_304, %get3A_620 : vector<16xf32>
        %add3A_622 = arith.addf %add3A_617, %mul3A_621 : vector<16xf32>
        %get3A_623 = arith.index_cast %add3A_608 : i32 to index
        %get3A_624 = arith.constant 48 : index
        %get3A_625 = tpu.vector_load %arg16[%get3A_623, %get3A_624] {strides = array<i32>} : memref<640x64xf32, #tpu.memory_space<vmem>>, vector<16xf32>,
        %mul3A_626 = arith.mulf %get3A_307, %get3A_625 : vector<16xf32>
        %add3A_627 = arith.addf %add3A_622, %mul3A_626 : vector<16xf32>
        %broadcast_in_dim3A_628 = arith.constant true
        %broadcast_in_dim3A_629 = vector.broadcast %broadcast_in_dim3A_628 : i1 to vector<16xi1>
        %masked_cumsum3A_630 = tpu.scan <sum>, %add3A_627 masked %broadcast_in_dim3A_629 : vector<16xf32>, vector<16xi1> -> vector<16xf32>
        %add3A_631 = arith.constant 160 : i32
        %add3A_632 = arith.addi %shift_left3A_296, %add3A_631 : i32
        %swap3A_633 = arith.index_cast %add3A_632 : i32 to index
        %swap3A_634 = tpu.vector_load %arg17[%swap3A_633] {strides = array<i32>} : memref<1024xf32, #tpu.memory_space<vmem>>, vector<16xf32>,
        tpu.vector_store %arg17[%swap3A_633], %masked_cumsum3A_630 {strides = array<i32>} : memref<1024xf32, #tpu.memory_space<vmem>>, vector<16xf32>,
        %mul3A_635 = arith.constant 20 : i32
        %mul3A_636 = arith.muli %scan3A_294, %mul3A_635 : i32
        %add3A_637 = arith.constant 11 : i32
        %add3A_638 = arith.addi %mul3A_636, %add3A_637 : i32
        %get3A_639 = arith.index_cast %add3A_638 : i32 to index
        %get3A_640 = arith.constant 0 : index
        %get3A_641 = tpu.vector_load %arg16[%get3A_639, %get3A_640] {strides = array<i32>} : memref<640x64xf32, #tpu.memory_space<vmem>>, vector<16xf32>,
        %mul3A_642 = arith.mulf %get3A_298, %get3A_641 : vector<16xf32>
        %get3A_643 = arith.index_cast %add3A_638 : i32 to index
        %get3A_644 = arith.constant 16 : index
        %get3A_645 = tpu.vector_load %arg16[%get3A_643, %get3A_644] {strides = array<i32>} : memref<640x64xf32, #tpu.memory_space<vmem>>, vector<16xf32>,
        %mul3A_646 = arith.mulf %get3A_301, %get3A_645 : vector<16xf32>
        %add3A_647 = arith.addf %mul3A_642, %mul3A_646 : vector<16xf32>
        %get3A_648 = arith.index_cast %add3A_638 : i32 to index
        %get3A_649 = arith.constant 32 : index
        %get3A_650 = tpu.vector_load %arg16[%get3A_648, %get3A_649] {strides = array<i32>} : memref<640x64xf32, #tpu.memory_space<vmem>>, vector<16xf32>,
        %mul3A_651 = arith.mulf %get3A_304, %get3A_650 : vector<16xf32>
        %add3A_652 = arith.addf %add3A_647, %mul3A_651 : vector<16xf32>
        %get3A_653 = arith.index_cast %add3A_638 : i32 to index
        %get3A_654 = arith.constant 48 : index
        %get3A_655 = tpu.vector_load %arg16[%get3A_653, %get3A_654] {strides = array<i32>} : memref<640x64xf32, #tpu.memory_space<vmem>>, vector<16xf32>,
        %mul3A_656 = arith.mulf %get3A_307, %get3A_655 : vector<16xf32>
        %add3A_657 = arith.addf %add3A_652, %mul3A_656 : vector<16xf32>
        %broadcast_in_dim3A_658 = arith.constant true
        %broadcast_in_dim3A_659 = vector.broadcast %broadcast_in_dim3A_658 : i1 to vector<16xi1>
        %masked_cumsum3A_660 = tpu.scan <sum>, %add3A_657 masked %broadcast_in_dim3A_659 : vector<16xf32>, vector<16xi1> -> vector<16xf32>
        %add3A_661 = arith.constant 176 : i32
        %add3A_662 = arith.addi %shift_left3A_296, %add3A_661 : i32
        %swap3A_663 = arith.index_cast %add3A_662 : i32 to index
        %swap3A_664 = tpu.vector_load %arg17[%swap3A_663] {strides = array<i32>} : memref<1024xf32, #tpu.memory_space<vmem>>, vector<16xf32>,
        tpu.vector_store %arg17[%swap3A_663], %masked_cumsum3A_660 {strides = array<i32>} : memref<1024xf32, #tpu.memory_space<vmem>>, vector<16xf32>,
        %mul3A_665 = arith.constant 20 : i32
        %mul3A_666 = arith.muli %scan3A_294, %mul3A_665 : i32
        %add3A_667 = arith.constant 12 : i32
        %add3A_668 = arith.addi %mul3A_666, %add3A_667 : i32
        %get3A_669 = arith.index_cast %add3A_668 : i32 to index
        %get3A_670 = arith.constant 0 : index
        %get3A_671 = tpu.vector_load %arg16[%get3A_669, %get3A_670] {strides = array<i32>} : memref<640x64xf32, #tpu.memory_space<vmem>>, vector<16xf32>,
        %mul3A_672 = arith.mulf %get3A_298, %get3A_671 : vector<16xf32>
        %get3A_673 = arith.index_cast %add3A_668 : i32 to index
        %get3A_674 = arith.constant 16 : index
        %get3A_675 = tpu.vector_load %arg16[%get3A_673, %get3A_674] {strides = array<i32>} : memref<640x64xf32, #tpu.memory_space<vmem>>, vector<16xf32>,
        %mul3A_676 = arith.mulf %get3A_301, %get3A_675 : vector<16xf32>
        %add3A_677 = arith.addf %mul3A_672, %mul3A_676 : vector<16xf32>
        %get3A_678 = arith.index_cast %add3A_668 : i32 to index
        %get3A_679 = arith.constant 32 : index
        %get3A_680 = tpu.vector_load %arg16[%get3A_678, %get3A_679] {strides = array<i32>} : memref<640x64xf32, #tpu.memory_space<vmem>>, vector<16xf32>,
        %mul3A_681 = arith.mulf %get3A_304, %get3A_680 : vector<16xf32>
        %add3A_682 = arith.addf %add3A_677, %mul3A_681 : vector<16xf32>
        %get3A_683 = arith.index_cast %add3A_668 : i32 to index
        %get3A_684 = arith.constant 48 : index
        %get3A_685 = tpu.vector_load %arg16[%get3A_683, %get3A_684] {strides = array<i32>} : memref<640x64xf32, #tpu.memory_space<vmem>>, vector<16xf32>,
        %mul3A_686 = arith.mulf %get3A_307, %get3A_685 : vector<16xf32>
        %add3A_687 = arith.addf %add3A_682, %mul3A_686 : vector<16xf32>
        %broadcast_in_dim3A_688 = arith.constant true
        %broadcast_in_dim3A_689 = vector.broadcast %broadcast_in_dim3A_688 : i1 to vector<16xi1>
        %masked_cumsum3A_690 = tpu.scan <sum>, %add3A_687 masked %broadcast_in_dim3A_689 : vector<16xf32>, vector<16xi1> -> vector<16xf32>
        %add3A_691 = arith.constant 192 : i32
        %add3A_692 = arith.addi %shift_left3A_296, %add3A_691 : i32
        %swap3A_693 = arith.index_cast %add3A_692 : i32 to index
        %swap3A_694 = tpu.vector_load %arg17[%swap3A_693] {strides = array<i32>} : memref<1024xf32, #tpu.memory_space<vmem>>, vector<16xf32>,
        tpu.vector_store %arg17[%swap3A_693], %masked_cumsum3A_690 {strides = array<i32>} : memref<1024xf32, #tpu.memory_space<vmem>>, vector<16xf32>,
        %mul3A_695 = arith.constant 20 : i32
        %mul3A_696 = arith.muli %scan3A_294, %mul3A_695 : i32
        %add3A_697 = arith.constant 13 : i32
        %add3A_698 = arith.addi %mul3A_696, %add3A_697 : i32
        %get3A_699 = arith.index_cast %add3A_698 : i32 to index
        %get3A_700 = arith.constant 0 : index
        %get3A_701 = tpu.vector_load %arg16[%get3A_699, %get3A_700] {strides = array<i32>} : memref<640x64xf32, #tpu.memory_space<vmem>>, vector<16xf32>,
        %mul3A_702 = arith.mulf %get3A_298, %get3A_701 : vector<16xf32>
        %get3A_703 = arith.index_cast %add3A_698 : i32 to index
        %get3A_704 = arith.constant 16 : index
        %get3A_705 = tpu.vector_load %arg16[%get3A_703, %get3A_704] {strides = array<i32>} : memref<640x64xf32, #tpu.memory_space<vmem>>, vector<16xf32>,
        %mul3A_706 = arith.mulf %get3A_301, %get3A_705 : vector<16xf32>
        %add3A_707 = arith.addf %mul3A_702, %mul3A_706 : vector<16xf32>
        %get3A_708 = arith.index_cast %add3A_698 : i32 to index
        %get3A_709 = arith.constant 32 : index
        %get3A_710 = tpu.vector_load %arg16[%get3A_708, %get3A_709] {strides = array<i32>} : memref<640x64xf32, #tpu.memory_space<vmem>>, vector<16xf32>,
        %mul3A_711 = arith.mulf %get3A_304, %get3A_710 : vector<16xf32>
        %add3A_712 = arith.addf %add3A_707, %mul3A_711 : vector<16xf32>
        %get3A_713 = arith.index_cast %add3A_698 : i32 to index
        %get3A_714 = arith.constant 48 : index
        %get3A_715 = tpu.vector_load %arg16[%get3A_713, %get3A_714] {strides = array<i32>} : memref<640x64xf32, #tpu.memory_space<vmem>>, vector<16xf32>,
        %mul3A_716 = arith.mulf %get3A_307, %get3A_715 : vector<16xf32>
        %add3A_717 = arith.addf %add3A_712, %mul3A_716 : vector<16xf32>
        %broadcast_in_dim3A_718 = arith.constant true
        %broadcast_in_dim3A_719 = vector.broadcast %broadcast_in_dim3A_718 : i1 to vector<16xi1>
        %masked_cumsum3A_720 = tpu.scan <sum>, %add3A_717 masked %broadcast_in_dim3A_719 : vector<16xf32>, vector<16xi1> -> vector<16xf32>
        %add3A_721 = arith.constant 208 : i32
        %add3A_722 = arith.addi %shift_left3A_296, %add3A_721 : i32
        %swap3A_723 = arith.index_cast %add3A_722 : i32 to index
        %swap3A_724 = tpu.vector_load %arg17[%swap3A_723] {strides = array<i32>} : memref<1024xf32, #tpu.memory_space<vmem>>, vector<16xf32>,
        tpu.vector_store %arg17[%swap3A_723], %masked_cumsum3A_720 {strides = array<i32>} : memref<1024xf32, #tpu.memory_space<vmem>>, vector<16xf32>,
        %mul3A_725 = arith.constant 20 : i32
        %mul3A_726 = arith.muli %scan3A_294, %mul3A_725 : i32
        %add3A_727 = arith.constant 14 : i32
        %add3A_728 = arith.addi %mul3A_726, %add3A_727 : i32
        %get3A_729 = arith.index_cast %add3A_728 : i32 to index
        %get3A_730 = arith.constant 0 : index
        %get3A_731 = tpu.vector_load %arg16[%get3A_729, %get3A_730] {strides = array<i32>} : memref<640x64xf32, #tpu.memory_space<vmem>>, vector<16xf32>,
        %mul3A_732 = arith.mulf %get3A_298, %get3A_731 : vector<16xf32>
        %get3A_733 = arith.index_cast %add3A_728 : i32 to index
        %get3A_734 = arith.constant 16 : index
        %get3A_735 = tpu.vector_load %arg16[%get3A_733, %get3A_734] {strides = array<i32>} : memref<640x64xf32, #tpu.memory_space<vmem>>, vector<16xf32>,
        %mul3A_736 = arith.mulf %get3A_301, %get3A_735 : vector<16xf32>
        %add3A_737 = arith.addf %mul3A_732, %mul3A_736 : vector<16xf32>
        %get3A_738 = arith.index_cast %add3A_728 : i32 to index
        %get3A_739 = arith.constant 32 : index
        %get3A_740 = tpu.vector_load %arg16[%get3A_738, %get3A_739] {strides = array<i32>} : memref<640x64xf32, #tpu.memory_space<vmem>>, vector<16xf32>,
        %mul3A_741 = arith.mulf %get3A_304, %get3A_740 : vector<16xf32>
        %add3A_742 = arith.addf %add3A_737, %mul3A_741 : vector<16xf32>
        %get3A_743 = arith.index_cast %add3A_728 : i32 to index
        %get3A_744 = arith.constant 48 : index
        %get3A_745 = tpu.vector_load %arg16[%get3A_743, %get3A_744] {strides = array<i32>} : memref<640x64xf32, #tpu.memory_space<vmem>>, vector<16xf32>,
        %mul3A_746 = arith.mulf %get3A_307, %get3A_745 : vector<16xf32>
        %add3A_747 = arith.addf %add3A_742, %mul3A_746 : vector<16xf32>
        %broadcast_in_dim3A_748 = arith.constant true
        %broadcast_in_dim3A_749 = vector.broadcast %broadcast_in_dim3A_748 : i1 to vector<16xi1>
        %masked_cumsum3A_750 = tpu.scan <sum>, %add3A_747 masked %broadcast_in_dim3A_749 : vector<16xf32>, vector<16xi1> -> vector<16xf32>
        %add3A_751 = arith.constant 224 : i32
        %add3A_752 = arith.addi %shift_left3A_296, %add3A_751 : i32
        %swap3A_753 = arith.index_cast %add3A_752 : i32 to index
        %swap3A_754 = tpu.vector_load %arg17[%swap3A_753] {strides = array<i32>} : memref<1024xf32, #tpu.memory_space<vmem>>, vector<16xf32>,
        tpu.vector_store %arg17[%swap3A_753], %masked_cumsum3A_750 {strides = array<i32>} : memref<1024xf32, #tpu.memory_space<vmem>>, vector<16xf32>,
        %mul3A_755 = arith.constant 20 : i32
        %mul3A_756 = arith.muli %scan3A_294, %mul3A_755 : i32
        %add3A_757 = arith.constant 15 : i32
        %add3A_758 = arith.addi %mul3A_756, %add3A_757 : i32
        %get3A_759 = arith.index_cast %add3A_758 : i32 to index
        %get3A_760 = arith.constant 0 : index
        %get3A_761 = tpu.vector_load %arg16[%get3A_759, %get3A_760] {strides = array<i32>} : memref<640x64xf32, #tpu.memory_space<vmem>>, vector<16xf32>,
        %mul3A_762 = arith.mulf %get3A_298, %get3A_761 : vector<16xf32>
        %get3A_763 = arith.index_cast %add3A_758 : i32 to index
        %get3A_764 = arith.constant 16 : index
        %get3A_765 = tpu.vector_load %arg16[%get3A_763, %get3A_764] {strides = array<i32>} : memref<640x64xf32, #tpu.memory_space<vmem>>, vector<16xf32>,
        %mul3A_766 = arith.mulf %get3A_301, %get3A_765 : vector<16xf32>
        %add3A_767 = arith.addf %mul3A_762, %mul3A_766 : vector<16xf32>
        %get3A_768 = arith.index_cast %add3A_758 : i32 to index
        %get3A_769 = arith.constant 32 : index
        %get3A_770 = tpu.vector_load %arg16[%get3A_768, %get3A_769] {strides = array<i32>} : memref<640x64xf32, #tpu.memory_space<vmem>>, vector<16xf32>,
        %mul3A_771 = arith.mulf %get3A_304, %get3A_770 : vector<16xf32>
        %add3A_772 = arith.addf %add3A_767, %mul3A_771 : vector<16xf32>
        %get3A_773 = arith.index_cast %add3A_758 : i32 to index
        %get3A_774 = arith.constant 48 : index
        %get3A_775 = tpu.vector_load %arg16[%get3A_773, %get3A_774] {strides = array<i32>} : memref<640x64xf32, #tpu.memory_space<vmem>>, vector<16xf32>,
        %mul3A_776 = arith.mulf %get3A_307, %get3A_775 : vector<16xf32>
        %add3A_777 = arith.addf %add3A_772, %mul3A_776 : vector<16xf32>
        %broadcast_in_dim3A_778 = arith.constant true
        %broadcast_in_dim3A_779 = vector.broadcast %broadcast_in_dim3A_778 : i1 to vector<16xi1>
        %masked_cumsum3A_780 = tpu.scan <sum>, %add3A_777 masked %broadcast_in_dim3A_779 : vector<16xf32>, vector<16xi1> -> vector<16xf32>
        %add3A_781 = arith.constant 240 : i32
        %add3A_782 = arith.addi %shift_left3A_296, %add3A_781 : i32
        %swap3A_783 = arith.index_cast %add3A_782 : i32 to index
        %swap3A_784 = tpu.vector_load %arg17[%swap3A_783] {strides = array<i32>} : memref<1024xf32, #tpu.memory_space<vmem>>, vector<16xf32>,
        tpu.vector_store %arg17[%swap3A_783], %masked_cumsum3A_780 {strides = array<i32>} : memref<1024xf32, #tpu.memory_space<vmem>>, vector<16xf32>,
        %mul3A_785 = arith.constant 20 : i32
        %mul3A_786 = arith.muli %scan3A_294, %mul3A_785 : i32
        %add3A_787 = arith.constant 16 : i32
        %add3A_788 = arith.addi %mul3A_786, %add3A_787 : i32
        %get3A_789 = arith.index_cast %add3A_788 : i32 to index
        %get3A_790 = arith.constant 0 : index
        %get3A_791 = tpu.vector_load %arg16[%get3A_789, %get3A_790] {strides = array<i32>} : memref<640x64xf32, #tpu.memory_space<vmem>>, vector<16xf32>,
        %mul3A_792 = arith.mulf %get3A_298, %get3A_791 : vector<16xf32>
        %get3A_793 = arith.index_cast %add3A_788 : i32 to index
        %get3A_794 = arith.constant 16 : index
        %get3A_795 = tpu.vector_load %arg16[%get3A_793, %get3A_794] {strides = array<i32>} : memref<640x64xf32, #tpu.memory_space<vmem>>, vector<16xf32>,
        %mul3A_796 = arith.mulf %get3A_301, %get3A_795 : vector<16xf32>
        %add3A_797 = arith.addf %mul3A_792, %mul3A_796 : vector<16xf32>
        %get3A_798 = arith.index_cast %add3A_788 : i32 to index
        %get3A_799 = arith.constant 32 : index
        %get3A_800 = tpu.vector_load %arg16[%get3A_798, %get3A_799] {strides = array<i32>} : memref<640x64xf32, #tpu.memory_space<vmem>>, vector<16xf32>,
        %mul3A_801 = arith.mulf %get3A_304, %get3A_800 : vector<16xf32>
        %add3A_802 = arith.addf %add3A_797, %mul3A_801 : vector<16xf32>
        %get3A_803 = arith.index_cast %add3A_788 : i32 to index
        %get3A_804 = arith.constant 48 : index
        %get3A_805 = tpu.vector_load %arg16[%get3A_803, %get3A_804] {strides = array<i32>} : memref<640x64xf32, #tpu.memory_space<vmem>>, vector<16xf32>,
        %mul3A_806 = arith.mulf %get3A_307, %get3A_805 : vector<16xf32>
        %add3A_807 = arith.addf %add3A_802, %mul3A_806 : vector<16xf32>
        %broadcast_in_dim3A_808 = arith.constant true
        %broadcast_in_dim3A_809 = vector.broadcast %broadcast_in_dim3A_808 : i1 to vector<16xi1>
        %masked_cumsum3A_810 = tpu.scan <sum>, %add3A_807 masked %broadcast_in_dim3A_809 : vector<16xf32>, vector<16xi1> -> vector<16xf32>
        %add3A_811 = arith.constant 256 : i32
        %add3A_812 = arith.addi %shift_left3A_296, %add3A_811 : i32
        %swap3A_813 = arith.index_cast %add3A_812 : i32 to index
        %swap3A_814 = tpu.vector_load %arg17[%swap3A_813] {strides = array<i32>} : memref<1024xf32, #tpu.memory_space<vmem>>, vector<16xf32>,
        tpu.vector_store %arg17[%swap3A_813], %masked_cumsum3A_810 {strides = array<i32>} : memref<1024xf32, #tpu.memory_space<vmem>>, vector<16xf32>,
        %mul3A_815 = arith.constant 20 : i32
        %mul3A_816 = arith.muli %scan3A_294, %mul3A_815 : i32
        %add3A_817 = arith.constant 17 : i32
        %add3A_818 = arith.addi %mul3A_816, %add3A_817 : i32
        %get3A_819 = arith.index_cast %add3A_818 : i32 to index
        %get3A_820 = arith.constant 0 : index
        %get3A_821 = tpu.vector_load %arg16[%get3A_819, %get3A_820] {strides = array<i32>} : memref<640x64xf32, #tpu.memory_space<vmem>>, vector<16xf32>,
        %mul3A_822 = arith.mulf %get3A_298, %get3A_821 : vector<16xf32>
        %get3A_823 = arith.index_cast %add3A_818 : i32 to index
        %get3A_824 = arith.constant 16 : index
        %get3A_825 = tpu.vector_load %arg16[%get3A_823, %get3A_824] {strides = array<i32>} : memref<640x64xf32, #tpu.memory_space<vmem>>, vector<16xf32>,
        %mul3A_826 = arith.mulf %get3A_301, %get3A_825 : vector<16xf32>
        %add3A_827 = arith.addf %mul3A_822, %mul3A_826 : vector<16xf32>
        %get3A_828 = arith.index_cast %add3A_818 : i32 to index
        %get3A_829 = arith.constant 32 : index
        %get3A_830 = tpu.vector_load %arg16[%get3A_828, %get3A_829] {strides = array<i32>} : memref<640x64xf32, #tpu.memory_space<vmem>>, vector<16xf32>,
        %mul3A_831 = arith.mulf %get3A_304, %get3A_830 : vector<16xf32>
        %add3A_832 = arith.addf %add3A_827, %mul3A_831 : vector<16xf32>
        %get3A_833 = arith.index_cast %add3A_818 : i32 to index
        %get3A_834 = arith.constant 48 : index
        %get3A_835 = tpu.vector_load %arg16[%get3A_833, %get3A_834] {strides = array<i32>} : memref<640x64xf32, #tpu.memory_space<vmem>>, vector<16xf32>,
        %mul3A_836 = arith.mulf %get3A_307, %get3A_835 : vector<16xf32>
        %add3A_837 = arith.addf %add3A_832, %mul3A_836 : vector<16xf32>
        %broadcast_in_dim3A_838 = arith.constant true
        %broadcast_in_dim3A_839 = vector.broadcast %broadcast_in_dim3A_838 : i1 to vector<16xi1>
        %masked_cumsum3A_840 = tpu.scan <sum>, %add3A_837 masked %broadcast_in_dim3A_839 : vector<16xf32>, vector<16xi1> -> vector<16xf32>
        %add3A_841 = arith.constant 272 : i32
        %add3A_842 = arith.addi %shift_left3A_296, %add3A_841 : i32
        %swap3A_843 = arith.index_cast %add3A_842 : i32 to index
        %swap3A_844 = tpu.vector_load %arg17[%swap3A_843] {strides = array<i32>} : memref<1024xf32, #tpu.memory_space<vmem>>, vector<16xf32>,
        tpu.vector_store %arg17[%swap3A_843], %masked_cumsum3A_840 {strides = array<i32>} : memref<1024xf32, #tpu.memory_space<vmem>>, vector<16xf32>,
        %mul3A_845 = arith.constant 20 : i32
        %mul3A_846 = arith.muli %scan3A_294, %mul3A_845 : i32
        %add3A_847 = arith.constant 18 : i32
        %add3A_848 = arith.addi %mul3A_846, %add3A_847 : i32
        %get3A_849 = arith.index_cast %add3A_848 : i32 to index
        %get3A_850 = arith.constant 0 : index
        %get3A_851 = tpu.vector_load %arg16[%get3A_849, %get3A_850] {strides = array<i32>} : memref<640x64xf32, #tpu.memory_space<vmem>>, vector<16xf32>,
        %mul3A_852 = arith.mulf %get3A_298, %get3A_851 : vector<16xf32>
        %get3A_853 = arith.index_cast %add3A_848 : i32 to index
        %get3A_854 = arith.constant 16 : index
        %get3A_855 = tpu.vector_load %arg16[%get3A_853, %get3A_854] {strides = array<i32>} : memref<640x64xf32, #tpu.memory_space<vmem>>, vector<16xf32>,
        %mul3A_856 = arith.mulf %get3A_301, %get3A_855 : vector<16xf32>
        %add3A_857 = arith.addf %mul3A_852, %mul3A_856 : vector<16xf32>
        %get3A_858 = arith.index_cast %add3A_848 : i32 to index
        %get3A_859 = arith.constant 32 : index
        %get3A_860 = tpu.vector_load %arg16[%get3A_858, %get3A_859] {strides = array<i32>} : memref<640x64xf32, #tpu.memory_space<vmem>>, vector<16xf32>,
        %mul3A_861 = arith.mulf %get3A_304, %get3A_860 : vector<16xf32>
        %add3A_862 = arith.addf %add3A_857, %mul3A_861 : vector<16xf32>
        %get3A_863 = arith.index_cast %add3A_848 : i32 to index
        %get3A_864 = arith.constant 48 : index
        %get3A_865 = tpu.vector_load %arg16[%get3A_863, %get3A_864] {strides = array<i32>} : memref<640x64xf32, #tpu.memory_space<vmem>>, vector<16xf32>,
        %mul3A_866 = arith.mulf %get3A_307, %get3A_865 : vector<16xf32>
        %add3A_867 = arith.addf %add3A_862, %mul3A_866 : vector<16xf32>
        %broadcast_in_dim3A_868 = arith.constant true
        %broadcast_in_dim3A_869 = vector.broadcast %broadcast_in_dim3A_868 : i1 to vector<16xi1>
        %masked_cumsum3A_870 = tpu.scan <sum>, %add3A_867 masked %broadcast_in_dim3A_869 : vector<16xf32>, vector<16xi1> -> vector<16xf32>
        %add3A_871 = arith.constant 288 : i32
        %add3A_872 = arith.addi %shift_left3A_296, %add3A_871 : i32
        %swap3A_873 = arith.index_cast %add3A_872 : i32 to index
        %swap3A_874 = tpu.vector_load %arg17[%swap3A_873] {strides = array<i32>} : memref<1024xf32, #tpu.memory_space<vmem>>, vector<16xf32>,
        tpu.vector_store %arg17[%swap3A_873], %masked_cumsum3A_870 {strides = array<i32>} : memref<1024xf32, #tpu.memory_space<vmem>>, vector<16xf32>,
        %mul3A_875 = arith.constant 20 : i32
        %mul3A_876 = arith.muli %scan3A_294, %mul3A_875 : i32
        %add3A_877 = arith.constant 19 : i32
        %add3A_878 = arith.addi %mul3A_876, %add3A_877 : i32
        %get3A_879 = arith.index_cast %add3A_878 : i32 to index
        %get3A_880 = arith.constant 0 : index
        %get3A_881 = tpu.vector_load %arg16[%get3A_879, %get3A_880] {strides = array<i32>} : memref<640x64xf32, #tpu.memory_space<vmem>>, vector<16xf32>,
        %mul3A_882 = arith.mulf %get3A_298, %get3A_881 : vector<16xf32>
        %get3A_883 = arith.index_cast %add3A_878 : i32 to index
        %get3A_884 = arith.constant 16 : index
        %get3A_885 = tpu.vector_load %arg16[%get3A_883, %get3A_884] {strides = array<i32>} : memref<640x64xf32, #tpu.memory_space<vmem>>, vector<16xf32>,
        %mul3A_886 = arith.mulf %get3A_301, %get3A_885 : vector<16xf32>
        %add3A_887 = arith.addf %mul3A_882, %mul3A_886 : vector<16xf32>
        %get3A_888 = arith.index_cast %add3A_878 : i32 to index
        %get3A_889 = arith.constant 32 : index
        %get3A_890 = tpu.vector_load %arg16[%get3A_888, %get3A_889] {strides = array<i32>} : memref<640x64xf32, #tpu.memory_space<vmem>>, vector<16xf32>,
        %mul3A_891 = arith.mulf %get3A_304, %get3A_890 : vector<16xf32>
        %add3A_892 = arith.addf %add3A_887, %mul3A_891 : vector<16xf32>
        %get3A_893 = arith.index_cast %add3A_878 : i32 to index
        %get3A_894 = arith.constant 48 : index
        %get3A_895 = tpu.vector_load %arg16[%get3A_893, %get3A_894] {strides = array<i32>} : memref<640x64xf32, #tpu.memory_space<vmem>>, vector<16xf32>,
        %mul3A_896 = arith.mulf %get3A_307, %get3A_895 : vector<16xf32>
        %add3A_897 = arith.addf %add3A_892, %mul3A_896 : vector<16xf32>
        %broadcast_in_dim3A_898 = arith.constant true
        %broadcast_in_dim3A_899 = vector.broadcast %broadcast_in_dim3A_898 : i1 to vector<16xi1>
        %masked_cumsum3A_900 = tpu.scan <sum>, %add3A_897 masked %broadcast_in_dim3A_899 : vector<16xf32>, vector<16xi1> -> vector<16xf32>
        %add3A_901 = arith.constant 304 : i32
        %add3A_902 = arith.addi %shift_left3A_296, %add3A_901 : i32
        %swap3A_903 = arith.index_cast %add3A_902 : i32 to index
        %swap3A_904 = tpu.vector_load %arg17[%swap3A_903] {strides = array<i32>} : memref<1024xf32, #tpu.memory_space<vmem>>, vector<16xf32>,
        tpu.vector_store %arg17[%swap3A_903], %masked_cumsum3A_900 {strides = array<i32>} : memref<1024xf32, #tpu.memory_space<vmem>>, vector<16xf32>,
        %get3A_905 = arith.index_cast %scan3A_294 : i32 to index
        %get3A_906 = arith.constant 0 : index
        %get3A_907 = tpu.vector_load %arg15[%get3A_905, %get3A_906] {strides = array<i32>} : memref<32x64xf32, #tpu.memory_space<vmem>>, vector<16xf32>,
        %mul3A_908 = arith.mulf %get3A_298, %get3A_907 : vector<16xf32>
        %get3A_909 = arith.index_cast %scan3A_294 : i32 to index
        %get3A_910 = arith.constant 16 : index
        %get3A_911 = tpu.vector_load %arg15[%get3A_909, %get3A_910] {strides = array<i32>} : memref<32x64xf32, #tpu.memory_space<vmem>>, vector<16xf32>,
        %mul3A_912 = arith.mulf %get3A_301, %get3A_911 : vector<16xf32>
        %add3A_913 = arith.addf %mul3A_908, %mul3A_912 : vector<16xf32>
        %get3A_914 = arith.index_cast %scan3A_294 : i32 to index
        %get3A_915 = arith.constant 32 : index
        %get3A_916 = tpu.vector_load %arg15[%get3A_914, %get3A_915] {strides = array<i32>} : memref<32x64xf32, #tpu.memory_space<vmem>>, vector<16xf32>,
        %mul3A_917 = arith.mulf %get3A_304, %get3A_916 : vector<16xf32>
        %add3A_918 = arith.addf %add3A_913, %mul3A_917 : vector<16xf32>
        %get3A_919 = arith.index_cast %scan3A_294 : i32 to index
        %get3A_920 = arith.constant 48 : index
        %get3A_921 = tpu.vector_load %arg15[%get3A_919, %get3A_920] {strides = array<i32>} : memref<32x64xf32, #tpu.memory_space<vmem>>, vector<16xf32>,
        %mul3A_922 = arith.mulf %get3A_307, %get3A_921 : vector<16xf32>
        %add3A_923 = arith.addf %add3A_918, %mul3A_922 : vector<16xf32>
        %broadcast_in_dim3A_924 = arith.constant true
        %broadcast_in_dim3A_925 = vector.broadcast %broadcast_in_dim3A_924 : i1 to vector<16xi1>
        %masked_cumsum3A_926 = tpu.scan <sum>, %add3A_923 masked %broadcast_in_dim3A_925 : vector<16xf32>, vector<16xi1> -> vector<16xf32>
        %add3A_927 = arith.constant 320 : i32
        %add3A_928 = arith.addi %shift_left3A_296, %add3A_927 : i32
        %swap3A_929 = arith.index_cast %add3A_928 : i32 to index
        %swap3A_930 = tpu.vector_load %arg17[%swap3A_929] {strides = array<i32>} : memref<1024xf32, #tpu.memory_space<vmem>>, vector<16xf32>,
        tpu.vector_store %arg17[%swap3A_929], %masked_cumsum3A_926 {strides = array<i32>} : memref<1024xf32, #tpu.memory_space<vmem>>, vector<16xf32>,
        %mul3A_931 = arith.constant 16 : i32
        %mul3A_932 = vector.broadcast %mul3A_931 : i32 to vector<16xi32>
        %mul3A_933 = arith.muli %iota3A, %mul3A_932 : vector<16xi32>
        %add3A_934 = vector.broadcast %shift_left3A_296 : i32 to vector<16xi32>
        %add3A_935 = arith.addi %add3A_934, %mul3A_933 : vector<16xi32>
        %add3A_936 = arith.constant 15 : i32
        %add3A_937 = vector.broadcast %add3A_936 : i32 to vector<16xi32>
        %add3A_938 = arith.addi %add3A_935, %add3A_937 : vector<16xi32>
        %gather3A = tpu.vector_load_idx %arg17[%add3A_938] : memref<1024xf32, #tpu.memory_space<vmem>>[vector<16xi32>], vector<16xf32>,
        %mul3A_939 = arith.constant 16 : i32
        %mul3A_940 = vector.broadcast %mul3A_939 : i32 to vector<16xi32>
        %mul3A_941 = arith.muli %iota3A, %mul3A_940 : vector<16xi32>
        %add3A_942 = vector.broadcast %shift_left3A_296 : i32 to vector<16xi32>
        %add3A_943 = arith.addi %add3A_942, %mul3A_941 : vector<16xi32>
        %add3A_944 = arith.constant 271 : i32
        %add3A_945 = vector.broadcast %add3A_944 : i32 to vector<16xi32>
        %add3A_946 = arith.addi %add3A_943, %add3A_945 : vector<16xi32>
        %gather3A_947 = tpu.vector_load_idx %arg17[%add3A_946] : memref<1024xf32, #tpu.memory_space<vmem>>[vector<16xi32>], vector<16xf32>,
        %add3A_948 = arith.addi %mul3A_287, %scan3A_294 : i32
        %swap3A_949 = arith.index_cast %add3A_948 : i32 to index
        %swap3A_950 = arith.constant 0 : index
        %swap3A_951 = tpu.vector_load %arg18[%swap3A_949, %swap3A_950] {strides = array<i32>} : memref<512x32xf32, #tpu.memory_space<vmem>>, vector<16xf32>,
        tpu.vector_store %arg18[%swap3A_949, %swap3A_950], %gather3A {strides = array<i32>} : memref<512x32xf32, #tpu.memory_space<vmem>>, vector<16xf32>,
        %swap3A_952 = arith.index_cast %add3A_948 : i32 to index
        %swap3A_953 = arith.constant 16 : index
        %swap3A_954 = tpu.vector_load %arg18[%swap3A_952, %swap3A_953] {strides = array<i32>} : memref<512x32xf32, #tpu.memory_space<vmem>>, vector<16xf32>,
        tpu.vector_store %arg18[%swap3A_952, %swap3A_953], %gather3A_947 {strides = array<i32>} : memref<512x32xf32, #tpu.memory_space<vmem>>, vector<16xf32>,
        %scan3A_955 = arith.constant 1 : i32
        %scan3A_956 = arith.addi %scan3A_294, %scan3A_955 : i32
        %and3A_957 = arith.constant 1 : i32
        %and3A_958 = arith.andi %scan3A_956, %and3A_957 : i32
        %shift_left3A_959 = arith.constant 9 : i32
        %shift_left3A_960 = arith.shli %and3A_958, %shift_left3A_959 : i32
        %get3A_961 = arith.index_cast %scan3A_956 : i32 to index
        %get3A_962 = arith.constant 0 : index
        %get3A_963 = tpu.vector_load %arg14[%get3A_961, %get3A_962] {strides = array<i32>} : memref<32x64xf32, #tpu.memory_space<vmem>>, vector<16xf32>,
        %get3A_964 = arith.index_cast %scan3A_956 : i32 to index
        %get3A_965 = arith.constant 16 : index
        %get3A_966 = tpu.vector_load %arg14[%get3A_964, %get3A_965] {strides = array<i32>} : memref<32x64xf32, #tpu.memory_space<vmem>>, vector<16xf32>,
        %get3A_967 = arith.index_cast %scan3A_956 : i32 to index
        %get3A_968 = arith.constant 32 : index
        %get3A_969 = tpu.vector_load %arg14[%get3A_967, %get3A_968] {strides = array<i32>} : memref<32x64xf32, #tpu.memory_space<vmem>>, vector<16xf32>,
        %get3A_970 = arith.index_cast %scan3A_956 : i32 to index
        %get3A_971 = arith.constant 48 : index
        %get3A_972 = tpu.vector_load %arg14[%get3A_970, %get3A_971] {strides = array<i32>} : memref<32x64xf32, #tpu.memory_space<vmem>>, vector<16xf32>,
        %mul3A_973 = arith.constant 20 : i32
        %mul3A_974 = arith.muli %scan3A_956, %mul3A_973 : i32
        %add3A_975 = arith.constant 0 : i32
        %add3A_976 = arith.addi %mul3A_974, %add3A_975 : i32
        %get3A_977 = arith.index_cast %add3A_976 : i32 to index
        %get3A_978 = arith.constant 0 : index
        %get3A_979 = tpu.vector_load %arg16[%get3A_977, %get3A_978] {strides = array<i32>} : memref<640x64xf32, #tpu.memory_space<vmem>>, vector<16xf32>,
        %mul3A_980 = arith.mulf %get3A_963, %get3A_979 : vector<16xf32>
        %get3A_981 = arith.index_cast %add3A_976 : i32 to index
        %get3A_982 = arith.constant 16 : index
        %get3A_983 = tpu.vector_load %arg16[%get3A_981, %get3A_982] {strides = array<i32>} : memref<640x64xf32, #tpu.memory_space<vmem>>, vector<16xf32>,
        %mul3A_984 = arith.mulf %get3A_966, %get3A_983 : vector<16xf32>
        %add3A_985 = arith.addf %mul3A_980, %mul3A_984 : vector<16xf32>
        %get3A_986 = arith.index_cast %add3A_976 : i32 to index
        %get3A_987 = arith.constant 32 : index
        %get3A_988 = tpu.vector_load %arg16[%get3A_986, %get3A_987] {strides = array<i32>} : memref<640x64xf32, #tpu.memory_space<vmem>>, vector<16xf32>,
        %mul3A_989 = arith.mulf %get3A_969, %get3A_988 : vector<16xf32>
        %add3A_990 = arith.addf %add3A_985, %mul3A_989 : vector<16xf32>
        %get3A_991 = arith.index_cast %add3A_976 : i32 to index
        %get3A_992 = arith.constant 48 : index
        %get3A_993 = tpu.vector_load %arg16[%get3A_991, %get3A_992] {strides = array<i32>} : memref<640x64xf32, #tpu.memory_space<vmem>>, vector<16xf32>,
        %mul3A_994 = arith.mulf %get3A_972, %get3A_993 : vector<16xf32>
        %add3A_995 = arith.addf %add3A_990, %mul3A_994 : vector<16xf32>
        %broadcast_in_dim3A_996 = arith.constant true
        %broadcast_in_dim3A_997 = vector.broadcast %broadcast_in_dim3A_996 : i1 to vector<16xi1>
        %masked_cumsum3A_998 = tpu.scan <sum>, %add3A_995 masked %broadcast_in_dim3A_997 : vector<16xf32>, vector<16xi1> -> vector<16xf32>
        %add3A_999 = arith.constant 0 : i32
        %add3A_1000 = arith.addi %shift_left3A_960, %add3A_999 : i32
        %swap3A_1001 = arith.index_cast %add3A_1000 : i32 to index
        %swap3A_1002 = tpu.vector_load %arg17[%swap3A_1001] {strides = array<i32>} : memref<1024xf32, #tpu.memory_space<vmem>>, vector<16xf32>,
        tpu.vector_store %arg17[%swap3A_1001], %masked_cumsum3A_998 {strides = array<i32>} : memref<1024xf32, #tpu.memory_space<vmem>>, vector<16xf32>,
        %mul3A_1003 = arith.constant 20 : i32
        %mul3A_1004 = arith.muli %scan3A_956, %mul3A_1003 : i32
        %add3A_1005 = arith.constant 1 : i32
        %add3A_1006 = arith.addi %mul3A_1004, %add3A_1005 : i32
        %get3A_1007 = arith.index_cast %add3A_1006 : i32 to index
        %get3A_1008 = arith.constant 0 : index
        %get3A_1009 = tpu.vector_load %arg16[%get3A_1007, %get3A_1008] {strides = array<i32>} : memref<640x64xf32, #tpu.memory_space<vmem>>, vector<16xf32>,
        %mul3A_1010 = arith.mulf %get3A_963, %get3A_1009 : vector<16xf32>
        %get3A_1011 = arith.index_cast %add3A_1006 : i32 to index
        %get3A_1012 = arith.constant 16 : index
        %get3A_1013 = tpu.vector_load %arg16[%get3A_1011, %get3A_1012] {strides = array<i32>} : memref<640x64xf32, #tpu.memory_space<vmem>>, vector<16xf32>,
        %mul3A_1014 = arith.mulf %get3A_966, %get3A_1013 : vector<16xf32>
        %add3A_1015 = arith.addf %mul3A_1010, %mul3A_1014 : vector<16xf32>
        %get3A_1016 = arith.index_cast %add3A_1006 : i32 to index
        %get3A_1017 = arith.constant 32 : index
        %get3A_1018 = tpu.vector_load %arg16[%get3A_1016, %get3A_1017] {strides = array<i32>} : memref<640x64xf32, #tpu.memory_space<vmem>>, vector<16xf32>,
        %mul3A_1019 = arith.mulf %get3A_969, %get3A_1018 : vector<16xf32>
        %add3A_1020 = arith.addf %add3A_1015, %mul3A_1019 : vector<16xf32>
        %get3A_1021 = arith.index_cast %add3A_1006 : i32 to index
        %get3A_1022 = arith.constant 48 : index
        %get3A_1023 = tpu.vector_load %arg16[%get3A_1021, %get3A_1022] {strides = array<i32>} : memref<640x64xf32, #tpu.memory_space<vmem>>, vector<16xf32>,
        %mul3A_1024 = arith.mulf %get3A_972, %get3A_1023 : vector<16xf32>
        %add3A_1025 = arith.addf %add3A_1020, %mul3A_1024 : vector<16xf32>
        %broadcast_in_dim3A_1026 = arith.constant true
        %broadcast_in_dim3A_1027 = vector.broadcast %broadcast_in_dim3A_1026 : i1 to vector<16xi1>
        %masked_cumsum3A_1028 = tpu.scan <sum>, %add3A_1025 masked %broadcast_in_dim3A_1027 : vector<16xf32>, vector<16xi1> -> vector<16xf32>
        %add3A_1029 = arith.constant 16 : i32
        %add3A_1030 = arith.addi %shift_left3A_960, %add3A_1029 : i32
        %swap3A_1031 = arith.index_cast %add3A_1030 : i32 to index
        %swap3A_1032 = tpu.vector_load %arg17[%swap3A_1031] {strides = array<i32>} : memref<1024xf32, #tpu.memory_space<vmem>>, vector<16xf32>,
        tpu.vector_store %arg17[%swap3A_1031], %masked_cumsum3A_1028 {strides = array<i32>} : memref<1024xf32, #tpu.memory_space<vmem>>, vector<16xf32>,
        %mul3A_1033 = arith.constant 20 : i32
        %mul3A_1034 = arith.muli %scan3A_956, %mul3A_1033 : i32
        %add3A_1035 = arith.constant 2 : i32
        %add3A_1036 = arith.addi %mul3A_1034, %add3A_1035 : i32
        %get3A_1037 = arith.index_cast %add3A_1036 : i32 to index
        %get3A_1038 = arith.constant 0 : index
        %get3A_1039 = tpu.vector_load %arg16[%get3A_1037, %get3A_1038] {strides = array<i32>} : memref<640x64xf32, #tpu.memory_space<vmem>>, vector<16xf32>,
        %mul3A_1040 = arith.mulf %get3A_963, %get3A_1039 : vector<16xf32>
        %get3A_1041 = arith.index_cast %add3A_1036 : i32 to index
        %get3A_1042 = arith.constant 16 : index
        %get3A_1043 = tpu.vector_load %arg16[%get3A_1041, %get3A_1042] {strides = array<i32>} : memref<640x64xf32, #tpu.memory_space<vmem>>, vector<16xf32>,
        %mul3A_1044 = arith.mulf %get3A_966, %get3A_1043 : vector<16xf32>
        %add3A_1045 = arith.addf %mul3A_1040, %mul3A_1044 : vector<16xf32>
        %get3A_1046 = arith.index_cast %add3A_1036 : i32 to index
        %get3A_1047 = arith.constant 32 : index
        %get3A_1048 = tpu.vector_load %arg16[%get3A_1046, %get3A_1047] {strides = array<i32>} : memref<640x64xf32, #tpu.memory_space<vmem>>, vector<16xf32>,
        %mul3A_1049 = arith.mulf %get3A_969, %get3A_1048 : vector<16xf32>
        %add3A_1050 = arith.addf %add3A_1045, %mul3A_1049 : vector<16xf32>
        %get3A_1051 = arith.index_cast %add3A_1036 : i32 to index
        %get3A_1052 = arith.constant 48 : index
        %get3A_1053 = tpu.vector_load %arg16[%get3A_1051, %get3A_1052] {strides = array<i32>} : memref<640x64xf32, #tpu.memory_space<vmem>>, vector<16xf32>,
        %mul3A_1054 = arith.mulf %get3A_972, %get3A_1053 : vector<16xf32>
        %add3A_1055 = arith.addf %add3A_1050, %mul3A_1054 : vector<16xf32>
        %broadcast_in_dim3A_1056 = arith.constant true
        %broadcast_in_dim3A_1057 = vector.broadcast %broadcast_in_dim3A_1056 : i1 to vector<16xi1>
        %masked_cumsum3A_1058 = tpu.scan <sum>, %add3A_1055 masked %broadcast_in_dim3A_1057 : vector<16xf32>, vector<16xi1> -> vector<16xf32>
        %add3A_1059 = arith.constant 32 : i32
        %add3A_1060 = arith.addi %shift_left3A_960, %add3A_1059 : i32
        %swap3A_1061 = arith.index_cast %add3A_1060 : i32 to index
        %swap3A_1062 = tpu.vector_load %arg17[%swap3A_1061] {strides = array<i32>} : memref<1024xf32, #tpu.memory_space<vmem>>, vector<16xf32>,
        tpu.vector_store %arg17[%swap3A_1061], %masked_cumsum3A_1058 {strides = array<i32>} : memref<1024xf32, #tpu.memory_space<vmem>>, vector<16xf32>,
        %mul3A_1063 = arith.constant 20 : i32
        %mul3A_1064 = arith.muli %scan3A_956, %mul3A_1063 : i32
        %add3A_1065 = arith.constant 3 : i32
        %add3A_1066 = arith.addi %mul3A_1064, %add3A_1065 : i32
        %get3A_1067 = arith.index_cast %add3A_1066 : i32 to index
        %get3A_1068 = arith.constant 0 : index
        %get3A_1069 = tpu.vector_load %arg16[%get3A_1067, %get3A_1068] {strides = array<i32>} : memref<640x64xf32, #tpu.memory_space<vmem>>, vector<16xf32>,
        %mul3A_1070 = arith.mulf %get3A_963, %get3A_1069 : vector<16xf32>
        %get3A_1071 = arith.index_cast %add3A_1066 : i32 to index
        %get3A_1072 = arith.constant 16 : index
        %get3A_1073 = tpu.vector_load %arg16[%get3A_1071, %get3A_1072] {strides = array<i32>} : memref<640x64xf32, #tpu.memory_space<vmem>>, vector<16xf32>,
        %mul3A_1074 = arith.mulf %get3A_966, %get3A_1073 : vector<16xf32>
        %add3A_1075 = arith.addf %mul3A_1070, %mul3A_1074 : vector<16xf32>
        %get3A_1076 = arith.index_cast %add3A_1066 : i32 to index
        %get3A_1077 = arith.constant 32 : index
        %get3A_1078 = tpu.vector_load %arg16[%get3A_1076, %get3A_1077] {strides = array<i32>} : memref<640x64xf32, #tpu.memory_space<vmem>>, vector<16xf32>,
        %mul3A_1079 = arith.mulf %get3A_969, %get3A_1078 : vector<16xf32>
        %add3A_1080 = arith.addf %add3A_1075, %mul3A_1079 : vector<16xf32>
        %get3A_1081 = arith.index_cast %add3A_1066 : i32 to index
        %get3A_1082 = arith.constant 48 : index
        %get3A_1083 = tpu.vector_load %arg16[%get3A_1081, %get3A_1082] {strides = array<i32>} : memref<640x64xf32, #tpu.memory_space<vmem>>, vector<16xf32>,
        %mul3A_1084 = arith.mulf %get3A_972, %get3A_1083 : vector<16xf32>
        %add3A_1085 = arith.addf %add3A_1080, %mul3A_1084 : vector<16xf32>
        %broadcast_in_dim3A_1086 = arith.constant true
        %broadcast_in_dim3A_1087 = vector.broadcast %broadcast_in_dim3A_1086 : i1 to vector<16xi1>
        %masked_cumsum3A_1088 = tpu.scan <sum>, %add3A_1085 masked %broadcast_in_dim3A_1087 : vector<16xf32>, vector<16xi1> -> vector<16xf32>
        %add3A_1089 = arith.constant 48 : i32
        %add3A_1090 = arith.addi %shift_left3A_960, %add3A_1089 : i32
        %swap3A_1091 = arith.index_cast %add3A_1090 : i32 to index
        %swap3A_1092 = tpu.vector_load %arg17[%swap3A_1091] {strides = array<i32>} : memref<1024xf32, #tpu.memory_space<vmem>>, vector<16xf32>,
        tpu.vector_store %arg17[%swap3A_1091], %masked_cumsum3A_1088 {strides = array<i32>} : memref<1024xf32, #tpu.memory_space<vmem>>, vector<16xf32>,
        %mul3A_1093 = arith.constant 20 : i32
        %mul3A_1094 = arith.muli %scan3A_956, %mul3A_1093 : i32
        %add3A_1095 = arith.constant 4 : i32
        %add3A_1096 = arith.addi %mul3A_1094, %add3A_1095 : i32
        %get3A_1097 = arith.index_cast %add3A_1096 : i32 to index
        %get3A_1098 = arith.constant 0 : index
        %get3A_1099 = tpu.vector_load %arg16[%get3A_1097, %get3A_1098] {strides = array<i32>} : memref<640x64xf32, #tpu.memory_space<vmem>>, vector<16xf32>,
        %mul3A_1100 = arith.mulf %get3A_963, %get3A_1099 : vector<16xf32>
        %get3A_1101 = arith.index_cast %add3A_1096 : i32 to index
        %get3A_1102 = arith.constant 16 : index
        %get3A_1103 = tpu.vector_load %arg16[%get3A_1101, %get3A_1102] {strides = array<i32>} : memref<640x64xf32, #tpu.memory_space<vmem>>, vector<16xf32>,
        %mul3A_1104 = arith.mulf %get3A_966, %get3A_1103 : vector<16xf32>
        %add3A_1105 = arith.addf %mul3A_1100, %mul3A_1104 : vector<16xf32>
        %get3A_1106 = arith.index_cast %add3A_1096 : i32 to index
        %get3A_1107 = arith.constant 32 : index
        %get3A_1108 = tpu.vector_load %arg16[%get3A_1106, %get3A_1107] {strides = array<i32>} : memref<640x64xf32, #tpu.memory_space<vmem>>, vector<16xf32>,
        %mul3A_1109 = arith.mulf %get3A_969, %get3A_1108 : vector<16xf32>
        %add3A_1110 = arith.addf %add3A_1105, %mul3A_1109 : vector<16xf32>
        %get3A_1111 = arith.index_cast %add3A_1096 : i32 to index
        %get3A_1112 = arith.constant 48 : index
        %get3A_1113 = tpu.vector_load %arg16[%get3A_1111, %get3A_1112] {strides = array<i32>} : memref<640x64xf32, #tpu.memory_space<vmem>>, vector<16xf32>,
        %mul3A_1114 = arith.mulf %get3A_972, %get3A_1113 : vector<16xf32>
        %add3A_1115 = arith.addf %add3A_1110, %mul3A_1114 : vector<16xf32>
        %broadcast_in_dim3A_1116 = arith.constant true
        %broadcast_in_dim3A_1117 = vector.broadcast %broadcast_in_dim3A_1116 : i1 to vector<16xi1>
        %masked_cumsum3A_1118 = tpu.scan <sum>, %add3A_1115 masked %broadcast_in_dim3A_1117 : vector<16xf32>, vector<16xi1> -> vector<16xf32>
        %add3A_1119 = arith.constant 64 : i32
        %add3A_1120 = arith.addi %shift_left3A_960, %add3A_1119 : i32
        %swap3A_1121 = arith.index_cast %add3A_1120 : i32 to index
        %swap3A_1122 = tpu.vector_load %arg17[%swap3A_1121] {strides = array<i32>} : memref<1024xf32, #tpu.memory_space<vmem>>, vector<16xf32>,
        tpu.vector_store %arg17[%swap3A_1121], %masked_cumsum3A_1118 {strides = array<i32>} : memref<1024xf32, #tpu.memory_space<vmem>>, vector<16xf32>,
        %mul3A_1123 = arith.constant 20 : i32
        %mul3A_1124 = arith.muli %scan3A_956, %mul3A_1123 : i32
        %add3A_1125 = arith.constant 5 : i32
        %add3A_1126 = arith.addi %mul3A_1124, %add3A_1125 : i32
        %get3A_1127 = arith.index_cast %add3A_1126 : i32 to index
        %get3A_1128 = arith.constant 0 : index
        %get3A_1129 = tpu.vector_load %arg16[%get3A_1127, %get3A_1128] {strides = array<i32>} : memref<640x64xf32, #tpu.memory_space<vmem>>, vector<16xf32>,
        %mul3A_1130 = arith.mulf %get3A_963, %get3A_1129 : vector<16xf32>
        %get3A_1131 = arith.index_cast %add3A_1126 : i32 to index
        %get3A_1132 = arith.constant 16 : index
        %get3A_1133 = tpu.vector_load %arg16[%get3A_1131, %get3A_1132] {strides = array<i32>} : memref<640x64xf32, #tpu.memory_space<vmem>>, vector<16xf32>,
        %mul3A_1134 = arith.mulf %get3A_966, %get3A_1133 : vector<16xf32>
        %add3A_1135 = arith.addf %mul3A_1130, %mul3A_1134 : vector<16xf32>
        %get3A_1136 = arith.index_cast %add3A_1126 : i32 to index
        %get3A_1137 = arith.constant 32 : index
        %get3A_1138 = tpu.vector_load %arg16[%get3A_1136, %get3A_1137] {strides = array<i32>} : memref<640x64xf32, #tpu.memory_space<vmem>>, vector<16xf32>,
        %mul3A_1139 = arith.mulf %get3A_969, %get3A_1138 : vector<16xf32>
        %add3A_1140 = arith.addf %add3A_1135, %mul3A_1139 : vector<16xf32>
        %get3A_1141 = arith.index_cast %add3A_1126 : i32 to index
        %get3A_1142 = arith.constant 48 : index
        %get3A_1143 = tpu.vector_load %arg16[%get3A_1141, %get3A_1142] {strides = array<i32>} : memref<640x64xf32, #tpu.memory_space<vmem>>, vector<16xf32>,
        %mul3A_1144 = arith.mulf %get3A_972, %get3A_1143 : vector<16xf32>
        %add3A_1145 = arith.addf %add3A_1140, %mul3A_1144 : vector<16xf32>
        %broadcast_in_dim3A_1146 = arith.constant true
        %broadcast_in_dim3A_1147 = vector.broadcast %broadcast_in_dim3A_1146 : i1 to vector<16xi1>
        %masked_cumsum3A_1148 = tpu.scan <sum>, %add3A_1145 masked %broadcast_in_dim3A_1147 : vector<16xf32>, vector<16xi1> -> vector<16xf32>
        %add3A_1149 = arith.constant 80 : i32
        %add3A_1150 = arith.addi %shift_left3A_960, %add3A_1149 : i32
        %swap3A_1151 = arith.index_cast %add3A_1150 : i32 to index
        %swap3A_1152 = tpu.vector_load %arg17[%swap3A_1151] {strides = array<i32>} : memref<1024xf32, #tpu.memory_space<vmem>>, vector<16xf32>,
        tpu.vector_store %arg17[%swap3A_1151], %masked_cumsum3A_1148 {strides = array<i32>} : memref<1024xf32, #tpu.memory_space<vmem>>, vector<16xf32>,
        %mul3A_1153 = arith.constant 20 : i32
        %mul3A_1154 = arith.muli %scan3A_956, %mul3A_1153 : i32
        %add3A_1155 = arith.constant 6 : i32
        %add3A_1156 = arith.addi %mul3A_1154, %add3A_1155 : i32
        %get3A_1157 = arith.index_cast %add3A_1156 : i32 to index
        %get3A_1158 = arith.constant 0 : index
        %get3A_1159 = tpu.vector_load %arg16[%get3A_1157, %get3A_1158] {strides = array<i32>} : memref<640x64xf32, #tpu.memory_space<vmem>>, vector<16xf32>,
        %mul3A_1160 = arith.mulf %get3A_963, %get3A_1159 : vector<16xf32>
        %get3A_1161 = arith.index_cast %add3A_1156 : i32 to index
        %get3A_1162 = arith.constant 16 : index
        %get3A_1163 = tpu.vector_load %arg16[%get3A_1161, %get3A_1162] {strides = array<i32>} : memref<640x64xf32, #tpu.memory_space<vmem>>, vector<16xf32>,
        %mul3A_1164 = arith.mulf %get3A_966, %get3A_1163 : vector<16xf32>
        %add3A_1165 = arith.addf %mul3A_1160, %mul3A_1164 : vector<16xf32>
        %get3A_1166 = arith.index_cast %add3A_1156 : i32 to index
        %get3A_1167 = arith.constant 32 : index
        %get3A_1168 = tpu.vector_load %arg16[%get3A_1166, %get3A_1167] {strides = array<i32>} : memref<640x64xf32, #tpu.memory_space<vmem>>, vector<16xf32>,
        %mul3A_1169 = arith.mulf %get3A_969, %get3A_1168 : vector<16xf32>
        %add3A_1170 = arith.addf %add3A_1165, %mul3A_1169 : vector<16xf32>
        %get3A_1171 = arith.index_cast %add3A_1156 : i32 to index
        %get3A_1172 = arith.constant 48 : index
        %get3A_1173 = tpu.vector_load %arg16[%get3A_1171, %get3A_1172] {strides = array<i32>} : memref<640x64xf32, #tpu.memory_space<vmem>>, vector<16xf32>,
        %mul3A_1174 = arith.mulf %get3A_972, %get3A_1173 : vector<16xf32>
        %add3A_1175 = arith.addf %add3A_1170, %mul3A_1174 : vector<16xf32>
        %broadcast_in_dim3A_1176 = arith.constant true
        %broadcast_in_dim3A_1177 = vector.broadcast %broadcast_in_dim3A_1176 : i1 to vector<16xi1>
        %masked_cumsum3A_1178 = tpu.scan <sum>, %add3A_1175 masked %broadcast_in_dim3A_1177 : vector<16xf32>, vector<16xi1> -> vector<16xf32>
        %add3A_1179 = arith.constant 96 : i32
        %add3A_1180 = arith.addi %shift_left3A_960, %add3A_1179 : i32
        %swap3A_1181 = arith.index_cast %add3A_1180 : i32 to index
        %swap3A_1182 = tpu.vector_load %arg17[%swap3A_1181] {strides = array<i32>} : memref<1024xf32, #tpu.memory_space<vmem>>, vector<16xf32>,
        tpu.vector_store %arg17[%swap3A_1181], %masked_cumsum3A_1178 {strides = array<i32>} : memref<1024xf32, #tpu.memory_space<vmem>>, vector<16xf32>,
        %mul3A_1183 = arith.constant 20 : i32
        %mul3A_1184 = arith.muli %scan3A_956, %mul3A_1183 : i32
        %add3A_1185 = arith.constant 7 : i32
        %add3A_1186 = arith.addi %mul3A_1184, %add3A_1185 : i32
        %get3A_1187 = arith.index_cast %add3A_1186 : i32 to index
        %get3A_1188 = arith.constant 0 : index
        %get3A_1189 = tpu.vector_load %arg16[%get3A_1187, %get3A_1188] {strides = array<i32>} : memref<640x64xf32, #tpu.memory_space<vmem>>, vector<16xf32>,
        %mul3A_1190 = arith.mulf %get3A_963, %get3A_1189 : vector<16xf32>
        %get3A_1191 = arith.index_cast %add3A_1186 : i32 to index
        %get3A_1192 = arith.constant 16 : index
        %get3A_1193 = tpu.vector_load %arg16[%get3A_1191, %get3A_1192] {strides = array<i32>} : memref<640x64xf32, #tpu.memory_space<vmem>>, vector<16xf32>,
        %mul3A_1194 = arith.mulf %get3A_966, %get3A_1193 : vector<16xf32>
        %add3A_1195 = arith.addf %mul3A_1190, %mul3A_1194 : vector<16xf32>
        %get3A_1196 = arith.index_cast %add3A_1186 : i32 to index
        %get3A_1197 = arith.constant 32 : index
        %get3A_1198 = tpu.vector_load %arg16[%get3A_1196, %get3A_1197] {strides = array<i32>} : memref<640x64xf32, #tpu.memory_space<vmem>>, vector<16xf32>,
        %mul3A_1199 = arith.mulf %get3A_969, %get3A_1198 : vector<16xf32>
        %add3A_1200 = arith.addf %add3A_1195, %mul3A_1199 : vector<16xf32>
        %get3A_1201 = arith.index_cast %add3A_1186 : i32 to index
        %get3A_1202 = arith.constant 48 : index
        %get3A_1203 = tpu.vector_load %arg16[%get3A_1201, %get3A_1202] {strides = array<i32>} : memref<640x64xf32, #tpu.memory_space<vmem>>, vector<16xf32>,
        %mul3A_1204 = arith.mulf %get3A_972, %get3A_1203 : vector<16xf32>
        %add3A_1205 = arith.addf %add3A_1200, %mul3A_1204 : vector<16xf32>
        %broadcast_in_dim3A_1206 = arith.constant true
        %broadcast_in_dim3A_1207 = vector.broadcast %broadcast_in_dim3A_1206 : i1 to vector<16xi1>
        %masked_cumsum3A_1208 = tpu.scan <sum>, %add3A_1205 masked %broadcast_in_dim3A_1207 : vector<16xf32>, vector<16xi1> -> vector<16xf32>
        %add3A_1209 = arith.constant 112 : i32
        %add3A_1210 = arith.addi %shift_left3A_960, %add3A_1209 : i32
        %swap3A_1211 = arith.index_cast %add3A_1210 : i32 to index
        %swap3A_1212 = tpu.vector_load %arg17[%swap3A_1211] {strides = array<i32>} : memref<1024xf32, #tpu.memory_space<vmem>>, vector<16xf32>,
        tpu.vector_store %arg17[%swap3A_1211], %masked_cumsum3A_1208 {strides = array<i32>} : memref<1024xf32, #tpu.memory_space<vmem>>, vector<16xf32>,
        %mul3A_1213 = arith.constant 20 : i32
        %mul3A_1214 = arith.muli %scan3A_956, %mul3A_1213 : i32
        %add3A_1215 = arith.constant 8 : i32
        %add3A_1216 = arith.addi %mul3A_1214, %add3A_1215 : i32
        %get3A_1217 = arith.index_cast %add3A_1216 : i32 to index
        %get3A_1218 = arith.constant 0 : index
        %get3A_1219 = tpu.vector_load %arg16[%get3A_1217, %get3A_1218] {strides = array<i32>} : memref<640x64xf32, #tpu.memory_space<vmem>>, vector<16xf32>,
        %mul3A_1220 = arith.mulf %get3A_963, %get3A_1219 : vector<16xf32>
        %get3A_1221 = arith.index_cast %add3A_1216 : i32 to index
        %get3A_1222 = arith.constant 16 : index
        %get3A_1223 = tpu.vector_load %arg16[%get3A_1221, %get3A_1222] {strides = array<i32>} : memref<640x64xf32, #tpu.memory_space<vmem>>, vector<16xf32>,
        %mul3A_1224 = arith.mulf %get3A_966, %get3A_1223 : vector<16xf32>
        %add3A_1225 = arith.addf %mul3A_1220, %mul3A_1224 : vector<16xf32>
        %get3A_1226 = arith.index_cast %add3A_1216 : i32 to index
        %get3A_1227 = arith.constant 32 : index
        %get3A_1228 = tpu.vector_load %arg16[%get3A_1226, %get3A_1227] {strides = array<i32>} : memref<640x64xf32, #tpu.memory_space<vmem>>, vector<16xf32>,
        %mul3A_1229 = arith.mulf %get3A_969, %get3A_1228 : vector<16xf32>
        %add3A_1230 = arith.addf %add3A_1225, %mul3A_1229 : vector<16xf32>
        %get3A_1231 = arith.index_cast %add3A_1216 : i32 to index
        %get3A_1232 = arith.constant 48 : index
        %get3A_1233 = tpu.vector_load %arg16[%get3A_1231, %get3A_1232] {strides = array<i32>} : memref<640x64xf32, #tpu.memory_space<vmem>>, vector<16xf32>,
        %mul3A_1234 = arith.mulf %get3A_972, %get3A_1233 : vector<16xf32>
        %add3A_1235 = arith.addf %add3A_1230, %mul3A_1234 : vector<16xf32>
        %broadcast_in_dim3A_1236 = arith.constant true
        %broadcast_in_dim3A_1237 = vector.broadcast %broadcast_in_dim3A_1236 : i1 to vector<16xi1>
        %masked_cumsum3A_1238 = tpu.scan <sum>, %add3A_1235 masked %broadcast_in_dim3A_1237 : vector<16xf32>, vector<16xi1> -> vector<16xf32>
        %add3A_1239 = arith.constant 128 : i32
        %add3A_1240 = arith.addi %shift_left3A_960, %add3A_1239 : i32
        %swap3A_1241 = arith.index_cast %add3A_1240 : i32 to index
        %swap3A_1242 = tpu.vector_load %arg17[%swap3A_1241] {strides = array<i32>} : memref<1024xf32, #tpu.memory_space<vmem>>, vector<16xf32>,
        tpu.vector_store %arg17[%swap3A_1241], %masked_cumsum3A_1238 {strides = array<i32>} : memref<1024xf32, #tpu.memory_space<vmem>>, vector<16xf32>,
        %mul3A_1243 = arith.constant 20 : i32
        %mul3A_1244 = arith.muli %scan3A_956, %mul3A_1243 : i32
        %add3A_1245 = arith.constant 9 : i32
        %add3A_1246 = arith.addi %mul3A_1244, %add3A_1245 : i32
        %get3A_1247 = arith.index_cast %add3A_1246 : i32 to index
        %get3A_1248 = arith.constant 0 : index
        %get3A_1249 = tpu.vector_load %arg16[%get3A_1247, %get3A_1248] {strides = array<i32>} : memref<640x64xf32, #tpu.memory_space<vmem>>, vector<16xf32>,
        %mul3A_1250 = arith.mulf %get3A_963, %get3A_1249 : vector<16xf32>
        %get3A_1251 = arith.index_cast %add3A_1246 : i32 to index
        %get3A_1252 = arith.constant 16 : index
        %get3A_1253 = tpu.vector_load %arg16[%get3A_1251, %get3A_1252] {strides = array<i32>} : memref<640x64xf32, #tpu.memory_space<vmem>>, vector<16xf32>,
        %mul3A_1254 = arith.mulf %get3A_966, %get3A_1253 : vector<16xf32>
        %add3A_1255 = arith.addf %mul3A_1250, %mul3A_1254 : vector<16xf32>
        %get3A_1256 = arith.index_cast %add3A_1246 : i32 to index
        %get3A_1257 = arith.constant 32 : index
        %get3A_1258 = tpu.vector_load %arg16[%get3A_1256, %get3A_1257] {strides = array<i32>} : memref<640x64xf32, #tpu.memory_space<vmem>>, vector<16xf32>,
        %mul3A_1259 = arith.mulf %get3A_969, %get3A_1258 : vector<16xf32>
        %add3A_1260 = arith.addf %add3A_1255, %mul3A_1259 : vector<16xf32>
        %get3A_1261 = arith.index_cast %add3A_1246 : i32 to index
        %get3A_1262 = arith.constant 48 : index
        %get3A_1263 = tpu.vector_load %arg16[%get3A_1261, %get3A_1262] {strides = array<i32>} : memref<640x64xf32, #tpu.memory_space<vmem>>, vector<16xf32>,
        %mul3A_1264 = arith.mulf %get3A_972, %get3A_1263 : vector<16xf32>
        %add3A_1265 = arith.addf %add3A_1260, %mul3A_1264 : vector<16xf32>
        %broadcast_in_dim3A_1266 = arith.constant true
        %broadcast_in_dim3A_1267 = vector.broadcast %broadcast_in_dim3A_1266 : i1 to vector<16xi1>
        %masked_cumsum3A_1268 = tpu.scan <sum>, %add3A_1265 masked %broadcast_in_dim3A_1267 : vector<16xf32>, vector<16xi1> -> vector<16xf32>
        %add3A_1269 = arith.constant 144 : i32
        %add3A_1270 = arith.addi %shift_left3A_960, %add3A_1269 : i32
        %swap3A_1271 = arith.index_cast %add3A_1270 : i32 to index
        %swap3A_1272 = tpu.vector_load %arg17[%swap3A_1271] {strides = array<i32>} : memref<1024xf32, #tpu.memory_space<vmem>>, vector<16xf32>,
        tpu.vector_store %arg17[%swap3A_1271], %masked_cumsum3A_1268 {strides = array<i32>} : memref<1024xf32, #tpu.memory_space<vmem>>, vector<16xf32>,
        %mul3A_1273 = arith.constant 20 : i32
        %mul3A_1274 = arith.muli %scan3A_956, %mul3A_1273 : i32
        %add3A_1275 = arith.constant 10 : i32
        %add3A_1276 = arith.addi %mul3A_1274, %add3A_1275 : i32
        %get3A_1277 = arith.index_cast %add3A_1276 : i32 to index
        %get3A_1278 = arith.constant 0 : index
        %get3A_1279 = tpu.vector_load %arg16[%get3A_1277, %get3A_1278] {strides = array<i32>} : memref<640x64xf32, #tpu.memory_space<vmem>>, vector<16xf32>,
        %mul3A_1280 = arith.mulf %get3A_963, %get3A_1279 : vector<16xf32>
        %get3A_1281 = arith.index_cast %add3A_1276 : i32 to index
        %get3A_1282 = arith.constant 16 : index
        %get3A_1283 = tpu.vector_load %arg16[%get3A_1281, %get3A_1282] {strides = array<i32>} : memref<640x64xf32, #tpu.memory_space<vmem>>, vector<16xf32>,
        %mul3A_1284 = arith.mulf %get3A_966, %get3A_1283 : vector<16xf32>
        %add3A_1285 = arith.addf %mul3A_1280, %mul3A_1284 : vector<16xf32>
        %get3A_1286 = arith.index_cast %add3A_1276 : i32 to index
        %get3A_1287 = arith.constant 32 : index
        %get3A_1288 = tpu.vector_load %arg16[%get3A_1286, %get3A_1287] {strides = array<i32>} : memref<640x64xf32, #tpu.memory_space<vmem>>, vector<16xf32>,
        %mul3A_1289 = arith.mulf %get3A_969, %get3A_1288 : vector<16xf32>
        %add3A_1290 = arith.addf %add3A_1285, %mul3A_1289 : vector<16xf32>
        %get3A_1291 = arith.index_cast %add3A_1276 : i32 to index
        %get3A_1292 = arith.constant 48 : index
        %get3A_1293 = tpu.vector_load %arg16[%get3A_1291, %get3A_1292] {strides = array<i32>} : memref<640x64xf32, #tpu.memory_space<vmem>>, vector<16xf32>,
        %mul3A_1294 = arith.mulf %get3A_972, %get3A_1293 : vector<16xf32>
        %add3A_1295 = arith.addf %add3A_1290, %mul3A_1294 : vector<16xf32>
        %broadcast_in_dim3A_1296 = arith.constant true
        %broadcast_in_dim3A_1297 = vector.broadcast %broadcast_in_dim3A_1296 : i1 to vector<16xi1>
        %masked_cumsum3A_1298 = tpu.scan <sum>, %add3A_1295 masked %broadcast_in_dim3A_1297 : vector<16xf32>, vector<16xi1> -> vector<16xf32>
        %add3A_1299 = arith.constant 160 : i32
        %add3A_1300 = arith.addi %shift_left3A_960, %add3A_1299 : i32
        %swap3A_1301 = arith.index_cast %add3A_1300 : i32 to index
        %swap3A_1302 = tpu.vector_load %arg17[%swap3A_1301] {strides = array<i32>} : memref<1024xf32, #tpu.memory_space<vmem>>, vector<16xf32>,
        tpu.vector_store %arg17[%swap3A_1301], %masked_cumsum3A_1298 {strides = array<i32>} : memref<1024xf32, #tpu.memory_space<vmem>>, vector<16xf32>,
        %mul3A_1303 = arith.constant 20 : i32
        %mul3A_1304 = arith.muli %scan3A_956, %mul3A_1303 : i32
        %add3A_1305 = arith.constant 11 : i32
        %add3A_1306 = arith.addi %mul3A_1304, %add3A_1305 : i32
        %get3A_1307 = arith.index_cast %add3A_1306 : i32 to index
        %get3A_1308 = arith.constant 0 : index
        %get3A_1309 = tpu.vector_load %arg16[%get3A_1307, %get3A_1308] {strides = array<i32>} : memref<640x64xf32, #tpu.memory_space<vmem>>, vector<16xf32>,
        %mul3A_1310 = arith.mulf %get3A_963, %get3A_1309 : vector<16xf32>
        %get3A_1311 = arith.index_cast %add3A_1306 : i32 to index
        %get3A_1312 = arith.constant 16 : index
        %get3A_1313 = tpu.vector_load %arg16[%get3A_1311, %get3A_1312] {strides = array<i32>} : memref<640x64xf32, #tpu.memory_space<vmem>>, vector<16xf32>,
        %mul3A_1314 = arith.mulf %get3A_966, %get3A_1313 : vector<16xf32>
        %add3A_1315 = arith.addf %mul3A_1310, %mul3A_1314 : vector<16xf32>
        %get3A_1316 = arith.index_cast %add3A_1306 : i32 to index
        %get3A_1317 = arith.constant 32 : index
        %get3A_1318 = tpu.vector_load %arg16[%get3A_1316, %get3A_1317] {strides = array<i32>} : memref<640x64xf32, #tpu.memory_space<vmem>>, vector<16xf32>,
        %mul3A_1319 = arith.mulf %get3A_969, %get3A_1318 : vector<16xf32>
        %add3A_1320 = arith.addf %add3A_1315, %mul3A_1319 : vector<16xf32>
        %get3A_1321 = arith.index_cast %add3A_1306 : i32 to index
        %get3A_1322 = arith.constant 48 : index
        %get3A_1323 = tpu.vector_load %arg16[%get3A_1321, %get3A_1322] {strides = array<i32>} : memref<640x64xf32, #tpu.memory_space<vmem>>, vector<16xf32>,
        %mul3A_1324 = arith.mulf %get3A_972, %get3A_1323 : vector<16xf32>
        %add3A_1325 = arith.addf %add3A_1320, %mul3A_1324 : vector<16xf32>
        %broadcast_in_dim3A_1326 = arith.constant true
        %broadcast_in_dim3A_1327 = vector.broadcast %broadcast_in_dim3A_1326 : i1 to vector<16xi1>
        %masked_cumsum3A_1328 = tpu.scan <sum>, %add3A_1325 masked %broadcast_in_dim3A_1327 : vector<16xf32>, vector<16xi1> -> vector<16xf32>
        %add3A_1329 = arith.constant 176 : i32
        %add3A_1330 = arith.addi %shift_left3A_960, %add3A_1329 : i32
        %swap3A_1331 = arith.index_cast %add3A_1330 : i32 to index
        %swap3A_1332 = tpu.vector_load %arg17[%swap3A_1331] {strides = array<i32>} : memref<1024xf32, #tpu.memory_space<vmem>>, vector<16xf32>,
        tpu.vector_store %arg17[%swap3A_1331], %masked_cumsum3A_1328 {strides = array<i32>} : memref<1024xf32, #tpu.memory_space<vmem>>, vector<16xf32>,
        %mul3A_1333 = arith.constant 20 : i32
        %mul3A_1334 = arith.muli %scan3A_956, %mul3A_1333 : i32
        %add3A_1335 = arith.constant 12 : i32
        %add3A_1336 = arith.addi %mul3A_1334, %add3A_1335 : i32
        %get3A_1337 = arith.index_cast %add3A_1336 : i32 to index
        %get3A_1338 = arith.constant 0 : index
        %get3A_1339 = tpu.vector_load %arg16[%get3A_1337, %get3A_1338] {strides = array<i32>} : memref<640x64xf32, #tpu.memory_space<vmem>>, vector<16xf32>,
        %mul3A_1340 = arith.mulf %get3A_963, %get3A_1339 : vector<16xf32>
        %get3A_1341 = arith.index_cast %add3A_1336 : i32 to index
        %get3A_1342 = arith.constant 16 : index
        %get3A_1343 = tpu.vector_load %arg16[%get3A_1341, %get3A_1342] {strides = array<i32>} : memref<640x64xf32, #tpu.memory_space<vmem>>, vector<16xf32>,
        %mul3A_1344 = arith.mulf %get3A_966, %get3A_1343 : vector<16xf32>
        %add3A_1345 = arith.addf %mul3A_1340, %mul3A_1344 : vector<16xf32>
        %get3A_1346 = arith.index_cast %add3A_1336 : i32 to index
        %get3A_1347 = arith.constant 32 : index
        %get3A_1348 = tpu.vector_load %arg16[%get3A_1346, %get3A_1347] {strides = array<i32>} : memref<640x64xf32, #tpu.memory_space<vmem>>, vector<16xf32>,
        %mul3A_1349 = arith.mulf %get3A_969, %get3A_1348 : vector<16xf32>
        %add3A_1350 = arith.addf %add3A_1345, %mul3A_1349 : vector<16xf32>
        %get3A_1351 = arith.index_cast %add3A_1336 : i32 to index
        %get3A_1352 = arith.constant 48 : index
        %get3A_1353 = tpu.vector_load %arg16[%get3A_1351, %get3A_1352] {strides = array<i32>} : memref<640x64xf32, #tpu.memory_space<vmem>>, vector<16xf32>,
        %mul3A_1354 = arith.mulf %get3A_972, %get3A_1353 : vector<16xf32>
        %add3A_1355 = arith.addf %add3A_1350, %mul3A_1354 : vector<16xf32>
        %broadcast_in_dim3A_1356 = arith.constant true
        %broadcast_in_dim3A_1357 = vector.broadcast %broadcast_in_dim3A_1356 : i1 to vector<16xi1>
        %masked_cumsum3A_1358 = tpu.scan <sum>, %add3A_1355 masked %broadcast_in_dim3A_1357 : vector<16xf32>, vector<16xi1> -> vector<16xf32>
        %add3A_1359 = arith.constant 192 : i32
        %add3A_1360 = arith.addi %shift_left3A_960, %add3A_1359 : i32
        %swap3A_1361 = arith.index_cast %add3A_1360 : i32 to index
        %swap3A_1362 = tpu.vector_load %arg17[%swap3A_1361] {strides = array<i32>} : memref<1024xf32, #tpu.memory_space<vmem>>, vector<16xf32>,
        tpu.vector_store %arg17[%swap3A_1361], %masked_cumsum3A_1358 {strides = array<i32>} : memref<1024xf32, #tpu.memory_space<vmem>>, vector<16xf32>,
        %mul3A_1363 = arith.constant 20 : i32
        %mul3A_1364 = arith.muli %scan3A_956, %mul3A_1363 : i32
        %add3A_1365 = arith.constant 13 : i32
        %add3A_1366 = arith.addi %mul3A_1364, %add3A_1365 : i32
        %get3A_1367 = arith.index_cast %add3A_1366 : i32 to index
        %get3A_1368 = arith.constant 0 : index
        %get3A_1369 = tpu.vector_load %arg16[%get3A_1367, %get3A_1368] {strides = array<i32>} : memref<640x64xf32, #tpu.memory_space<vmem>>, vector<16xf32>,
        %mul3A_1370 = arith.mulf %get3A_963, %get3A_1369 : vector<16xf32>
        %get3A_1371 = arith.index_cast %add3A_1366 : i32 to index
        %get3A_1372 = arith.constant 16 : index
        %get3A_1373 = tpu.vector_load %arg16[%get3A_1371, %get3A_1372] {strides = array<i32>} : memref<640x64xf32, #tpu.memory_space<vmem>>, vector<16xf32>,
        %mul3A_1374 = arith.mulf %get3A_966, %get3A_1373 : vector<16xf32>
        %add3A_1375 = arith.addf %mul3A_1370, %mul3A_1374 : vector<16xf32>
        %get3A_1376 = arith.index_cast %add3A_1366 : i32 to index
        %get3A_1377 = arith.constant 32 : index
        %get3A_1378 = tpu.vector_load %arg16[%get3A_1376, %get3A_1377] {strides = array<i32>} : memref<640x64xf32, #tpu.memory_space<vmem>>, vector<16xf32>,
        %mul3A_1379 = arith.mulf %get3A_969, %get3A_1378 : vector<16xf32>
        %add3A_1380 = arith.addf %add3A_1375, %mul3A_1379 : vector<16xf32>
        %get3A_1381 = arith.index_cast %add3A_1366 : i32 to index
        %get3A_1382 = arith.constant 48 : index
        %get3A_1383 = tpu.vector_load %arg16[%get3A_1381, %get3A_1382] {strides = array<i32>} : memref<640x64xf32, #tpu.memory_space<vmem>>, vector<16xf32>,
        %mul3A_1384 = arith.mulf %get3A_972, %get3A_1383 : vector<16xf32>
        %add3A_1385 = arith.addf %add3A_1380, %mul3A_1384 : vector<16xf32>
        %broadcast_in_dim3A_1386 = arith.constant true
        %broadcast_in_dim3A_1387 = vector.broadcast %broadcast_in_dim3A_1386 : i1 to vector<16xi1>
        %masked_cumsum3A_1388 = tpu.scan <sum>, %add3A_1385 masked %broadcast_in_dim3A_1387 : vector<16xf32>, vector<16xi1> -> vector<16xf32>
        %add3A_1389 = arith.constant 208 : i32
        %add3A_1390 = arith.addi %shift_left3A_960, %add3A_1389 : i32
        %swap3A_1391 = arith.index_cast %add3A_1390 : i32 to index
        %swap3A_1392 = tpu.vector_load %arg17[%swap3A_1391] {strides = array<i32>} : memref<1024xf32, #tpu.memory_space<vmem>>, vector<16xf32>,
        tpu.vector_store %arg17[%swap3A_1391], %masked_cumsum3A_1388 {strides = array<i32>} : memref<1024xf32, #tpu.memory_space<vmem>>, vector<16xf32>,
        %mul3A_1393 = arith.constant 20 : i32
        %mul3A_1394 = arith.muli %scan3A_956, %mul3A_1393 : i32
        %add3A_1395 = arith.constant 14 : i32
        %add3A_1396 = arith.addi %mul3A_1394, %add3A_1395 : i32
        %get3A_1397 = arith.index_cast %add3A_1396 : i32 to index
        %get3A_1398 = arith.constant 0 : index
        %get3A_1399 = tpu.vector_load %arg16[%get3A_1397, %get3A_1398] {strides = array<i32>} : memref<640x64xf32, #tpu.memory_space<vmem>>, vector<16xf32>,
        %mul3A_1400 = arith.mulf %get3A_963, %get3A_1399 : vector<16xf32>
        %get3A_1401 = arith.index_cast %add3A_1396 : i32 to index
        %get3A_1402 = arith.constant 16 : index
        %get3A_1403 = tpu.vector_load %arg16[%get3A_1401, %get3A_1402] {strides = array<i32>} : memref<640x64xf32, #tpu.memory_space<vmem>>, vector<16xf32>,
        %mul3A_1404 = arith.mulf %get3A_966, %get3A_1403 : vector<16xf32>
        %add3A_1405 = arith.addf %mul3A_1400, %mul3A_1404 : vector<16xf32>
        %get3A_1406 = arith.index_cast %add3A_1396 : i32 to index
        %get3A_1407 = arith.constant 32 : index
        %get3A_1408 = tpu.vector_load %arg16[%get3A_1406, %get3A_1407] {strides = array<i32>} : memref<640x64xf32, #tpu.memory_space<vmem>>, vector<16xf32>,
        %mul3A_1409 = arith.mulf %get3A_969, %get3A_1408 : vector<16xf32>
        %add3A_1410 = arith.addf %add3A_1405, %mul3A_1409 : vector<16xf32>
        %get3A_1411 = arith.index_cast %add3A_1396 : i32 to index
        %get3A_1412 = arith.constant 48 : index
        %get3A_1413 = tpu.vector_load %arg16[%get3A_1411, %get3A_1412] {strides = array<i32>} : memref<640x64xf32, #tpu.memory_space<vmem>>, vector<16xf32>,
        %mul3A_1414 = arith.mulf %get3A_972, %get3A_1413 : vector<16xf32>
        %add3A_1415 = arith.addf %add3A_1410, %mul3A_1414 : vector<16xf32>
        %broadcast_in_dim3A_1416 = arith.constant true
        %broadcast_in_dim3A_1417 = vector.broadcast %broadcast_in_dim3A_1416 : i1 to vector<16xi1>
        %masked_cumsum3A_1418 = tpu.scan <sum>, %add3A_1415 masked %broadcast_in_dim3A_1417 : vector<16xf32>, vector<16xi1> -> vector<16xf32>
        %add3A_1419 = arith.constant 224 : i32
        %add3A_1420 = arith.addi %shift_left3A_960, %add3A_1419 : i32
        %swap3A_1421 = arith.index_cast %add3A_1420 : i32 to index
        %swap3A_1422 = tpu.vector_load %arg17[%swap3A_1421] {strides = array<i32>} : memref<1024xf32, #tpu.memory_space<vmem>>, vector<16xf32>,
        tpu.vector_store %arg17[%swap3A_1421], %masked_cumsum3A_1418 {strides = array<i32>} : memref<1024xf32, #tpu.memory_space<vmem>>, vector<16xf32>,
        %mul3A_1423 = arith.constant 20 : i32
        %mul3A_1424 = arith.muli %scan3A_956, %mul3A_1423 : i32
        %add3A_1425 = arith.constant 15 : i32
        %add3A_1426 = arith.addi %mul3A_1424, %add3A_1425 : i32
        %get3A_1427 = arith.index_cast %add3A_1426 : i32 to index
        %get3A_1428 = arith.constant 0 : index
        %get3A_1429 = tpu.vector_load %arg16[%get3A_1427, %get3A_1428] {strides = array<i32>} : memref<640x64xf32, #tpu.memory_space<vmem>>, vector<16xf32>,
        %mul3A_1430 = arith.mulf %get3A_963, %get3A_1429 : vector<16xf32>
        %get3A_1431 = arith.index_cast %add3A_1426 : i32 to index
        %get3A_1432 = arith.constant 16 : index
        %get3A_1433 = tpu.vector_load %arg16[%get3A_1431, %get3A_1432] {strides = array<i32>} : memref<640x64xf32, #tpu.memory_space<vmem>>, vector<16xf32>,
        %mul3A_1434 = arith.mulf %get3A_966, %get3A_1433 : vector<16xf32>
        %add3A_1435 = arith.addf %mul3A_1430, %mul3A_1434 : vector<16xf32>
        %get3A_1436 = arith.index_cast %add3A_1426 : i32 to index
        %get3A_1437 = arith.constant 32 : index
        %get3A_1438 = tpu.vector_load %arg16[%get3A_1436, %get3A_1437] {strides = array<i32>} : memref<640x64xf32, #tpu.memory_space<vmem>>, vector<16xf32>,
        %mul3A_1439 = arith.mulf %get3A_969, %get3A_1438 : vector<16xf32>
        %add3A_1440 = arith.addf %add3A_1435, %mul3A_1439 : vector<16xf32>
        %get3A_1441 = arith.index_cast %add3A_1426 : i32 to index
        %get3A_1442 = arith.constant 48 : index
        %get3A_1443 = tpu.vector_load %arg16[%get3A_1441, %get3A_1442] {strides = array<i32>} : memref<640x64xf32, #tpu.memory_space<vmem>>, vector<16xf32>,
        %mul3A_1444 = arith.mulf %get3A_972, %get3A_1443 : vector<16xf32>
        %add3A_1445 = arith.addf %add3A_1440, %mul3A_1444 : vector<16xf32>
        %broadcast_in_dim3A_1446 = arith.constant true
        %broadcast_in_dim3A_1447 = vector.broadcast %broadcast_in_dim3A_1446 : i1 to vector<16xi1>
        %masked_cumsum3A_1448 = tpu.scan <sum>, %add3A_1445 masked %broadcast_in_dim3A_1447 : vector<16xf32>, vector<16xi1> -> vector<16xf32>
        %add3A_1449 = arith.constant 240 : i32
        %add3A_1450 = arith.addi %shift_left3A_960, %add3A_1449 : i32
        %swap3A_1451 = arith.index_cast %add3A_1450 : i32 to index
        %swap3A_1452 = tpu.vector_load %arg17[%swap3A_1451] {strides = array<i32>} : memref<1024xf32, #tpu.memory_space<vmem>>, vector<16xf32>,
        tpu.vector_store %arg17[%swap3A_1451], %masked_cumsum3A_1448 {strides = array<i32>} : memref<1024xf32, #tpu.memory_space<vmem>>, vector<16xf32>,
        %mul3A_1453 = arith.constant 20 : i32
        %mul3A_1454 = arith.muli %scan3A_956, %mul3A_1453 : i32
        %add3A_1455 = arith.constant 16 : i32
        %add3A_1456 = arith.addi %mul3A_1454, %add3A_1455 : i32
        %get3A_1457 = arith.index_cast %add3A_1456 : i32 to index
        %get3A_1458 = arith.constant 0 : index
        %get3A_1459 = tpu.vector_load %arg16[%get3A_1457, %get3A_1458] {strides = array<i32>} : memref<640x64xf32, #tpu.memory_space<vmem>>, vector<16xf32>,
        %mul3A_1460 = arith.mulf %get3A_963, %get3A_1459 : vector<16xf32>
        %get3A_1461 = arith.index_cast %add3A_1456 : i32 to index
        %get3A_1462 = arith.constant 16 : index
        %get3A_1463 = tpu.vector_load %arg16[%get3A_1461, %get3A_1462] {strides = array<i32>} : memref<640x64xf32, #tpu.memory_space<vmem>>, vector<16xf32>,
        %mul3A_1464 = arith.mulf %get3A_966, %get3A_1463 : vector<16xf32>
        %add3A_1465 = arith.addf %mul3A_1460, %mul3A_1464 : vector<16xf32>
        %get3A_1466 = arith.index_cast %add3A_1456 : i32 to index
        %get3A_1467 = arith.constant 32 : index
        %get3A_1468 = tpu.vector_load %arg16[%get3A_1466, %get3A_1467] {strides = array<i32>} : memref<640x64xf32, #tpu.memory_space<vmem>>, vector<16xf32>,
        %mul3A_1469 = arith.mulf %get3A_969, %get3A_1468 : vector<16xf32>
        %add3A_1470 = arith.addf %add3A_1465, %mul3A_1469 : vector<16xf32>
        %get3A_1471 = arith.index_cast %add3A_1456 : i32 to index
        %get3A_1472 = arith.constant 48 : index
        %get3A_1473 = tpu.vector_load %arg16[%get3A_1471, %get3A_1472] {strides = array<i32>} : memref<640x64xf32, #tpu.memory_space<vmem>>, vector<16xf32>,
        %mul3A_1474 = arith.mulf %get3A_972, %get3A_1473 : vector<16xf32>
        %add3A_1475 = arith.addf %add3A_1470, %mul3A_1474 : vector<16xf32>
        %broadcast_in_dim3A_1476 = arith.constant true
        %broadcast_in_dim3A_1477 = vector.broadcast %broadcast_in_dim3A_1476 : i1 to vector<16xi1>
        %masked_cumsum3A_1478 = tpu.scan <sum>, %add3A_1475 masked %broadcast_in_dim3A_1477 : vector<16xf32>, vector<16xi1> -> vector<16xf32>
        %add3A_1479 = arith.constant 256 : i32
        %add3A_1480 = arith.addi %shift_left3A_960, %add3A_1479 : i32
        %swap3A_1481 = arith.index_cast %add3A_1480 : i32 to index
        %swap3A_1482 = tpu.vector_load %arg17[%swap3A_1481] {strides = array<i32>} : memref<1024xf32, #tpu.memory_space<vmem>>, vector<16xf32>,
        tpu.vector_store %arg17[%swap3A_1481], %masked_cumsum3A_1478 {strides = array<i32>} : memref<1024xf32, #tpu.memory_space<vmem>>, vector<16xf32>,
        %mul3A_1483 = arith.constant 20 : i32
        %mul3A_1484 = arith.muli %scan3A_956, %mul3A_1483 : i32
        %add3A_1485 = arith.constant 17 : i32
        %add3A_1486 = arith.addi %mul3A_1484, %add3A_1485 : i32
        %get3A_1487 = arith.index_cast %add3A_1486 : i32 to index
        %get3A_1488 = arith.constant 0 : index
        %get3A_1489 = tpu.vector_load %arg16[%get3A_1487, %get3A_1488] {strides = array<i32>} : memref<640x64xf32, #tpu.memory_space<vmem>>, vector<16xf32>,
        %mul3A_1490 = arith.mulf %get3A_963, %get3A_1489 : vector<16xf32>
        %get3A_1491 = arith.index_cast %add3A_1486 : i32 to index
        %get3A_1492 = arith.constant 16 : index
        %get3A_1493 = tpu.vector_load %arg16[%get3A_1491, %get3A_1492] {strides = array<i32>} : memref<640x64xf32, #tpu.memory_space<vmem>>, vector<16xf32>,
        %mul3A_1494 = arith.mulf %get3A_966, %get3A_1493 : vector<16xf32>
        %add3A_1495 = arith.addf %mul3A_1490, %mul3A_1494 : vector<16xf32>
        %get3A_1496 = arith.index_cast %add3A_1486 : i32 to index
        %get3A_1497 = arith.constant 32 : index
        %get3A_1498 = tpu.vector_load %arg16[%get3A_1496, %get3A_1497] {strides = array<i32>} : memref<640x64xf32, #tpu.memory_space<vmem>>, vector<16xf32>,
        %mul3A_1499 = arith.mulf %get3A_969, %get3A_1498 : vector<16xf32>
        %add3A_1500 = arith.addf %add3A_1495, %mul3A_1499 : vector<16xf32>
        %get3A_1501 = arith.index_cast %add3A_1486 : i32 to index
        %get3A_1502 = arith.constant 48 : index
        %get3A_1503 = tpu.vector_load %arg16[%get3A_1501, %get3A_1502] {strides = array<i32>} : memref<640x64xf32, #tpu.memory_space<vmem>>, vector<16xf32>,
        %mul3A_1504 = arith.mulf %get3A_972, %get3A_1503 : vector<16xf32>
        %add3A_1505 = arith.addf %add3A_1500, %mul3A_1504 : vector<16xf32>
        %broadcast_in_dim3A_1506 = arith.constant true
        %broadcast_in_dim3A_1507 = vector.broadcast %broadcast_in_dim3A_1506 : i1 to vector<16xi1>
        %masked_cumsum3A_1508 = tpu.scan <sum>, %add3A_1505 masked %broadcast_in_dim3A_1507 : vector<16xf32>, vector<16xi1> -> vector<16xf32>
        %add3A_1509 = arith.constant 272 : i32
        %add3A_1510 = arith.addi %shift_left3A_960, %add3A_1509 : i32
        %swap3A_1511 = arith.index_cast %add3A_1510 : i32 to index
        %swap3A_1512 = tpu.vector_load %arg17[%swap3A_1511] {strides = array<i32>} : memref<1024xf32, #tpu.memory_space<vmem>>, vector<16xf32>,
        tpu.vector_store %arg17[%swap3A_1511], %masked_cumsum3A_1508 {strides = array<i32>} : memref<1024xf32, #tpu.memory_space<vmem>>, vector<16xf32>,
        %mul3A_1513 = arith.constant 20 : i32
        %mul3A_1514 = arith.muli %scan3A_956, %mul3A_1513 : i32
        %add3A_1515 = arith.constant 18 : i32
        %add3A_1516 = arith.addi %mul3A_1514, %add3A_1515 : i32
        %get3A_1517 = arith.index_cast %add3A_1516 : i32 to index
        %get3A_1518 = arith.constant 0 : index
        %get3A_1519 = tpu.vector_load %arg16[%get3A_1517, %get3A_1518] {strides = array<i32>} : memref<640x64xf32, #tpu.memory_space<vmem>>, vector<16xf32>,
        %mul3A_1520 = arith.mulf %get3A_963, %get3A_1519 : vector<16xf32>
        %get3A_1521 = arith.index_cast %add3A_1516 : i32 to index
        %get3A_1522 = arith.constant 16 : index
        %get3A_1523 = tpu.vector_load %arg16[%get3A_1521, %get3A_1522] {strides = array<i32>} : memref<640x64xf32, #tpu.memory_space<vmem>>, vector<16xf32>,
        %mul3A_1524 = arith.mulf %get3A_966, %get3A_1523 : vector<16xf32>
        %add3A_1525 = arith.addf %mul3A_1520, %mul3A_1524 : vector<16xf32>
        %get3A_1526 = arith.index_cast %add3A_1516 : i32 to index
        %get3A_1527 = arith.constant 32 : index
        %get3A_1528 = tpu.vector_load %arg16[%get3A_1526, %get3A_1527] {strides = array<i32>} : memref<640x64xf32, #tpu.memory_space<vmem>>, vector<16xf32>,
        %mul3A_1529 = arith.mulf %get3A_969, %get3A_1528 : vector<16xf32>
        %add3A_1530 = arith.addf %add3A_1525, %mul3A_1529 : vector<16xf32>
        %get3A_1531 = arith.index_cast %add3A_1516 : i32 to index
        %get3A_1532 = arith.constant 48 : index
        %get3A_1533 = tpu.vector_load %arg16[%get3A_1531, %get3A_1532] {strides = array<i32>} : memref<640x64xf32, #tpu.memory_space<vmem>>, vector<16xf32>,
        %mul3A_1534 = arith.mulf %get3A_972, %get3A_1533 : vector<16xf32>
        %add3A_1535 = arith.addf %add3A_1530, %mul3A_1534 : vector<16xf32>
        %broadcast_in_dim3A_1536 = arith.constant true
        %broadcast_in_dim3A_1537 = vector.broadcast %broadcast_in_dim3A_1536 : i1 to vector<16xi1>
        %masked_cumsum3A_1538 = tpu.scan <sum>, %add3A_1535 masked %broadcast_in_dim3A_1537 : vector<16xf32>, vector<16xi1> -> vector<16xf32>
        %add3A_1539 = arith.constant 288 : i32
        %add3A_1540 = arith.addi %shift_left3A_960, %add3A_1539 : i32
        %swap3A_1541 = arith.index_cast %add3A_1540 : i32 to index
        %swap3A_1542 = tpu.vector_load %arg17[%swap3A_1541] {strides = array<i32>} : memref<1024xf32, #tpu.memory_space<vmem>>, vector<16xf32>,
        tpu.vector_store %arg17[%swap3A_1541], %masked_cumsum3A_1538 {strides = array<i32>} : memref<1024xf32, #tpu.memory_space<vmem>>, vector<16xf32>,
        %mul3A_1543 = arith.constant 20 : i32
        %mul3A_1544 = arith.muli %scan3A_956, %mul3A_1543 : i32
        %add3A_1545 = arith.constant 19 : i32
        %add3A_1546 = arith.addi %mul3A_1544, %add3A_1545 : i32
        %get3A_1547 = arith.index_cast %add3A_1546 : i32 to index
        %get3A_1548 = arith.constant 0 : index
        %get3A_1549 = tpu.vector_load %arg16[%get3A_1547, %get3A_1548] {strides = array<i32>} : memref<640x64xf32, #tpu.memory_space<vmem>>, vector<16xf32>,
        %mul3A_1550 = arith.mulf %get3A_963, %get3A_1549 : vector<16xf32>
        %get3A_1551 = arith.index_cast %add3A_1546 : i32 to index
        %get3A_1552 = arith.constant 16 : index
        %get3A_1553 = tpu.vector_load %arg16[%get3A_1551, %get3A_1552] {strides = array<i32>} : memref<640x64xf32, #tpu.memory_space<vmem>>, vector<16xf32>,
        %mul3A_1554 = arith.mulf %get3A_966, %get3A_1553 : vector<16xf32>
        %add3A_1555 = arith.addf %mul3A_1550, %mul3A_1554 : vector<16xf32>
        %get3A_1556 = arith.index_cast %add3A_1546 : i32 to index
        %get3A_1557 = arith.constant 32 : index
        %get3A_1558 = tpu.vector_load %arg16[%get3A_1556, %get3A_1557] {strides = array<i32>} : memref<640x64xf32, #tpu.memory_space<vmem>>, vector<16xf32>,
        %mul3A_1559 = arith.mulf %get3A_969, %get3A_1558 : vector<16xf32>
        %add3A_1560 = arith.addf %add3A_1555, %mul3A_1559 : vector<16xf32>
        %get3A_1561 = arith.index_cast %add3A_1546 : i32 to index
        %get3A_1562 = arith.constant 48 : index
        %get3A_1563 = tpu.vector_load %arg16[%get3A_1561, %get3A_1562] {strides = array<i32>} : memref<640x64xf32, #tpu.memory_space<vmem>>, vector<16xf32>,
        %mul3A_1564 = arith.mulf %get3A_972, %get3A_1563 : vector<16xf32>
        %add3A_1565 = arith.addf %add3A_1560, %mul3A_1564 : vector<16xf32>
        %broadcast_in_dim3A_1566 = arith.constant true
        %broadcast_in_dim3A_1567 = vector.broadcast %broadcast_in_dim3A_1566 : i1 to vector<16xi1>
        %masked_cumsum3A_1568 = tpu.scan <sum>, %add3A_1565 masked %broadcast_in_dim3A_1567 : vector<16xf32>, vector<16xi1> -> vector<16xf32>
        %add3A_1569 = arith.constant 304 : i32
        %add3A_1570 = arith.addi %shift_left3A_960, %add3A_1569 : i32
        %swap3A_1571 = arith.index_cast %add3A_1570 : i32 to index
        %swap3A_1572 = tpu.vector_load %arg17[%swap3A_1571] {strides = array<i32>} : memref<1024xf32, #tpu.memory_space<vmem>>, vector<16xf32>,
        tpu.vector_store %arg17[%swap3A_1571], %masked_cumsum3A_1568 {strides = array<i32>} : memref<1024xf32, #tpu.memory_space<vmem>>, vector<16xf32>,
        %get3A_1573 = arith.index_cast %scan3A_956 : i32 to index
        %get3A_1574 = arith.constant 0 : index
        %get3A_1575 = tpu.vector_load %arg15[%get3A_1573, %get3A_1574] {strides = array<i32>} : memref<32x64xf32, #tpu.memory_space<vmem>>, vector<16xf32>,
        %mul3A_1576 = arith.mulf %get3A_963, %get3A_1575 : vector<16xf32>
        %get3A_1577 = arith.index_cast %scan3A_956 : i32 to index
        %get3A_1578 = arith.constant 16 : index
        %get3A_1579 = tpu.vector_load %arg15[%get3A_1577, %get3A_1578] {strides = array<i32>} : memref<32x64xf32, #tpu.memory_space<vmem>>, vector<16xf32>,
        %mul3A_1580 = arith.mulf %get3A_966, %get3A_1579 : vector<16xf32>
        %add3A_1581 = arith.addf %mul3A_1576, %mul3A_1580 : vector<16xf32>
        %get3A_1582 = arith.index_cast %scan3A_956 : i32 to index
        %get3A_1583 = arith.constant 32 : index
        %get3A_1584 = tpu.vector_load %arg15[%get3A_1582, %get3A_1583] {strides = array<i32>} : memref<32x64xf32, #tpu.memory_space<vmem>>, vector<16xf32>,
        %mul3A_1585 = arith.mulf %get3A_969, %get3A_1584 : vector<16xf32>
        %add3A_1586 = arith.addf %add3A_1581, %mul3A_1585 : vector<16xf32>
        %get3A_1587 = arith.index_cast %scan3A_956 : i32 to index
        %get3A_1588 = arith.constant 48 : index
        %get3A_1589 = tpu.vector_load %arg15[%get3A_1587, %get3A_1588] {strides = array<i32>} : memref<32x64xf32, #tpu.memory_space<vmem>>, vector<16xf32>,
        %mul3A_1590 = arith.mulf %get3A_972, %get3A_1589 : vector<16xf32>
        %add3A_1591 = arith.addf %add3A_1586, %mul3A_1590 : vector<16xf32>
        %broadcast_in_dim3A_1592 = arith.constant true
        %broadcast_in_dim3A_1593 = vector.broadcast %broadcast_in_dim3A_1592 : i1 to vector<16xi1>
        %masked_cumsum3A_1594 = tpu.scan <sum>, %add3A_1591 masked %broadcast_in_dim3A_1593 : vector<16xf32>, vector<16xi1> -> vector<16xf32>
        %add3A_1595 = arith.constant 320 : i32
        %add3A_1596 = arith.addi %shift_left3A_960, %add3A_1595 : i32
        %swap3A_1597 = arith.index_cast %add3A_1596 : i32 to index
        %swap3A_1598 = tpu.vector_load %arg17[%swap3A_1597] {strides = array<i32>} : memref<1024xf32, #tpu.memory_space<vmem>>, vector<16xf32>,
        tpu.vector_store %arg17[%swap3A_1597], %masked_cumsum3A_1594 {strides = array<i32>} : memref<1024xf32, #tpu.memory_space<vmem>>, vector<16xf32>,
        %mul3A_1599 = arith.constant 16 : i32
        %mul3A_1600 = vector.broadcast %mul3A_1599 : i32 to vector<16xi32>
        %mul3A_1601 = arith.muli %iota3A, %mul3A_1600 : vector<16xi32>
        %add3A_1602 = vector.broadcast %shift_left3A_960 : i32 to vector<16xi32>
        %add3A_1603 = arith.addi %add3A_1602, %mul3A_1601 : vector<16xi32>
        %add3A_1604 = arith.constant 15 : i32
        %add3A_1605 = vector.broadcast %add3A_1604 : i32 to vector<16xi32>
        %add3A_1606 = arith.addi %add3A_1603, %add3A_1605 : vector<16xi32>
        %gather3A_1607 = tpu.vector_load_idx %arg17[%add3A_1606] : memref<1024xf32, #tpu.memory_space<vmem>>[vector<16xi32>], vector<16xf32>,
        %mul3A_1608 = arith.constant 16 : i32
        %mul3A_1609 = vector.broadcast %mul3A_1608 : i32 to vector<16xi32>
        %mul3A_1610 = arith.muli %iota3A, %mul3A_1609 : vector<16xi32>
        %add3A_1611 = vector.broadcast %shift_left3A_960 : i32 to vector<16xi32>
        %add3A_1612 = arith.addi %add3A_1611, %mul3A_1610 : vector<16xi32>
        %add3A_1613 = arith.constant 271 : i32
        %add3A_1614 = vector.broadcast %add3A_1613 : i32 to vector<16xi32>
        %add3A_1615 = arith.addi %add3A_1612, %add3A_1614 : vector<16xi32>
        %gather3A_1616 = tpu.vector_load_idx %arg17[%add3A_1615] : memref<1024xf32, #tpu.memory_space<vmem>>[vector<16xi32>], vector<16xf32>,
        %add3A_1617 = arith.addi %mul3A_287, %scan3A_956 : i32
        %swap3A_1618 = arith.index_cast %add3A_1617 : i32 to index
        %swap3A_1619 = arith.constant 0 : index
        %swap3A_1620 = tpu.vector_load %arg18[%swap3A_1618, %swap3A_1619] {strides = array<i32>} : memref<512x32xf32, #tpu.memory_space<vmem>>, vector<16xf32>,
        tpu.vector_store %arg18[%swap3A_1618, %swap3A_1619], %gather3A_1607 {strides = array<i32>} : memref<512x32xf32, #tpu.memory_space<vmem>>, vector<16xf32>,
        %swap3A_1621 = arith.index_cast %add3A_1617 : i32 to index
        %swap3A_1622 = arith.constant 16 : index
        %swap3A_1623 = tpu.vector_load %arg18[%swap3A_1621, %swap3A_1622] {strides = array<i32>} : memref<512x32xf32, #tpu.memory_space<vmem>>, vector<16xf32>,
        tpu.vector_store %arg18[%swap3A_1621, %swap3A_1622], %gather3A_1616 {strides = array<i32>} : memref<512x32xf32, #tpu.memory_space<vmem>>, vector<16xf32>,
      }
      %scan3A_293 = arith.constant 32 : i32
    }
    %scan3A_58 = arith.constant 8 : i32
    "tpu.region"() ({
      %run_scoped3A = tpu.sem_alloc : memref<!tpu.dma_semaphore, #tpu.memory_space<semaphore_mem>>
      %dma_start3A_59 = arith.constant 0 : i32
      %dma_start3A_60 = tpu.memref_slice %arg7[%mul3A_2, %dma_start3A_59] : memref<16384x32xf32, #tpu.memory_space<hbm>> -> memref<512x32xf32, #tpu.memory_space<hbm>>
      %dma_start3A_61 = arith.constant 0 : i32
      %dma_start3A_62 = tpu.memref_slice %arg7[%mul3A_2, %dma_start3A_61] : memref<16384x32xf32, #tpu.memory_space<hbm>> -> memref<512x32xf32, #tpu.memory_space<hbm>>
      tpu.enqueue_dma source(%arg18 : memref<512x32xf32, #tpu.memory_space<vmem>>) target(%dma_start3A_62 : memref<512x32xf32, #tpu.memory_space<hbm>>) target_semaphore(%run_scoped3A : memref<!tpu.dma_semaphore, #tpu.memory_space<semaphore_mem>>)
      %dma_wait3A = arith.constant 0 : i32
      %dma_wait3A_63 = tpu.memref_slice %arg7[%mul3A_2, %dma_wait3A] : memref<16384x32xf32, #tpu.memory_space<hbm>> -> memref<512x32xf32, #tpu.memory_space<hbm>>
      %dma_wait3A_64 = arith.constant 0 : i32
      %dma_wait3A_65 = tpu.memref_slice %arg7[%mul3A_2, %dma_wait3A_64] : memref<16384x32xf32, #tpu.memory_space<hbm>> -> memref<512x32xf32, #tpu.memory_space<hbm>>
      tpu.wait_dma2 semaphore(%run_scoped3A : memref<!tpu.dma_semaphore, #tpu.memory_space<semaphore_mem>>) src(%arg18 : memref<512x32xf32, #tpu.memory_space<vmem>>) dst(%dma_wait3A_65 : memref<512x32xf32, #tpu.memory_space<hbm>>)
      tpu.yield
    }) : () -> ()
    return
  }
}

</mosaic_0001>

<sc_bundles>
// kernel: _sc_call.3.cloned.1.call-start
scs
__scs_entry_jumppad:
0x0: {  	(pc) =	sbr.rel $0x88, $3  }
0x1: {  	(tag) =	ssettag $0x0;
	lr =	simm.s32 $0x1  }
0x2: {  	[smem:$0x3F9C] =	sst lr;
	_ =	strace $0xD0000000  }
0x3: {  	_ = 	snop  }
0x4: {  	_ = 	snop  }
0x5: {  	_ = 	snop  }
0x6: {  	_ = 	snop  }
0x7: {  	_ = 	snop  }
__scs_overlays_trampoline_lowered:
0x8: {  	[smem:$0x3FAB] =	sst s0  }
0x9: {  	[smem:$0x3FAC] =	sst s1  }
0xa: {  	[smem:$0x3FAD] =	sst s2  }
0xb: {  	[smem:$0x3FAE] =	sst s3  }
0xc: {  	[smem:$0x3FAF] =	sst s4  }
0xd: {  	[smem:$0x3FB0] =	sst s5  }
0xe: {  	[smem:$0x3FB1] =	sst s6  }
0xf: {  	[smem:$0x3FB2] =	sst s7  }
0x10: {  	[smem:$0x3FB3] =	sst s8  }
0x11: {  	[smem:$0x3FB4] =	sst s9;
	s0 =	simm.s32 @!p0 $0x0  }
0x12: {  	s1 =	sld [smem:$0x3F9A];
	s0 =	simm.s32 @p0 $0x1  }
0x13: {  	[smem:$0x3FB5] =	sst s0;
	s0 =	simm.s32 @!p1 $0x0  }
0x14: {  	s2 =	sld [smem:$0x3F99];
	s0 =	simm.s32 @p1 $0x1  }
0x15: {  	[smem:$0x3FB6] =	sst s0;
	s0 =	simm.s32 @!p2 $0x0  }
0x16: {  	s3 =	sld [smem:$0x3FDB];
	s0 =	simm.s32 @p2 $0x1  }
0x17: {  	s4 =	simm.s32 $0x1BF5;
	[smem:$0x3FB8] =	sst s0  }
0x18: {  	s0 =	sld [smem:$0x3F9B];
	_ =	swait.ge [sflag:s4], $0x0  }
0x19: {  	s7 =	sld [smem:$0x3F9C]  }
0x1a: {  	s8 =	sadd.s32 $0xFFFFE003, lr  }
0x1b: {  	s9 =	sadd.s32 $0xFFFFFEF7, lr;
	s5 =	simm.s32 $0xFFFFFFFF;
	p2 =	slt.u32 s8, $0xFFFFF086  }
0x1c: {  	p1 =	slt.u32 s9, $0xF7A;
	s5 =	simm.s32 @!p2 $0x0  }
0x1d: {  	s5 =	simm.s32 @p1 $0x1;
	p0 =	seq.s32 s7, s2  }
0x1e: {  	s7 =	smul.u32 @!p0 $0xF7A, s2;
	p2 =	seq.s32 @!p0 s5, $0x0  }
0x1f: {  	s9 =	smul.u32 $0xF7A, s1;
	s8 =	simm.s32 @!p0 $0x1BF5;
	p2 =	por !p2, p0  }
0x20: {  	[sflag:s8] =	ssyncset.s32 @!p0 $0xFFFFF086;
	s6 =	sadd.s32 @!p0 s3, s7;
	s7 =	simm.s32 @!p0 $0x108  }
0x21: {  	s3 =	sadd.s32 s3, s9;
	s6 =	sadd.s32 @!p0 $0x88, s6;
	s7 =	simm.s32 @p2 $0x1082  }
0x22: {  	[simem:s7], [sflag:s8] =	dma.local @!p0 [hbm:s6], $0xF7A  }
0x23: {  	s9 =	sor.u32 $0xD0000000, s2;
	s6 =	simm.s32 $0x108;
	_ =	swait.ge @!p0 [sflag:s8], $0x0  }
0x24: {  	s3 =	sadd.s32 $0x88, s3;
	s6 =	simm.s32 @!p1 $0x1082;
	[sflag:s4] =	ssyncset.s32 $0xFFFFF086  }
0x25: {  	[simem:s6], [sflag:s4] =	dma.local [hbm:s3], $0xF7A  }
0x26: {  	[smem:$0x3F9C] =	sst s1;
	(tag) =	ssettag s2;
	_ =	strace s9  }
0x27: {  	s1 =	sld [smem:$0x3FAC]  }
0x28: {  	s2 =	sld [smem:$0x3FAD]  }
0x29: {  	s4 =	sld [smem:$0x3FAF]  }
0x2a: {  	p0 =	seq.s32 s5, $0x0;
	s5 =	sld [smem:$0x3FB0]  }
0x2b: {  	s6 =	sld [smem:$0x3FB1]  }
0x2c: {  	s7 =	sld [smem:$0x3FB2]  }
0x2d: {  	s3 =	simm.s32 $0x108;
	s8 =	sld [smem:$0x3FB3]  }
0x2e: {  	s3 =	simm.s32 @!p0 $0x1082;
	s9 =	sld [smem:$0x3FB4]  }
0x2f: {  	lr =	sadd.s32 s0, s3;
	s0 =	sld [smem:$0x3FAB]  }
0x30: {  	s3 =	sld [smem:$0x3FAE]  }
0x31: {  	[smem:$0x3FB7] =	sst s10  }
0x32: {  	s10 =	sld [smem:$0x3FB5];
	_ =	sdelay $0x3  }
0x33: {  	p0 =	seq.s32 s10, $0x1;
	s10 =	sld [smem:$0x3FB7];
	_ =	sdelay $0x3  }
0x34: {  	[smem:$0x3FB7] =	sst s10  }
0x35: {  	s10 =	sld [smem:$0x3FB6];
	_ =	sdelay $0x3  }
0x36: {  	p1 =	seq.s32 s10, $0x1;
	s10 =	sld [smem:$0x3FB7];
	_ =	sdelay $0x3  }
0x37: {  	[smem:$0x3FB7] =	sst s10  }
0x38: {  	s10 =	sld [smem:$0x3FB8]  }
0x39: {  	_ = 	snop;
	(pc) =	sbr.ind lr, $3  }
0x3a: {  	_ = 	snop  }
0x3b: {  	_ = 	snop  }
0x3c: {  	p2 =	seq.s32 s10, $0x1;
	s10 =	sld [smem:$0x3FB7]  }
0x3d: {  	_ =	shalt  }
0x3e: {  	_ =	shalt  }
0x3f: {  	_ =	shalt  }
0x40: {  	_ =	shalt  }
0x41: {  	_ =	shalt  }
0x42: {  	_ =	shalt  }
0x43: {  	_ =	shalt  }
0x44: {  	_ =	shalt  }
0x45: {  	_ =	shalt  }
0x46: {  	_ =	shalt  }
0x47: {  	_ =	shalt  }
0x48: {  	_ =	shalt  }
0x49: {  	_ =	shalt  }
0x4a: {  	_ =	shalt  }
0x4b: {  	_ =	shalt  }
0x4c: {  	_ =	shalt  }
0x4d: {  	_ =	shalt  }
0x4e: {  	_ =	shalt  }
0x4f: {  	_ =	shalt  }
0x50: {  	_ =	shalt  }
0x51: {  	_ =	shalt  }
0x52: {  	_ =	shalt  }
0x53: {  	_ =	shalt  }
0x54: {  	_ =	shalt  }
0x55: {  	_ =	shalt  }
0x56: {  	_ =	shalt  }
0x57: {  	_ =	shalt  }
0x58: {  	_ =	shalt  }
0x59: {  	_ =	shalt  }
0x5a: {  	_ =	shalt  }
0x5b: {  	_ =	shalt  }
0x5c: {  	_ =	shalt  }
0x5d: {  	_ =	shalt  }
0x5e: {  	_ =	shalt  }
0x5f: {  	_ =	shalt  }
0x60: {  	_ =	shalt  }
0x61: {  	_ =	shalt  }
0x62: {  	_ =	shalt  }
0x63: {  	_ =	shalt  }
0x64: {  	_ =	shalt  }
0x65: {  	_ =	shalt  }
0x66: {  	_ =	shalt  }
0x67: {  	_ =	shalt  }
0x68: {  	_ =	shalt  }
0x69: {  	_ =	shalt  }
0x6a: {  	_ =	shalt  }
0x6b: {  	_ =	shalt  }
0x6c: {  	_ =	shalt  }
0x6d: {  	_ =	shalt  }
0x6e: {  	_ =	shalt  }
0x6f: {  	_ =	shalt  }
0x70: {  	_ =	shalt  }
0x71: {  	_ =	shalt  }
0x72: {  	_ =	shalt  }
0x73: {  	_ =	shalt  }
0x74: {  	_ =	shalt  }
0x75: {  	_ =	shalt  }
0x76: {  	_ =	shalt  }
0x77: {  	_ =	shalt  }
0x78: {  	_ =	shalt  }
0x79: {  	_ =	shalt  }
0x7a: {  	_ =	shalt  }
0x7b: {  	_ =	shalt  }
0x7c: {  	_ =	shalt  }
0x7d: {  	_ =	shalt  }
0x7e: {  	_ =	shalt  }
0x7f: {  	_ =	shalt  }
0x80: {  	_ =	shalt  }
0x81: {  	_ =	shalt  }
0x82: {  	_ =	shalt  }
0x83: {  	_ =	shalt  }
0x84: {  	_ =	shalt  }
0x85: {  	_ =	shalt  }
0x86: {  	_ =	shalt  }
0x87: {  	_ =	shalt  }
.Lfunc_end0:
.L_simem_size_0:
called_computation_lowered:
.L_overlay_start_0:
0x88: {  	s2 =	sld [smem:$0x3FD9]  }
0x89: {  	s3 =	sld [smem:$0x3FFE];
	_ =	sdelay $0x1  }
0x8a: {  	s1 =	srdreg.scid  }
0x8b: {  	s0 =	sand.u32 $0x1, s1  }
0x8c: {  	s17 =	sshll.u32 s0, $0xA;
	s2 =	sadd.s32 s3, s2  }
0x8d: {  	s2 =	sadd.s32 s2, s17  }
0x8e: {  	[smem:$0x3FC3] =	sst s2  }
0x8f: {  	_ = 	snop  }
0x90: {  	s2 =	sld [smem:$0x3FC9]  }
0x91: {  	s18 =	sld [smem:$0x3FC8]  }
0x92: {  	s4 =	sld [smem:$0x3FC7]  }
0x93: {  	s5 =	sld [smem:$0x3FD0];
	(tm) =	ssettm $0x1  }
0x94: {  	s6 =	sld [smem:$0x3FFB];
	_ =	sdelay $0x3  }
0x95: {  	_ =	strace s6  }
0x96: {  	s6 =	sld [smem:$0x3FFC];
	_ =	sdelay $0x3  }
0x97: {  	_ =	strace s6  }
0x98: {  	s6 =	sld [smem:$0x3FFD];
	_ =	sdelay $0x3  }
0x99: {  	_ =	strace s6  }
0x9a: {  	_ =	strace $0x8FFFFFFF  }
0x9b: {  	s19 =	sld [smem:$0x3FDB];
	_ =	sdelay $0x1  }
0x9c: {  	s7 =	simm.s32 $_scs_section_size  }
0x9d: {  	s8 =	simm.s32 $_size__tile_overlayer_lowered;
	s9 =	simm.s32 $_tile_overlayer_lowered  }
0x9e: {  	s22 =	simm.s32 $0x1BFF;
	s21 =	sshll.u32 s9, $0x1;
	s6 =	sadd.s32 s7, s19  }
0x9f: {  	s10 =	simm.s32 $0x0;
	s20 =	sshll.u32 s8, $0x1;
	s8 =	sadd.s32 s21, s6  }
0xa0: {  	[timem:s10], [sflag:s22] =	dma.local [hbm:s8], s20  }
0xa1: {  	_ =	swait.ge [sflag:s22], s20  }
0xa2: {  	s7 =	ssub.s32 $0x0, s20;
	[sflag:s22] =	ssyncset.done $0x0  }
0xa3: {  	[sflag:s22] =	ssyncadd.s32 s7;
	_ =	sdelay $0x1  }
0xa4: {  	s23 =	simm.s32 $0x1B8B  }
0xa5: {  	_ =	swait.ge [sflag:s23], $0x1  }
0xa6: {  	[sflag:s23] =	ssyncset.done $0x0  }
0xa7: {  	s25 =	simm.s32 $0x1B8E;
	s24 =	sld [smem:$0x3FFE];
	[sflag:s23] =	ssyncadd.s32 $0xFFFFFFFF  }
0xa8: {  	s26 =	simm.s32 $execute0_lowered;
	[smem:$0x3FD2] =	sst s25  }
0xa9: {  	s8 =	sshll.u32 s26, $0x1;
	_ =	strace $0x80000046;
	[dreg:$0x1] =	wrdreg $0xFFFFFFFF  }
0xaa: {  	s28 =	simm.s32 $_size_execute0_lowered;
	s6 =	sadd.s32 s6, s8;
	[dreg:$0x0] =	wrdreg $0x0  }
0xab: {  	s8 =	sshll.u32 s28, $0x1;
	[dreg:$0x2] =	wrdreg s6  }
0xac: {  	[dreg:$0x3] =	wrdreg s8  }
0xad: {  	[dreg:$0x4] =	wrdreg $0xC0  }
0xae: {  	_ =	task [dreg:s10], $0x5FFFF  }
0xaf: {  	[dreg:$0x1] =	wrdreg $0xFFFFFFFF  }
0xb0: {  	[dreg:$0x0] =	wrdreg $0x60  }
0xb1: {  	[dreg:$0x2] =	wrdreg s2  }
0xb2: {  	[dreg:$0x3] =	wrdreg s18  }
0xb3: {  	[dreg:$0x4] =	wrdreg s4  }
0xb4: {  	[dreg:$0x5] =	wrdreg s24  }
0xb5: {  	[dreg:$0x6] =	wrdreg s5  }
0xb6: {  	[dreg:$0x7] =	wrdreg $0x9  }
0xb7: {  	_ =	task.clear_ibuf [dreg:s10], $0x8FFFF;
	_ =	strace $0x90000046  }
0xb8: {  	s29 =	simm.s32 $0x9;
	_ =	strace $0x80000048  }
0xb9: {  	_ =	swait.ge [sflag:s29], $0x1  }
0xba: {  	[sflag:s29] =	ssyncadd.s32 $0xFFFFFFFF  }
0xbb: {  	_ =	strace $0x90000048  }
0xbc: {  	_ =	sfence  }
0xbd: {  	s30 =	sld [smem:$0x0];
	_ =	sdelay $0x2  }
0xbe: {  	s31 =	sshll.u32 s1, $0xD;
	s1 =	sshrl.u32 s1, $0x2  }
0xbf: {  	s3 =	sand.u32 $0x4000, s31;
	s1 =	sadd.s32 s1, s30  }
0xc0: {  	s0 =	sor.u32 s3, s0;
	s1 =	sshll.u32 s1, $0x11  }
0xc1: {  	s0 =	sor.u32 s1, s0  }
0xc2: {  	s0 =	sadd.s32 $0x8F2B, s0  }
0xc3: {  	[sflag:s0] =	ssyncadd.remote.s32 $0x1  }
0xc4: {  	_ =	sfence.sel $0xFFFF  }
0xc5: {  	[dreg:$0x0] =	wrdreg $0xFFFFFFFF;
	(pc) =	sbr.abs _section_cstart, $3  }
0xc6: {  	[dreg:$0x1] =	wrdreg $0xFFFFFFFF  }
0xc7: {  	_ =	task.clear_ibuf [dreg:s10], $0x2FFFF;
	_ =	strace $0x9FFFFFFF  }
0xc8: {  	(tm) =	ssettm $0x7FFFFFFF  }
0xc9: {  	_ =	shalt  }
tec
execute0_lowered:
.L_overlay_start_1:
0x0: {  	(tag) =	ssettag $0x1  }
0x1: {  	s0 =	rddreg [dreg:$0x0]  }
0x2: {  	s1 =	rddreg [dreg:$0x1]  }
0x3: {  	s7 =	rddreg [dreg:$0x2]  }
0x4: {  	s4 =	rddreg [dreg:$0x3]  }
0x5: {  	s8 =	rddreg [dreg:$0x4];
	s2 =	simm.s32 $0x0;
	s3 =	srdreg.scid  }
0x6: {  	s6 =	stileid.u32;
	s13 =	simm.s32 $0x20;
	s16 =	simm.s32 $0x80  }
0x7: {  	s28 =	simm.s32 $0xE400;
	s29 =	simm.s32 $0xEC00;
	s30 =	simm.s32 $0x10C00  }
0x8: {  	s31 =	simm.s32 $0x12C00;
	s14 =	simm.s32 $0x1;
	s15 =	simm.s32 $0x18C00  }
0x9: {  	s17 =	simm.s32 $0x2;
	s19 =	simm.s32 $0x0;
	[smem:$0x7FF] =	sst s2  }
0xa: {  	s5 =	sand.u32 $0x1, s3;
	s6 =	sshll.u32 s6, $0x1;
	s3 =	sadd.s32 $0xF42800, s4  }
0xb: {  	s4 =	sadd.s32 $0x16E3A00, s4;
	s9 =	ssub.s32 $0x2, s5;
	s10 =	sor.u32 s5, s6  }
0xc: {  	v0 =	vlaneseq.u32;
	_ =	strace $0x80000047;
	s25 =	sshrl.u32 s9, $0x1;
	s6 =	sshll.u32 s10, $0x6  }
0xd: {  	v3 =	vmul.u32 $0x10, v0;
	s11 =	smul.u32 $0x500, s10;
	s26 =	sshll.u32 s10, $0xB;
	s10 =	simm.s32 $0x3  }
0xe: {  	s9 =	ssub.s32 s9, s25;
	s5 =	sadd.s32 s0, s6;
	s6 =	sadd.s32 s1, s6  }
0xf: {  	v0 =	vor.u32 $0xF, v3;
	s8 =	sadd.s32 s8, s26;
	s26 =	simm.s32 $0xDC00;
	s0 =	simm.s32 $0x14C00  }
0x10: {  	v1 =	vor.u32 $0x10F, v3;
	v2 =	vor.u32 $0x20F, v3;
	v3 =	vor.u32 $0x30F, v3;
	s1 =	simm.s32 $0x16C00;
	s7 =	sadd.s32 s7, s11;
	s9 =	smax.u32 s9, $0x1  }
.LBB2_1:
0x11: {  	[tilespmem:s2], [sflag:$0x3] =	stream.linear.gather [hbm4b:s5+s2], $0x200, $0x38;
	[tilespmem:$0x1D000] =	vst v63  }
0x12: {  	_ =	swait.ge [sflag:s10], $0x200  }
0x13: {  	[sflag:s10] =	ssyncset.done $0x0  }
0x14: {  	s11 =	simm.s32 $0x200;
	[sflag:s10] =	ssyncadd.s32 $0xFFFFFE00  }
0x15: {  	[tilespmem:s11], [sflag:$0x3] =	stream.linear.gather [hbm4b:s6+s2], $0x200, $0x38;
	[tilespmem:$0x1D000] =	vst v63  }
0x16: {  	_ =	swait.ge [sflag:s10], $0x200  }
0x17: {  	[sflag:s10] =	ssyncset.done $0x0  }
0x18: {  	s12 =	simm.s32 $0x400;
	[sflag:s10] =	ssyncadd.s32 $0xFFFFFE00  }
0x19: {  	[tilespmem:s12], [sflag:$0x3] =	stream.linear.gather [hbm4b:s7+s2], $0x2800, $0x38;
	[tilespmem:$0x1D000] =	vst v63  }
0x1a: {  	_ =	swait.ge [sflag:s10], $0x2800  }
0x1b: {  	[sflag:s10] =	ssyncset.done $0x0  }
0x1c: {  	s18 =	simm.s32 $0x2C00;
	[sflag:s10] =	ssyncadd.s32 $0xFFFFD800  }
0x1d: {  	[tilespmem:s18], [sflag:$0x1] =	stream.indirect.gather [hbm4b:s3+s13], $0x40, s2, s13, $0xb8;
	[tilespmem:$0x1D000] =	vst v63  }
0x1e: {  	s24 =	simm.s32 $0x3400  }
0x1f: {  	[tilespmem:s24], [sflag:$0x1] =	stream.indirect.gather [hbm4b:s4+s13], $0x40, s11, s13, $0xb8;
	[tilespmem:$0x1D000] =	vst v63  }
0x20: {  	s25 =	simm.s32 $0x3C00  }
0x21: {  	[tilespmem:s25], [sflag:$0x1] =	stream.indirect.gather [hbm4b:s4+s16], $0x40, s12, s16, $0xb8;
	[tilespmem:$0x1D000] =	vst v63  }
0x22: {  	s18 =	simm.s32 $0x5C00;
	s12 =	simm.s32 $0x480  }
0x23: {  	[tilespmem:s18], [sflag:$0x1] =	stream.indirect.gather [hbm4b:s4+s16], $0x40, s12, s16, $0xb8;
	[tilespmem:$0x1D000] =	vst v63  }
0x24: {  	s20 =	simm.s32 $0x500;
	s21 =	simm.s32 $0x7C00;
	s22 =	simm.s32 $0x580  }
0x25: {  	[tilespmem:s21], [sflag:$0x1] =	stream.indirect.gather [hbm4b:s4+s16], $0x40, s20, s16, $0xb8;
	[tilespmem:$0x1D000] =	vst v63  }
0x26: {  	s23 =	simm.s32 $0x9C00;
	s24 =	simm.s32 $0x600;
	s25 =	simm.s32 $0xBC00  }
0x27: {  	[tilespmem:s23], [sflag:$0x1] =	stream.indirect.gather [hbm4b:s4+s16], $0x40, s22, s16, $0xb8;
	[tilespmem:$0x1D000] =	vst v63  }
0x28: {  	s12 =	simm.s32 $0x19020;
	s21 =	simm.s32 $0x19430;
	s22 =	simm.s32 $0x0  }
0x29: {  	[tilespmem:s25], [sflag:$0x1] =	stream.indirect.gather [hbm4b:s4+s16], $0x40, s24, s16, $0xb8;
	[tilespmem:$0x1D000] =	vst v63  }
.LBB2_2:
0x2a: {  	s11 =	sshllo.u32 s22, $0x1  }
0x2b: {  	s18 =	sshll.u32 s11, $0x5;
	s11 =	smul.u32 $0xA00, s11  }
0x2c: {  	[tilespmem:s26], [sflag:$0x2] =	stream.indirect.gather [hbm4b:s3+s13], $0x40, s18, s13, $0xb8;
	[tilespmem:$0x1D000] =	vst v63  }
0x2d: {  	s18 =	sadd.s32 $0x200, s18;
	s11 =	sshra.s32 s11, $0x2  }
0x2e: {  	[tilespmem:s28], [sflag:$0x2] =	stream.indirect.gather [hbm4b:s4+s13], $0x40, s18, s13, $0xb8;
	[tilespmem:$0x1D000] =	vst v63  }
0x2f: {  	s20 =	sadd.s32 $0x400, s11  }
0x30: {  	[tilespmem:s29], [sflag:$0x2] =	stream.indirect.gather [hbm4b:s4+s16], $0x40, s20, s16, $0xb8;
	[tilespmem:$0x1D000] =	vst v63  }
0x31: {  	s23 =	sadd.s32 $0x480, s11  }
0x32: {  	[tilespmem:s30], [sflag:$0x2] =	stream.indirect.gather [hbm4b:s4+s16], $0x40, s23, s16, $0xb8;
	[tilespmem:$0x1D000] =	vst v63  }
0x33: {  	s24 =	sadd.s32 $0x500, s11  }
0x34: {  	[tilespmem:s31], [sflag:$0x2] =	stream.indirect.gather [hbm4b:s4+s16], $0x40, s24, s16, $0xb8;
	[tilespmem:$0x1D000] =	vst v63  }
0x35: {  	s25 =	sadd.s32 $0x580, s11  }
0x36: {  	[tilespmem:s0], [sflag:$0x2] =	stream.indirect.gather [hbm4b:s4+s16], $0x40, s25, s16, $0xb8;
	[tilespmem:$0x1D000] =	vst v63  }
0x37: {  	s11 =	sadd.s32 $0x600, s11  }
0x38: {  	[tilespmem:s1], [sflag:$0x2] =	stream.indirect.gather [hbm4b:s4+s16], $0x40, s11, s16, $0xb8;
	[tilespmem:$0x1D000] =	vst v63  }
0x39: {  	_ =	swait.ge [sflag:s14], $0x800  }
0x3a: {  	[sflag:s14] =	ssyncset.done $0x0  }
0x3b: {  	[sflag:s14] =	ssyncadd.s32 $0xFFFFF800  }
0x3c: {  	_ =	swait.ge [sflag:s14], $0x800  }
0x3d: {  	[sflag:s14] =	ssyncset.done $0x0  }
0x3e: {  	[sflag:s14] =	ssyncadd.s32 $0xFFFFF800  }
0x3f: {  	_ =	swait.ge [sflag:s14], $0x2000  }
0x40: {  	[sflag:s14] =	ssyncset.done $0x0  }
0x41: {  	[sflag:s14] =	ssyncadd.s32 $0xFFFFE000  }
0x42: {  	_ =	swait.ge [sflag:s14], $0x2000  }
0x43: {  	[sflag:s14] =	ssyncset.done $0x0  }
0x44: {  	[sflag:s14] =	ssyncadd.s32 $0xFFFFE000  }
0x45: {  	_ =	swait.ge [sflag:s14], $0x2000  }
0x46: {  	[sflag:s14] =	ssyncset.done $0x0  }
0x47: {  	[sflag:s14] =	ssyncadd.s32 $0xFFFFE000  }
0x48: {  	_ =	swait.ge [sflag:s14], $0x2000  }
0x49: {  	[sflag:s14] =	ssyncset.done $0x0  }
0x4a: {  	[sflag:s14] =	ssyncadd.s32 $0xFFFFE000  }
0x4b: {  	s18 =	simm.s32 $0x2C40;
	s20 =	smov.u32 s12;
	_ =	swait.ge [sflag:s14], $0x2000  }
0x4c: {  	s23 =	sshll.u32 s22, $0x1;
	s24 =	simm.s32 $0xFFFFFFFE;
	[sflag:s14] =	ssyncset.done $0x0  }
0x4d: {  	s25 =	simm.s32 $0x3440;
	s11 =	simm.s32 $0x4100;
	[sflag:s14] =	ssyncadd.s32 $0xFFFFE000  }
.LBB2_3:
0x4e: {  	v4 =	vld [tilespmem:s18+$0xFFFFFFC0]  }
0x4f: {  	v5 =	vld [tilespmem:s18+$0xFFFFFFD0]  }
0x50: {  	v8 =	vld [tilespmem:s11+$0xFFFFFB00]  }
0x51: {  	v9 =	vld [tilespmem:s11+$0xFFFFFB10]  }
0x52: {  	v6 =	vld [tilespmem:s18+$0xFFFFFFE0]  }
0x53: {  	v10 =	vld [tilespmem:s11+$0xFFFFFB20]  }
0x54: {  	v7 =	vld [tilespmem:s18+$0xFFFFFFF0]  }
0x55: {  	v11 =	vld [tilespmem:s11+$0xFFFFFB30]  }
0x56: {  	v8 =	vmul.f32 v8, v4;
	v9 =	vmul.f32 v9, v5;
	_ =	sdelay $0x1  }
0x57: {  	v16 =	vmul.f32 v10, v6;
	v8 =	vadd.f32 v9, v8;
	_ =	sdelay $0x1  }
0x58: {  	v17 =	vmul.f32 v11, v7;
	v8 =	vadd.f32 v16, v8;
	_ =	sdelay $0x1  }
0x59: {  	v8 =	vadd.f32 v17, v8;
	_ =	sdelay $0x1  }
0x5a: {  	(xrf2) =	vadd.scan.msk.f32 $0xffff, v8;
	_ =	sdelay $0x9  }
0x5b: {  	v8, _, _ =	vpop (xrf2)  }
0x5c: {  	[tilespmem:$0x18C00] =	vst v8  }
0x5d: {  	v8 =	vld [tilespmem:s11+$0xFFFFFB40]  }
0x5e: {  	v18 =	vld [tilespmem:s11+$0xFFFFFB50];
	_ =	sdelay $0x1  }
0x5f: {  	v19 =	vld [tilespmem:s11+$0xFFFFFB60];
	_ =	sdelay $0x1  }
0x60: {  	v20 =	vld [tilespmem:s11+$0xFFFFFB70]  }
0x61: {  	v8 =	vmul.f32 v8, v4;
	v9 =	vmul.f32 v18, v5;
	_ =	sdelay $0x1  }
0x62: {  	v21 =	vmul.f32 v19, v6;
	v8 =	vadd.f32 v9, v8;
	_ =	sdelay $0x1  }
0x63: {  	v22 =	vmul.f32 v20, v7;
	v8 =	vadd.f32 v21, v8;
	_ =	sdelay $0x1  }
0x64: {  	v8 =	vadd.f32 v22, v8;
	_ =	sdelay $0x1  }
0x65: {  	(xrf2) =	vadd.scan.msk.f32 $0xffff, v8;
	_ =	sdelay $0x9  }
0x66: {  	v8, _, _ =	vpop (xrf2)  }
0x67: {  	[tilespmem:$0x18C10] =	vst v8  }
0x68: {  	v8 =	vld [tilespmem:s11+$0xFFFFFB80]  }
0x69: {  	v23 =	vld [tilespmem:s11+$0xFFFFFB90];
	_ =	sdelay $0x1  }
0x6a: {  	v24 =	vld [tilespmem:s11+$0xFFFFFBA0];
	_ =	sdelay $0x1  }
0x6b: {  	v25 =	vld [tilespmem:s11+$0xFFFFFBB0]  }
0x6c: {  	v8 =	vmul.f32 v8, v4;
	v9 =	vmul.f32 v23, v5;
	_ =	sdelay $0x1  }
0x6d: {  	v26 =	vmul.f32 v24, v6;
	v8 =	vadd.f32 v9, v8;
	_ =	sdelay $0x1  }
0x6e: {  	v27 =	vmul.f32 v25, v7;
	v8 =	vadd.f32 v26, v8;
	_ =	sdelay $0x1  }
0x6f: {  	v8 =	vadd.f32 v27, v8;
	_ =	sdelay $0x1  }
0x70: {  	(xrf2) =	vadd.scan.msk.f32 $0xffff, v8;
	_ =	sdelay $0x9  }
0x71: {  	v8, _, _ =	vpop (xrf2)  }
0x72: {  	[tilespmem:$0x18C20] =	vst v8  }
0x73: {  	v8 =	vld [tilespmem:s11+$0xFFFFFBC0]  }
0x74: {  	v28 =	vld [tilespmem:s11+$0xFFFFFBD0];
	_ =	sdelay $0x1  }
0x75: {  	v29 =	vld [tilespmem:s11+$0xFFFFFBE0];
	_ =	sdelay $0x1  }
0x76: {  	v30 =	vld [tilespmem:s11+$0xFFFFFBF0]  }
0x77: {  	v8 =	vmul.f32 v8, v4;
	v9 =	vmul.f32 v28, v5;
	_ =	sdelay $0x1  }
0x78: {  	v31 =	vmul.f32 v29, v6;
	v8 =	vadd.f32 v9, v8;
	_ =	sdelay $0x1  }
0x79: {  	v32 =	vmul.f32 v30, v7;
	v8 =	vadd.f32 v31, v8;
	_ =	sdelay $0x1  }
0x7a: {  	v8 =	vadd.f32 v32, v8;
	_ =	sdelay $0x1  }
0x7b: {  	(xrf2) =	vadd.scan.msk.f32 $0xffff, v8;
	_ =	sdelay $0x9  }
0x7c: {  	v8, _, _ =	vpop (xrf2)  }
0x7d: {  	[tilespmem:$0x18C30] =	vst v8  }
0x7e: {  	v8 =	vld [tilespmem:s11+$0xFFFFFC00]  }
0x7f: {  	v33 =	vld [tilespmem:s11+$0xFFFFFC10];
	_ =	sdelay $0x1  }
0x80: {  	v34 =	vld [tilespmem:s11+$0xFFFFFC20];
	_ =	sdelay $0x1  }
0x81: {  	v35 =	vld [tilespmem:s11+$0xFFFFFC30]  }
0x82: {  	v8 =	vmul.f32 v8, v4;
	v9 =	vmul.f32 v33, v5;
	_ =	sdelay $0x1  }
0x83: {  	v36 =	vmul.f32 v34, v6;
	v8 =	vadd.f32 v9, v8;
	_ =	sdelay $0x1  }
0x84: {  	v37 =	vmul.f32 v35, v7;
	v8 =	vadd.f32 v36, v8;
	_ =	sdelay $0x1  }
0x85: {  	v8 =	vadd.f32 v37, v8;
	_ =	sdelay $0x1  }
0x86: {  	(xrf2) =	vadd.scan.msk.f32 $0xffff, v8;
	_ =	sdelay $0x9  }
0x87: {  	v8, _, _ =	vpop (xrf2)  }
0x88: {  	[tilespmem:$0x18C40] =	vst v8  }
0x89: {  	v8 =	vld [tilespmem:s11+$0xFFFFFC40]  }
0x8a: {  	v38 =	vld [tilespmem:s11+$0xFFFFFC50];
	_ =	sdelay $0x1  }
0x8b: {  	v39 =	vld [tilespmem:s11+$0xFFFFFC60];
	_ =	sdelay $0x1  }
0x8c: {  	v40 =	vld [tilespmem:s11+$0xFFFFFC70]  }
0x8d: {  	v8 =	vmul.f32 v8, v4;
	v9 =	vmul.f32 v38, v5;
	_ =	sdelay $0x1  }
0x8e: {  	v41 =	vmul.f32 v39, v6;
	v8 =	vadd.f32 v9, v8;
	_ =	sdelay $0x1  }
0x8f: {  	v42 =	vmul.f32 v40, v7;
	v8 =	vadd.f32 v41, v8;
	_ =	sdelay $0x1  }
0x90: {  	v8 =	vadd.f32 v42, v8;
	_ =	sdelay $0x1  }
0x91: {  	(xrf2) =	vadd.scan.msk.f32 $0xffff, v8;
	_ =	sdelay $0x9  }
0x92: {  	v8, _, _ =	vpop (xrf2)  }
0x93: {  	[tilespmem:$0x18C50] =	vst v8  }
0x94: {  	v8 =	vld [tilespmem:s11+$0xFFFFFC80]  }
0x95: {  	v43 =	vld [tilespmem:s11+$0xFFFFFC90];
	_ =	sdelay $0x1  }
0x96: {  	v44 =	vld [tilespmem:s11+$0xFFFFFCA0];
	_ =	sdelay $0x1  }
0x97: {  	v45 =	vld [tilespmem:s11+$0xFFFFFCB0]  }
0x98: {  	v8 =	vmul.f32 v8, v4;
	v9 =	vmul.f32 v43, v5;
	_ =	sdelay $0x1  }
0x99: {  	v46 =	vmul.f32 v44, v6;
	v8 =	vadd.f32 v9, v8;
	_ =	sdelay $0x1  }
0x9a: {  	v47 =	vmul.f32 v45, v7;
	v8 =	vadd.f32 v46, v8;
	_ =	sdelay $0x1  }
0x9b: {  	v8 =	vadd.f32 v47, v8;
	_ =	sdelay $0x1  }
0x9c: {  	(xrf2) =	vadd.scan.msk.f32 $0xffff, v8;
	_ =	sdelay $0x9  }
0x9d: {  	v8, _, _ =	vpop (xrf2)  }
0x9e: {  	[tilespmem:$0x18C60] =	vst v8  }
0x9f: {  	v8 =	vld [tilespmem:s11+$0xFFFFFCC0]  }
0xa0: {  	v48 =	vld [tilespmem:s11+$0xFFFFFCD0];
	_ =	sdelay $0x1  }
0xa1: {  	v49 =	vld [tilespmem:s11+$0xFFFFFCE0];
	_ =	sdelay $0x1  }
0xa2: {  	v50 =	vld [tilespmem:s11+$0xFFFFFCF0]  }
0xa3: {  	v8 =	vmul.f32 v8, v4;
	v9 =	vmul.f32 v48, v5;
	_ =	sdelay $0x1  }
0xa4: {  	v51 =	vmul.f32 v49, v6;
	v8 =	vadd.f32 v9, v8;
	_ =	sdelay $0x1  }
0xa5: {  	v52 =	vmul.f32 v50, v7;
	v8 =	vadd.f32 v51, v8;
	_ =	sdelay $0x1  }
0xa6: {  	v8 =	vadd.f32 v52, v8;
	_ =	sdelay $0x1  }
0xa7: {  	(xrf2) =	vadd.scan.msk.f32 $0xffff, v8;
	_ =	sdelay $0x9  }
0xa8: {  	v8, _, _ =	vpop (xrf2)  }
0xa9: {  	[tilespmem:$0x18C70] =	vst v8  }
0xaa: {  	v8 =	vld [tilespmem:s11+$0xFFFFFD00]  }
0xab: {  	v53 =	vld [tilespmem:s11+$0xFFFFFD10];
	_ =	sdelay $0x1  }
0xac: {  	v54 =	vld [tilespmem:s11+$0xFFFFFD20];
	_ =	sdelay $0x1  }
0xad: {  	v55 =	vld [tilespmem:s11+$0xFFFFFD30]  }
0xae: {  	v8 =	vmul.f32 v8, v4;
	v9 =	vmul.f32 v53, v5;
	_ =	sdelay $0x1  }
0xaf: {  	v56 =	vmul.f32 v54, v6;
	v8 =	vadd.f32 v9, v8;
	_ =	sdelay $0x1  }
0xb0: {  	v57 =	vmul.f32 v55, v7;
	v8 =	vadd.f32 v56, v8;
	_ =	sdelay $0x1  }
0xb1: {  	v8 =	vadd.f32 v57, v8;
	_ =	sdelay $0x1  }
0xb2: {  	(xrf2) =	vadd.scan.msk.f32 $0xffff, v8;
	_ =	sdelay $0x9  }
0xb3: {  	v8, _, _ =	vpop (xrf2)  }
0xb4: {  	[tilespmem:$0x18C80] =	vst v8  }
0xb5: {  	v8 =	vld [tilespmem:s11+$0xFFFFFD40]  }
0xb6: {  	v58 =	vld [tilespmem:s11+$0xFFFFFD50];
	_ =	sdelay $0x1  }
0xb7: {  	v59 =	vld [tilespmem:s11+$0xFFFFFD60];
	_ =	sdelay $0x1  }
0xb8: {  	v60 =	vld [tilespmem:s11+$0xFFFFFD70]  }
0xb9: {  	v8 =	vmul.f32 v8, v4;
	v9 =	vmul.f32 v58, v5;
	_ =	sdelay $0x1  }
0xba: {  	v61 =	vmul.f32 v59, v6;
	v8 =	vadd.f32 v9, v8;
	_ =	sdelay $0x1  }
0xbb: {  	v62 =	vmul.f32 v60, v7;
	v8 =	vadd.f32 v61, v8;
	_ =	sdelay $0x1  }
0xbc: {  	v8 =	vadd.f32 v62, v8;
	_ =	sdelay $0x1  }
0xbd: {  	(xrf2) =	vadd.scan.msk.f32 $0xffff, v8;
	_ =	sdelay $0x9  }
0xbe: {  	v8, _, _ =	vpop (xrf2)  }
0xbf: {  	[tilespmem:$0x18C90] =	vst v8  }
0xc0: {  	v8 =	vld [tilespmem:s11+$0xFFFFFD80]  }
0xc1: {  	v63 =	vld [tilespmem:s11+$0xFFFFFD90];
	_ =	sdelay $0x1  }
0xc2: {  	v12 =	vld [tilespmem:s11+$0xFFFFFDA0];
	_ =	sdelay $0x1  }
0xc3: {  	v13 =	vld [tilespmem:s11+$0xFFFFFDB0]  }
0xc4: {  	v8 =	vmul.f32 v8, v4;
	v9 =	vmul.f32 v63, v5;
	_ =	sdelay $0x1  }
0xc5: {  	v14 =	vmul.f32 v12, v6;
	v8 =	vadd.f32 v9, v8;
	_ =	sdelay $0x1  }
0xc6: {  	v15 =	vmul.f32 v13, v7;
	v8 =	vadd.f32 v14, v8;
	_ =	sdelay $0x1  }
0xc7: {  	v8 =	vadd.f32 v15, v8;
	_ =	sdelay $0x1  }
0xc8: {  	(xrf2) =	vadd.scan.msk.f32 $0xffff, v8;
	_ =	sdelay $0x9  }
0xc9: {  	v8, _, _ =	vpop (xrf2)  }
0xca: {  	[tilespmem:$0x18CA0] =	vst v8  }
0xcb: {  	v8 =	vld [tilespmem:s11+$0xFFFFFDC0]  }
0xcc: {  	v16 =	vld [tilespmem:s11+$0xFFFFFDD0];
	_ =	sdelay $0x1  }
0xcd: {  	v17 =	vld [tilespmem:s11+$0xFFFFFDE0];
	_ =	sdelay $0x1  }
0xce: {  	v18 =	vld [tilespmem:s11+$0xFFFFFDF0]  }
0xcf: {  	v8 =	vmul.f32 v8, v4;
	v9 =	vmul.f32 v16, v5;
	_ =	sdelay $0x1  }
0xd0: {  	v19 =	vmul.f32 v17, v6;
	v8 =	vadd.f32 v9, v8;
	_ =	sdelay $0x1  }
0xd1: {  	v20 =	vmul.f32 v18, v7;
	v8 =	vadd.f32 v19, v8;
	_ =	sdelay $0x1  }
0xd2: {  	v8 =	vadd.f32 v20, v8;
	_ =	sdelay $0x1  }
0xd3: {  	(xrf2) =	vadd.scan.msk.f32 $0xffff, v8;
	_ =	sdelay $0x9  }
0xd4: {  	v8, _, _ =	vpop (xrf2)  }
0xd5: {  	[tilespmem:$0x18CB0] =	vst v8  }
0xd6: {  	v8 =	vld [tilespmem:s11+$0xFFFFFE00]  }
0xd7: {  	v21 =	vld [tilespmem:s11+$0xFFFFFE10];
	_ =	sdelay $0x1  }
0xd8: {  	v22 =	vld [tilespmem:s11+$0xFFFFFE20];
	_ =	sdelay $0x1  }
0xd9: {  	v23 =	vld [tilespmem:s11+$0xFFFFFE30]  }
0xda: {  	v8 =	vmul.f32 v8, v4;
	v9 =	vmul.f32 v21, v5;
	_ =	sdelay $0x1  }
0xdb: {  	v24 =	vmul.f32 v22, v6;
	v8 =	vadd.f32 v9, v8;
	_ =	sdelay $0x1  }
0xdc: {  	v25 =	vmul.f32 v23, v7;
	v8 =	vadd.f32 v24, v8;
	_ =	sdelay $0x1  }
0xdd: {  	v8 =	vadd.f32 v25, v8;
	_ =	sdelay $0x1  }
0xde: {  	(xrf2) =	vadd.scan.msk.f32 $0xffff, v8;
	_ =	sdelay $0x9  }
0xdf: {  	v8, _, _ =	vpop (xrf2)  }
0xe0: {  	[tilespmem:$0x18CC0] =	vst v8  }
0xe1: {  	v8 =	vld [tilespmem:s11+$0xFFFFFE40]  }
0xe2: {  	v26 =	vld [tilespmem:s11+$0xFFFFFE50];
	_ =	sdelay $0x1  }
0xe3: {  	v27 =	vld [tilespmem:s11+$0xFFFFFE60];
	_ =	sdelay $0x1  }
0xe4: {  	v28 =	vld [tilespmem:s11+$0xFFFFFE70]  }
0xe5: {  	v8 =	vmul.f32 v8, v4;
	v9 =	vmul.f32 v26, v5;
	_ =	sdelay $0x1  }
0xe6: {  	v29 =	vmul.f32 v27, v6;
	v8 =	vadd.f32 v9, v8;
	_ =	sdelay $0x1  }
0xe7: {  	v30 =	vmul.f32 v28, v7;
	v8 =	vadd.f32 v29, v8;
	_ =	sdelay $0x1  }
0xe8: {  	v8 =	vadd.f32 v30, v8;
	_ =	sdelay $0x1  }
0xe9: {  	(xrf2) =	vadd.scan.msk.f32 $0xffff, v8;
	_ =	sdelay $0x9  }
0xea: {  	v8, _, _ =	vpop (xrf2)  }
0xeb: {  	[tilespmem:$0x18CD0] =	vst v8  }
0xec: {  	v8 =	vld [tilespmem:s11+$0xFFFFFE80]  }
0xed: {  	v31 =	vld [tilespmem:s11+$0xFFFFFE90];
	_ =	sdelay $0x1  }
0xee: {  	v32 =	vld [tilespmem:s11+$0xFFFFFEA0];
	_ =	sdelay $0x1  }
0xef: {  	v33 =	vld [tilespmem:s11+$0xFFFFFEB0]  }
0xf0: {  	v8 =	vmul.f32 v8, v4;
	v9 =	vmul.f32 v31, v5;
	_ =	sdelay $0x1  }
0xf1: {  	v34 =	vmul.f32 v32, v6;
	v8 =	vadd.f32 v9, v8;
	_ =	sdelay $0x1  }
0xf2: {  	v35 =	vmul.f32 v33, v7;
	v8 =	vadd.f32 v34, v8;
	_ =	sdelay $0x1  }
0xf3: {  	v8 =	vadd.f32 v35, v8;
	_ =	sdelay $0x1  }
0xf4: {  	(xrf2) =	vadd.scan.msk.f32 $0xffff, v8;
	_ =	sdelay $0x9  }
0xf5: {  	v8, _, _ =	vpop (xrf2)  }
0xf6: {  	[tilespmem:$0x18CE0] =	vst v8  }
0xf7: {  	v8 =	vld [tilespmem:s11+$0xFFFFFEC0]  }
0xf8: {  	v36 =	vld [tilespmem:s11+$0xFFFFFED0];
	_ =	sdelay $0x1  }
0xf9: {  	v37 =	vld [tilespmem:s11+$0xFFFFFEE0];
	_ =	sdelay $0x1  }
0xfa: {  	v38 =	vld [tilespmem:s11+$0xFFFFFEF0]  }
0xfb: {  	v8 =	vmul.f32 v8, v4;
	v9 =	vmul.f32 v36, v5;
	_ =	sdelay $0x1  }
0xfc: {  	v39 =	vmul.f32 v37, v6;
	v8 =	vadd.f32 v9, v8;
	_ =	sdelay $0x1  }
0xfd: {  	v40 =	vmul.f32 v38, v7;
	v8 =	vadd.f32 v39, v8;
	_ =	sdelay $0x1  }
0xfe: {  	v8 =	vadd.f32 v40, v8;
	_ =	sdelay $0x1  }
0xff: {  	(xrf2) =	vadd.scan.msk.f32 $0xffff, v8;
	_ =	sdelay $0x9  }
0x100: {  	v8, _, _ =	vpop (xrf2)  }
0x101: {  	[tilespmem:$0x18CF0] =	vst v8  }
0x102: {  	v8 =	vld [tilespmem:s11+$0xFFFFFF00]  }
0x103: {  	v41 =	vld [tilespmem:s11+$0xFFFFFF10];
	_ =	sdelay $0x1  }
0x104: {  	v42 =	vld [tilespmem:s11+$0xFFFFFF20];
	_ =	sdelay $0x1  }
0x105: {  	v43 =	vld [tilespmem:s11+$0xFFFFFF30]  }
0x106: {  	v8 =	vmul.f32 v8, v4;
	v9 =	vmul.f32 v41, v5;
	_ =	sdelay $0x1  }
0x107: {  	v44 =	vmul.f32 v42, v6;
	v8 =	vadd.f32 v9, v8;
	_ =	sdelay $0x1  }
0x108: {  	v45 =	vmul.f32 v43, v7;
	v8 =	vadd.f32 v44, v8;
	_ =	sdelay $0x1  }
0x109: {  	v8 =	vadd.f32 v45, v8;
	_ =	sdelay $0x1  }
0x10a: {  	(xrf2) =	vadd.scan.msk.f32 $0xffff, v8;
	_ =	sdelay $0x9  }
0x10b: {  	v8, _, _ =	vpop (xrf2)  }
0x10c: {  	[tilespmem:$0x18D00] =	vst v8  }
0x10d: {  	v8 =	vld [tilespmem:s11+$0xFFFFFF40]  }
0x10e: {  	v46 =	vld [tilespmem:s11+$0xFFFFFF50];
	_ =	sdelay $0x1  }
0x10f: {  	v47 =	vld [tilespmem:s11+$0xFFFFFF60];
	_ =	sdelay $0x1  }
0x110: {  	v48 =	vld [tilespmem:s11+$0xFFFFFF70]  }
0x111: {  	v8 =	vmul.f32 v8, v4;
	v9 =	vmul.f32 v46, v5;
	_ =	sdelay $0x1  }
0x112: {  	v49 =	vmul.f32 v47, v6;
	v8 =	vadd.f32 v9, v8;
	_ =	sdelay $0x1  }
0x113: {  	v50 =	vmul.f32 v48, v7;
	v8 =	vadd.f32 v49, v8;
	_ =	sdelay $0x1  }
0x114: {  	v8 =	vadd.f32 v50, v8;
	_ =	sdelay $0x1  }
0x115: {  	(xrf2) =	vadd.scan.msk.f32 $0xffff, v8;
	_ =	sdelay $0x9  }
0x116: {  	v8, _, _ =	vpop (xrf2)  }
0x117: {  	[tilespmem:$0x18D10] =	vst v8  }
0x118: {  	v8 =	vld [tilespmem:s11+$0xFFFFFF80]  }
0x119: {  	v51 =	vld [tilespmem:s11+$0xFFFFFF90];
	_ =	sdelay $0x1  }
0x11a: {  	v52 =	vld [tilespmem:s11+$0xFFFFFFA0];
	_ =	sdelay $0x1  }
0x11b: {  	v53 =	vld [tilespmem:s11+$0xFFFFFFB0]  }
0x11c: {  	v8 =	vmul.f32 v8, v4;
	v9 =	vmul.f32 v51, v5;
	_ =	sdelay $0x1  }
0x11d: {  	v54 =	vmul.f32 v52, v6;
	v8 =	vadd.f32 v9, v8;
	_ =	sdelay $0x1  }
0x11e: {  	v55 =	vmul.f32 v53, v7;
	v8 =	vadd.f32 v54, v8;
	_ =	sdelay $0x1  }
0x11f: {  	v8 =	vadd.f32 v55, v8;
	_ =	sdelay $0x1  }
0x120: {  	(xrf2) =	vadd.scan.msk.f32 $0xffff, v8;
	_ =	sdelay $0x9  }
0x121: {  	v8, _, _ =	vpop (xrf2)  }
0x122: {  	[tilespmem:$0x18D20] =	vst v8  }
0x123: {  	v8 =	vld [tilespmem:s11+$0xFFFFFFC0]  }
0x124: {  	v56 =	vld [tilespmem:s11+$0xFFFFFFD0];
	_ =	sdelay $0x1  }
0x125: {  	v57 =	vld [tilespmem:s11+$0xFFFFFFE0];
	_ =	sdelay $0x1  }
0x126: {  	v58 =	vld [tilespmem:s11+$0xFFFFFFF0]  }
0x127: {  	v8 =	vmul.f32 v8, v4;
	v9 =	vmul.f32 v56, v5;
	_ =	sdelay $0x1  }
0x128: {  	v59 =	vmul.f32 v57, v6;
	v8 =	vadd.f32 v9, v8;
	_ =	sdelay $0x1  }
0x129: {  	v60 =	vmul.f32 v58, v7;
	v8 =	vadd.f32 v59, v8;
	_ =	sdelay $0x1  }
0x12a: {  	v8 =	vadd.f32 v60, v8;
	_ =	sdelay $0x1  }
0x12b: {  	(xrf2) =	vadd.scan.msk.f32 $0xffff, v8;
	_ =	sdelay $0x9  }
0x12c: {  	v8, _, _ =	vpop (xrf2)  }
0x12d: {  	[tilespmem:$0x18D30] =	vst v8  }
0x12e: {  	v8 =	vld [tilespmem:s25+$0xFFFFFFC0]  }
0x12f: {  	v61 =	vld [tilespmem:s25+$0xFFFFFFD0];
	_ =	sdelay $0x1  }
0x130: {  	v62 =	vld [tilespmem:s25+$0xFFFFFFE0];
	_ =	sdelay $0x1  }
0x131: {  	v63 =	vld [tilespmem:s25+$0xFFFFFFF0]  }
0x132: {  	v4 =	vmul.f32 v8, v4;
	v5 =	vmul.f32 v61, v5;
	_ =	sdelay $0x1  }
0x133: {  	v4 =	vadd.f32 v5, v4;
	v5 =	vmul.f32 v62, v6;
	_ =	sdelay $0x1  }
0x134: {  	v4 =	vadd.f32 v5, v4;
	v5 =	vmul.f32 v63, v7;
	_ =	sdelay $0x1  }
0x135: {  	v4 =	vadd.f32 v5, v4;
	_ =	sdelay $0x1  }
0x136: {  	(xrf2) =	vadd.scan.msk.f32 $0xffff, v4;
	_ =	sdelay $0x9  }
0x137: {  	v4, _, _ =	vpop (xrf2)  }
0x138: {  	[tilespmem:$0x18D40] =	vst v4  }
0x139: {  	v4 =	vld.idx.msk [tilespmem:v0+s15+$0x0], $0xffff  }
0x13a: {  	v5 =	vld.idx.msk [tilespmem:v1+s15+$0x0], $0xffff;
	_ =	sdelay $0x3  }
0x13b: {  	[tilespmem:s20+$0xFFFFFFE0] =	vst v4  }
0x13c: {  	[tilespmem:s20+$0xFFFFFFF0] =	vst v5  }
0x13d: {  	v4 =	vld [tilespmem:s18+$0x0]  }
0x13e: {  	v5 =	vld [tilespmem:s18+$0x10]  }
0x13f: {  	v12 =	vld [tilespmem:s11+$0x0]  }
0x140: {  	v13 =	vld [tilespmem:s11+$0x10]  }
0x141: {  	v6 =	vld [tilespmem:s18+$0x20]  }
0x142: {  	v14 =	vld [tilespmem:s11+$0x20]  }
0x143: {  	v7 =	vld [tilespmem:s18+$0x30]  }
0x144: {  	v15 =	vld [tilespmem:s11+$0x30]  }
0x145: {  	v8 =	vmul.f32 v12, v4;
	v9 =	vmul.f32 v13, v5;
	_ =	sdelay $0x1  }
0x146: {  	v16 =	vmul.f32 v14, v6;
	v8 =	vadd.f32 v9, v8;
	_ =	sdelay $0x1  }
0x147: {  	v17 =	vmul.f32 v15, v7;
	v8 =	vadd.f32 v16, v8;
	_ =	sdelay $0x1  }
0x148: {  	v8 =	vadd.f32 v17, v8;
	_ =	sdelay $0x1  }
0x149: {  	(xrf2) =	vadd.scan.msk.f32 $0xffff, v8;
	_ =	sdelay $0x9  }
0x14a: {  	v8, _, _ =	vpop (xrf2)  }
0x14b: {  	[tilespmem:$0x18E00] =	vst v8  }
0x14c: {  	v8 =	vld [tilespmem:s11+$0x40]  }
0x14d: {  	v18 =	vld [tilespmem:s11+$0x50];
	_ =	sdelay $0x1  }
0x14e: {  	v19 =	vld [tilespmem:s11+$0x60];
	_ =	sdelay $0x1  }
0x14f: {  	v20 =	vld [tilespmem:s11+$0x70]  }
0x150: {  	v8 =	vmul.f32 v8, v4;
	v9 =	vmul.f32 v18, v5;
	_ =	sdelay $0x1  }
0x151: {  	v21 =	vmul.f32 v19, v6;
	v8 =	vadd.f32 v9, v8;
	_ =	sdelay $0x1  }
0x152: {  	v22 =	vmul.f32 v20, v7;
	v8 =	vadd.f32 v21, v8;
	_ =	sdelay $0x1  }
0x153: {  	v8 =	vadd.f32 v22, v8;
	_ =	sdelay $0x1  }
0x154: {  	(xrf2) =	vadd.scan.msk.f32 $0xffff, v8;
	_ =	sdelay $0x9  }
0x155: {  	v8, _, _ =	vpop (xrf2)  }
0x156: {  	[tilespmem:$0x18E10] =	vst v8  }
0x157: {  	v8 =	vld [tilespmem:s11+$0x80]  }
0x158: {  	v23 =	vld [tilespmem:s11+$0x90];
	_ =	sdelay $0x1  }
0x159: {  	v24 =	vld [tilespmem:s11+$0xA0];
	_ =	sdelay $0x1  }
0x15a: {  	v25 =	vld [tilespmem:s11+$0xB0]  }
0x15b: {  	v8 =	vmul.f32 v8, v4;
	v9 =	vmul.f32 v23, v5;
	_ =	sdelay $0x1  }
0x15c: {  	v26 =	vmul.f32 v24, v6;
	v8 =	vadd.f32 v9, v8;
	_ =	sdelay $0x1  }
0x15d: {  	v27 =	vmul.f32 v25, v7;
	v8 =	vadd.f32 v26, v8;
	_ =	sdelay $0x1  }
0x15e: {  	v8 =	vadd.f32 v27, v8;
	_ =	sdelay $0x1  }
0x15f: {  	(xrf2) =	vadd.scan.msk.f32 $0xffff, v8;
	_ =	sdelay $0x9  }
0x160: {  	v8, _, _ =	vpop (xrf2)  }
0x161: {  	[tilespmem:$0x18E20] =	vst v8  }
0x162: {  	v8 =	vld [tilespmem:s11+$0xC0]  }
0x163: {  	v28 =	vld [tilespmem:s11+$0xD0];
	_ =	sdelay $0x1  }
0x164: {  	v29 =	vld [tilespmem:s11+$0xE0];
	_ =	sdelay $0x1  }
0x165: {  	v30 =	vld [tilespmem:s11+$0xF0]  }
0x166: {  	v8 =	vmul.f32 v8, v4;
	v9 =	vmul.f32 v28, v5;
	_ =	sdelay $0x1  }
0x167: {  	v31 =	vmul.f32 v29, v6;
	v8 =	vadd.f32 v9, v8;
	_ =	sdelay $0x1  }
0x168: {  	v32 =	vmul.f32 v30, v7;
	v8 =	vadd.f32 v31, v8;
	_ =	sdelay $0x1  }
0x169: {  	v8 =	vadd.f32 v32, v8;
	_ =	sdelay $0x1  }
0x16a: {  	(xrf2) =	vadd.scan.msk.f32 $0xffff, v8;
	_ =	sdelay $0x9  }
0x16b: {  	v8, _, _ =	vpop (xrf2)  }
0x16c: {  	[tilespmem:$0x18E30] =	vst v8  }
0x16d: {  	v8 =	vld [tilespmem:s11+$0x100]  }
0x16e: {  	v33 =	vld [tilespmem:s11+$0x110];
	_ =	sdelay $0x1  }
0x16f: {  	v34 =	vld [tilespmem:s11+$0x120];
	_ =	sdelay $0x1  }
0x170: {  	v35 =	vld [tilespmem:s11+$0x130]  }
0x171: {  	v8 =	vmul.f32 v8, v4;
	v9 =	vmul.f32 v33, v5;
	_ =	sdelay $0x1  }
0x172: {  	v36 =	vmul.f32 v34, v6;
	v8 =	vadd.f32 v9, v8;
	_ =	sdelay $0x1  }
0x173: {  	v37 =	vmul.f32 v35, v7;
	v8 =	vadd.f32 v36, v8;
	_ =	sdelay $0x1  }
0x174: {  	v8 =	vadd.f32 v37, v8;
	_ =	sdelay $0x1  }
0x175: {  	(xrf2) =	vadd.scan.msk.f32 $0xffff, v8;
	_ =	sdelay $0x9  }
0x176: {  	v8, _, _ =	vpop (xrf2)  }
0x177: {  	[tilespmem:$0x18E40] =	vst v8  }
0x178: {  	v8 =	vld [tilespmem:s11+$0x140]  }
0x179: {  	v38 =	vld [tilespmem:s11+$0x150];
	_ =	sdelay $0x1  }
0x17a: {  	v39 =	vld [tilespmem:s11+$0x160];
	_ =	sdelay $0x1  }
0x17b: {  	v40 =	vld [tilespmem:s11+$0x170]  }
0x17c: {  	v8 =	vmul.f32 v8, v4;
	v9 =	vmul.f32 v38, v5;
	_ =	sdelay $0x1  }
0x17d: {  	v41 =	vmul.f32 v39, v6;
	v8 =	vadd.f32 v9, v8;
	_ =	sdelay $0x1  }
0x17e: {  	v42 =	vmul.f32 v40, v7;
	v8 =	vadd.f32 v41, v8;
	_ =	sdelay $0x1  }
0x17f: {  	v8 =	vadd.f32 v42, v8;
	_ =	sdelay $0x1  }
0x180: {  	(xrf2) =	vadd.scan.msk.f32 $0xffff, v8;
	_ =	sdelay $0x9  }
0x181: {  	v8, _, _ =	vpop (xrf2)  }
0x182: {  	[tilespmem:$0x18E50] =	vst v8  }
0x183: {  	v8 =	vld [tilespmem:s11+$0x180]  }
0x184: {  	v43 =	vld [tilespmem:s11+$0x190];
	_ =	sdelay $0x1  }
0x185: {  	v44 =	vld [tilespmem:s11+$0x1A0];
	_ =	sdelay $0x1  }
0x186: {  	v45 =	vld [tilespmem:s11+$0x1B0]  }
0x187: {  	v8 =	vmul.f32 v8, v4;
	v9 =	vmul.f32 v43, v5;
	_ =	sdelay $0x1  }
0x188: {  	v46 =	vmul.f32 v44, v6;
	v8 =	vadd.f32 v9, v8;
	_ =	sdelay $0x1  }
0x189: {  	v47 =	vmul.f32 v45, v7;
	v8 =	vadd.f32 v46, v8;
	_ =	sdelay $0x1  }
0x18a: {  	v8 =	vadd.f32 v47, v8;
	_ =	sdelay $0x1  }
0x18b: {  	(xrf2) =	vadd.scan.msk.f32 $0xffff, v8;
	_ =	sdelay $0x9  }
0x18c: {  	v8, _, _ =	vpop (xrf2)  }
0x18d: {  	[tilespmem:$0x18E60] =	vst v8  }
0x18e: {  	v8 =	vld [tilespmem:s11+$0x1C0]  }
0x18f: {  	v48 =	vld [tilespmem:s11+$0x1D0];
	_ =	sdelay $0x1  }
0x190: {  	v49 =	vld [tilespmem:s11+$0x1E0];
	_ =	sdelay $0x1  }
0x191: {  	v50 =	vld [tilespmem:s11+$0x1F0]  }
0x192: {  	v8 =	vmul.f32 v8, v4;
	v9 =	vmul.f32 v48, v5;
	_ =	sdelay $0x1  }
0x193: {  	v51 =	vmul.f32 v49, v6;
	v8 =	vadd.f32 v9, v8;
	_ =	sdelay $0x1  }
0x194: {  	v52 =	vmul.f32 v50, v7;
	v8 =	vadd.f32 v51, v8;
	_ =	sdelay $0x1  }
0x195: {  	v8 =	vadd.f32 v52, v8;
	_ =	sdelay $0x1  }
0x196: {  	(xrf2) =	vadd.scan.msk.f32 $0xffff, v8;
	_ =	sdelay $0x9  }
0x197: {  	v8, _, _ =	vpop (xrf2)  }
0x198: {  	[tilespmem:$0x18E70] =	vst v8  }
0x199: {  	v8 =	vld [tilespmem:s11+$0x200]  }
0x19a: {  	v53 =	vld [tilespmem:s11+$0x210];
	_ =	sdelay $0x1  }
0x19b: {  	v54 =	vld [tilespmem:s11+$0x220];
	_ =	sdelay $0x1  }
0x19c: {  	v55 =	vld [tilespmem:s11+$0x230]  }
0x19d: {  	v8 =	vmul.f32 v8, v4;
	v9 =	vmul.f32 v53, v5;
	_ =	sdelay $0x1  }
0x19e: {  	v56 =	vmul.f32 v54, v6;
	v8 =	vadd.f32 v9, v8;
	_ =	sdelay $0x1  }
0x19f: {  	v57 =	vmul.f32 v55, v7;
	v8 =	vadd.f32 v56, v8;
	_ =	sdelay $0x1  }
0x1a0: {  	v8 =	vadd.f32 v57, v8;
	_ =	sdelay $0x1  }
0x1a1: {  	(xrf2) =	vadd.scan.msk.f32 $0xffff, v8;
	_ =	sdelay $0x9  }
0x1a2: {  	v8, _, _ =	vpop (xrf2)  }
0x1a3: {  	[tilespmem:$0x18E80] =	vst v8  }
0x1a4: {  	v8 =	vld [tilespmem:s11+$0x240]  }
0x1a5: {  	v58 =	vld [tilespmem:s11+$0x250];
	_ =	sdelay $0x1  }
0x1a6: {  	v59 =	vld [tilespmem:s11+$0x260];
	_ =	sdelay $0x1  }
0x1a7: {  	v60 =	vld [tilespmem:s11+$0x270]  }
0x1a8: {  	v8 =	vmul.f32 v8, v4;
	v9 =	vmul.f32 v58, v5;
	_ =	sdelay $0x1  }
0x1a9: {  	v61 =	vmul.f32 v59, v6;
	v8 =	vadd.f32 v9, v8;
	_ =	sdelay $0x1  }
0x1aa: {  	v62 =	vmul.f32 v60, v7;
	v8 =	vadd.f32 v61, v8;
	_ =	sdelay $0x1  }
0x1ab: {  	v8 =	vadd.f32 v62, v8;
	_ =	sdelay $0x1  }
0x1ac: {  	(xrf2) =	vadd.scan.msk.f32 $0xffff, v8;
	_ =	sdelay $0x9  }
0x1ad: {  	v8, _, _ =	vpop (xrf2)  }
0x1ae: {  	[tilespmem:$0x18E90] =	vst v8  }
0x1af: {  	v8 =	vld [tilespmem:s11+$0x280]  }
0x1b0: {  	v63 =	vld [tilespmem:s11+$0x290];
	_ =	sdelay $0x1  }
0x1b1: {  	v12 =	vld [tilespmem:s11+$0x2A0];
	_ =	sdelay $0x1  }
0x1b2: {  	v13 =	vld [tilespmem:s11+$0x2B0]  }
0x1b3: {  	v8 =	vmul.f32 v8, v4;
	v9 =	vmul.f32 v63, v5;
	_ =	sdelay $0x1  }
0x1b4: {  	v14 =	vmul.f32 v12, v6;
	v8 =	vadd.f32 v9, v8;
	_ =	sdelay $0x1  }
0x1b5: {  	v15 =	vmul.f32 v13, v7;
	v8 =	vadd.f32 v14, v8;
	_ =	sdelay $0x1  }
0x1b6: {  	v8 =	vadd.f32 v15, v8;
	_ =	sdelay $0x1  }
0x1b7: {  	(xrf2) =	vadd.scan.msk.f32 $0xffff, v8;
	_ =	sdelay $0x9  }
0x1b8: {  	v8, _, _ =	vpop (xrf2)  }
0x1b9: {  	[tilespmem:$0x18EA0] =	vst v8  }
0x1ba: {  	v8 =	vld [tilespmem:s11+$0x2C0]  }
0x1bb: {  	v16 =	vld [tilespmem:s11+$0x2D0];
	_ =	sdelay $0x1  }
0x1bc: {  	v17 =	vld [tilespmem:s11+$0x2E0];
	_ =	sdelay $0x1  }
0x1bd: {  	v18 =	vld [tilespmem:s11+$0x2F0]  }
0x1be: {  	v8 =	vmul.f32 v8, v4;
	v9 =	vmul.f32 v16, v5;
	_ =	sdelay $0x1  }
0x1bf: {  	v19 =	vmul.f32 v17, v6;
	v8 =	vadd.f32 v9, v8;
	_ =	sdelay $0x1  }
0x1c0: {  	v20 =	vmul.f32 v18, v7;
	v8 =	vadd.f32 v19, v8;
	_ =	sdelay $0x1  }
0x1c1: {  	v8 =	vadd.f32 v20, v8;
	_ =	sdelay $0x1  }
0x1c2: {  	(xrf2) =	vadd.scan.msk.f32 $0xffff, v8;
	_ =	sdelay $0x9  }
0x1c3: {  	v8, _, _ =	vpop (xrf2)  }
0x1c4: {  	[tilespmem:$0x18EB0] =	vst v8  }
0x1c5: {  	v8 =	vld [tilespmem:s11+$0x300]  }
0x1c6: {  	v21 =	vld [tilespmem:s11+$0x310];
	_ =	sdelay $0x1  }
0x1c7: {  	v22 =	vld [tilespmem:s11+$0x320];
	_ =	sdelay $0x1  }
0x1c8: {  	v23 =	vld [tilespmem:s11+$0x330]  }
0x1c9: {  	v8 =	vmul.f32 v8, v4;
	v9 =	vmul.f32 v21, v5;
	_ =	sdelay $0x1  }
0x1ca: {  	v24 =	vmul.f32 v22, v6;
	v8 =	vadd.f32 v9, v8;
	_ =	sdelay $0x1  }
0x1cb: {  	v25 =	vmul.f32 v23, v7;
	v8 =	vadd.f32 v24, v8;
	_ =	sdelay $0x1  }
0x1cc: {  	v8 =	vadd.f32 v25, v8;
	_ =	sdelay $0x1  }
0x1cd: {  	(xrf2) =	vadd.scan.msk.f32 $0xffff, v8;
	_ =	sdelay $0x9  }
0x1ce: {  	v8, _, _ =	vpop (xrf2)  }
0x1cf: {  	[tilespmem:$0x18EC0] =	vst v8  }
0x1d0: {  	v8 =	vld [tilespmem:s11+$0x340]  }
0x1d1: {  	v26 =	vld [tilespmem:s11+$0x350];
	_ =	sdelay $0x1  }
0x1d2: {  	v27 =	vld [tilespmem:s11+$0x360];
	_ =	sdelay $0x1  }
0x1d3: {  	v28 =	vld [tilespmem:s11+$0x370]  }
0x1d4: {  	v8 =	vmul.f32 v8, v4;
	v9 =	vmul.f32 v26, v5;
	_ =	sdelay $0x1  }
0x1d5: {  	v29 =	vmul.f32 v27, v6;
	v8 =	vadd.f32 v9, v8;
	_ =	sdelay $0x1  }
0x1d6: {  	v30 =	vmul.f32 v28, v7;
	v8 =	vadd.f32 v29, v8;
	_ =	sdelay $0x1  }
0x1d7: {  	v8 =	vadd.f32 v30, v8;
	_ =	sdelay $0x1  }
0x1d8: {  	(xrf2) =	vadd.scan.msk.f32 $0xffff, v8;
	_ =	sdelay $0x9  }
0x1d9: {  	v8, _, _ =	vpop (xrf2)  }
0x1da: {  	[tilespmem:$0x18ED0] =	vst v8  }
0x1db: {  	v8 =	vld [tilespmem:s11+$0x380]  }
0x1dc: {  	v31 =	vld [tilespmem:s11+$0x390];
	_ =	sdelay $0x1  }
0x1dd: {  	v32 =	vld [tilespmem:s11+$0x3A0];
	_ =	sdelay $0x1  }
0x1de: {  	v33 =	vld [tilespmem:s11+$0x3B0]  }
0x1df: {  	v8 =	vmul.f32 v8, v4;
	v9 =	vmul.f32 v31, v5;
	_ =	sdelay $0x1  }
0x1e0: {  	v34 =	vmul.f32 v32, v6;
	v8 =	vadd.f32 v9, v8;
	_ =	sdelay $0x1  }
0x1e1: {  	v35 =	vmul.f32 v33, v7;
	v8 =	vadd.f32 v34, v8;
	_ =	sdelay $0x1  }
0x1e2: {  	v8 =	vadd.f32 v35, v8;
	_ =	sdelay $0x1  }
0x1e3: {  	(xrf2) =	vadd.scan.msk.f32 $0xffff, v8;
	_ =	sdelay $0x9  }
0x1e4: {  	v8, _, _ =	vpop (xrf2)  }
0x1e5: {  	[tilespmem:$0x18EE0] =	vst v8  }
0x1e6: {  	v8 =	vld [tilespmem:s11+$0x3C0]  }
0x1e7: {  	v36 =	vld [tilespmem:s11+$0x3D0];
	_ =	sdelay $0x1  }
0x1e8: {  	v37 =	vld [tilespmem:s11+$0x3E0];
	_ =	sdelay $0x1  }
0x1e9: {  	v38 =	vld [tilespmem:s11+$0x3F0]  }
0x1ea: {  	v8 =	vmul.f32 v8, v4;
	v9 =	vmul.f32 v36, v5;
	_ =	sdelay $0x1  }
0x1eb: {  	v39 =	vmul.f32 v37, v6;
	v8 =	vadd.f32 v9, v8;
	_ =	sdelay $0x1  }
0x1ec: {  	v40 =	vmul.f32 v38, v7;
	v8 =	vadd.f32 v39, v8;
	_ =	sdelay $0x1  }
0x1ed: {  	v8 =	vadd.f32 v40, v8;
	_ =	sdelay $0x1  }
0x1ee: {  	(xrf2) =	vadd.scan.msk.f32 $0xffff, v8;
	_ =	sdelay $0x9  }
0x1ef: {  	v8, _, _ =	vpop (xrf2)  }
0x1f0: {  	[tilespmem:$0x18EF0] =	vst v8  }
0x1f1: {  	v8 =	vld [tilespmem:s11+$0x400]  }
0x1f2: {  	v41 =	vld [tilespmem:s11+$0x410];
	_ =	sdelay $0x1  }
0x1f3: {  	v42 =	vld [tilespmem:s11+$0x420];
	_ =	sdelay $0x1  }
0x1f4: {  	v43 =	vld [tilespmem:s11+$0x430]  }
0x1f5: {  	v8 =	vmul.f32 v8, v4;
	v9 =	vmul.f32 v41, v5;
	_ =	sdelay $0x1  }
0x1f6: {  	v44 =	vmul.f32 v42, v6;
	v8 =	vadd.f32 v9, v8;
	_ =	sdelay $0x1  }
0x1f7: {  	v45 =	vmul.f32 v43, v7;
	v8 =	vadd.f32 v44, v8;
	_ =	sdelay $0x1  }
0x1f8: {  	v8 =	vadd.f32 v45, v8;
	_ =	sdelay $0x1  }
0x1f9: {  	(xrf2) =	vadd.scan.msk.f32 $0xffff, v8;
	_ =	sdelay $0x9  }
0x1fa: {  	v8, _, _ =	vpop (xrf2)  }
0x1fb: {  	[tilespmem:$0x18F00] =	vst v8  }
0x1fc: {  	v8 =	vld [tilespmem:s11+$0x440]  }
0x1fd: {  	v46 =	vld [tilespmem:s11+$0x450];
	_ =	sdelay $0x1  }
0x1fe: {  	v47 =	vld [tilespmem:s11+$0x460];
	_ =	sdelay $0x1  }
0x1ff: {  	v48 =	vld [tilespmem:s11+$0x470]  }
0x200: {  	v8 =	vmul.f32 v8, v4;
	v9 =	vmul.f32 v46, v5;
	_ =	sdelay $0x1  }
0x201: {  	v49 =	vmul.f32 v47, v6;
	v8 =	vadd.f32 v9, v8;
	_ =	sdelay $0x1  }
0x202: {  	v50 =	vmul.f32 v48, v7;
	v8 =	vadd.f32 v49, v8;
	_ =	sdelay $0x1  }
0x203: {  	v8 =	vadd.f32 v50, v8;
	_ =	sdelay $0x1  }
0x204: {  	(xrf2) =	vadd.scan.msk.f32 $0xffff, v8;
	_ =	sdelay $0x9  }
0x205: {  	v8, _, _ =	vpop (xrf2)  }
0x206: {  	[tilespmem:$0x18F10] =	vst v8  }
0x207: {  	v8 =	vld [tilespmem:s11+$0x480]  }
0x208: {  	v51 =	vld [tilespmem:s11+$0x490];
	_ =	sdelay $0x1  }
0x209: {  	v52 =	vld [tilespmem:s11+$0x4A0];
	_ =	sdelay $0x1  }
0x20a: {  	v53 =	vld [tilespmem:s11+$0x4B0]  }
0x20b: {  	v8 =	vmul.f32 v8, v4;
	v9 =	vmul.f32 v51, v5;
	_ =	sdelay $0x1  }
0x20c: {  	v54 =	vmul.f32 v52, v6;
	v8 =	vadd.f32 v9, v8;
	_ =	sdelay $0x1  }
0x20d: {  	v55 =	vmul.f32 v53, v7;
	v8 =	vadd.f32 v54, v8;
	_ =	sdelay $0x1  }
0x20e: {  	v8 =	vadd.f32 v55, v8;
	_ =	sdelay $0x1  }
0x20f: {  	(xrf2) =	vadd.scan.msk.f32 $0xffff, v8;
	_ =	sdelay $0x9  }
0x210: {  	v8, _, _ =	vpop (xrf2)  }
0x211: {  	[tilespmem:$0x18F20] =	vst v8  }
0x212: {  	v8 =	vld [tilespmem:s11+$0x4C0]  }
0x213: {  	v56 =	vld [tilespmem:s11+$0x4D0];
	_ =	sdelay $0x1  }
0x214: {  	v57 =	vld [tilespmem:s11+$0x4E0];
	_ =	sdelay $0x1  }
0x215: {  	v58 =	vld [tilespmem:s11+$0x4F0]  }
0x216: {  	v8 =	vmul.f32 v8, v4;
	v9 =	vmul.f32 v56, v5;
	_ =	sdelay $0x1  }
0x217: {  	v59 =	vmul.f32 v57, v6;
	v8 =	vadd.f32 v9, v8;
	_ =	sdelay $0x1  }
0x218: {  	v60 =	vmul.f32 v58, v7;
	v8 =	vadd.f32 v59, v8;
	_ =	sdelay $0x1  }
0x219: {  	v8 =	vadd.f32 v60, v8;
	_ =	sdelay $0x1  }
0x21a: {  	(xrf2) =	vadd.scan.msk.f32 $0xffff, v8;
	_ =	sdelay $0x9  }
0x21b: {  	v8, _, _ =	vpop (xrf2)  }
0x21c: {  	[tilespmem:$0x18F30] =	vst v8  }
0x21d: {  	v8 =	vld [tilespmem:s25+$0x0]  }
0x21e: {  	v61 =	vld [tilespmem:s25+$0x10];
	_ =	sdelay $0x1  }
0x21f: {  	v62 =	vld [tilespmem:s25+$0x20];
	_ =	sdelay $0x1  }
0x220: {  	v63 =	vld [tilespmem:s25+$0x30]  }
0x221: {  	v4 =	vmul.f32 v8, v4;
	v5 =	vmul.f32 v61, v5;
	_ =	sdelay $0x1  }
0x222: {  	v4 =	vadd.f32 v5, v4;
	v5 =	vmul.f32 v62, v6;
	_ =	sdelay $0x1  }
0x223: {  	v4 =	vadd.f32 v5, v4;
	v5 =	vmul.f32 v63, v7;
	_ =	sdelay $0x1  }
0x224: {  	v4 =	vadd.f32 v5, v4;
	_ =	sdelay $0x1  }
0x225: {  	(xrf2) =	vadd.scan.msk.f32 $0xffff, v4;
	_ =	sdelay $0x9  }
0x226: {  	v4, _, _ =	vpop (xrf2)  }
0x227: {  	[tilespmem:$0x18F40] =	vst v4  }
0x228: {  	s24 =	sadd.s32 $0x2, s24;
	v4 =	vld.idx.msk [tilespmem:v2+s15+$0x0], $0xffff  }
0x229: {  	p0 =	slt.u32 s24, $0x1E;
	v5 =	vld.idx.msk [tilespmem:v3+s15+$0x0], $0xffff  }
.Ltmp0:
0x22a: {  	_ = 	snop;
	(pc) =	sbr.rel @p0 .LBB2_3-.Ltmp0, $3  }
0x22b: {  	_ =	sdelay $0x1  }
0x22c: {  	s18 =	sadd.s32 $0x80, s18;
	[tilespmem:s20+$0x0] =	vst v4  }
0x22d: {  	s11 =	sadd.s32 $0xA00, s11;
	s25 =	sadd.s32 $0x80, s25;
	[tilespmem:s20+$0x10] =	vst v5;
	s20 =	sadd.s32 $0x40, s20  }
0x22e: {  	p0 =	seq.s32 s22, $0x7  }
0x22f: {  	s11 =	sadd.s32 @!p0 $0x2, s23;
	s20 =	simm.s32 @!p0 $0x20  }
0x230: {  	s23 =	simm.s32 @!p0 $0x2C00;
	s18 =	sshll.u32 @!p0 s11, $0x5;
	s11 =	smul.u32 @!p0 $0xA00, s11  }
0x231: {  	[tilespmem:s23], [sflag:$0x1] =	stream.indirect.gather @!p0 [hbm4b:s3+s20], $0x40, s18, s20, $0xb8;
	[tilespmem:$0x1D000] =	vst v63  }
0x232: {  	s18 =	sadd.s32 @!p0 $0x200, s18;
	s23 =	simm.s32 @!p0 $0x3400;
	s11 =	sshra.s32 @!p0 s11, $0x2  }
0x233: {  	[tilespmem:s23], [sflag:$0x1] =	stream.indirect.gather @!p0 [hbm4b:s4+s20], $0x40, s18, s20, $0xb8;
	[tilespmem:$0x1D000] =	vst v63  }
0x234: {  	s18 =	sadd.s32 @!p0 $0x400, s11;
	s20 =	simm.s32 @!p0 $0x80;
	s23 =	simm.s32 @!p0 $0x3C00  }
0x235: {  	[tilespmem:s23], [sflag:$0x1] =	stream.indirect.gather @!p0 [hbm4b:s4+s20], $0x40, s18, s20, $0xb8;
	[tilespmem:$0x1D000] =	vst v63  }
0x236: {  	s18 =	sadd.s32 @!p0 $0x480, s11;
	s23 =	simm.s32 @!p0 $0x5C00  }
0x237: {  	[tilespmem:s23], [sflag:$0x1] =	stream.indirect.gather @!p0 [hbm4b:s4+s20], $0x40, s18, s20, $0xb8;
	[tilespmem:$0x1D000] =	vst v63  }
0x238: {  	s18 =	sadd.s32 @!p0 $0x500, s11;
	s23 =	simm.s32 @!p0 $0x7C00  }
0x239: {  	[tilespmem:s23], [sflag:$0x1] =	stream.indirect.gather @!p0 [hbm4b:s4+s20], $0x40, s18, s20, $0xb8;
	[tilespmem:$0x1D000] =	vst v63  }
0x23a: {  	s18 =	sadd.s32 @!p0 $0x580, s11;
	s23 =	simm.s32 @!p0 $0x9C00  }
0x23b: {  	[tilespmem:s23], [sflag:$0x1] =	stream.indirect.gather @!p0 [hbm4b:s4+s20], $0x40, s18, s20, $0xb8;
	[tilespmem:$0x1D000] =	vst v63  }
0x23c: {  	s11 =	sadd.s32 @!p0 $0x600, s11;
	s18 =	simm.s32 @!p0 $0xBC00  }
0x23d: {  	[tilespmem:s18], [sflag:$0x1] =	stream.indirect.gather @!p0 [hbm4b:s4+s20], $0x40, s11, s20, $0xb8;
	[tilespmem:$0x1D000] =	vst v63  }
0x23e: {  	_ =	swait.ge [sflag:s17], $0x800  }
0x23f: {  	[sflag:s17] =	ssyncset.done $0x0  }
0x240: {  	[sflag:s17] =	ssyncadd.s32 $0xFFFFF800  }
0x241: {  	_ =	swait.ge [sflag:s17], $0x800  }
0x242: {  	[sflag:s17] =	ssyncset.done $0x0  }
0x243: {  	[sflag:s17] =	ssyncadd.s32 $0xFFFFF800  }
0x244: {  	_ =	swait.ge [sflag:s17], $0x2000  }
0x245: {  	[sflag:s17] =	ssyncset.done $0x0  }
0x246: {  	[sflag:s17] =	ssyncadd.s32 $0xFFFFE000  }
0x247: {  	_ =	swait.ge [sflag:s17], $0x2000  }
0x248: {  	[sflag:s17] =	ssyncset.done $0x0  }
0x249: {  	[sflag:s17] =	ssyncadd.s32 $0xFFFFE000  }
0x24a: {  	_ =	swait.ge [sflag:s17], $0x2000  }
0x24b: {  	[sflag:s17] =	ssyncset.done $0x0  }
0x24c: {  	[sflag:s17] =	ssyncadd.s32 $0xFFFFE000  }
0x24d: {  	_ =	swait.ge [sflag:s17], $0x2000  }
0x24e: {  	[sflag:s17] =	ssyncset.done $0x0  }
0x24f: {  	[sflag:s17] =	ssyncadd.s32 $0xFFFFE000  }
0x250: {  	s24 =	simm.s32 $0xE440;
	_ =	swait.ge [sflag:s17], $0x2000  }
0x251: {  	s23 =	simm.s32 $0xFFFFFFFE;
	s18 =	simm.s32 $0xDC40;
	[sflag:s17] =	ssyncset.done $0x0  }
0x252: {  	s11 =	simm.s32 $0xF100;
	s20 =	smov.u32 s21;
	[sflag:s17] =	ssyncadd.s32 $0xFFFFE000  }
.LBB2_5:
0x253: {  	v4 =	vld [tilespmem:s18+$0xFFFFFFC0]  }
0x254: {  	v5 =	vld [tilespmem:s18+$0xFFFFFFD0]  }
0x255: {  	v8 =	vld [tilespmem:s11+$0xFFFFFB00]  }
0x256: {  	v9 =	vld [tilespmem:s11+$0xFFFFFB10]  }
0x257: {  	v6 =	vld [tilespmem:s18+$0xFFFFFFE0]  }
0x258: {  	v10 =	vld [tilespmem:s11+$0xFFFFFB20]  }
0x259: {  	v7 =	vld [tilespmem:s18+$0xFFFFFFF0]  }
0x25a: {  	v11 =	vld [tilespmem:s11+$0xFFFFFB30]  }
0x25b: {  	v8 =	vmul.f32 v8, v4;
	v9 =	vmul.f32 v9, v5;
	_ =	sdelay $0x1  }
0x25c: {  	v16 =	vmul.f32 v10, v6;
	v8 =	vadd.f32 v9, v8;
	_ =	sdelay $0x1  }
0x25d: {  	v17 =	vmul.f32 v11, v7;
	v8 =	vadd.f32 v16, v8;
	_ =	sdelay $0x1  }
0x25e: {  	v8 =	vadd.f32 v17, v8;
	_ =	sdelay $0x1  }
0x25f: {  	(xrf2) =	vadd.scan.msk.f32 $0xffff, v8;
	_ =	sdelay $0x9  }
0x260: {  	v8, _, _ =	vpop (xrf2)  }
0x261: {  	[tilespmem:$0x18C00] =	vst v8  }
0x262: {  	v8 =	vld [tilespmem:s11+$0xFFFFFB40]  }
0x263: {  	v18 =	vld [tilespmem:s11+$0xFFFFFB50];
	_ =	sdelay $0x1  }
0x264: {  	v19 =	vld [tilespmem:s11+$0xFFFFFB60];
	_ =	sdelay $0x1  }
0x265: {  	v20 =	vld [tilespmem:s11+$0xFFFFFB70]  }
0x266: {  	v8 =	vmul.f32 v8, v4;
	v9 =	vmul.f32 v18, v5;
	_ =	sdelay $0x1  }
0x267: {  	v21 =	vmul.f32 v19, v6;
	v8 =	vadd.f32 v9, v8;
	_ =	sdelay $0x1  }
0x268: {  	v22 =	vmul.f32 v20, v7;
	v8 =	vadd.f32 v21, v8;
	_ =	sdelay $0x1  }
0x269: {  	v8 =	vadd.f32 v22, v8;
	_ =	sdelay $0x1  }
0x26a: {  	(xrf2) =	vadd.scan.msk.f32 $0xffff, v8;
	_ =	sdelay $0x9  }
0x26b: {  	v8, _, _ =	vpop (xrf2)  }
0x26c: {  	[tilespmem:$0x18C10] =	vst v8  }
0x26d: {  	v8 =	vld [tilespmem:s11+$0xFFFFFB80]  }
0x26e: {  	v23 =	vld [tilespmem:s11+$0xFFFFFB90];
	_ =	sdelay $0x1  }
0x26f: {  	v24 =	vld [tilespmem:s11+$0xFFFFFBA0];
	_ =	sdelay $0x1  }
0x270: {  	v25 =	vld [tilespmem:s11+$0xFFFFFBB0]  }
0x271: {  	v8 =	vmul.f32 v8, v4;
	v9 =	vmul.f32 v23, v5;
	_ =	sdelay $0x1  }
0x272: {  	v26 =	vmul.f32 v24, v6;
	v8 =	vadd.f32 v9, v8;
	_ =	sdelay $0x1  }
0x273: {  	v27 =	vmul.f32 v25, v7;
	v8 =	vadd.f32 v26, v8;
	_ =	sdelay $0x1  }
0x274: {  	v8 =	vadd.f32 v27, v8;
	_ =	sdelay $0x1  }
0x275: {  	(xrf2) =	vadd.scan.msk.f32 $0xffff, v8;
	_ =	sdelay $0x9  }
0x276: {  	v8, _, _ =	vpop (xrf2)  }
0x277: {  	[tilespmem:$0x18C20] =	vst v8  }
0x278: {  	v8 =	vld [tilespmem:s11+$0xFFFFFBC0]  }
0x279: {  	v28 =	vld [tilespmem:s11+$0xFFFFFBD0];
	_ =	sdelay $0x1  }
0x27a: {  	v29 =	vld [tilespmem:s11+$0xFFFFFBE0];
	_ =	sdelay $0x1  }
0x27b: {  	v30 =	vld [tilespmem:s11+$0xFFFFFBF0]  }
0x27c: {  	v8 =	vmul.f32 v8, v4;
	v9 =	vmul.f32 v28, v5;
	_ =	sdelay $0x1  }
0x27d: {  	v31 =	vmul.f32 v29, v6;
	v8 =	vadd.f32 v9, v8;
	_ =	sdelay $0x1  }
0x27e: {  	v32 =	vmul.f32 v30, v7;
	v8 =	vadd.f32 v31, v8;
	_ =	sdelay $0x1  }
0x27f: {  	v8 =	vadd.f32 v32, v8;
	_ =	sdelay $0x1  }
0x280: {  	(xrf2) =	vadd.scan.msk.f32 $0xffff, v8;
	_ =	sdelay $0x9  }
0x281: {  	v8, _, _ =	vpop (xrf2)  }
0x282: {  	[tilespmem:$0x18C30] =	vst v8  }
0x283: {  	v8 =	vld [tilespmem:s11+$0xFFFFFC00]  }
0x284: {  	v33 =	vld [tilespmem:s11+$0xFFFFFC10];
	_ =	sdelay $0x1  }
0x285: {  	v34 =	vld [tilespmem:s11+$0xFFFFFC20];
	_ =	sdelay $0x1  }
0x286: {  	v35 =	vld [tilespmem:s11+$0xFFFFFC30]  }
0x287: {  	v8 =	vmul.f32 v8, v4;
	v9 =	vmul.f32 v33, v5;
	_ =	sdelay $0x1  }
0x288: {  	v36 =	vmul.f32 v34, v6;
	v8 =	vadd.f32 v9, v8;
	_ =	sdelay $0x1  }
0x289: {  	v37 =	vmul.f32 v35, v7;
	v8 =	vadd.f32 v36, v8;
	_ =	sdelay $0x1  }
0x28a: {  	v8 =	vadd.f32 v37, v8;
	_ =	sdelay $0x1  }
0x28b: {  	(xrf2) =	vadd.scan.msk.f32 $0xffff, v8;
	_ =	sdelay $0x9  }
0x28c: {  	v8, _, _ =	vpop (xrf2)  }
0x28d: {  	[tilespmem:$0x18C40] =	vst v8  }
0x28e: {  	v8 =	vld [tilespmem:s11+$0xFFFFFC40]  }
0x28f: {  	v38 =	vld [tilespmem:s11+$0xFFFFFC50];
	_ =	sdelay $0x1  }
0x290: {  	v39 =	vld [tilespmem:s11+$0xFFFFFC60];
	_ =	sdelay $0x1  }
0x291: {  	v40 =	vld [tilespmem:s11+$0xFFFFFC70]  }
0x292: {  	v8 =	vmul.f32 v8, v4;
	v9 =	vmul.f32 v38, v5;
	_ =	sdelay $0x1  }
0x293: {  	v41 =	vmul.f32 v39, v6;
	v8 =	vadd.f32 v9, v8;
	_ =	sdelay $0x1  }
0x294: {  	v42 =	vmul.f32 v40, v7;
	v8 =	vadd.f32 v41, v8;
	_ =	sdelay $0x1  }
0x295: {  	v8 =	vadd.f32 v42, v8;
	_ =	sdelay $0x1  }
0x296: {  	(xrf2) =	vadd.scan.msk.f32 $0xffff, v8;
	_ =	sdelay $0x9  }
0x297: {  	v8, _, _ =	vpop (xrf2)  }
0x298: {  	[tilespmem:$0x18C50] =	vst v8  }
0x299: {  	v8 =	vld [tilespmem:s11+$0xFFFFFC80]  }
0x29a: {  	v43 =	vld [tilespmem:s11+$0xFFFFFC90];
	_ =	sdelay $0x1  }
0x29b: {  	v44 =	vld [tilespmem:s11+$0xFFFFFCA0];
	_ =	sdelay $0x1  }
0x29c: {  	v45 =	vld [tilespmem:s11+$0xFFFFFCB0]  }
0x29d: {  	v8 =	vmul.f32 v8, v4;
	v9 =	vmul.f32 v43, v5;
	_ =	sdelay $0x1  }
0x29e: {  	v46 =	vmul.f32 v44, v6;
	v8 =	vadd.f32 v9, v8;
	_ =	sdelay $0x1  }
0x29f: {  	v47 =	vmul.f32 v45, v7;
	v8 =	vadd.f32 v46, v8;
	_ =	sdelay $0x1  }
0x2a0: {  	v8 =	vadd.f32 v47, v8;
	_ =	sdelay $0x1  }
0x2a1: {  	(xrf2) =	vadd.scan.msk.f32 $0xffff, v8;
	_ =	sdelay $0x9  }
0x2a2: {  	v8, _, _ =	vpop (xrf2)  }
0x2a3: {  	[tilespmem:$0x18C60] =	vst v8  }
0x2a4: {  	v8 =	vld [tilespmem:s11+$0xFFFFFCC0]  }
0x2a5: {  	v48 =	vld [tilespmem:s11+$0xFFFFFCD0];
	_ =	sdelay $0x1  }
0x2a6: {  	v49 =	vld [tilespmem:s11+$0xFFFFFCE0];
	_ =	sdelay $0x1  }
0x2a7: {  	v50 =	vld [tilespmem:s11+$0xFFFFFCF0]  }
0x2a8: {  	v8 =	vmul.f32 v8, v4;
	v9 =	vmul.f32 v48, v5;
	_ =	sdelay $0x1  }
0x2a9: {  	v51 =	vmul.f32 v49, v6;
	v8 =	vadd.f32 v9, v8;
	_ =	sdelay $0x1  }
0x2aa: {  	v52 =	vmul.f32 v50, v7;
	v8 =	vadd.f32 v51, v8;
	_ =	sdelay $0x1  }
0x2ab: {  	v8 =	vadd.f32 v52, v8;
	_ =	sdelay $0x1  }
0x2ac: {  	(xrf2) =	vadd.scan.msk.f32 $0xffff, v8;
	_ =	sdelay $0x9  }
0x2ad: {  	v8, _, _ =	vpop (xrf2)  }
0x2ae: {  	[tilespmem:$0x18C70] =	vst v8  }
0x2af: {  	v8 =	vld [tilespmem:s11+$0xFFFFFD00]  }
0x2b0: {  	v53 =	vld [tilespmem:s11+$0xFFFFFD10];
	_ =	sdelay $0x1  }
0x2b1: {  	v54 =	vld [tilespmem:s11+$0xFFFFFD20];
	_ =	sdelay $0x1  }
0x2b2: {  	v55 =	vld [tilespmem:s11+$0xFFFFFD30]  }
0x2b3: {  	v8 =	vmul.f32 v8, v4;
	v9 =	vmul.f32 v53, v5;
	_ =	sdelay $0x1  }
0x2b4: {  	v56 =	vmul.f32 v54, v6;
	v8 =	vadd.f32 v9, v8;
	_ =	sdelay $0x1  }
0x2b5: {  	v57 =	vmul.f32 v55, v7;
	v8 =	vadd.f32 v56, v8;
	_ =	sdelay $0x1  }
0x2b6: {  	v8 =	vadd.f32 v57, v8;
	_ =	sdelay $0x1  }
0x2b7: {  	(xrf2) =	vadd.scan.msk.f32 $0xffff, v8;
	_ =	sdelay $0x9  }
0x2b8: {  	v8, _, _ =	vpop (xrf2)  }
0x2b9: {  	[tilespmem:$0x18C80] =	vst v8  }
0x2ba: {  	v8 =	vld [tilespmem:s11+$0xFFFFFD40]  }
0x2bb: {  	v58 =	vld [tilespmem:s11+$0xFFFFFD50];
	_ =	sdelay $0x1  }
0x2bc: {  	v59 =	vld [tilespmem:s11+$0xFFFFFD60];
	_ =	sdelay $0x1  }
0x2bd: {  	v60 =	vld [tilespmem:s11+$0xFFFFFD70]  }
0x2be: {  	v8 =	vmul.f32 v8, v4;
	v9 =	vmul.f32 v58, v5;
	_ =	sdelay $0x1  }
0x2bf: {  	v61 =	vmul.f32 v59, v6;
	v8 =	vadd.f32 v9, v8;
	_ =	sdelay $0x1  }
0x2c0: {  	v62 =	vmul.f32 v60, v7;
	v8 =	vadd.f32 v61, v8;
	_ =	sdelay $0x1  }
0x2c1: {  	v8 =	vadd.f32 v62, v8;
	_ =	sdelay $0x1  }
0x2c2: {  	(xrf2) =	vadd.scan.msk.f32 $0xffff, v8;
	_ =	sdelay $0x9  }
0x2c3: {  	v8, _, _ =	vpop (xrf2)  }
0x2c4: {  	[tilespmem:$0x18C90] =	vst v8  }
0x2c5: {  	v8 =	vld [tilespmem:s11+$0xFFFFFD80]  }
0x2c6: {  	v63 =	vld [tilespmem:s11+$0xFFFFFD90];
	_ =	sdelay $0x1  }
0x2c7: {  	v12 =	vld [tilespmem:s11+$0xFFFFFDA0];
	_ =	sdelay $0x1  }
0x2c8: {  	v13 =	vld [tilespmem:s11+$0xFFFFFDB0]  }
0x2c9: {  	v8 =	vmul.f32 v8, v4;
	v9 =	vmul.f32 v63, v5;
	_ =	sdelay $0x1  }
0x2ca: {  	v14 =	vmul.f32 v12, v6;
	v8 =	vadd.f32 v9, v8;
	_ =	sdelay $0x1  }
0x2cb: {  	v15 =	vmul.f32 v13, v7;
	v8 =	vadd.f32 v14, v8;
	_ =	sdelay $0x1  }
0x2cc: {  	v8 =	vadd.f32 v15, v8;
	_ =	sdelay $0x1  }
0x2cd: {  	(xrf2) =	vadd.scan.msk.f32 $0xffff, v8;
	_ =	sdelay $0x9  }
0x2ce: {  	v8, _, _ =	vpop (xrf2)  }
0x2cf: {  	[tilespmem:$0x18CA0] =	vst v8  }
0x2d0: {  	v8 =	vld [tilespmem:s11+$0xFFFFFDC0]  }
0x2d1: {  	v16 =	vld [tilespmem:s11+$0xFFFFFDD0];
	_ =	sdelay $0x1  }
0x2d2: {  	v17 =	vld [tilespmem:s11+$0xFFFFFDE0];
	_ =	sdelay $0x1  }
0x2d3: {  	v18 =	vld [tilespmem:s11+$0xFFFFFDF0]  }
0x2d4: {  	v8 =	vmul.f32 v8, v4;
	v9 =	vmul.f32 v16, v5;
	_ =	sdelay $0x1  }
0x2d5: {  	v19 =	vmul.f32 v17, v6;
	v8 =	vadd.f32 v9, v8;
	_ =	sdelay $0x1  }
0x2d6: {  	v20 =	vmul.f32 v18, v7;
	v8 =	vadd.f32 v19, v8;
	_ =	sdelay $0x1  }
0x2d7: {  	v8 =	vadd.f32 v20, v8;
	_ =	sdelay $0x1  }
0x2d8: {  	(xrf2) =	vadd.scan.msk.f32 $0xffff, v8;
	_ =	sdelay $0x9  }
0x2d9: {  	v8, _, _ =	vpop (xrf2)  }
0x2da: {  	[tilespmem:$0x18CB0] =	vst v8  }
0x2db: {  	v8 =	vld [tilespmem:s11+$0xFFFFFE00]  }
0x2dc: {  	v21 =	vld [tilespmem:s11+$0xFFFFFE10];
	_ =	sdelay $0x1  }
0x2dd: {  	v22 =	vld [tilespmem:s11+$0xFFFFFE20];
	_ =	sdelay $0x1  }
0x2de: {  	v23 =	vld [tilespmem:s11+$0xFFFFFE30]  }
0x2df: {  	v8 =	vmul.f32 v8, v4;
	v9 =	vmul.f32 v21, v5;
	_ =	sdelay $0x1  }
0x2e0: {  	v24 =	vmul.f32 v22, v6;
	v8 =	vadd.f32 v9, v8;
	_ =	sdelay $0x1  }
0x2e1: {  	v25 =	vmul.f32 v23, v7;
	v8 =	vadd.f32 v24, v8;
	_ =	sdelay $0x1  }
0x2e2: {  	v8 =	vadd.f32 v25, v8;
	_ =	sdelay $0x1  }
0x2e3: {  	(xrf2) =	vadd.scan.msk.f32 $0xffff, v8;
	_ =	sdelay $0x9  }
0x2e4: {  	v8, _, _ =	vpop (xrf2)  }
0x2e5: {  	[tilespmem:$0x18CC0] =	vst v8  }
0x2e6: {  	v8 =	vld [tilespmem:s11+$0xFFFFFE40]  }
0x2e7: {  	v26 =	vld [tilespmem:s11+$0xFFFFFE50];
	_ =	sdelay $0x1  }
0x2e8: {  	v27 =	vld [tilespmem:s11+$0xFFFFFE60];
	_ =	sdelay $0x1  }
0x2e9: {  	v28 =	vld [tilespmem:s11+$0xFFFFFE70]  }
0x2ea: {  	v8 =	vmul.f32 v8, v4;
	v9 =	vmul.f32 v26, v5;
	_ =	sdelay $0x1  }
0x2eb: {  	v29 =	vmul.f32 v27, v6;
	v8 =	vadd.f32 v9, v8;
	_ =	sdelay $0x1  }
0x2ec: {  	v30 =	vmul.f32 v28, v7;
	v8 =	vadd.f32 v29, v8;
	_ =	sdelay $0x1  }
0x2ed: {  	v8 =	vadd.f32 v30, v8;
	_ =	sdelay $0x1  }
0x2ee: {  	(xrf2) =	vadd.scan.msk.f32 $0xffff, v8;
	_ =	sdelay $0x9  }
0x2ef: {  	v8, _, _ =	vpop (xrf2)  }
0x2f0: {  	[tilespmem:$0x18CD0] =	vst v8  }
0x2f1: {  	v8 =	vld [tilespmem:s11+$0xFFFFFE80]  }
0x2f2: {  	v31 =	vld [tilespmem:s11+$0xFFFFFE90];
	_ =	sdelay $0x1  }
0x2f3: {  	v32 =	vld [tilespmem:s11+$0xFFFFFEA0];
	_ =	sdelay $0x1  }
0x2f4: {  	v33 =	vld [tilespmem:s11+$0xFFFFFEB0]  }
0x2f5: {  	v8 =	vmul.f32 v8, v4;
	v9 =	vmul.f32 v31, v5;
	_ =	sdelay $0x1  }
0x2f6: {  	v34 =	vmul.f32 v32, v6;
	v8 =	vadd.f32 v9, v8;
	_ =	sdelay $0x1  }
0x2f7: {  	v35 =	vmul.f32 v33, v7;
	v8 =	vadd.f32 v34, v8;
	_ =	sdelay $0x1  }
0x2f8: {  	v8 =	vadd.f32 v35, v8;
	_ =	sdelay $0x1  }
0x2f9: {  	(xrf2) =	vadd.scan.msk.f32 $0xffff, v8;
	_ =	sdelay $0x9  }
0x2fa: {  	v8, _, _ =	vpop (xrf2)  }
0x2fb: {  	[tilespmem:$0x18CE0] =	vst v8  }
0x2fc: {  	v8 =	vld [tilespmem:s11+$0xFFFFFEC0]  }
0x2fd: {  	v36 =	vld [tilespmem:s11+$0xFFFFFED0];
	_ =	sdelay $0x1  }
0x2fe: {  	v37 =	vld [tilespmem:s11+$0xFFFFFEE0];
	_ =	sdelay $0x1  }
0x2ff: {  	v38 =	vld [tilespmem:s11+$0xFFFFFEF0]  }
0x300: {  	v8 =	vmul.f32 v8, v4;
	v9 =	vmul.f32 v36, v5;
	_ =	sdelay $0x1  }
0x301: {  	v39 =	vmul.f32 v37, v6;
	v8 =	vadd.f32 v9, v8;
	_ =	sdelay $0x1  }
0x302: {  	v40 =	vmul.f32 v38, v7;
	v8 =	vadd.f32 v39, v8;
	_ =	sdelay $0x1  }
0x303: {  	v8 =	vadd.f32 v40, v8;
	_ =	sdelay $0x1  }
0x304: {  	(xrf2) =	vadd.scan.msk.f32 $0xffff, v8;
	_ =	sdelay $0x9  }
0x305: {  	v8, _, _ =	vpop (xrf2)  }
0x306: {  	[tilespmem:$0x18CF0] =	vst v8  }
0x307: {  	v8 =	vld [tilespmem:s11+$0xFFFFFF00]  }
0x308: {  	v41 =	vld [tilespmem:s11+$0xFFFFFF10];
	_ =	sdelay $0x1  }
0x309: {  	v42 =	vld [tilespmem:s11+$0xFFFFFF20];
	_ =	sdelay $0x1  }
0x30a: {  	v43 =	vld [tilespmem:s11+$0xFFFFFF30]  }
0x30b: {  	v8 =	vmul.f32 v8, v4;
	v9 =	vmul.f32 v41, v5;
	_ =	sdelay $0x1  }
0x30c: {  	v44 =	vmul.f32 v42, v6;
	v8 =	vadd.f32 v9, v8;
	_ =	sdelay $0x1  }
0x30d: {  	v45 =	vmul.f32 v43, v7;
	v8 =	vadd.f32 v44, v8;
	_ =	sdelay $0x1  }
0x30e: {  	v8 =	vadd.f32 v45, v8;
	_ =	sdelay $0x1  }
0x30f: {  	(xrf2) =	vadd.scan.msk.f32 $0xffff, v8;
	_ =	sdelay $0x9  }
0x310: {  	v8, _, _ =	vpop (xrf2)  }
0x311: {  	[tilespmem:$0x18D00] =	vst v8  }
0x312: {  	v8 =	vld [tilespmem:s11+$0xFFFFFF40]  }
0x313: {  	v46 =	vld [tilespmem:s11+$0xFFFFFF50];
	_ =	sdelay $0x1  }
0x314: {  	v47 =	vld [tilespmem:s11+$0xFFFFFF60];
	_ =	sdelay $0x1  }
0x315: {  	v48 =	vld [tilespmem:s11+$0xFFFFFF70]  }
0x316: {  	v8 =	vmul.f32 v8, v4;
	v9 =	vmul.f32 v46, v5;
	_ =	sdelay $0x1  }
0x317: {  	v49 =	vmul.f32 v47, v6;
	v8 =	vadd.f32 v9, v8;
	_ =	sdelay $0x1  }
0x318: {  	v50 =	vmul.f32 v48, v7;
	v8 =	vadd.f32 v49, v8;
	_ =	sdelay $0x1  }
0x319: {  	v8 =	vadd.f32 v50, v8;
	_ =	sdelay $0x1  }
0x31a: {  	(xrf2) =	vadd.scan.msk.f32 $0xffff, v8;
	_ =	sdelay $0x9  }
0x31b: {  	v8, _, _ =	vpop (xrf2)  }
0x31c: {  	[tilespmem:$0x18D10] =	vst v8  }
0x31d: {  	v8 =	vld [tilespmem:s11+$0xFFFFFF80]  }
0x31e: {  	v51 =	vld [tilespmem:s11+$0xFFFFFF90];
	_ =	sdelay $0x1  }
0x31f: {  	v52 =	vld [tilespmem:s11+$0xFFFFFFA0];
	_ =	sdelay $0x1  }
0x320: {  	v53 =	vld [tilespmem:s11+$0xFFFFFFB0]  }
0x321: {  	v8 =	vmul.f32 v8, v4;
	v9 =	vmul.f32 v51, v5;
	_ =	sdelay $0x1  }
0x322: {  	v54 =	vmul.f32 v52, v6;
	v8 =	vadd.f32 v9, v8;
	_ =	sdelay $0x1  }
0x323: {  	v55 =	vmul.f32 v53, v7;
	v8 =	vadd.f32 v54, v8;
	_ =	sdelay $0x1  }
0x324: {  	v8 =	vadd.f32 v55, v8;
	_ =	sdelay $0x1  }
0x325: {  	(xrf2) =	vadd.scan.msk.f32 $0xffff, v8;
	_ =	sdelay $0x9  }
0x326: {  	v8, _, _ =	vpop (xrf2)  }
0x327: {  	[tilespmem:$0x18D20] =	vst v8  }
0x328: {  	v8 =	vld [tilespmem:s11+$0xFFFFFFC0]  }
0x329: {  	v56 =	vld [tilespmem:s11+$0xFFFFFFD0];
	_ =	sdelay $0x1  }
0x32a: {  	v57 =	vld [tilespmem:s11+$0xFFFFFFE0];
	_ =	sdelay $0x1  }
0x32b: {  	v58 =	vld [tilespmem:s11+$0xFFFFFFF0]  }
0x32c: {  	v8 =	vmul.f32 v8, v4;
	v9 =	vmul.f32 v56, v5;
	_ =	sdelay $0x1  }
0x32d: {  	v59 =	vmul.f32 v57, v6;
	v8 =	vadd.f32 v9, v8;
	_ =	sdelay $0x1  }
0x32e: {  	v60 =	vmul.f32 v58, v7;
	v8 =	vadd.f32 v59, v8;
	_ =	sdelay $0x1  }
0x32f: {  	v8 =	vadd.f32 v60, v8;
	_ =	sdelay $0x1  }
0x330: {  	(xrf2) =	vadd.scan.msk.f32 $0xffff, v8;
	_ =	sdelay $0x9  }
0x331: {  	v8, _, _ =	vpop (xrf2)  }
0x332: {  	[tilespmem:$0x18D30] =	vst v8  }
0x333: {  	v8 =	vld [tilespmem:s24+$0xFFFFFFC0]  }
0x334: {  	v61 =	vld [tilespmem:s24+$0xFFFFFFD0];
	_ =	sdelay $0x1  }
0x335: {  	v62 =	vld [tilespmem:s24+$0xFFFFFFE0];
	_ =	sdelay $0x1  }
0x336: {  	v63 =	vld [tilespmem:s24+$0xFFFFFFF0]  }
0x337: {  	v4 =	vmul.f32 v8, v4;
	v5 =	vmul.f32 v61, v5;
	_ =	sdelay $0x1  }
0x338: {  	v4 =	vadd.f32 v5, v4;
	v5 =	vmul.f32 v62, v6;
	_ =	sdelay $0x1  }
0x339: {  	v4 =	vadd.f32 v5, v4;
	v5 =	vmul.f32 v63, v7;
	_ =	sdelay $0x1  }
0x33a: {  	v4 =	vadd.f32 v5, v4;
	_ =	sdelay $0x1  }
0x33b: {  	(xrf2) =	vadd.scan.msk.f32 $0xffff, v4;
	_ =	sdelay $0x9  }
0x33c: {  	v4, _, _ =	vpop (xrf2)  }
0x33d: {  	[tilespmem:$0x18D40] =	vst v4  }
0x33e: {  	v4 =	vld.idx.msk [tilespmem:v0+s15+$0x0], $0xffff  }
0x33f: {  	v5 =	vld.idx.msk [tilespmem:v1+s15+$0x0], $0xffff;
	_ =	sdelay $0x3  }
0x340: {  	[tilespmem:s20+$0xFFFFFFD0] =	vst v4  }
0x341: {  	[tilespmem:s20+$0xFFFFFFE0] =	vst v5  }
0x342: {  	v4 =	vld [tilespmem:s18+$0x0]  }
0x343: {  	v5 =	vld [tilespmem:s18+$0x10]  }
0x344: {  	v12 =	vld [tilespmem:s11+$0x0]  }
0x345: {  	v13 =	vld [tilespmem:s11+$0x10]  }
0x346: {  	v6 =	vld [tilespmem:s18+$0x20]  }
0x347: {  	v14 =	vld [tilespmem:s11+$0x20]  }
0x348: {  	v7 =	vld [tilespmem:s18+$0x30]  }
0x349: {  	v15 =	vld [tilespmem:s11+$0x30]  }
0x34a: {  	v8 =	vmul.f32 v12, v4;
	v9 =	vmul.f32 v13, v5;
	_ =	sdelay $0x1  }
0x34b: {  	v16 =	vmul.f32 v14, v6;
	v8 =	vadd.f32 v9, v8;
	_ =	sdelay $0x1  }
0x34c: {  	v17 =	vmul.f32 v15, v7;
	v8 =	vadd.f32 v16, v8;
	_ =	sdelay $0x1  }
0x34d: {  	v8 =	vadd.f32 v17, v8;
	_ =	sdelay $0x1  }
0x34e: {  	(xrf2) =	vadd.scan.msk.f32 $0xffff, v8;
	_ =	sdelay $0x9  }
0x34f: {  	v8, _, _ =	vpop (xrf2)  }
0x350: {  	[tilespmem:$0x18E00] =	vst v8  }
0x351: {  	v8 =	vld [tilespmem:s11+$0x40]  }
0x352: {  	v18 =	vld [tilespmem:s11+$0x50];
	_ =	sdelay $0x1  }
0x353: {  	v19 =	vld [tilespmem:s11+$0x60];
	_ =	sdelay $0x1  }
0x354: {  	v20 =	vld [tilespmem:s11+$0x70]  }
0x355: {  	v8 =	vmul.f32 v8, v4;
	v9 =	vmul.f32 v18, v5;
	_ =	sdelay $0x1  }
0x356: {  	v21 =	vmul.f32 v19, v6;
	v8 =	vadd.f32 v9, v8;
	_ =	sdelay $0x1  }
0x357: {  	v22 =	vmul.f32 v20, v7;
	v8 =	vadd.f32 v21, v8;
	_ =	sdelay $0x1  }
0x358: {  	v8 =	vadd.f32 v22, v8;
	_ =	sdelay $0x1  }
0x359: {  	(xrf2) =	vadd.scan.msk.f32 $0xffff, v8;
	_ =	sdelay $0x9  }
0x35a: {  	v8, _, _ =	vpop (xrf2)  }
0x35b: {  	[tilespmem:$0x18E10] =	vst v8  }
0x35c: {  	v8 =	vld [tilespmem:s11+$0x80]  }
0x35d: {  	v23 =	vld [tilespmem:s11+$0x90];
	_ =	sdelay $0x1  }
0x35e: {  	v24 =	vld [tilespmem:s11+$0xA0];
	_ =	sdelay $0x1  }
0x35f: {  	v25 =	vld [tilespmem:s11+$0xB0]  }
0x360: {  	v8 =	vmul.f32 v8, v4;
	v9 =	vmul.f32 v23, v5;
	_ =	sdelay $0x1  }
0x361: {  	v26 =	vmul.f32 v24, v6;
	v8 =	vadd.f32 v9, v8;
	_ =	sdelay $0x1  }
0x362: {  	v27 =	vmul.f32 v25, v7;
	v8 =	vadd.f32 v26, v8;
	_ =	sdelay $0x1  }
0x363: {  	v8 =	vadd.f32 v27, v8;
	_ =	sdelay $0x1  }
0x364: {  	(xrf2) =	vadd.scan.msk.f32 $0xffff, v8;
	_ =	sdelay $0x9  }
0x365: {  	v8, _, _ =	vpop (xrf2)  }
0x366: {  	[tilespmem:$0x18E20] =	vst v8  }
0x367: {  	v8 =	vld [tilespmem:s11+$0xC0]  }
0x368: {  	v28 =	vld [tilespmem:s11+$0xD0];
	_ =	sdelay $0x1  }
0x369: {  	v29 =	vld [tilespmem:s11+$0xE0];
	_ =	sdelay $0x1  }
0x36a: {  	v30 =	vld [tilespmem:s11+$0xF0]  }
0x36b: {  	v8 =	vmul.f32 v8, v4;
	v9 =	vmul.f32 v28, v5;
	_ =	sdelay $0x1  }
0x36c: {  	v31 =	vmul.f32 v29, v6;
	v8 =	vadd.f32 v9, v8;
	_ =	sdelay $0x1  }
0x36d: {  	v32 =	vmul.f32 v30, v7;
	v8 =	vadd.f32 v31, v8;
	_ =	sdelay $0x1  }
0x36e: {  	v8 =	vadd.f32 v32, v8;
	_ =	sdelay $0x1  }
0x36f: {  	(xrf2) =	vadd.scan.msk.f32 $0xffff, v8;
	_ =	sdelay $0x9  }
0x370: {  	v8, _, _ =	vpop (xrf2)  }
0x371: {  	[tilespmem:$0x18E30] =	vst v8  }
0x372: {  	v8 =	vld [tilespmem:s11+$0x100]  }
0x373: {  	v33 =	vld [tilespmem:s11+$0x110];
	_ =	sdelay $0x1  }
0x374: {  	v34 =	vld [tilespmem:s11+$0x120];
	_ =	sdelay $0x1  }
0x375: {  	v35 =	vld [tilespmem:s11+$0x130]  }
0x376: {  	v8 =	vmul.f32 v8, v4;
	v9 =	vmul.f32 v33, v5;
	_ =	sdelay $0x1  }
0x377: {  	v36 =	vmul.f32 v34, v6;
	v8 =	vadd.f32 v9, v8;
	_ =	sdelay $0x1  }
0x378: {  	v37 =	vmul.f32 v35, v7;
	v8 =	vadd.f32 v36, v8;
	_ =	sdelay $0x1  }
0x379: {  	v8 =	vadd.f32 v37, v8;
	_ =	sdelay $0x1  }
0x37a: {  	(xrf2) =	vadd.scan.msk.f32 $0xffff, v8;
	_ =	sdelay $0x9  }
0x37b: {  	v8, _, _ =	vpop (xrf2)  }
0x37c: {  	[tilespmem:$0x18E40] =	vst v8  }
0x37d: {  	v8 =	vld [tilespmem:s11+$0x140]  }
0x37e: {  	v38 =	vld [tilespmem:s11+$0x150];
	_ =	sdelay $0x1  }
0x37f: {  	v39 =	vld [tilespmem:s11+$0x160];
	_ =	sdelay $0x1  }
0x380: {  	v40 =	vld [tilespmem:s11+$0x170]  }
0x381: {  	v8 =	vmul.f32 v8, v4;
	v9 =	vmul.f32 v38, v5;
	_ =	sdelay $0x1  }
0x382: {  	v41 =	vmul.f32 v39, v6;
	v8 =	vadd.f32 v9, v8;
	_ =	sdelay $0x1  }
0x383: {  	v42 =	vmul.f32 v40, v7;
	v8 =	vadd.f32 v41, v8;
	_ =	sdelay $0x1  }
0x384: {  	v8 =	vadd.f32 v42, v8;
	_ =	sdelay $0x1  }
0x385: {  	(xrf2) =	vadd.scan.msk.f32 $0xffff, v8;
	_ =	sdelay $0x9  }
0x386: {  	v8, _, _ =	vpop (xrf2)  }
0x387: {  	[tilespmem:$0x18E50] =	vst v8  }
0x388: {  	v8 =	vld [tilespmem:s11+$0x180]  }
0x389: {  	v43 =	vld [tilespmem:s11+$0x190];
	_ =	sdelay $0x1  }
0x38a: {  	v44 =	vld [tilespmem:s11+$0x1A0];
	_ =	sdelay $0x1  }
0x38b: {  	v45 =	vld [tilespmem:s11+$0x1B0]  }
0x38c: {  	v8 =	vmul.f32 v8, v4;
	v9 =	vmul.f32 v43, v5;
	_ =	sdelay $0x1  }
0x38d: {  	v46 =	vmul.f32 v44, v6;
	v8 =	vadd.f32 v9, v8;
	_ =	sdelay $0x1  }
0x38e: {  	v47 =	vmul.f32 v45, v7;
	v8 =	vadd.f32 v46, v8;
	_ =	sdelay $0x1  }
0x38f: {  	v8 =	vadd.f32 v47, v8;
	_ =	sdelay $0x1  }
0x390: {  	(xrf2) =	vadd.scan.msk.f32 $0xffff, v8;
	_ =	sdelay $0x9  }
0x391: {  	v8, _, _ =	vpop (xrf2)  }
0x392: {  	[tilespmem:$0x18E60] =	vst v8  }
0x393: {  	v8 =	vld [tilespmem:s11+$0x1C0]  }
0x394: {  	v48 =	vld [tilespmem:s11+$0x1D0];
	_ =	sdelay $0x1  }
0x395: {  	v49 =	vld [tilespmem:s11+$0x1E0];
	_ =	sdelay $0x1  }
0x396: {  	v50 =	vld [tilespmem:s11+$0x1F0]  }
0x397: {  	v8 =	vmul.f32 v8, v4;
	v9 =	vmul.f32 v48, v5;
	_ =	sdelay $0x1  }
0x398: {  	v51 =	vmul.f32 v49, v6;
	v8 =	vadd.f32 v9, v8;
	_ =	sdelay $0x1  }
0x399: {  	v52 =	vmul.f32 v50, v7;
	v8 =	vadd.f32 v51, v8;
	_ =	sdelay $0x1  }
0x39a: {  	v8 =	vadd.f32 v52, v8;
	_ =	sdelay $0x1  }
0x39b: {  	(xrf2) =	vadd.scan.msk.f32 $0xffff, v8;
	_ =	sdelay $0x9  }
0x39c: {  	v8, _, _ =	vpop (xrf2)  }
0x39d: {  	[tilespmem:$0x18E70] =	vst v8  }
0x39e: {  	v8 =	vld [tilespmem:s11+$0x200]  }
0x39f: {  	v53 =	vld [tilespmem:s11+$0x210];
	_ =	sdelay $0x1  }
0x3a0: {  	v54 =	vld [tilespmem:s11+$0x220];
	_ =	sdelay $0x1  }
0x3a1: {  	v55 =	vld [tilespmem:s11+$0x230]  }
0x3a2: {  	v8 =	vmul.f32 v8, v4;
	v9 =	vmul.f32 v53, v5;
	_ =	sdelay $0x1  }
0x3a3: {  	v56 =	vmul.f32 v54, v6;
	v8 =	vadd.f32 v9, v8;
	_ =	sdelay $0x1  }
0x3a4: {  	v57 =	vmul.f32 v55, v7;
	v8 =	vadd.f32 v56, v8;
	_ =	sdelay $0x1  }
0x3a5: {  	v8 =	vadd.f32 v57, v8;
	_ =	sdelay $0x1  }
0x3a6: {  	(xrf2) =	vadd.scan.msk.f32 $0xffff, v8;
	_ =	sdelay $0x9  }
0x3a7: {  	v8, _, _ =	vpop (xrf2)  }
0x3a8: {  	[tilespmem:$0x18E80] =	vst v8  }
0x3a9: {  	v8 =	vld [tilespmem:s11+$0x240]  }
0x3aa: {  	v58 =	vld [tilespmem:s11+$0x250];
	_ =	sdelay $0x1  }
0x3ab: {  	v59 =	vld [tilespmem:s11+$0x260];
	_ =	sdelay $0x1  }
0x3ac: {  	v60 =	vld [tilespmem:s11+$0x270]  }
0x3ad: {  	v8 =	vmul.f32 v8, v4;
	v9 =	vmul.f32 v58, v5;
	_ =	sdelay $0x1  }
0x3ae: {  	v61 =	vmul.f32 v59, v6;
	v8 =	vadd.f32 v9, v8;
	_ =	sdelay $0x1  }
0x3af: {  	v62 =	vmul.f32 v60, v7;
	v8 =	vadd.f32 v61, v8;
	_ =	sdelay $0x1  }
0x3b0: {  	v8 =	vadd.f32 v62, v8;
	_ =	sdelay $0x1  }
0x3b1: {  	(xrf2) =	vadd.scan.msk.f32 $0xffff, v8;
	_ =	sdelay $0x9  }
0x3b2: {  	v8, _, _ =	vpop (xrf2)  }
0x3b3: {  	[tilespmem:$0x18E90] =	vst v8  }
0x3b4: {  	v8 =	vld [tilespmem:s11+$0x280]  }
0x3b5: {  	v63 =	vld [tilespmem:s11+$0x290];
	_ =	sdelay $0x1  }
0x3b6: {  	v12 =	vld [tilespmem:s11+$0x2A0];
	_ =	sdelay $0x1  }
0x3b7: {  	v13 =	vld [tilespmem:s11+$0x2B0]  }
0x3b8: {  	v8 =	vmul.f32 v8, v4;
	v9 =	vmul.f32 v63, v5;
	_ =	sdelay $0x1  }
0x3b9: {  	v14 =	vmul.f32 v12, v6;
	v8 =	vadd.f32 v9, v8;
	_ =	sdelay $0x1  }
0x3ba: {  	v15 =	vmul.f32 v13, v7;
	v8 =	vadd.f32 v14, v8;
	_ =	sdelay $0x1  }
0x3bb: {  	v8 =	vadd.f32 v15, v8;
	_ =	sdelay $0x1  }
0x3bc: {  	(xrf2) =	vadd.scan.msk.f32 $0xffff, v8;
	_ =	sdelay $0x9  }
0x3bd: {  	v8, _, _ =	vpop (xrf2)  }
0x3be: {  	[tilespmem:$0x18EA0] =	vst v8  }
0x3bf: {  	v8 =	vld [tilespmem:s11+$0x2C0]  }
0x3c0: {  	v16 =	vld [tilespmem:s11+$0x2D0];
	_ =	sdelay $0x1  }
0x3c1: {  	v17 =	vld [tilespmem:s11+$0x2E0];
	_ =	sdelay $0x1  }
0x3c2: {  	v18 =	vld [tilespmem:s11+$0x2F0]  }
0x3c3: {  	v8 =	vmul.f32 v8, v4;
	v9 =	vmul.f32 v16, v5;
	_ =	sdelay $0x1  }
0x3c4: {  	v19 =	vmul.f32 v17, v6;
	v8 =	vadd.f32 v9, v8;
	_ =	sdelay $0x1  }
0x3c5: {  	v20 =	vmul.f32 v18, v7;
	v8 =	vadd.f32 v19, v8;
	_ =	sdelay $0x1  }
0x3c6: {  	v8 =	vadd.f32 v20, v8;
	_ =	sdelay $0x1  }
0x3c7: {  	(xrf2) =	vadd.scan.msk.f32 $0xffff, v8;
	_ =	sdelay $0x9  }
0x3c8: {  	v8, _, _ =	vpop (xrf2)  }
0x3c9: {  	[tilespmem:$0x18EB0] =	vst v8  }
0x3ca: {  	v8 =	vld [tilespmem:s11+$0x300]  }
0x3cb: {  	v21 =	vld [tilespmem:s11+$0x310];
	_ =	sdelay $0x1  }
0x3cc: {  	v22 =	vld [tilespmem:s11+$0x320];
	_ =	sdelay $0x1  }
0x3cd: {  	v23 =	vld [tilespmem:s11+$0x330]  }
0x3ce: {  	v8 =	vmul.f32 v8, v4;
	v9 =	vmul.f32 v21, v5;
	_ =	sdelay $0x1  }
0x3cf: {  	v24 =	vmul.f32 v22, v6;
	v8 =	vadd.f32 v9, v8;
	_ =	sdelay $0x1  }
0x3d0: {  	v25 =	vmul.f32 v23, v7;
	v8 =	vadd.f32 v24, v8;
	_ =	sdelay $0x1  }
0x3d1: {  	v8 =	vadd.f32 v25, v8;
	_ =	sdelay $0x1  }
0x3d2: {  	(xrf2) =	vadd.scan.msk.f32 $0xffff, v8;
	_ =	sdelay $0x9  }
0x3d3: {  	v8, _, _ =	vpop (xrf2)  }
0x3d4: {  	[tilespmem:$0x18EC0] =	vst v8  }
0x3d5: {  	v8 =	vld [tilespmem:s11+$0x340]  }
0x3d6: {  	v26 =	vld [tilespmem:s11+$0x350];
	_ =	sdelay $0x1  }
0x3d7: {  	v27 =	vld [tilespmem:s11+$0x360];
	_ =	sdelay $0x1  }
0x3d8: {  	v28 =	vld [tilespmem:s11+$0x370]  }
0x3d9: {  	v8 =	vmul.f32 v8, v4;
	v9 =	vmul.f32 v26, v5;
	_ =	sdelay $0x1  }
0x3da: {  	v29 =	vmul.f32 v27, v6;
	v8 =	vadd.f32 v9, v8;
	_ =	sdelay $0x1  }
0x3db: {  	v30 =	vmul.f32 v28, v7;
	v8 =	vadd.f32 v29, v8;
	_ =	sdelay $0x1  }
0x3dc: {  	v8 =	vadd.f32 v30, v8;
	_ =	sdelay $0x1  }
0x3dd: {  	(xrf2) =	vadd.scan.msk.f32 $0xffff, v8;
	_ =	sdelay $0x9  }
0x3de: {  	v8, _, _ =	vpop (xrf2)  }
0x3df: {  	[tilespmem:$0x18ED0] =	vst v8  }
0x3e0: {  	v8 =	vld [tilespmem:s11+$0x380]  }
0x3e1: {  	v31 =	vld [tilespmem:s11+$0x390];
	_ =	sdelay $0x1  }
0x3e2: {  	v32 =	vld [tilespmem:s11+$0x3A0];
	_ =	sdelay $0x1  }
0x3e3: {  	v33 =	vld [tilespmem:s11+$0x3B0]  }
0x3e4: {  	v8 =	vmul.f32 v8, v4;
	v9 =	vmul.f32 v31, v5;
	_ =	sdelay $0x1  }
0x3e5: {  	v34 =	vmul.f32 v32, v6;
	v8 =	vadd.f32 v9, v8;
	_ =	sdelay $0x1  }
0x3e6: {  	v35 =	vmul.f32 v33, v7;
	v8 =	vadd.f32 v34, v8;
	_ =	sdelay $0x1  }
0x3e7: {  	v8 =	vadd.f32 v35, v8;
	_ =	sdelay $0x1  }
0x3e8: {  	(xrf2) =	vadd.scan.msk.f32 $0xffff, v8;
	_ =	sdelay $0x9  }
0x3e9: {  	v8, _, _ =	vpop (xrf2)  }
0x3ea: {  	[tilespmem:$0x18EE0] =	vst v8  }
0x3eb: {  	v8 =	vld [tilespmem:s11+$0x3C0]  }
0x3ec: {  	v36 =	vld [tilespmem:s11+$0x3D0];
	_ =	sdelay $0x1  }
0x3ed: {  	v37 =	vld [tilespmem:s11+$0x3E0];
	_ =	sdelay $0x1  }
0x3ee: {  	v38 =	vld [tilespmem:s11+$0x3F0]  }
0x3ef: {  	v8 =	vmul.f32 v8, v4;
	v9 =	vmul.f32 v36, v5;
	_ =	sdelay $0x1  }
0x3f0: {  	v39 =	vmul.f32 v37, v6;
	v8 =	vadd.f32 v9, v8;
	_ =	sdelay $0x1  }
0x3f1: {  	v40 =	vmul.f32 v38, v7;
	v8 =	vadd.f32 v39, v8;
	_ =	sdelay $0x1  }
0x3f2: {  	v8 =	vadd.f32 v40, v8;
	_ =	sdelay $0x1  }
0x3f3: {  	(xrf2) =	vadd.scan.msk.f32 $0xffff, v8;
	_ =	sdelay $0x9  }
0x3f4: {  	v8, _, _ =	vpop (xrf2)  }
0x3f5: {  	[tilespmem:$0x18EF0] =	vst v8  }
0x3f6: {  	v8 =	vld [tilespmem:s11+$0x400]  }
0x3f7: {  	v41 =	vld [tilespmem:s11+$0x410];
	_ =	sdelay $0x1  }
0x3f8: {  	v42 =	vld [tilespmem:s11+$0x420];
	_ =	sdelay $0x1  }
0x3f9: {  	v43 =	vld [tilespmem:s11+$0x430]  }
0x3fa: {  	v8 =	vmul.f32 v8, v4;
	v9 =	vmul.f32 v41, v5;
	_ =	sdelay $0x1  }
0x3fb: {  	v44 =	vmul.f32 v42, v6;
	v8 =	vadd.f32 v9, v8;
	_ =	sdelay $0x1  }
0x3fc: {  	v45 =	vmul.f32 v43, v7;
	v8 =	vadd.f32 v44, v8;
	_ =	sdelay $0x1  }
0x3fd: {  	v8 =	vadd.f32 v45, v8;
	_ =	sdelay $0x1  }
0x3fe: {  	(xrf2) =	vadd.scan.msk.f32 $0xffff, v8;
	_ =	sdelay $0x9  }
0x3ff: {  	v8, _, _ =	vpop (xrf2)  }
0x400: {  	[tilespmem:$0x18F00] =	vst v8  }
0x401: {  	v8 =	vld [tilespmem:s11+$0x440]  }
0x402: {  	v46 =	vld [tilespmem:s11+$0x450];
	_ =	sdelay $0x1  }
0x403: {  	v47 =	vld [tilespmem:s11+$0x460];
	_ =	sdelay $0x1  }
0x404: {  	v48 =	vld [tilespmem:s11+$0x470]  }
0x405: {  	v8 =	vmul.f32 v8, v4;
	v9 =	vmul.f32 v46, v5;
	_ =	sdelay $0x1  }
0x406: {  	v49 =	vmul.f32 v47, v6;
	v8 =	vadd.f32 v9, v8;
	_ =	sdelay $0x1  }
0x407: {  	v50 =	vmul.f32 v48, v7;
	v8 =	vadd.f32 v49, v8;
	_ =	sdelay $0x1  }
0x408: {  	v8 =	vadd.f32 v50, v8;
	_ =	sdelay $0x1  }
0x409: {  	(xrf2) =	vadd.scan.msk.f32 $0xffff, v8;
	_ =	sdelay $0x9  }
0x40a: {  	v8, _, _ =	vpop (xrf2)  }
0x40b: {  	[tilespmem:$0x18F10] =	vst v8  }
0x40c: {  	v8 =	vld [tilespmem:s11+$0x480]  }
0x40d: {  	v51 =	vld [tilespmem:s11+$0x490];
	_ =	sdelay $0x1  }
0x40e: {  	v52 =	vld [tilespmem:s11+$0x4A0];
	_ =	sdelay $0x1  }
0x40f: {  	v53 =	vld [tilespmem:s11+$0x4B0]  }
0x410: {  	v8 =	vmul.f32 v8, v4;
	v9 =	vmul.f32 v51, v5;
	_ =	sdelay $0x1  }
0x411: {  	v54 =	vmul.f32 v52, v6;
	v8 =	vadd.f32 v9, v8;
	_ =	sdelay $0x1  }
0x412: {  	v55 =	vmul.f32 v53, v7;
	v8 =	vadd.f32 v54, v8;
	_ =	sdelay $0x1  }
0x413: {  	v8 =	vadd.f32 v55, v8;
	_ =	sdelay $0x1  }
0x414: {  	(xrf2) =	vadd.scan.msk.f32 $0xffff, v8;
	_ =	sdelay $0x9  }
0x415: {  	v8, _, _ =	vpop (xrf2)  }
0x416: {  	[tilespmem:$0x18F20] =	vst v8  }
0x417: {  	v8 =	vld [tilespmem:s11+$0x4C0]  }
0x418: {  	v56 =	vld [tilespmem:s11+$0x4D0];
	_ =	sdelay $0x1  }
0x419: {  	v57 =	vld [tilespmem:s11+$0x4E0];
	_ =	sdelay $0x1  }
0x41a: {  	v58 =	vld [tilespmem:s11+$0x4F0]  }
0x41b: {  	v8 =	vmul.f32 v8, v4;
	v9 =	vmul.f32 v56, v5;
	_ =	sdelay $0x1  }
0x41c: {  	v59 =	vmul.f32 v57, v6;
	v8 =	vadd.f32 v9, v8;
	_ =	sdelay $0x1  }
0x41d: {  	v60 =	vmul.f32 v58, v7;
	v8 =	vadd.f32 v59, v8;
	_ =	sdelay $0x1  }
0x41e: {  	v8 =	vadd.f32 v60, v8;
	_ =	sdelay $0x1  }
0x41f: {  	(xrf2) =	vadd.scan.msk.f32 $0xffff, v8;
	_ =	sdelay $0x9  }
0x420: {  	v8, _, _ =	vpop (xrf2)  }
0x421: {  	[tilespmem:$0x18F30] =	vst v8  }
0x422: {  	v8 =	vld [tilespmem:s24+$0x0]  }
0x423: {  	v61 =	vld [tilespmem:s24+$0x10];
	_ =	sdelay $0x1  }
0x424: {  	v62 =	vld [tilespmem:s24+$0x20];
	_ =	sdelay $0x1  }
0x425: {  	v63 =	vld [tilespmem:s24+$0x30]  }
0x426: {  	v4 =	vmul.f32 v8, v4;
	v5 =	vmul.f32 v61, v5;
	_ =	sdelay $0x1  }
0x427: {  	v4 =	vadd.f32 v5, v4;
	v5 =	vmul.f32 v62, v6;
	_ =	sdelay $0x1  }
0x428: {  	v4 =	vadd.f32 v5, v4;
	v5 =	vmul.f32 v63, v7;
	_ =	sdelay $0x1  }
0x429: {  	v4 =	vadd.f32 v5, v4;
	_ =	sdelay $0x1  }
0x42a: {  	(xrf2) =	vadd.scan.msk.f32 $0xffff, v4;
	_ =	sdelay $0x9  }
0x42b: {  	v4, _, _ =	vpop (xrf2)  }
0x42c: {  	[tilespmem:$0x18F40] =	vst v4  }
0x42d: {  	s23 =	sadd.s32 $0x2, s23;
	v4 =	vld.idx.msk [tilespmem:v2+s15+$0x0], $0xffff  }
0x42e: {  	p0 =	slt.u32 s23, $0x1E;
	v5 =	vld.idx.msk [tilespmem:v3+s15+$0x0], $0xffff  }
.Ltmp1:
0x42f: {  	_ = 	snop;
	(pc) =	sbr.rel @p0 .LBB2_5-.Ltmp1, $3  }
0x430: {  	_ =	sdelay $0x1  }
0x431: {  	s18 =	sadd.s32 $0x80, s18;
	[tilespmem:s20+$0xFFFFFFF0] =	vst v4  }
0x432: {  	s11 =	sadd.s32 $0xA00, s11;
	s24 =	sadd.s32 $0x80, s24;
	[tilespmem:s20+$0x0] =	vst v5;
	s20 =	sadd.s32 $0x40, s20  }
0x433: {  	s22 =	sadd.s32 $0x1, s22  }
0x434: {  	p0 =	sne.s32 s22, $0x8  }
.Ltmp2:
0x435: {  	_ = 	snop;
	(pc) =	sbr.rel @p0 .LBB2_2-.Ltmp2, $2  }
0x436: {  	_ =	sdelay $0x2  }
0x437: {  	s12 =	sadd.s32 $0x800, s12;
	s21 =	sadd.s32 $0x800, s21  }
0x438: {  	s19 =	sadd.s32 $0x1, s19  }
0x439: {  	p0 =	sne.s32 s19, s9  }
.Ltmp3:
0x43a: {  	s11 =	simm.s32 $0x19000;
	(pc) =	sbr.rel @p0 .LBB2_1-.Ltmp3, $4  }
0x43b: {  	[hbm4b:s8+s2] =	stream.linear.scatter [tilespmem:s11], [sflag:$0x3], $0x4000, $0x38;
	[tilespmem:$0x1D000] =	vst v63  }
0x43c: {  	_ =	swait.ge [sflag:s10], $0x4000  }
0x43d: {  	[sflag:s10] =	ssyncset.done $0x0  }
0x43e: {  	[sflag:s10] =	ssyncadd.s32 $0xFFFFC000  }
0x43f: {  	_ =	sfence.sel $0x180000  }
0x440: {  	[bflag:$0x0] =	sbarrier.arrive $0xFFFF  }
0x441: {  	_ =	strace $0x90000047  }
0x442: {  	s0 =	stileid.u32;
	[bflag:$0x2] =	sbarrier.arrive $0xFFFF  }
0x443: {  	p0 =	sne.s32 s0, $0x0;
	s0 =	rddreg [dreg:$0x5]  }
0x444: {  	s0 =	sadd.s32 @!p0 $0x100000, s0  }
0x445: {  	[sflag:s0] =	ssyncadd.tile.s32 @!p0 $0x1;
	_ =	shalt  }
.Lfunc_end2:
_tile_overlayer_lowered:
.L_overlay_start_2:
0x446: {  	(tag) =	ssettag $0x2  }
0x447: {  	s0 =	rddreg [dreg:$0x0];
	s2 =	stileid.u32  }
0x448: {  	s1 =	rddreg [dreg:$0x1];
	p0 =	sne.s32 s2, $0x0  }
0x449: {  	s3 =	rddreg [dreg:$0x2];
	[bflag:$0x3] =	sbarrier.arrive $0xFFFF;
	s2 =	simm.s32 @!p0 $0x1C03  }
0x44a: {  	[timem:s3], [sflag:s2] =	dma.local @!p0 [hbm:s0], s1  }
0x44b: {  	s0 =	simm.s32 @!p0 $0x3  }
0x44c: {  	_ =	swait.ge @!p0 [sflag:s0], s1  }
0x44d: {  	s1 =	ssub.s32 @!p0 $0x0, s1;
	[sflag:s0] =	ssyncset.done @!p0 $0x0  }
0x44e: {  	[sflag:s0] =	ssyncadd.s32 @!p0 s1  }
0x44f: {  	[bflag:$0x3] =	sbarrier.arrive $0xFFFF  }
0x450: {  	_ =	shalt  }

</sc_bundles>
